<compile_context>
chip_gen: v7x
topology: tpu7x:2x2x1
jax: 0.10.2.dev20260603
libtpu: 0.0.44.dev20260713+nightly
codegen_flags: <defaults>
</compile_context>

<pallas_src>
import functools

import jax
import jax.numpy as jnp
from jax import lax
from jax.experimental import pallas as pl
from jax.experimental.pallas import tpu as pltpu
from jax.experimental.pallas import tpu_sc as plsc

_N = 10000
_NP = 10112
_D = 128
_P = 3
_E = 320000
_NW = 32
_CW = 128
_CH = 80
_G = 8
_EPAD = _NW * _CH * _CW
_BLK = 632
_DUMMY = _N
_NCK = _NP // 128

_mesh = plsc.VectorSubcoreMesh(core_axis_name="c", subcore_axis_name="s")


@functools.partial(
    pl.kernel,
    out_type=jax.ShapeDtypeStruct((2, _P, _NP, 16), jnp.float32),
    mesh=_mesh,
    scratch_types=[
        pltpu.VMEM((_G, _CW), jnp.int32),
        pltpu.VMEM((128, 16), jnp.float32),
        pltpu.VMEM((64, 16), jnp.float32),
        pltpu.VMEM_SHARED((_NP, 16), jnp.float32),
    ],
)
def _sc_degree(dst_hbm, deg_hbm, dst_v, ones_v, zer_v, deg_sp):
    cid = lax.axis_index("c")
    sid = lax.axis_index("s")
    wid = sid * 2 + cid

    @pl.loop(0, 64)
    def _(r):
        zer_v[r] = jnp.zeros((16,), jnp.float32)

    @pl.loop(0, 128)
    def _(r):
        ones_v[r] = jnp.ones((16,), jnp.float32)

    for p in range(_P):
        @pl.loop(0, 10)
        def _(cc):
            c = sid + cc * 16

            @pl.when(c < _NP // 64)
            def _():
                pltpu.sync_copy(zer_v, deg_sp.at[pl.ds(c * 64, 64)])

        plsc.subcore_barrier()

        @pl.loop(0, _CH // _G)
        def _(g):
            pltpu.sync_copy(dst_hbm.at[p, wid].at[pl.ds(g * _G, _G)], dst_v)

            @pl.loop(0, _G)
            def _(j):
                pltpu.sync_copy(ones_v, deg_sp.at[dst_v.at[j]], add=True)

        plsc.subcore_barrier()

        @pl.loop(0, 5)
        def _(cc):
            c = sid + cc * 16

            @pl.when(c < _NCK)
            def _():
                pltpu.sync_copy(deg_sp.at[pl.ds(c * 128, 128)],
                                deg_hbm.at[cid, p].at[pl.ds(c * 128, 128)])

        plsc.subcore_barrier()


@functools.partial(
    pl.kernel,
    out_type=jax.ShapeDtypeStruct((2, _P, _NP, _D), jnp.float32),
    mesh=_mesh,
    scratch_types=[
        pltpu.VMEM((_G, _CW), jnp.int32),
        pltpu.VMEM((_G, _CW), jnp.int32),
        pltpu.VMEM((_CW, _D), jnp.float32),
        pltpu.VMEM((_CW, _D), jnp.float32),
        pltpu.VMEM_SHARED((_NP, _D), jnp.float32),
        pltpu.SemaphoreType.DMA,
        pltpu.SemaphoreType.DMA,
        pltpu.SemaphoreType.DMA,
        pltpu.SemaphoreType.DMA,
    ],
)
def _sc_messages(y_hbm, src_hbm, dst_hbm, macc_hbm, src_v, dst_v,
                 buf0, buf1, acc_sp, sem0, sem1, sem2, sem3):
    cid = lax.axis_index("c")
    sid = lax.axis_index("s")
    wid = sid * 2 + cid
    bufs = (buf0, buf1)
    sems = ((sem0, sem1), (sem2, sem3))

    for p in range(_P):
        @pl.loop(0, 128)
        def _(r):
            @pl.loop(0, _D, step=16)
            def _(cc):
                buf0[r, pl.ds(cc, 16)] = jnp.zeros((16,), jnp.float32)

        @pl.loop(0, 5)
        def _(cc):
            c = sid + cc * 16

            @pl.when(c < _NCK)
            def _():
                pltpu.sync_copy(buf0, acc_sp.at[pl.ds(c * 128, 128)])

        plsc.subcore_barrier()

        @pl.loop(0, _CH // _G)
        def _(g):
            pltpu.sync_copy(src_hbm.at[p, wid].at[pl.ds(g * _G, _G)], src_v)
            pltpu.sync_copy(dst_hbm.at[p, wid].at[pl.ds(g * _G, _G)], dst_v)
            def _issue(k):
                b = k % 2
                return (
                    pltpu.async_copy(
                        y_hbm.at[p].at[src_v.at[k]], bufs[b], sems[b][0]),
                )

            handles = [None] * _G
            handles[0] = _issue(0)
            handles[1] = _issue(1)
            for k in range(_G):
                handles[k][0].wait()
                pltpu.sync_copy(bufs[k % 2], acc_sp.at[dst_v.at[k]], add=True)
                if k + 2 < _G:
                    handles[k + 2] = _issue(k + 2)

        plsc.subcore_barrier()

        @pl.loop(0, 5)
        def _(cc):
            c = sid + cc * 16

            @pl.when(c < _NCK)
            def _():
                pltpu.sync_copy(acc_sp.at[pl.ds(c * 128, 128)],
                                macc_hbm.at[cid, p].at[pl.ds(c * 128, 128)])

        plsc.subcore_barrier()


def _mm_body(h_ref, w_ref, o_ref):
    o_ref[0] = jnp.dot(h_ref[...], w_ref[0],
                       preferred_element_type=jnp.float32,
                       precision=lax.Precision.HIGHEST)


def _scale_body(xw_ref, deg_ref, y_ref, dinv_ref):
    d = deg_ref[0, 0, :, 0:1] + deg_ref[1, 0, :, 0:1] + 1.0
    di = lax.rsqrt(d)
    dinv_ref[0] = di
    y_ref[0] = xw_ref[0] * di


def _att_body(macc_ref, y_ref, dinv_ref, b_ref, w1_ref, b1_ref, w2_ref, o_ref):
    zs, ss = [], []
    for p in range(_P):
        di = dinv_ref[p]
        z = di * (macc_ref[0, p] + macc_ref[1, p]) + y_ref[p] * (di * di) + b_ref[p]
        q = jnp.tanh(jnp.dot(z, w1_ref[...],
                             preferred_element_type=jnp.float32,
                             precision=lax.Precision.HIGHEST) + b1_ref[0])
        s = jnp.dot(q, w2_ref[...], preferred_element_type=jnp.float32,
                    precision=lax.Precision.HIGHEST)
        zs.append(z)
        ss.append(s)
    m = jnp.maximum(ss[0], jnp.maximum(ss[1], ss[2]))
    e0 = jnp.exp(ss[0] - m)
    e1 = jnp.exp(ss[1] - m)
    e2 = jnp.exp(ss[2] - m)
    den = e0 + e1 + e2
    o_ref[...] = (e0 * zs[0] + e1 * zs[1] + e2 * zs[2]) / den


def kernel(h, g0, g1, g2, W, b, att_W1, att_b1, att_W2):
    h_pad = jnp.pad(h, ((0, _NP - _N), (0, 0)))
    srcs = jnp.stack([g0[0], g1[0], g2[0]])
    dsts = jnp.stack([g0[1], g1[1], g2[1]])
    srcp = jnp.concatenate(
        [srcs, jnp.zeros((_P, _EPAD - _E), jnp.int32)],
        axis=1).reshape(_P, _NW, _CH, _CW)
    dstp = jnp.concatenate(
        [dsts, jnp.full((_P, _EPAD - _E), _DUMMY, jnp.int32)],
        axis=1).reshape(_P, _NW, _CH, _CW)

    xw = pl.pallas_call(
        _mm_body,
        grid=(_P, _NP // _BLK),
        in_specs=[pl.BlockSpec((_BLK, _D), lambda p, j: (j, 0)),
                  pl.BlockSpec((1, _D, _D), lambda p, j: (p, 0, 0))],
        out_specs=pl.BlockSpec((1, _BLK, _D), lambda p, j: (p, j, 0)),
        out_shape=jax.ShapeDtypeStruct((_P, _NP, _D), jnp.float32),
    )(h_pad, W)

    degp = _sc_degree(dstp)
    deg_sum = degp[0, :, :, 0] + degp[1, :, :, 0]
    degc = jnp.zeros((2, _P, _NP, 16), jnp.float32).at[0].set(
        deg_sum[:, :, None] * jnp.ones((16,), jnp.float32))

    y, dinv = pl.pallas_call(
        _scale_body,
        grid=(_P, _NP // _BLK),
        in_specs=[pl.BlockSpec((1, _BLK, _D), lambda p, j: (p, j, 0)),
                  pl.BlockSpec((2, 1, _BLK, 16), lambda p, j: (0, p, j, 0))],
        out_specs=[pl.BlockSpec((1, _BLK, _D), lambda p, j: (p, j, 0)),
                   pl.BlockSpec((1, _BLK, 1), lambda p, j: (p, j, 0))],
        out_shape=[jax.ShapeDtypeStruct((_P, _NP, _D), jnp.float32),
                   jax.ShapeDtypeStruct((_P, _NP, 1), jnp.float32)],
    )(xw, degc)

    macc = _sc_messages(y, srcp, dstp)

    out = pl.pallas_call(
        _att_body,
        grid=(_NP // _BLK,),
        in_specs=[pl.BlockSpec((2, _P, _BLK, _D), lambda j: (0, 0, j, 0)),
                  pl.BlockSpec((_P, _BLK, _D), lambda j: (0, j, 0)),
                  pl.BlockSpec((_P, _BLK, 1), lambda j: (0, j, 0)),
                  pl.BlockSpec((_P, _D), lambda j: (0, 0)),
                  pl.BlockSpec((_D, _D), lambda j: (0, 0)),
                  pl.BlockSpec((1, _D), lambda j: (0, 0)),
                  pl.BlockSpec((_D, 1), lambda j: (0, 0))],
        out_specs=pl.BlockSpec((_BLK, _D), lambda j: (j, 0)),
        out_shape=jax.ShapeDtypeStruct((_NP, _D), jnp.float32),
    )(macc, xw, dinv, b, att_W1, att_b1.reshape(1, _D), att_W2)

    return out[:_N]

# --- scband reference (transcript-rebuilt; emitter-appended) ---
"""Pipeline reference for scband-hgcnlayer-40879498723408 (READ-ONLY COPY).

The authoritative reference and input builder live on the scoring server;
editing this copy changes nothing except your own understanding.
"""

import jax, jax.numpy as jnp
import numpy as np

N = 10000
E = 320000
D_IN = 128
D_OUT = 128
H_ATT = 128
P = 3


def setup_inputs(seed: int = 0) -> dict:
    key = jax.random.key(seed)
    ks = jax.random.split(key, 8)
    h = jax.random.normal(ks[0], (N, D_IN), dtype=jnp.float32)
    g0 = jax.random.randint(ks[1], (2, E), 0, N, dtype=jnp.int32)
    g1 = jax.random.randint(ks[2], (2, E), 0, N, dtype=jnp.int32)
    g2 = jax.random.randint(ks[3], (2, E), 0, N, dtype=jnp.int32)
    W = jax.random.normal(ks[4], (P, D_IN, D_OUT), dtype=jnp.float32) * 0.05
    b = jnp.zeros((P, D_OUT), dtype=jnp.float32)
    att_W1 = jax.random.normal(ks[5], (D_OUT, H_ATT), dtype=jnp.float32) * 0.05
    att_b1 = jnp.zeros((H_ATT,), dtype=jnp.float32)
    att_W2 = jax.random.normal(ks[6], (H_ATT, 1), dtype=jnp.float32) * 0.05
    return {"h": h, "g0": g0, "g1": g1, "g2": g2, "W": W, "b": b,
            "att_W1": att_W1, "att_b1": att_b1, "att_W2": att_W2}


def _gcn_conv(x, W, b, edge_index, n_nodes):
    # PyG GCNConv with normalize=True, add_self_loops=True, bias=True
    xw = x @ W
    loop = jnp.arange(n_nodes, dtype=edge_index.dtype)
    src = jnp.concatenate([edge_index[0], loop])
    dst = jnp.concatenate([edge_index[1], loop])
    ones = jnp.ones(src.shape[0], dtype=x.dtype)
    deg = jax.ops.segment_sum(ones, dst, num_segments=n_nodes)
    dinv = jnp.where(deg > 0, jax.lax.rsqrt(deg), 0.0)
    norm = dinv[src] * dinv[dst]
    msg = xw[src] * norm[:, None]
    out = jax.ops.segment_sum(msg, dst, num_segments=n_nodes)
    return out + b


def reference(h, g0, g1, g2, W, b, att_W1, att_b1, att_W2):
    gs = [g0, g1, g2]
    embs = [_gcn_conv(h, W[i], b[i], gs[i], N) for i in range(P)]
    z = jnp.stack(embs, axis=1)  # [N, P, D_OUT]
    w = jnp.tanh(z @ att_W1 + att_b1) @ att_W2  # [N, P, 1]
    beta = jax.nn.softmax(w, axis=1)
    return (beta * z).sum(axis=1)

if __name__ == "__main__":
    import jax
    _d = setup_inputs()
    print(jax.jit(kernel)(*tuple(_d.values())))

</pallas_src>

<mosaic_0001>
#map = affine_map<(d0, d1) -> (0, 0, 0, 0)>
module attributes {stable_mosaic.version = 14 : i64} {
  func.func @_sc_degree(%arg0: i32, %arg1: i32, %arg2: memref<3x32x80x128xi32, #tpu.memory_space<hbm>>, %arg3: memref<2x3x10112x16xf32, #tpu.memory_space<hbm>>, %arg4: memref<8x128xi32, #tpu.memory_space<vmem>>, %arg5: memref<128x16xf32, #tpu.memory_space<vmem>>, %arg6: memref<64x16xf32, #tpu.memory_space<vmem>>, %arg7: memref<10112x16xf32, #tpu.memory_space<vmem_shared>>) attributes {dimension_semantics = [#tpu.dimension_semantics<core_parallel>, #tpu.dimension_semantics<subcore_parallel>], iteration_bounds = array<i64: 2, 16>, scalar_prefetch = 0 : i64, scratch_operands = 4 : i64, tpu.core_type = #tpu.core_type<sc_vector_subcore>, window_params = [{transform_indices = #map}, {transform_indices = #map}]} {
    %mul3A = arith.constant 2 : i32
    %mul3A_0 = arith.muli %arg1, %mul3A : i32
    %add3A = arith.addi %mul3A_0, %arg0 : i32
    %scan3A = arith.constant 0 : i32
    %scan3A_1 = arith.constant 64 : i32
    %scan3A_2 = arith.addi %scan3A, %scan3A_1 : i32
    %scan3A_3 = arith.constant 1 : i32
    scf.for %scan3A_63 = %scan3A to %scan3A_2 step %scan3A_3  : i32 {
      %mul3A_64 = arith.constant 1 : i32
      %mul3A_65 = arith.muli %scan3A_63, %mul3A_64 : i32
      %add3A_66 = arith.constant 0 : i32
      %add3A_67 = arith.addi %add3A_66, %mul3A_65 : i32
      %broadcast_in_dim3A = arith.constant 0.000000e+00 : f32
      %broadcast_in_dim3A_68 = vector.broadcast %broadcast_in_dim3A : f32 to vector<16xf32>
      %swap3A = arith.index_cast %add3A_67 : i32 to index
      %swap3A_69 = arith.constant 0 : index
      %swap3A_70 = tpu.vector_load %arg6[%swap3A, %swap3A_69] {strides = array<i32>} : memref<64x16xf32, #tpu.memory_space<vmem>>, vector<1x16xf32>,
      %swap3A_71 = vector.shape_cast %swap3A_70 : vector<1x16xf32> to vector<16xf32>
      %swap3A_72 = vector.shape_cast %broadcast_in_dim3A_68 : vector<16xf32> to vector<1x16xf32>
      tpu.vector_store %arg6[%swap3A, %swap3A_69], %swap3A_72 {strides = array<i32>} : memref<64x16xf32, #tpu.memory_space<vmem>>, vector<1x16xf32>,
    }
    %scan3A_4 = arith.constant 64 : i32
    %scan3A_5 = arith.constant 0 : i32
    %scan3A_6 = arith.constant 128 : i32
    %scan3A_7 = arith.addi %scan3A_5, %scan3A_6 : i32
    %scan3A_8 = arith.constant 1 : i32
    scf.for %scan3A_63 = %scan3A_5 to %scan3A_7 step %scan3A_8  : i32 {
      %mul3A_64 = arith.constant 1 : i32
      %mul3A_65 = arith.muli %scan3A_63, %mul3A_64 : i32
      %add3A_66 = arith.constant 0 : i32
      %add3A_67 = arith.addi %add3A_66, %mul3A_65 : i32
      %broadcast_in_dim3A = arith.constant 1.000000e+00 : f32
      %broadcast_in_dim3A_68 = vector.broadcast %broadcast_in_dim3A : f32 to vector<16xf32>
      %swap3A = arith.index_cast %add3A_67 : i32 to index
      %swap3A_69 = arith.constant 0 : index
      %swap3A_70 = tpu.vector_load %arg5[%swap3A, %swap3A_69] {strides = array<i32>} : memref<128x16xf32, #tpu.memory_space<vmem>>, vector<1x16xf32>,
      %swap3A_71 = vector.shape_cast %swap3A_70 : vector<1x16xf32> to vector<16xf32>
      %swap3A_72 = vector.shape_cast %broadcast_in_dim3A_68 : vector<16xf32> to vector<1x16xf32>
      tpu.vector_store %arg5[%swap3A, %swap3A_69], %swap3A_72 {strides = array<i32>} : memref<128x16xf32, #tpu.memory_space<vmem>>, vector<1x16xf32>,
    }
    %scan3A_9 = arith.constant 128 : i32
    %scan3A_10 = arith.constant 0 : i32
    %scan3A_11 = arith.constant 10 : i32
    %scan3A_12 = arith.addi %scan3A_10, %scan3A_11 : i32
    %scan3A_13 = arith.constant 1 : i32
    scf.for %scan3A_63 = %scan3A_10 to %scan3A_12 step %scan3A_13  : i32 {
      %mul3A_64 = arith.constant 1 : i32
      %mul3A_65 = arith.muli %scan3A_63, %mul3A_64 : i32
      %add3A_66 = arith.constant 0 : i32
      %add3A_67 = arith.addi %add3A_66, %mul3A_65 : i32
      %mul3A_68 = arith.constant 16 : i32
      %mul3A_69 = arith.muli %add3A_67, %mul3A_68 : i32
      %add3A_70 = arith.addi %arg1, %mul3A_69 : i32
      %lt3A = arith.constant 158 : i32
      %lt3A_71 = arith.cmpi slt, %add3A_70, %lt3A : i32
      %convert_element_type3A = arith.extui %lt3A_71 : i1 to i32
      %cond3A = arith.constant 0 : i32
      %cond3A_72 = arith.cmpi ne, %convert_element_type3A, %cond3A : i32
      scf.if %cond3A_72 {
        %mul3A_73 = arith.constant 64 : i32
        %mul3A_74 = arith.muli %add3A_70, %mul3A_73 : i32
        "tpu.region"() ({
          %run_scoped3A = tpu.sem_alloc : memref<!tpu.dma_semaphore, #tpu.memory_space<semaphore_mem>>
          %dma_start3A = arith.constant 0 : i32
          %dma_start3A_75 = tpu.memref_slice %arg7[%mul3A_74, %dma_start3A] : memref<10112x16xf32, #tpu.memory_space<vmem_shared>> -> memref<64x16xf32, #tpu.memory_space<vmem_shared>>
          %dma_start3A_76 = arith.constant 0 : i32
          %dma_start3A_77 = tpu.memref_slice %arg7[%mul3A_74, %dma_start3A_76] : memref<10112x16xf32, #tpu.memory_space<vmem_shared>> -> memref<64x16xf32, #tpu.memory_space<vmem_shared>>
          tpu.enqueue_dma source(%arg6 : memref<64x16xf32, #tpu.memory_space<vmem>>) target(%dma_start3A_77 : memref<64x16xf32, #tpu.memory_space<vmem_shared>>) target_semaphore(%run_scoped3A : memref<!tpu.dma_semaphore, #tpu.memory_space<semaphore_mem>>)
          %dma_wait3A = arith.constant 0 : i32
          %dma_wait3A_78 = tpu.memref_slice %arg7[%mul3A_74, %dma_wait3A] : memref<10112x16xf32, #tpu.memory_space<vmem_shared>> -> memref<64x16xf32, #tpu.memory_space<vmem_shared>>
          %dma_wait3A_79 = arith.constant 0 : i32
          %dma_wait3A_80 = tpu.memref_slice %arg7[%mul3A_74, %dma_wait3A_79] : memref<10112x16xf32, #tpu.memory_space<vmem_shared>> -> memref<64x16xf32, #tpu.memory_space<vmem_shared>>
          tpu.wait_dma2 semaphore(%run_scoped3A : memref<!tpu.dma_semaphore, #tpu.memory_space<semaphore_mem>>) src(%arg6 : memref<64x16xf32, #tpu.memory_space<vmem>>) dst(%dma_wait3A_80 : memref<64x16xf32, #tpu.memory_space<vmem_shared>>)
          tpu.yield
        }) : () -> ()
      } else {
      }
    }
    %scan3A_14 = arith.constant 10 : i32
    %barrier3A = arith.constant 0 : index
    tpu.barrier barrier_id(%barrier3A)
    %scan3A_15 = arith.constant 0 : i32
    %scan3A_16 = arith.constant 10 : i32
    %scan3A_17 = arith.addi %scan3A_15, %scan3A_16 : i32
    %scan3A_18 = arith.constant 1 : i32
    scf.for %scan3A_63 = %scan3A_15 to %scan3A_17 step %scan3A_18  : i32 {
      %mul3A_64 = arith.constant 1 : i32
      %mul3A_65 = arith.muli %scan3A_63, %mul3A_64 : i32
      %add3A_66 = arith.constant 0 : i32
      %add3A_67 = arith.addi %add3A_66, %mul3A_65 : i32
      %mul3A_68 = arith.constant 8 : i32
      %mul3A_69 = arith.muli %add3A_67, %mul3A_68 : i32
      %run_scoped3A = arith.constant 0 : i32
      "tpu.region"() ({
        %run_scoped3A_75 = tpu.sem_alloc : memref<!tpu.dma_semaphore, #tpu.memory_space<semaphore_mem>>
        %dma_start3A = arith.constant 0 : i32
        %dma_start3A_76 = arith.constant 0 : i32
        %dma_start3A_77 = tpu.memref_slice %arg2[%run_scoped3A, %add3A, %dma_start3A, %dma_start3A_76] : memref<3x32x80x128xi32, #tpu.memory_space<hbm>> -> memref<1x1x80x128xi32, #tpu.memory_space<hbm>>
        %dma_start3A_78 = tpu.memref_squeeze %dma_start3A_77 : memref<1x1x80x128xi32, #tpu.memory_space<hbm>> -> memref<80x128xi32, #tpu.memory_space<hbm>>
        %dma_start3A_79 = arith.constant 0 : i32
        %dma_start3A_80 = tpu.memref_slice %dma_start3A_78[%mul3A_69, %dma_start3A_79] : memref<80x128xi32, #tpu.memory_space<hbm>> -> memref<8x128xi32, #tpu.memory_space<hbm>>
        %dma_start3A_81 = arith.constant 0 : i32
        %dma_start3A_82 = arith.constant 0 : i32
        %dma_start3A_83 = tpu.memref_slice %arg2[%run_scoped3A, %add3A, %dma_start3A_81, %dma_start3A_82] : memref<3x32x80x128xi32, #tpu.memory_space<hbm>> -> memref<1x1x80x128xi32, #tpu.memory_space<hbm>>
        %dma_start3A_84 = tpu.memref_squeeze %dma_start3A_83 : memref<1x1x80x128xi32, #tpu.memory_space<hbm>> -> memref<80x128xi32, #tpu.memory_space<hbm>>
        %dma_start3A_85 = arith.constant 0 : i32
        %dma_start3A_86 = tpu.memref_slice %dma_start3A_84[%mul3A_69, %dma_start3A_85] : memref<80x128xi32, #tpu.memory_space<hbm>> -> memref<8x128xi32, #tpu.memory_space<hbm>>
        tpu.enqueue_dma source(%dma_start3A_86 : memref<8x128xi32, #tpu.memory_space<hbm>>) target(%arg4 : memref<8x128xi32, #tpu.memory_space<vmem>>) target_semaphore(%run_scoped3A_75 : memref<!tpu.dma_semaphore, #tpu.memory_space<semaphore_mem>>)
        %dma_wait3A = arith.constant 0 : i32
        %dma_wait3A_87 = arith.constant 0 : i32
        %dma_wait3A_88 = tpu.memref_slice %arg2[%run_scoped3A, %add3A, %dma_wait3A, %dma_wait3A_87] : memref<3x32x80x128xi32, #tpu.memory_space<hbm>> -> memref<1x1x80x128xi32, #tpu.memory_space<hbm>>
        %dma_wait3A_89 = tpu.memref_squeeze %dma_wait3A_88 : memref<1x1x80x128xi32, #tpu.memory_space<hbm>> -> memref<80x128xi32, #tpu.memory_space<hbm>>
        %dma_wait3A_90 = arith.constant 0 : i32
        %dma_wait3A_91 = tpu.memref_slice %dma_wait3A_89[%mul3A_69, %dma_wait3A_90] : memref<80x128xi32, #tpu.memory_space<hbm>> -> memref<8x128xi32, #tpu.memory_space<hbm>>
        %dma_wait3A_92 = arith.constant 0 : i32
        %dma_wait3A_93 = arith.constant 0 : i32
        %dma_wait3A_94 = tpu.memref_slice %arg2[%run_scoped3A, %add3A, %dma_wait3A_92, %dma_wait3A_93] : memref<3x32x80x128xi32, #tpu.memory_space<hbm>> -> memref<1x1x80x128xi32, #tpu.memory_space<hbm>>
        %dma_wait3A_95 = tpu.memref_squeeze %dma_wait3A_94 : memref<1x1x80x128xi32, #tpu.memory_space<hbm>> -> memref<80x128xi32, #tpu.memory_space<hbm>>
        %dma_wait3A_96 = arith.constant 0 : i32
        %dma_wait3A_97 = tpu.memref_slice %dma_wait3A_95[%mul3A_69, %dma_wait3A_96] : memref<80x128xi32, #tpu.memory_space<hbm>> -> memref<8x128xi32, #tpu.memory_space<hbm>>
        tpu.wait_dma2 semaphore(%run_scoped3A_75 : memref<!tpu.dma_semaphore, #tpu.memory_space<semaphore_mem>>) src(%dma_wait3A_97 : memref<8x128xi32, #tpu.memory_space<hbm>>) dst(%arg4 : memref<8x128xi32, #tpu.memory_space<vmem>>)
        tpu.yield
      }) : () -> ()
      %scan3A_70 = arith.constant 0 : i32
      %scan3A_71 = arith.constant 8 : i32
      %scan3A_72 = arith.addi %scan3A_70, %scan3A_71 : i32
      %scan3A_73 = arith.constant 1 : i32
      scf.for %scan3A_75 = %scan3A_70 to %scan3A_72 step %scan3A_73  : i32 {
        %mul3A_76 = arith.constant 1 : i32
        %mul3A_77 = arith.muli %scan3A_75, %mul3A_76 : i32
        %add3A_78 = arith.constant 0 : i32
        %add3A_79 = arith.addi %add3A_78, %mul3A_77 : i32
        "tpu.region"() ({
          %run_scoped3A_80 = tpu.sem_alloc : memref<!tpu.dma_semaphore, #tpu.memory_space<semaphore_mem>>
          %dma_start3A = arith.constant 0 : i32
          %dma_start3A_81 = tpu.memref_slice %arg4[%add3A_79, %dma_start3A] : memref<8x128xi32, #tpu.memory_space<vmem>> -> memref<1x128xi32, #tpu.memory_space<vmem>>
          %dma_start3A_82 = tpu.memref_squeeze %dma_start3A_81 : memref<1x128xi32, #tpu.memory_space<vmem>> -> memref<128xi32, #tpu.memory_space<vmem>>
          %dma_start3A_83 = arith.constant 0 : i32
          %dma_start3A_84 = arith.constant 0 : i32
          %dma_start3A_85 = tpu.memref_slice %arg7[%dma_start3A_83, %dma_start3A_84] : memref<10112x16xf32, #tpu.memory_space<vmem_shared>> -> memref<10112x16xf32, #tpu.memory_space<vmem_shared>>
          tpu.enqueue_indirect_dma source(%arg5 : memref<128x16xf32, #tpu.memory_space<vmem>>) target(%dma_start3A_85 : memref<10112x16xf32, #tpu.memory_space<vmem_shared>>) offsets(%dma_start3A_82 : memref<128xi32, #tpu.memory_space<vmem>>) semaphore(%run_scoped3A_80 : memref<!tpu.dma_semaphore, #tpu.memory_space<semaphore_mem>>) {add = true}
          %dma_wait3A = arith.constant 0 : i32
          %dma_wait3A_86 = tpu.memref_slice %arg4[%add3A_79, %dma_wait3A] : memref<8x128xi32, #tpu.memory_space<vmem>> -> memref<1x128xi32, #tpu.memory_space<vmem>>
          %dma_wait3A_87 = tpu.memref_squeeze %dma_wait3A_86 : memref<1x128xi32, #tpu.memory_space<vmem>> -> memref<128xi32, #tpu.memory_space<vmem>>
          %dma_wait3A_88 = arith.constant 0 : i32
          %dma_wait3A_89 = arith.constant 0 : i32
          %dma_wait3A_90 = tpu.memref_slice %arg7[%dma_wait3A_88, %dma_wait3A_89] : memref<10112x16xf32, #tpu.memory_space<vmem_shared>> -> memref<10112x16xf32, #tpu.memory_space<vmem_shared>>
          tpu.wait_indirect_dma semaphore(%run_scoped3A_80 : memref<!tpu.dma_semaphore, #tpu.memory_space<semaphore_mem>>) src(%arg5 : memref<128x16xf32, #tpu.memory_space<vmem>>) dst(%dma_wait3A_90 : memref<10112x16xf32, #tpu.memory_space<vmem_shared>>)
          tpu.yield
        }) : () -> ()
      }
      %scan3A_74 = arith.constant 8 : i32
    }
    %scan3A_19 = arith.constant 10 : i32
    %barrier3A_20 = arith.constant 0 : index
    tpu.barrier barrier_id(%barrier3A_20)
    %scan3A_21 = arith.constant 0 : i32
    %scan3A_22 = arith.constant 5 : i32
    %scan3A_23 = arith.addi %scan3A_21, %scan3A_22 : i32
    %scan3A_24 = arith.constant 1 : i32
    scf.for %scan3A_63 = %scan3A_21 to %scan3A_23 step %scan3A_24  : i32 {
      %mul3A_64 = arith.constant 1 : i32
      %mul3A_65 = arith.muli %scan3A_63, %mul3A_64 : i32
      %add3A_66 = arith.constant 0 : i32
      %add3A_67 = arith.addi %add3A_66, %mul3A_65 : i32
      %mul3A_68 = arith.constant 16 : i32
      %mul3A_69 = arith.muli %add3A_67, %mul3A_68 : i32
      %add3A_70 = arith.addi %arg1, %mul3A_69 : i32
      %lt3A = arith.constant 79 : i32
      %lt3A_71 = arith.cmpi slt, %add3A_70, %lt3A : i32
      %convert_element_type3A = arith.extui %lt3A_71 : i1 to i32
      %cond3A = arith.constant 0 : i32
      %cond3A_72 = arith.cmpi ne, %convert_element_type3A, %cond3A : i32
      scf.if %cond3A_72 {
        %mul3A_73 = arith.constant 128 : i32
        %mul3A_74 = arith.muli %add3A_70, %mul3A_73 : i32
        %mul3A_75 = arith.constant 128 : i32
        %mul3A_76 = arith.muli %add3A_70, %mul3A_75 : i32
        %run_scoped3A = arith.constant 0 : i32
        "tpu.region"() ({
          %run_scoped3A_77 = tpu.sem_alloc : memref<!tpu.dma_semaphore, #tpu.memory_space<semaphore_mem>>
          %dma_start3A = arith.constant 0 : i32
          %dma_start3A_78 = arith.constant 0 : i32
          %dma_start3A_79 = tpu.memref_slice %arg3[%arg0, %run_scoped3A, %dma_start3A, %dma_start3A_78] : memref<2x3x10112x16xf32, #tpu.memory_space<hbm>> -> memref<1x1x10112x16xf32, #tpu.memory_space<hbm>>
          %dma_start3A_80 = tpu.memref_squeeze %dma_start3A_79 : memref<1x1x10112x16xf32, #tpu.memory_space<hbm>> -> memref<10112x16xf32, #tpu.memory_space<hbm>>
          %dma_start3A_81 = arith.constant 0 : i32
          %dma_start3A_82 = tpu.memref_slice %dma_start3A_80[%mul3A_76, %dma_start3A_81] : memref<10112x16xf32, #tpu.memory_space<hbm>> -> memref<128x16xf32, #tpu.memory_space<hbm>>
          %dma_start3A_83 = arith.constant 0 : i32
          %dma_start3A_84 = tpu.memref_slice %arg7[%mul3A_74, %dma_start3A_83] : memref<10112x16xf32, #tpu.memory_space<vmem_shared>> -> memref<128x16xf32, #tpu.memory_space<vmem_shared>>
          tpu.enqueue_dma source(%dma_start3A_84 : memref<128x16xf32, #tpu.memory_space<vmem_shared>>) target(%dma_start3A_82 : memref<128x16xf32, #tpu.memory_space<hbm>>) target_semaphore(%run_scoped3A_77 : memref<!tpu.dma_semaphore, #tpu.memory_space<semaphore_mem>>)
          %dma_wait3A = arith.constant 0 : i32
          %dma_wait3A_85 = arith.constant 0 : i32
          %dma_wait3A_86 = tpu.memref_slice %arg3[%arg0, %run_scoped3A, %dma_wait3A, %dma_wait3A_85] : memref<2x3x10112x16xf32, #tpu.memory_space<hbm>> -> memref<1x1x10112x16xf32, #tpu.memory_space<hbm>>
          %dma_wait3A_87 = tpu.memref_squeeze %dma_wait3A_86 : memref<1x1x10112x16xf32, #tpu.memory_space<hbm>> -> memref<10112x16xf32, #tpu.memory_space<hbm>>
          %dma_wait3A_88 = arith.constant 0 : i32
          %dma_wait3A_89 = tpu.memref_slice %dma_wait3A_87[%mul3A_76, %dma_wait3A_88] : memref<10112x16xf32, #tpu.memory_space<hbm>> -> memref<128x16xf32, #tpu.memory_space<hbm>>
          %dma_wait3A_90 = arith.constant 0 : i32
          %dma_wait3A_91 = tpu.memref_slice %arg7[%mul3A_74, %dma_wait3A_90] : memref<10112x16xf32, #tpu.memory_space<vmem_shared>> -> memref<128x16xf32, #tpu.memory_space<vmem_shared>>
          tpu.wait_dma2 semaphore(%run_scoped3A_77 : memref<!tpu.dma_semaphore, #tpu.memory_space<semaphore_mem>>) src(%dma_wait3A_91 : memref<128x16xf32, #tpu.memory_space<vmem_shared>>) dst(%dma_wait3A_89 : memref<128x16xf32, #tpu.memory_space<hbm>>)
          tpu.yield
        }) : () -> ()
      } else {
      }
    }
    %scan3A_25 = arith.constant 5 : i32
    %barrier3A_26 = arith.constant 0 : index
    tpu.barrier barrier_id(%barrier3A_26)
    %scan3A_27 = arith.constant 0 : i32
    %scan3A_28 = arith.constant 10 : i32
    %scan3A_29 = arith.addi %scan3A_27, %scan3A_28 : i32
    %scan3A_30 = arith.constant 1 : i32
    scf.for %scan3A_63 = %scan3A_27 to %scan3A_29 step %scan3A_30  : i32 {
      %mul3A_64 = arith.constant 1 : i32
      %mul3A_65 = arith.muli %scan3A_63, %mul3A_64 : i32
      %add3A_66 = arith.constant 0 : i32
      %add3A_67 = arith.addi %add3A_66, %mul3A_65 : i32
      %mul3A_68 = arith.constant 16 : i32
      %mul3A_69 = arith.muli %add3A_67, %mul3A_68 : i32
      %add3A_70 = arith.addi %arg1, %mul3A_69 : i32
      %lt3A = arith.constant 158 : i32
      %lt3A_71 = arith.cmpi slt, %add3A_70, %lt3A : i32
      %convert_element_type3A = arith.extui %lt3A_71 : i1 to i32
      %cond3A = arith.constant 0 : i32
      %cond3A_72 = arith.cmpi ne, %convert_element_type3A, %cond3A : i32
      scf.if %cond3A_72 {
        %mul3A_73 = arith.constant 64 : i32
        %mul3A_74 = arith.muli %add3A_70, %mul3A_73 : i32
        "tpu.region"() ({
          %run_scoped3A = tpu.sem_alloc : memref<!tpu.dma_semaphore, #tpu.memory_space<semaphore_mem>>
          %dma_start3A = arith.constant 0 : i32
          %dma_start3A_75 = tpu.memref_slice %arg7[%mul3A_74, %dma_start3A] : memref<10112x16xf32, #tpu.memory_space<vmem_shared>> -> memref<64x16xf32, #tpu.memory_space<vmem_shared>>
          %dma_start3A_76 = arith.constant 0 : i32
          %dma_start3A_77 = tpu.memref_slice %arg7[%mul3A_74, %dma_start3A_76] : memref<10112x16xf32, #tpu.memory_space<vmem_shared>> -> memref<64x16xf32, #tpu.memory_space<vmem_shared>>
          tpu.enqueue_dma source(%arg6 : memref<64x16xf32, #tpu.memory_space<vmem>>) target(%dma_start3A_77 : memref<64x16xf32, #tpu.memory_space<vmem_shared>>) target_semaphore(%run_scoped3A : memref<!tpu.dma_semaphore, #tpu.memory_space<semaphore_mem>>)
          %dma_wait3A = arith.constant 0 : i32
          %dma_wait3A_78 = tpu.memref_slice %arg7[%mul3A_74, %dma_wait3A] : memref<10112x16xf32, #tpu.memory_space<vmem_shared>> -> memref<64x16xf32, #tpu.memory_space<vmem_shared>>
          %dma_wait3A_79 = arith.constant 0 : i32
          %dma_wait3A_80 = tpu.memref_slice %arg7[%mul3A_74, %dma_wait3A_79] : memref<10112x16xf32, #tpu.memory_space<vmem_shared>> -> memref<64x16xf32, #tpu.memory_space<vmem_shared>>
          tpu.wait_dma2 semaphore(%run_scoped3A : memref<!tpu.dma_semaphore, #tpu.memory_space<semaphore_mem>>) src(%arg6 : memref<64x16xf32, #tpu.memory_space<vmem>>) dst(%dma_wait3A_80 : memref<64x16xf32, #tpu.memory_space<vmem_shared>>)
          tpu.yield
        }) : () -> ()
      } else {
      }
    }
    %scan3A_31 = arith.constant 10 : i32
    %barrier3A_32 = arith.constant 0 : index
    tpu.barrier barrier_id(%barrier3A_32)
    %scan3A_33 = arith.constant 0 : i32
    %scan3A_34 = arith.constant 10 : i32
    %scan3A_35 = arith.addi %scan3A_33, %scan3A_34 : i32
    %scan3A_36 = arith.constant 1 : i32
    scf.for %scan3A_63 = %scan3A_33 to %scan3A_35 step %scan3A_36  : i32 {
      %mul3A_64 = arith.constant 1 : i32
      %mul3A_65 = arith.muli %scan3A_63, %mul3A_64 : i32
      %add3A_66 = arith.constant 0 : i32
      %add3A_67 = arith.addi %add3A_66, %mul3A_65 : i32
      %mul3A_68 = arith.constant 8 : i32
      %mul3A_69 = arith.muli %add3A_67, %mul3A_68 : i32
      %run_scoped3A = arith.constant 1 : i32
      "tpu.region"() ({
        %run_scoped3A_75 = tpu.sem_alloc : memref<!tpu.dma_semaphore, #tpu.memory_space<semaphore_mem>>
        %dma_start3A = arith.constant 0 : i32
        %dma_start3A_76 = arith.constant 0 : i32
        %dma_start3A_77 = tpu.memref_slice %arg2[%run_scoped3A, %add3A, %dma_start3A, %dma_start3A_76] : memref<3x32x80x128xi32, #tpu.memory_space<hbm>> -> memref<1x1x80x128xi32, #tpu.memory_space<hbm>>
        %dma_start3A_78 = tpu.memref_squeeze %dma_start3A_77 : memref<1x1x80x128xi32, #tpu.memory_space<hbm>> -> memref<80x128xi32, #tpu.memory_space<hbm>>
        %dma_start3A_79 = arith.constant 0 : i32
        %dma_start3A_80 = tpu.memref_slice %dma_start3A_78[%mul3A_69, %dma_start3A_79] : memref<80x128xi32, #tpu.memory_space<hbm>> -> memref<8x128xi32, #tpu.memory_space<hbm>>
        %dma_start3A_81 = arith.constant 0 : i32
        %dma_start3A_82 = arith.constant 0 : i32
        %dma_start3A_83 = tpu.memref_slice %arg2[%run_scoped3A, %add3A, %dma_start3A_81, %dma_start3A_82] : memref<3x32x80x128xi32, #tpu.memory_space<hbm>> -> memref<1x1x80x128xi32, #tpu.memory_space<hbm>>
        %dma_start3A_84 = tpu.memref_squeeze %dma_start3A_83 : memref<1x1x80x128xi32, #tpu.memory_space<hbm>> -> memref<80x128xi32, #tpu.memory_space<hbm>>
        %dma_start3A_85 = arith.constant 0 : i32
        %dma_start3A_86 = tpu.memref_slice %dma_start3A_84[%mul3A_69, %dma_start3A_85] : memref<80x128xi32, #tpu.memory_space<hbm>> -> memref<8x128xi32, #tpu.memory_space<hbm>>
        tpu.enqueue_dma source(%dma_start3A_86 : memref<8x128xi32, #tpu.memory_space<hbm>>) target(%arg4 : memref<8x128xi32, #tpu.memory_space<vmem>>) target_semaphore(%run_scoped3A_75 : memref<!tpu.dma_semaphore, #tpu.memory_space<semaphore_mem>>)
        %dma_wait3A = arith.constant 0 : i32
        %dma_wait3A_87 = arith.constant 0 : i32
        %dma_wait3A_88 = tpu.memref_slice %arg2[%run_scoped3A, %add3A, %dma_wait3A, %dma_wait3A_87] : memref<3x32x80x128xi32, #tpu.memory_space<hbm>> -> memref<1x1x80x128xi32, #tpu.memory_space<hbm>>
        %dma_wait3A_89 = tpu.memref_squeeze %dma_wait3A_88 : memref<1x1x80x128xi32, #tpu.memory_space<hbm>> -> memref<80x128xi32, #tpu.memory_space<hbm>>
        %dma_wait3A_90 = arith.constant 0 : i32
        %dma_wait3A_91 = tpu.memref_slice %dma_wait3A_89[%mul3A_69, %dma_wait3A_90] : memref<80x128xi32, #tpu.memory_space<hbm>> -> memref<8x128xi32, #tpu.memory_space<hbm>>
        %dma_wait3A_92 = arith.constant 0 : i32
        %dma_wait3A_93 = arith.constant 0 : i32
        %dma_wait3A_94 = tpu.memref_slice %arg2[%run_scoped3A, %add3A, %dma_wait3A_92, %dma_wait3A_93] : memref<3x32x80x128xi32, #tpu.memory_space<hbm>> -> memref<1x1x80x128xi32, #tpu.memory_space<hbm>>
        %dma_wait3A_95 = tpu.memref_squeeze %dma_wait3A_94 : memref<1x1x80x128xi32, #tpu.memory_space<hbm>> -> memref<80x128xi32, #tpu.memory_space<hbm>>
        %dma_wait3A_96 = arith.constant 0 : i32
        %dma_wait3A_97 = tpu.memref_slice %dma_wait3A_95[%mul3A_69, %dma_wait3A_96] : memref<80x128xi32, #tpu.memory_space<hbm>> -> memref<8x128xi32, #tpu.memory_space<hbm>>
        tpu.wait_dma2 semaphore(%run_scoped3A_75 : memref<!tpu.dma_semaphore, #tpu.memory_space<semaphore_mem>>) src(%dma_wait3A_97 : memref<8x128xi32, #tpu.memory_space<hbm>>) dst(%arg4 : memref<8x128xi32, #tpu.memory_space<vmem>>)
        tpu.yield
      }) : () -> ()
      %scan3A_70 = arith.constant 0 : i32
      %scan3A_71 = arith.constant 8 : i32
      %scan3A_72 = arith.addi %scan3A_70, %scan3A_71 : i32
      %scan3A_73 = arith.constant 1 : i32
      scf.for %scan3A_75 = %scan3A_70 to %scan3A_72 step %scan3A_73  : i32 {
        %mul3A_76 = arith.constant 1 : i32
        %mul3A_77 = arith.muli %scan3A_75, %mul3A_76 : i32
        %add3A_78 = arith.constant 0 : i32
        %add3A_79 = arith.addi %add3A_78, %mul3A_77 : i32
        "tpu.region"() ({
          %run_scoped3A_80 = tpu.sem_alloc : memref<!tpu.dma_semaphore, #tpu.memory_space<semaphore_mem>>
          %dma_start3A = arith.constant 0 : i32
          %dma_start3A_81 = tpu.memref_slice %arg4[%add3A_79, %dma_start3A] : memref<8x128xi32, #tpu.memory_space<vmem>> -> memref<1x128xi32, #tpu.memory_space<vmem>>
          %dma_start3A_82 = tpu.memref_squeeze %dma_start3A_81 : memref<1x128xi32, #tpu.memory_space<vmem>> -> memref<128xi32, #tpu.memory_space<vmem>>
          %dma_start3A_83 = arith.constant 0 : i32
          %dma_start3A_84 = arith.constant 0 : i32
          %dma_start3A_85 = tpu.memref_slice %arg7[%dma_start3A_83, %dma_start3A_84] : memref<10112x16xf32, #tpu.memory_space<vmem_shared>> -> memref<10112x16xf32, #tpu.memory_space<vmem_shared>>
          tpu.enqueue_indirect_dma source(%arg5 : memref<128x16xf32, #tpu.memory_space<vmem>>) target(%dma_start3A_85 : memref<10112x16xf32, #tpu.memory_space<vmem_shared>>) offsets(%dma_start3A_82 : memref<128xi32, #tpu.memory_space<vmem>>) semaphore(%run_scoped3A_80 : memref<!tpu.dma_semaphore, #tpu.memory_space<semaphore_mem>>) {add = true}
          %dma_wait3A = arith.constant 0 : i32
          %dma_wait3A_86 = tpu.memref_slice %arg4[%add3A_79, %dma_wait3A] : memref<8x128xi32, #tpu.memory_space<vmem>> -> memref<1x128xi32, #tpu.memory_space<vmem>>
          %dma_wait3A_87 = tpu.memref_squeeze %dma_wait3A_86 : memref<1x128xi32, #tpu.memory_space<vmem>> -> memref<128xi32, #tpu.memory_space<vmem>>
          %dma_wait3A_88 = arith.constant 0 : i32
          %dma_wait3A_89 = arith.constant 0 : i32
          %dma_wait3A_90 = tpu.memref_slice %arg7[%dma_wait3A_88, %dma_wait3A_89] : memref<10112x16xf32, #tpu.memory_space<vmem_shared>> -> memref<10112x16xf32, #tpu.memory_space<vmem_shared>>
          tpu.wait_indirect_dma semaphore(%run_scoped3A_80 : memref<!tpu.dma_semaphore, #tpu.memory_space<semaphore_mem>>) src(%arg5 : memref<128x16xf32, #tpu.memory_space<vmem>>) dst(%dma_wait3A_90 : memref<10112x16xf32, #tpu.memory_space<vmem_shared>>)
          tpu.yield
        }) : () -> ()
      }
      %scan3A_74 = arith.constant 8 : i32
    }
    %scan3A_37 = arith.constant 10 : i32
    %barrier3A_38 = arith.constant 0 : index
    tpu.barrier barrier_id(%barrier3A_38)
    %scan3A_39 = arith.constant 0 : i32
    %scan3A_40 = arith.constant 5 : i32
    %scan3A_41 = arith.addi %scan3A_39, %scan3A_40 : i32
    %scan3A_42 = arith.constant 1 : i32
    scf.for %scan3A_63 = %scan3A_39 to %scan3A_41 step %scan3A_42  : i32 {
      %mul3A_64 = arith.constant 1 : i32
      %mul3A_65 = arith.muli %scan3A_63, %mul3A_64 : i32
      %add3A_66 = arith.constant 0 : i32
      %add3A_67 = arith.addi %add3A_66, %mul3A_65 : i32
      %mul3A_68 = arith.constant 16 : i32
      %mul3A_69 = arith.muli %add3A_67, %mul3A_68 : i32
      %add3A_70 = arith.addi %arg1, %mul3A_69 : i32
      %lt3A = arith.constant 79 : i32
      %lt3A_71 = arith.cmpi slt, %add3A_70, %lt3A : i32
      %convert_element_type3A = arith.extui %lt3A_71 : i1 to i32
      %cond3A = arith.constant 0 : i32
      %cond3A_72 = arith.cmpi ne, %convert_element_type3A, %cond3A : i32
      scf.if %cond3A_72 {
        %mul3A_73 = arith.constant 128 : i32
        %mul3A_74 = arith.muli %add3A_70, %mul3A_73 : i32
        %mul3A_75 = arith.constant 128 : i32
        %mul3A_76 = arith.muli %add3A_70, %mul3A_75 : i32
        %run_scoped3A = arith.constant 1 : i32
        "tpu.region"() ({
          %run_scoped3A_77 = tpu.sem_alloc : memref<!tpu.dma_semaphore, #tpu.memory_space<semaphore_mem>>
          %dma_start3A = arith.constant 0 : i32
          %dma_start3A_78 = arith.constant 0 : i32
          %dma_start3A_79 = tpu.memref_slice %arg3[%arg0, %run_scoped3A, %dma_start3A, %dma_start3A_78] : memref<2x3x10112x16xf32, #tpu.memory_space<hbm>> -> memref<1x1x10112x16xf32, #tpu.memory_space<hbm>>
          %dma_start3A_80 = tpu.memref_squeeze %dma_start3A_79 : memref<1x1x10112x16xf32, #tpu.memory_space<hbm>> -> memref<10112x16xf32, #tpu.memory_space<hbm>>
          %dma_start3A_81 = arith.constant 0 : i32
          %dma_start3A_82 = tpu.memref_slice %dma_start3A_80[%mul3A_76, %dma_start3A_81] : memref<10112x16xf32, #tpu.memory_space<hbm>> -> memref<128x16xf32, #tpu.memory_space<hbm>>
          %dma_start3A_83 = arith.constant 0 : i32
          %dma_start3A_84 = tpu.memref_slice %arg7[%mul3A_74, %dma_start3A_83] : memref<10112x16xf32, #tpu.memory_space<vmem_shared>> -> memref<128x16xf32, #tpu.memory_space<vmem_shared>>
          tpu.enqueue_dma source(%dma_start3A_84 : memref<128x16xf32, #tpu.memory_space<vmem_shared>>) target(%dma_start3A_82 : memref<128x16xf32, #tpu.memory_space<hbm>>) target_semaphore(%run_scoped3A_77 : memref<!tpu.dma_semaphore, #tpu.memory_space<semaphore_mem>>)
          %dma_wait3A = arith.constant 0 : i32
          %dma_wait3A_85 = arith.constant 0 : i32
          %dma_wait3A_86 = tpu.memref_slice %arg3[%arg0, %run_scoped3A, %dma_wait3A, %dma_wait3A_85] : memref<2x3x10112x16xf32, #tpu.memory_space<hbm>> -> memref<1x1x10112x16xf32, #tpu.memory_space<hbm>>
          %dma_wait3A_87 = tpu.memref_squeeze %dma_wait3A_86 : memref<1x1x10112x16xf32, #tpu.memory_space<hbm>> -> memref<10112x16xf32, #tpu.memory_space<hbm>>
          %dma_wait3A_88 = arith.constant 0 : i32
          %dma_wait3A_89 = tpu.memref_slice %dma_wait3A_87[%mul3A_76, %dma_wait3A_88] : memref<10112x16xf32, #tpu.memory_space<hbm>> -> memref<128x16xf32, #tpu.memory_space<hbm>>
          %dma_wait3A_90 = arith.constant 0 : i32
          %dma_wait3A_91 = tpu.memref_slice %arg7[%mul3A_74, %dma_wait3A_90] : memref<10112x16xf32, #tpu.memory_space<vmem_shared>> -> memref<128x16xf32, #tpu.memory_space<vmem_shared>>
          tpu.wait_dma2 semaphore(%run_scoped3A_77 : memref<!tpu.dma_semaphore, #tpu.memory_space<semaphore_mem>>) src(%dma_wait3A_91 : memref<128x16xf32, #tpu.memory_space<vmem_shared>>) dst(%dma_wait3A_89 : memref<128x16xf32, #tpu.memory_space<hbm>>)
          tpu.yield
        }) : () -> ()
      } else {
      }
    }
    %scan3A_43 = arith.constant 5 : i32
    %barrier3A_44 = arith.constant 0 : index
    tpu.barrier barrier_id(%barrier3A_44)
    %scan3A_45 = arith.constant 0 : i32
    %scan3A_46 = arith.constant 10 : i32
    %scan3A_47 = arith.addi %scan3A_45, %scan3A_46 : i32
    %scan3A_48 = arith.constant 1 : i32
    scf.for %scan3A_63 = %scan3A_45 to %scan3A_47 step %scan3A_48  : i32 {
      %mul3A_64 = arith.constant 1 : i32
      %mul3A_65 = arith.muli %scan3A_63, %mul3A_64 : i32
      %add3A_66 = arith.constant 0 : i32
      %add3A_67 = arith.addi %add3A_66, %mul3A_65 : i32
      %mul3A_68 = arith.constant 16 : i32
      %mul3A_69 = arith.muli %add3A_67, %mul3A_68 : i32
      %add3A_70 = arith.addi %arg1, %mul3A_69 : i32
      %lt3A = arith.constant 158 : i32
      %lt3A_71 = arith.cmpi slt, %add3A_70, %lt3A : i32
      %convert_element_type3A = arith.extui %lt3A_71 : i1 to i32
      %cond3A = arith.constant 0 : i32
      %cond3A_72 = arith.cmpi ne, %convert_element_type3A, %cond3A : i32
      scf.if %cond3A_72 {
        %mul3A_73 = arith.constant 64 : i32
        %mul3A_74 = arith.muli %add3A_70, %mul3A_73 : i32
        "tpu.region"() ({
          %run_scoped3A = tpu.sem_alloc : memref<!tpu.dma_semaphore, #tpu.memory_space<semaphore_mem>>
          %dma_start3A = arith.constant 0 : i32
          %dma_start3A_75 = tpu.memref_slice %arg7[%mul3A_74, %dma_start3A] : memref<10112x16xf32, #tpu.memory_space<vmem_shared>> -> memref<64x16xf32, #tpu.memory_space<vmem_shared>>
          %dma_start3A_76 = arith.constant 0 : i32
          %dma_start3A_77 = tpu.memref_slice %arg7[%mul3A_74, %dma_start3A_76] : memref<10112x16xf32, #tpu.memory_space<vmem_shared>> -> memref<64x16xf32, #tpu.memory_space<vmem_shared>>
          tpu.enqueue_dma source(%arg6 : memref<64x16xf32, #tpu.memory_space<vmem>>) target(%dma_start3A_77 : memref<64x16xf32, #tpu.memory_space<vmem_shared>>) target_semaphore(%run_scoped3A : memref<!tpu.dma_semaphore, #tpu.memory_space<semaphore_mem>>)
          %dma_wait3A = arith.constant 0 : i32
          %dma_wait3A_78 = tpu.memref_slice %arg7[%mul3A_74, %dma_wait3A] : memref<10112x16xf32, #tpu.memory_space<vmem_shared>> -> memref<64x16xf32, #tpu.memory_space<vmem_shared>>
          %dma_wait3A_79 = arith.constant 0 : i32
          %dma_wait3A_80 = tpu.memref_slice %arg7[%mul3A_74, %dma_wait3A_79] : memref<10112x16xf32, #tpu.memory_space<vmem_shared>> -> memref<64x16xf32, #tpu.memory_space<vmem_shared>>
          tpu.wait_dma2 semaphore(%run_scoped3A : memref<!tpu.dma_semaphore, #tpu.memory_space<semaphore_mem>>) src(%arg6 : memref<64x16xf32, #tpu.memory_space<vmem>>) dst(%dma_wait3A_80 : memref<64x16xf32, #tpu.memory_space<vmem_shared>>)
          tpu.yield
        }) : () -> ()
      } else {
      }
    }
    %scan3A_49 = arith.constant 10 : i32
    %barrier3A_50 = arith.constant 0 : index
    tpu.barrier barrier_id(%barrier3A_50)
    %scan3A_51 = arith.constant 0 : i32
    %scan3A_52 = arith.constant 10 : i32
    %scan3A_53 = arith.addi %scan3A_51, %scan3A_52 : i32
    %scan3A_54 = arith.constant 1 : i32
    scf.for %scan3A_63 = %scan3A_51 to %scan3A_53 step %scan3A_54  : i32 {
      %mul3A_64 = arith.constant 1 : i32
      %mul3A_65 = arith.muli %scan3A_63, %mul3A_64 : i32
      %add3A_66 = arith.constant 0 : i32
      %add3A_67 = arith.addi %add3A_66, %mul3A_65 : i32
      %mul3A_68 = arith.constant 8 : i32
      %mul3A_69 = arith.muli %add3A_67, %mul3A_68 : i32
      %run_scoped3A = arith.constant 2 : i32
      "tpu.region"() ({
        %run_scoped3A_75 = tpu.sem_alloc : memref<!tpu.dma_semaphore, #tpu.memory_space<semaphore_mem>>
        %dma_start3A = arith.constant 0 : i32
        %dma_start3A_76 = arith.constant 0 : i32
        %dma_start3A_77 = tpu.memref_slice %arg2[%run_scoped3A, %add3A, %dma_start3A, %dma_start3A_76] : memref<3x32x80x128xi32, #tpu.memory_space<hbm>> -> memref<1x1x80x128xi32, #tpu.memory_space<hbm>>
        %dma_start3A_78 = tpu.memref_squeeze %dma_start3A_77 : memref<1x1x80x128xi32, #tpu.memory_space<hbm>> -> memref<80x128xi32, #tpu.memory_space<hbm>>
        %dma_start3A_79 = arith.constant 0 : i32
        %dma_start3A_80 = tpu.memref_slice %dma_start3A_78[%mul3A_69, %dma_start3A_79] : memref<80x128xi32, #tpu.memory_space<hbm>> -> memref<8x128xi32, #tpu.memory_space<hbm>>
        %dma_start3A_81 = arith.constant 0 : i32
        %dma_start3A_82 = arith.constant 0 : i32
        %dma_start3A_83 = tpu.memref_slice %arg2[%run_scoped3A, %add3A, %dma_start3A_81, %dma_start3A_82] : memref<3x32x80x128xi32, #tpu.memory_space<hbm>> -> memref<1x1x80x128xi32, #tpu.memory_space<hbm>>
        %dma_start3A_84 = tpu.memref_squeeze %dma_start3A_83 : memref<1x1x80x128xi32, #tpu.memory_space<hbm>> -> memref<80x128xi32, #tpu.memory_space<hbm>>
        %dma_start3A_85 = arith.constant 0 : i32
        %dma_start3A_86 = tpu.memref_slice %dma_start3A_84[%mul3A_69, %dma_start3A_85] : memref<80x128xi32, #tpu.memory_space<hbm>> -> memref<8x128xi32, #tpu.memory_space<hbm>>
        tpu.enqueue_dma source(%dma_start3A_86 : memref<8x128xi32, #tpu.memory_space<hbm>>) target(%arg4 : memref<8x128xi32, #tpu.memory_space<vmem>>) target_semaphore(%run_scoped3A_75 : memref<!tpu.dma_semaphore, #tpu.memory_space<semaphore_mem>>)
        %dma_wait3A = arith.constant 0 : i32
        %dma_wait3A_87 = arith.constant 0 : i32
        %dma_wait3A_88 = tpu.memref_slice %arg2[%run_scoped3A, %add3A, %dma_wait3A, %dma_wait3A_87] : memref<3x32x80x128xi32, #tpu.memory_space<hbm>> -> memref<1x1x80x128xi32, #tpu.memory_space<hbm>>
        %dma_wait3A_89 = tpu.memref_squeeze %dma_wait3A_88 : memref<1x1x80x128xi32, #tpu.memory_space<hbm>> -> memref<80x128xi32, #tpu.memory_space<hbm>>
        %dma_wait3A_90 = arith.constant 0 : i32
        %dma_wait3A_91 = tpu.memref_slice %dma_wait3A_89[%mul3A_69, %dma_wait3A_90] : memref<80x128xi32, #tpu.memory_space<hbm>> -> memref<8x128xi32, #tpu.memory_space<hbm>>
        %dma_wait3A_92 = arith.constant 0 : i32
        %dma_wait3A_93 = arith.constant 0 : i32
        %dma_wait3A_94 = tpu.memref_slice %arg2[%run_scoped3A, %add3A, %dma_wait3A_92, %dma_wait3A_93] : memref<3x32x80x128xi32, #tpu.memory_space<hbm>> -> memref<1x1x80x128xi32, #tpu.memory_space<hbm>>
        %dma_wait3A_95 = tpu.memref_squeeze %dma_wait3A_94 : memref<1x1x80x128xi32, #tpu.memory_space<hbm>> -> memref<80x128xi32, #tpu.memory_space<hbm>>
        %dma_wait3A_96 = arith.constant 0 : i32
        %dma_wait3A_97 = tpu.memref_slice %dma_wait3A_95[%mul3A_69, %dma_wait3A_96] : memref<80x128xi32, #tpu.memory_space<hbm>> -> memref<8x128xi32, #tpu.memory_space<hbm>>
        tpu.wait_dma2 semaphore(%run_scoped3A_75 : memref<!tpu.dma_semaphore, #tpu.memory_space<semaphore_mem>>) src(%dma_wait3A_97 : memref<8x128xi32, #tpu.memory_space<hbm>>) dst(%arg4 : memref<8x128xi32, #tpu.memory_space<vmem>>)
        tpu.yield
      }) : () -> ()
      %scan3A_70 = arith.constant 0 : i32
      %scan3A_71 = arith.constant 8 : i32
      %scan3A_72 = arith.addi %scan3A_70, %scan3A_71 : i32
      %scan3A_73 = arith.constant 1 : i32
      scf.for %scan3A_75 = %scan3A_70 to %scan3A_72 step %scan3A_73  : i32 {
        %mul3A_76 = arith.constant 1 : i32
        %mul3A_77 = arith.muli %scan3A_75, %mul3A_76 : i32
        %add3A_78 = arith.constant 0 : i32
        %add3A_79 = arith.addi %add3A_78, %mul3A_77 : i32
        "tpu.region"() ({
          %run_scoped3A_80 = tpu.sem_alloc : memref<!tpu.dma_semaphore, #tpu.memory_space<semaphore_mem>>
          %dma_start3A = arith.constant 0 : i32
          %dma_start3A_81 = tpu.memref_slice %arg4[%add3A_79, %dma_start3A] : memref<8x128xi32, #tpu.memory_space<vmem>> -> memref<1x128xi32, #tpu.memory_space<vmem>>
          %dma_start3A_82 = tpu.memref_squeeze %dma_start3A_81 : memref<1x128xi32, #tpu.memory_space<vmem>> -> memref<128xi32, #tpu.memory_space<vmem>>
          %dma_start3A_83 = arith.constant 0 : i32
          %dma_start3A_84 = arith.constant 0 : i32
          %dma_start3A_85 = tpu.memref_slice %arg7[%dma_start3A_83, %dma_start3A_84] : memref<10112x16xf32, #tpu.memory_space<vmem_shared>> -> memref<10112x16xf32, #tpu.memory_space<vmem_shared>>
          tpu.enqueue_indirect_dma source(%arg5 : memref<128x16xf32, #tpu.memory_space<vmem>>) target(%dma_start3A_85 : memref<10112x16xf32, #tpu.memory_space<vmem_shared>>) offsets(%dma_start3A_82 : memref<128xi32, #tpu.memory_space<vmem>>) semaphore(%run_scoped3A_80 : memref<!tpu.dma_semaphore, #tpu.memory_space<semaphore_mem>>) {add = true}
          %dma_wait3A = arith.constant 0 : i32
          %dma_wait3A_86 = tpu.memref_slice %arg4[%add3A_79, %dma_wait3A] : memref<8x128xi32, #tpu.memory_space<vmem>> -> memref<1x128xi32, #tpu.memory_space<vmem>>
          %dma_wait3A_87 = tpu.memref_squeeze %dma_wait3A_86 : memref<1x128xi32, #tpu.memory_space<vmem>> -> memref<128xi32, #tpu.memory_space<vmem>>
          %dma_wait3A_88 = arith.constant 0 : i32
          %dma_wait3A_89 = arith.constant 0 : i32
          %dma_wait3A_90 = tpu.memref_slice %arg7[%dma_wait3A_88, %dma_wait3A_89] : memref<10112x16xf32, #tpu.memory_space<vmem_shared>> -> memref<10112x16xf32, #tpu.memory_space<vmem_shared>>
          tpu.wait_indirect_dma semaphore(%run_scoped3A_80 : memref<!tpu.dma_semaphore, #tpu.memory_space<semaphore_mem>>) src(%arg5 : memref<128x16xf32, #tpu.memory_space<vmem>>) dst(%dma_wait3A_90 : memref<10112x16xf32, #tpu.memory_space<vmem_shared>>)
          tpu.yield
        }) : () -> ()
      }
      %scan3A_74 = arith.constant 8 : i32
    }
    %scan3A_55 = arith.constant 10 : i32
    %barrier3A_56 = arith.constant 0 : index
    tpu.barrier barrier_id(%barrier3A_56)
    %scan3A_57 = arith.constant 0 : i32
    %scan3A_58 = arith.constant 5 : i32
    %scan3A_59 = arith.addi %scan3A_57, %scan3A_58 : i32
    %scan3A_60 = arith.constant 1 : i32
    scf.for %scan3A_63 = %scan3A_57 to %scan3A_59 step %scan3A_60  : i32 {
      %mul3A_64 = arith.constant 1 : i32
      %mul3A_65 = arith.muli %scan3A_63, %mul3A_64 : i32
      %add3A_66 = arith.constant 0 : i32
      %add3A_67 = arith.addi %add3A_66, %mul3A_65 : i32
      %mul3A_68 = arith.constant 16 : i32
      %mul3A_69 = arith.muli %add3A_67, %mul3A_68 : i32
      %add3A_70 = arith.addi %arg1, %mul3A_69 : i32
      %lt3A = arith.constant 79 : i32
      %lt3A_71 = arith.cmpi slt, %add3A_70, %lt3A : i32
      %convert_element_type3A = arith.extui %lt3A_71 : i1 to i32
      %cond3A = arith.constant 0 : i32
      %cond3A_72 = arith.cmpi ne, %convert_element_type3A, %cond3A : i32
      scf.if %cond3A_72 {
        %mul3A_73 = arith.constant 128 : i32
        %mul3A_74 = arith.muli %add3A_70, %mul3A_73 : i32
        %mul3A_75 = arith.constant 128 : i32
        %mul3A_76 = arith.muli %add3A_70, %mul3A_75 : i32
        %run_scoped3A = arith.constant 2 : i32
        "tpu.region"() ({
          %run_scoped3A_77 = tpu.sem_alloc : memref<!tpu.dma_semaphore, #tpu.memory_space<semaphore_mem>>
          %dma_start3A = arith.constant 0 : i32
          %dma_start3A_78 = arith.constant 0 : i32
          %dma_start3A_79 = tpu.memref_slice %arg3[%arg0, %run_scoped3A, %dma_start3A, %dma_start3A_78] : memref<2x3x10112x16xf32, #tpu.memory_space<hbm>> -> memref<1x1x10112x16xf32, #tpu.memory_space<hbm>>
          %dma_start3A_80 = tpu.memref_squeeze %dma_start3A_79 : memref<1x1x10112x16xf32, #tpu.memory_space<hbm>> -> memref<10112x16xf32, #tpu.memory_space<hbm>>
          %dma_start3A_81 = arith.constant 0 : i32
          %dma_start3A_82 = tpu.memref_slice %dma_start3A_80[%mul3A_76, %dma_start3A_81] : memref<10112x16xf32, #tpu.memory_space<hbm>> -> memref<128x16xf32, #tpu.memory_space<hbm>>
          %dma_start3A_83 = arith.constant 0 : i32
          %dma_start3A_84 = tpu.memref_slice %arg7[%mul3A_74, %dma_start3A_83] : memref<10112x16xf32, #tpu.memory_space<vmem_shared>> -> memref<128x16xf32, #tpu.memory_space<vmem_shared>>
          tpu.enqueue_dma source(%dma_start3A_84 : memref<128x16xf32, #tpu.memory_space<vmem_shared>>) target(%dma_start3A_82 : memref<128x16xf32, #tpu.memory_space<hbm>>) target_semaphore(%run_scoped3A_77 : memref<!tpu.dma_semaphore, #tpu.memory_space<semaphore_mem>>)
          %dma_wait3A = arith.constant 0 : i32
          %dma_wait3A_85 = arith.constant 0 : i32
          %dma_wait3A_86 = tpu.memref_slice %arg3[%arg0, %run_scoped3A, %dma_wait3A, %dma_wait3A_85] : memref<2x3x10112x16xf32, #tpu.memory_space<hbm>> -> memref<1x1x10112x16xf32, #tpu.memory_space<hbm>>
          %dma_wait3A_87 = tpu.memref_squeeze %dma_wait3A_86 : memref<1x1x10112x16xf32, #tpu.memory_space<hbm>> -> memref<10112x16xf32, #tpu.memory_space<hbm>>
          %dma_wait3A_88 = arith.constant 0 : i32
          %dma_wait3A_89 = tpu.memref_slice %dma_wait3A_87[%mul3A_76, %dma_wait3A_88] : memref<10112x16xf32, #tpu.memory_space<hbm>> -> memref<128x16xf32, #tpu.memory_space<hbm>>
          %dma_wait3A_90 = arith.constant 0 : i32
          %dma_wait3A_91 = tpu.memref_slice %arg7[%mul3A_74, %dma_wait3A_90] : memref<10112x16xf32, #tpu.memory_space<vmem_shared>> -> memref<128x16xf32, #tpu.memory_space<vmem_shared>>
          tpu.wait_dma2 semaphore(%run_scoped3A_77 : memref<!tpu.dma_semaphore, #tpu.memory_space<semaphore_mem>>) src(%dma_wait3A_91 : memref<128x16xf32, #tpu.memory_space<vmem_shared>>) dst(%dma_wait3A_89 : memref<128x16xf32, #tpu.memory_space<hbm>>)
          tpu.yield
        }) : () -> ()
      } else {
      }
    }
    %scan3A_61 = arith.constant 5 : i32
    %barrier3A_62 = arith.constant 0 : index
    tpu.barrier barrier_id(%barrier3A_62)
    return
  }
}

#map = affine_map<(d0, d1) -> (0, 0, 0)>
#map1 = affine_map<(d0, d1) -> (0, 0, 0, 0)>
module attributes {stable_mosaic.version = 14 : i64} {
  func.func @_sc_messages(%arg0: i32, %arg1: i32, %arg2: memref<3x10112x128xf32, #tpu.memory_space<hbm>>, %arg3: memref<3x32x80x128xi32, #tpu.memory_space<hbm>>, %arg4: memref<3x32x80x128xi32, #tpu.memory_space<hbm>>, %arg5: memref<2x3x10112x128xf32, #tpu.memory_space<hbm>>, %arg6: memref<8x128xi32, #tpu.memory_space<vmem>>, %arg7: memref<8x128xi32, #tpu.memory_space<vmem>>, %arg8: memref<128x128xf32, #tpu.memory_space<vmem>>, %arg9: memref<128x128xf32, #tpu.memory_space<vmem>>, %arg10: memref<10112x128xf32, #tpu.memory_space<vmem_shared>>, %arg11: memref<!tpu.dma_semaphore, #tpu.memory_space<semaphore_mem>>, %arg12: memref<!tpu.dma_semaphore, #tpu.memory_space<semaphore_mem>>, %arg13: memref<!tpu.dma_semaphore, #tpu.memory_space<semaphore_mem>>, %arg14: memref<!tpu.dma_semaphore, #tpu.memory_space<semaphore_mem>>) attributes {dimension_semantics = [#tpu.dimension_semantics<core_parallel>, #tpu.dimension_semantics<subcore_parallel>], iteration_bounds = array<i64: 2, 16>, scalar_prefetch = 0 : i64, scratch_operands = 9 : i64, tpu.core_type = #tpu.core_type<sc_vector_subcore>, window_params = [{transform_indices = #map}, {transform_indices = #map1}, {transform_indices = #map1}, {transform_indices = #map1}]} {
    %mul3A = arith.constant 2 : i32
    %mul3A_0 = arith.muli %arg1, %mul3A : i32
    %add3A = arith.addi %mul3A_0, %arg0 : i32
    %scan3A = arith.constant 0 : i32
    %scan3A_1 = arith.constant 128 : i32
    %scan3A_2 = arith.addi %scan3A, %scan3A_1 : i32
    %scan3A_3 = arith.constant 1 : i32
    scf.for %scan3A_68 = %scan3A to %scan3A_2 step %scan3A_3  : i32 {
      %mul3A_69 = arith.constant 1 : i32
      %mul3A_70 = arith.muli %scan3A_68, %mul3A_69 : i32
      %add3A_71 = arith.constant 0 : i32
      %add3A_72 = arith.addi %add3A_71, %mul3A_70 : i32
      %scan3A_73 = arith.constant 0 : i32
      %scan3A_74 = arith.constant 8 : i32
      %scan3A_75 = arith.addi %scan3A_73, %scan3A_74 : i32
      %scan3A_76 = arith.constant 1 : i32
      scf.for %scan3A_78 = %scan3A_73 to %scan3A_75 step %scan3A_76  : i32 {
        %mul3A_79 = arith.constant 16 : i32
        %mul3A_80 = arith.muli %scan3A_78, %mul3A_79 : i32
        %add3A_81 = arith.constant 0 : i32
        %add3A_82 = arith.addi %add3A_81, %mul3A_80 : i32
        %broadcast_in_dim3A = arith.constant 0.000000e+00 : f32
        %broadcast_in_dim3A_83 = vector.broadcast %broadcast_in_dim3A : f32 to vector<16xf32>
        %swap3A = arith.index_cast %add3A_72 : i32 to index
        %swap3A_84 = arith.index_cast %add3A_82 : i32 to index
        %swap3A_85 = tpu.vector_load %arg8[%swap3A, %swap3A_84] {strides = array<i32>} : memref<128x128xf32, #tpu.memory_space<vmem>>, vector<1x16xf32>,
        %swap3A_86 = vector.shape_cast %swap3A_85 : vector<1x16xf32> to vector<16xf32>
        %swap3A_87 = vector.shape_cast %broadcast_in_dim3A_83 : vector<16xf32> to vector<1x16xf32>
        tpu.vector_store %arg8[%swap3A, %swap3A_84], %swap3A_87 {strides = array<i32>} : memref<128x128xf32, #tpu.memory_space<vmem>>, vector<1x16xf32>,
      }
      %scan3A_77 = arith.constant 8 : i32
    }
    %scan3A_4 = arith.constant 128 : i32
    %scan3A_5 = arith.constant 0 : i32
    %scan3A_6 = arith.constant 5 : i32
    %scan3A_7 = arith.addi %scan3A_5, %scan3A_6 : i32
    %scan3A_8 = arith.constant 1 : i32
    scf.for %scan3A_68 = %scan3A_5 to %scan3A_7 step %scan3A_8  : i32 {
      %mul3A_69 = arith.constant 1 : i32
      %mul3A_70 = arith.muli %scan3A_68, %mul3A_69 : i32
      %add3A_71 = arith.constant 0 : i32
      %add3A_72 = arith.addi %add3A_71, %mul3A_70 : i32
      %mul3A_73 = arith.constant 16 : i32
      %mul3A_74 = arith.muli %add3A_72, %mul3A_73 : i32
      %add3A_75 = arith.addi %arg1, %mul3A_74 : i32
      %lt3A = arith.constant 79 : i32
      %lt3A_76 = arith.cmpi slt, %add3A_75, %lt3A : i32
      %convert_element_type3A = arith.extui %lt3A_76 : i1 to i32
      %cond3A = arith.constant 0 : i32
      %cond3A_77 = arith.cmpi ne, %convert_element_type3A, %cond3A : i32
      scf.if %cond3A_77 {
        %mul3A_78 = arith.constant 128 : i32
        %mul3A_79 = arith.muli %add3A_75, %mul3A_78 : i32
        "tpu.region"() ({
          %run_scoped3A = tpu.sem_alloc : memref<!tpu.dma_semaphore, #tpu.memory_space<semaphore_mem>>
          %dma_start3A = arith.constant 0 : i32
          %dma_start3A_80 = tpu.memref_slice %arg10[%mul3A_79, %dma_start3A] : memref<10112x128xf32, #tpu.memory_space<vmem_shared>> -> memref<128x128xf32, #tpu.memory_space<vmem_shared>>
          %dma_start3A_81 = arith.constant 0 : i32
          %dma_start3A_82 = tpu.memref_slice %arg10[%mul3A_79, %dma_start3A_81] : memref<10112x128xf32, #tpu.memory_space<vmem_shared>> -> memref<128x128xf32, #tpu.memory_space<vmem_shared>>
          tpu.enqueue_dma source(%arg8 : memref<128x128xf32, #tpu.memory_space<vmem>>) target(%dma_start3A_82 : memref<128x128xf32, #tpu.memory_space<vmem_shared>>) target_semaphore(%run_scoped3A : memref<!tpu.dma_semaphore, #tpu.memory_space<semaphore_mem>>)
          %dma_wait3A = arith.constant 0 : i32
          %dma_wait3A_83 = tpu.memref_slice %arg10[%mul3A_79, %dma_wait3A] : memref<10112x128xf32, #tpu.memory_space<vmem_shared>> -> memref<128x128xf32, #tpu.memory_space<vmem_shared>>
          %dma_wait3A_84 = arith.constant 0 : i32
          %dma_wait3A_85 = tpu.memref_slice %arg10[%mul3A_79, %dma_wait3A_84] : memref<10112x128xf32, #tpu.memory_space<vmem_shared>> -> memref<128x128xf32, #tpu.memory_space<vmem_shared>>
          tpu.wait_dma2 semaphore(%run_scoped3A : memref<!tpu.dma_semaphore, #tpu.memory_space<semaphore_mem>>) src(%arg8 : memref<128x128xf32, #tpu.memory_space<vmem>>) dst(%dma_wait3A_85 : memref<128x128xf32, #tpu.memory_space<vmem_shared>>)
          tpu.yield
        }) : () -> ()
      } else {
      }
    }
    %scan3A_9 = arith.constant 5 : i32
    %barrier3A = arith.constant 0 : index
    tpu.barrier barrier_id(%barrier3A)
    %scan3A_10 = arith.constant 0 : i32
    %scan3A_11 = arith.constant 10 : i32
    %scan3A_12 = arith.addi %scan3A_10, %scan3A_11 : i32
    %scan3A_13 = arith.constant 1 : i32
    scf.for %scan3A_68 = %scan3A_10 to %scan3A_12 step %scan3A_13  : i32 {
      %mul3A_69 = arith.constant 1 : i32
      %mul3A_70 = arith.muli %scan3A_68, %mul3A_69 : i32
      %add3A_71 = arith.constant 0 : i32
      %add3A_72 = arith.addi %add3A_71, %mul3A_70 : i32
      %mul3A_73 = arith.constant 8 : i32
      %mul3A_74 = arith.muli %add3A_72, %mul3A_73 : i32
      %run_scoped3A = arith.constant 0 : i32
      "tpu.region"() ({
        %run_scoped3A_276 = tpu.sem_alloc : memref<!tpu.dma_semaphore, #tpu.memory_space<semaphore_mem>>
        %dma_start3A_277 = arith.constant 0 : i32
        %dma_start3A_278 = arith.constant 0 : i32
        %dma_start3A_279 = tpu.memref_slice %arg3[%run_scoped3A, %add3A, %dma_start3A_277, %dma_start3A_278] : memref<3x32x80x128xi32, #tpu.memory_space<hbm>> -> memref<1x1x80x128xi32, #tpu.memory_space<hbm>>
        %dma_start3A_280 = tpu.memref_squeeze %dma_start3A_279 : memref<1x1x80x128xi32, #tpu.memory_space<hbm>> -> memref<80x128xi32, #tpu.memory_space<hbm>>
        %dma_start3A_281 = arith.constant 0 : i32
        %dma_start3A_282 = tpu.memref_slice %dma_start3A_280[%mul3A_74, %dma_start3A_281] : memref<80x128xi32, #tpu.memory_space<hbm>> -> memref<8x128xi32, #tpu.memory_space<hbm>>
        %dma_start3A_283 = arith.constant 0 : i32
        %dma_start3A_284 = arith.constant 0 : i32
        %dma_start3A_285 = tpu.memref_slice %arg3[%run_scoped3A, %add3A, %dma_start3A_283, %dma_start3A_284] : memref<3x32x80x128xi32, #tpu.memory_space<hbm>> -> memref<1x1x80x128xi32, #tpu.memory_space<hbm>>
        %dma_start3A_286 = tpu.memref_squeeze %dma_start3A_285 : memref<1x1x80x128xi32, #tpu.memory_space<hbm>> -> memref<80x128xi32, #tpu.memory_space<hbm>>
        %dma_start3A_287 = arith.constant 0 : i32
        %dma_start3A_288 = tpu.memref_slice %dma_start3A_286[%mul3A_74, %dma_start3A_287] : memref<80x128xi32, #tpu.memory_space<hbm>> -> memref<8x128xi32, #tpu.memory_space<hbm>>
        tpu.enqueue_dma source(%dma_start3A_288 : memref<8x128xi32, #tpu.memory_space<hbm>>) target(%arg6 : memref<8x128xi32, #tpu.memory_space<vmem>>) target_semaphore(%run_scoped3A_276 : memref<!tpu.dma_semaphore, #tpu.memory_space<semaphore_mem>>)
        %dma_wait3A_289 = arith.constant 0 : i32
        %dma_wait3A_290 = arith.constant 0 : i32
        %dma_wait3A_291 = tpu.memref_slice %arg3[%run_scoped3A, %add3A, %dma_wait3A_289, %dma_wait3A_290] : memref<3x32x80x128xi32, #tpu.memory_space<hbm>> -> memref<1x1x80x128xi32, #tpu.memory_space<hbm>>
        %dma_wait3A_292 = tpu.memref_squeeze %dma_wait3A_291 : memref<1x1x80x128xi32, #tpu.memory_space<hbm>> -> memref<80x128xi32, #tpu.memory_space<hbm>>
        %dma_wait3A_293 = arith.constant 0 : i32
        %dma_wait3A_294 = tpu.memref_slice %dma_wait3A_292[%mul3A_74, %dma_wait3A_293] : memref<80x128xi32, #tpu.memory_space<hbm>> -> memref<8x128xi32, #tpu.memory_space<hbm>>
        %dma_wait3A_295 = arith.constant 0 : i32
        %dma_wait3A_296 = arith.constant 0 : i32
        %dma_wait3A_297 = tpu.memref_slice %arg3[%run_scoped3A, %add3A, %dma_wait3A_295, %dma_wait3A_296] : memref<3x32x80x128xi32, #tpu.memory_space<hbm>> -> memref<1x1x80x128xi32, #tpu.memory_space<hbm>>
        %dma_wait3A_298 = tpu.memref_squeeze %dma_wait3A_297 : memref<1x1x80x128xi32, #tpu.memory_space<hbm>> -> memref<80x128xi32, #tpu.memory_space<hbm>>
        %dma_wait3A_299 = arith.constant 0 : i32
        %dma_wait3A_300 = tpu.memref_slice %dma_wait3A_298[%mul3A_74, %dma_wait3A_299] : memref<80x128xi32, #tpu.memory_space<hbm>> -> memref<8x128xi32, #tpu.memory_space<hbm>>
        tpu.wait_dma2 semaphore(%run_scoped3A_276 : memref<!tpu.dma_semaphore, #tpu.memory_space<semaphore_mem>>) src(%dma_wait3A_300 : memref<8x128xi32, #tpu.memory_space<hbm>>) dst(%arg6 : memref<8x128xi32, #tpu.memory_space<vmem>>)
        tpu.yield
      }) : () -> ()
      %mul3A_75 = arith.constant 8 : i32
      %mul3A_76 = arith.muli %add3A_72, %mul3A_75 : i32
      %run_scoped3A_77 = arith.constant 0 : i32
      "tpu.region"() ({
        %run_scoped3A_276 = tpu.sem_alloc : memref<!tpu.dma_semaphore, #tpu.memory_space<semaphore_mem>>
        %dma_start3A_277 = arith.constant 0 : i32
        %dma_start3A_278 = arith.constant 0 : i32
        %dma_start3A_279 = tpu.memref_slice %arg4[%run_scoped3A_77, %add3A, %dma_start3A_277, %dma_start3A_278] : memref<3x32x80x128xi32, #tpu.memory_space<hbm>> -> memref<1x1x80x128xi32, #tpu.memory_space<hbm>>
        %dma_start3A_280 = tpu.memref_squeeze %dma_start3A_279 : memref<1x1x80x128xi32, #tpu.memory_space<hbm>> -> memref<80x128xi32, #tpu.memory_space<hbm>>
        %dma_start3A_281 = arith.constant 0 : i32
        %dma_start3A_282 = tpu.memref_slice %dma_start3A_280[%mul3A_76, %dma_start3A_281] : memref<80x128xi32, #tpu.memory_space<hbm>> -> memref<8x128xi32, #tpu.memory_space<hbm>>
        %dma_start3A_283 = arith.constant 0 : i32
        %dma_start3A_284 = arith.constant 0 : i32
        %dma_start3A_285 = tpu.memref_slice %arg4[%run_scoped3A_77, %add3A, %dma_start3A_283, %dma_start3A_284] : memref<3x32x80x128xi32, #tpu.memory_space<hbm>> -> memref<1x1x80x128xi32, #tpu.memory_space<hbm>>
        %dma_start3A_286 = tpu.memref_squeeze %dma_start3A_285 : memref<1x1x80x128xi32, #tpu.memory_space<hbm>> -> memref<80x128xi32, #tpu.memory_space<hbm>>
        %dma_start3A_287 = arith.constant 0 : i32
        %dma_start3A_288 = tpu.memref_slice %dma_start3A_286[%mul3A_76, %dma_start3A_287] : memref<80x128xi32, #tpu.memory_space<hbm>> -> memref<8x128xi32, #tpu.memory_space<hbm>>
        tpu.enqueue_dma source(%dma_start3A_288 : memref<8x128xi32, #tpu.memory_space<hbm>>) target(%arg7 : memref<8x128xi32, #tpu.memory_space<vmem>>) target_semaphore(%run_scoped3A_276 : memref<!tpu.dma_semaphore, #tpu.memory_space<semaphore_mem>>)
        %dma_wait3A_289 = arith.constant 0 : i32
        %dma_wait3A_290 = arith.constant 0 : i32
        %dma_wait3A_291 = tpu.memref_slice %arg4[%run_scoped3A_77, %add3A, %dma_wait3A_289, %dma_wait3A_290] : memref<3x32x80x128xi32, #tpu.memory_space<hbm>> -> memref<1x1x80x128xi32, #tpu.memory_space<hbm>>
        %dma_wait3A_292 = tpu.memref_squeeze %dma_wait3A_291 : memref<1x1x80x128xi32, #tpu.memory_space<hbm>> -> memref<80x128xi32, #tpu.memory_space<hbm>>
        %dma_wait3A_293 = arith.constant 0 : i32
        %dma_wait3A_294 = tpu.memref_slice %dma_wait3A_292[%mul3A_76, %dma_wait3A_293] : memref<80x128xi32, #tpu.memory_space<hbm>> -> memref<8x128xi32, #tpu.memory_space<hbm>>
        %dma_wait3A_295 = arith.constant 0 : i32
        %dma_wait3A_296 = arith.constant 0 : i32
        %dma_wait3A_297 = tpu.memref_slice %arg4[%run_scoped3A_77, %add3A, %dma_wait3A_295, %dma_wait3A_296] : memref<3x32x80x128xi32, #tpu.memory_space<hbm>> -> memref<1x1x80x128xi32, #tpu.memory_space<hbm>>
        %dma_wait3A_298 = tpu.memref_squeeze %dma_wait3A_297 : memref<1x1x80x128xi32, #tpu.memory_space<hbm>> -> memref<80x128xi32, #tpu.memory_space<hbm>>
        %dma_wait3A_299 = arith.constant 0 : i32
        %dma_wait3A_300 = tpu.memref_slice %dma_wait3A_298[%mul3A_76, %dma_wait3A_299] : memref<80x128xi32, #tpu.memory_space<hbm>> -> memref<8x128xi32, #tpu.memory_space<hbm>>
        tpu.wait_dma2 semaphore(%run_scoped3A_276 : memref<!tpu.dma_semaphore, #tpu.memory_space<semaphore_mem>>) src(%dma_wait3A_300 : memref<8x128xi32, #tpu.memory_space<hbm>>) dst(%arg7 : memref<8x128xi32, #tpu.memory_space<vmem>>)
        tpu.yield
      }) : () -> ()
      %dma_start3A = arith.constant 0 : i32
      %dma_start3A_78 = arith.constant 0 : i32
      %dma_start3A_79 = arith.constant 0 : i32
      %dma_start3A_80 = tpu.memref_slice %arg6[%dma_start3A_78, %dma_start3A_79] : memref<8x128xi32, #tpu.memory_space<vmem>> -> memref<1x128xi32, #tpu.memory_space<vmem>>
      %dma_start3A_81 = tpu.memref_squeeze %dma_start3A_80 : memref<1x128xi32, #tpu.memory_space<vmem>> -> memref<128xi32, #tpu.memory_space<vmem>>
      %dma_start3A_82 = arith.constant 0 : i32
      %dma_start3A_83 = arith.constant 0 : i32
      %dma_start3A_84 = tpu.memref_slice %arg2[%dma_start3A, %dma_start3A_82, %dma_start3A_83] : memref<3x10112x128xf32, #tpu.memory_space<hbm>> -> memref<1x10112x128xf32, #tpu.memory_space<hbm>>
      %dma_start3A_85 = tpu.memref_squeeze %dma_start3A_84 : memref<1x10112x128xf32, #tpu.memory_space<hbm>> -> memref<10112x128xf32, #tpu.memory_space<hbm>>
      %dma_start3A_86 = arith.constant 0 : i32
      %dma_start3A_87 = arith.constant 0 : i32
      %dma_start3A_88 = tpu.memref_slice %dma_start3A_85[%dma_start3A_86, %dma_start3A_87] : memref<10112x128xf32, #tpu.memory_space<hbm>> -> memref<10112x128xf32, #tpu.memory_space<hbm>>
      tpu.enqueue_indirect_dma source(%dma_start3A_88 : memref<10112x128xf32, #tpu.memory_space<hbm>>) target(%arg8 : memref<128x128xf32, #tpu.memory_space<vmem>>) offsets(%dma_start3A_81 : memref<128xi32, #tpu.memory_space<vmem>>) semaphore(%arg11 : memref<!tpu.dma_semaphore, #tpu.memory_space<semaphore_mem>>)
      %dma_start3A_89 = arith.constant 0 : i32
      %dma_start3A_90 = arith.constant 1 : i32
      %dma_start3A_91 = arith.constant 0 : i32
      %dma_start3A_92 = tpu.memref_slice %arg6[%dma_start3A_90, %dma_start3A_91] : memref<8x128xi32, #tpu.memory_space<vmem>> -> memref<1x128xi32, #tpu.memory_space<vmem>>
      %dma_start3A_93 = tpu.memref_squeeze %dma_start3A_92 : memref<1x128xi32, #tpu.memory_space<vmem>> -> memref<128xi32, #tpu.memory_space<vmem>>
      %dma_start3A_94 = arith.constant 0 : i32
      %dma_start3A_95 = arith.constant 0 : i32
      %dma_start3A_96 = tpu.memref_slice %arg2[%dma_start3A_89, %dma_start3A_94, %dma_start3A_95] : memref<3x10112x128xf32, #tpu.memory_space<hbm>> -> memref<1x10112x128xf32, #tpu.memory_space<hbm>>
      %dma_start3A_97 = tpu.memref_squeeze %dma_start3A_96 : memref<1x10112x128xf32, #tpu.memory_space<hbm>> -> memref<10112x128xf32, #tpu.memory_space<hbm>>
      %dma_start3A_98 = arith.constant 0 : i32
      %dma_start3A_99 = arith.constant 0 : i32
      %dma_start3A_100 = tpu.memref_slice %dma_start3A_97[%dma_start3A_98, %dma_start3A_99] : memref<10112x128xf32, #tpu.memory_space<hbm>> -> memref<10112x128xf32, #tpu.memory_space<hbm>>
      tpu.enqueue_indirect_dma source(%dma_start3A_100 : memref<10112x128xf32, #tpu.memory_space<hbm>>) target(%arg9 : memref<128x128xf32, #tpu.memory_space<vmem>>) offsets(%dma_start3A_93 : memref<128xi32, #tpu.memory_space<vmem>>) semaphore(%arg13 : memref<!tpu.dma_semaphore, #tpu.memory_space<semaphore_mem>>)
      %dma_wait3A = arith.constant 0 : i32
      %dma_wait3A_101 = arith.constant 0 : i32
      %dma_wait3A_102 = arith.constant 0 : i32
      %dma_wait3A_103 = tpu.memref_slice %arg6[%dma_wait3A_101, %dma_wait3A_102] : memref<8x128xi32, #tpu.memory_space<vmem>> -> memref<1x128xi32, #tpu.memory_space<vmem>>
      %dma_wait3A_104 = tpu.memref_squeeze %dma_wait3A_103 : memref<1x128xi32, #tpu.memory_space<vmem>> -> memref<128xi32, #tpu.memory_space<vmem>>
      %dma_wait3A_105 = arith.constant 0 : i32
      %dma_wait3A_106 = arith.constant 0 : i32
      %dma_wait3A_107 = tpu.memref_slice %arg2[%dma_wait3A, %dma_wait3A_105, %dma_wait3A_106] : memref<3x10112x128xf32, #tpu.memory_space<hbm>> -> memref<1x10112x128xf32, #tpu.memory_space<hbm>>
      %dma_wait3A_108 = tpu.memref_squeeze %dma_wait3A_107 : memref<1x10112x128xf32, #tpu.memory_space<hbm>> -> memref<10112x128xf32, #tpu.memory_space<hbm>>
      %dma_wait3A_109 = arith.constant 0 : i32
      %dma_wait3A_110 = arith.constant 0 : i32
      %dma_wait3A_111 = tpu.memref_slice %dma_wait3A_108[%dma_wait3A_109, %dma_wait3A_110] : memref<10112x128xf32, #tpu.memory_space<hbm>> -> memref<10112x128xf32, #tpu.memory_space<hbm>>
      tpu.wait_indirect_dma semaphore(%arg11 : memref<!tpu.dma_semaphore, #tpu.memory_space<semaphore_mem>>) src(%dma_wait3A_111 : memref<10112x128xf32, #tpu.memory_space<hbm>>) dst(%arg8 : memref<128x128xf32, #tpu.memory_space<vmem>>)
      %run_scoped3A_112 = arith.constant 0 : i32
      "tpu.region"() ({
        %run_scoped3A_276 = tpu.sem_alloc : memref<!tpu.dma_semaphore, #tpu.memory_space<semaphore_mem>>
        %dma_start3A_277 = arith.constant 0 : i32
        %dma_start3A_278 = tpu.memref_slice %arg7[%run_scoped3A_112, %dma_start3A_277] : memref<8x128xi32, #tpu.memory_space<vmem>> -> memref<1x128xi32, #tpu.memory_space<vmem>>
        %dma_start3A_279 = tpu.memref_squeeze %dma_start3A_278 : memref<1x128xi32, #tpu.memory_space<vmem>> -> memref<128xi32, #tpu.memory_space<vmem>>
        %dma_start3A_280 = arith.constant 0 : i32
        %dma_start3A_281 = arith.constant 0 : i32
        %dma_start3A_282 = tpu.memref_slice %arg10[%dma_start3A_280, %dma_start3A_281] : memref<10112x128xf32, #tpu.memory_space<vmem_shared>> -> memref<10112x128xf32, #tpu.memory_space<vmem_shared>>
        tpu.enqueue_indirect_dma source(%arg8 : memref<128x128xf32, #tpu.memory_space<vmem>>) target(%dma_start3A_282 : memref<10112x128xf32, #tpu.memory_space<vmem_shared>>) offsets(%dma_start3A_279 : memref<128xi32, #tpu.memory_space<vmem>>) semaphore(%run_scoped3A_276 : memref<!tpu.dma_semaphore, #tpu.memory_space<semaphore_mem>>) {add = true}
        %dma_wait3A_283 = arith.constant 0 : i32
        %dma_wait3A_284 = tpu.memref_slice %arg7[%run_scoped3A_112, %dma_wait3A_283] : memref<8x128xi32, #tpu.memory_space<vmem>> -> memref<1x128xi32, #tpu.memory_space<vmem>>
        %dma_wait3A_285 = tpu.memref_squeeze %dma_wait3A_284 : memref<1x128xi32, #tpu.memory_space<vmem>> -> memref<128xi32, #tpu.memory_space<vmem>>
        %dma_wait3A_286 = arith.constant 0 : i32
        %dma_wait3A_287 = arith.constant 0 : i32
        %dma_wait3A_288 = tpu.memref_slice %arg10[%dma_wait3A_286, %dma_wait3A_287] : memref<10112x128xf32, #tpu.memory_space<vmem_shared>> -> memref<10112x128xf32, #tpu.memory_space<vmem_shared>>
        tpu.wait_indirect_dma semaphore(%run_scoped3A_276 : memref<!tpu.dma_semaphore, #tpu.memory_space<semaphore_mem>>) src(%arg8 : memref<128x128xf32, #tpu.memory_space<vmem>>) dst(%dma_wait3A_288 : memref<10112x128xf32, #tpu.memory_space<vmem_shared>>)
        tpu.yield
      }) : () -> ()
      %dma_start3A_113 = arith.constant 0 : i32
      %dma_start3A_114 = arith.constant 2 : i32
      %dma_start3A_115 = arith.constant 0 : i32
      %dma_start3A_116 = tpu.memref_slice %arg6[%dma_start3A_114, %dma_start3A_115] : memref<8x128xi32, #tpu.memory_space<vmem>> -> memref<1x128xi32, #tpu.memory_space<vmem>>
      %dma_start3A_117 = tpu.memref_squeeze %dma_start3A_116 : memref<1x128xi32, #tpu.memory_space<vmem>> -> memref<128xi32, #tpu.memory_space<vmem>>
      %dma_start3A_118 = arith.constant 0 : i32
      %dma_start3A_119 = arith.constant 0 : i32
      %dma_start3A_120 = tpu.memref_slice %arg2[%dma_start3A_113, %dma_start3A_118, %dma_start3A_119] : memref<3x10112x128xf32, #tpu.memory_space<hbm>> -> memref<1x10112x128xf32, #tpu.memory_space<hbm>>
      %dma_start3A_121 = tpu.memref_squeeze %dma_start3A_120 : memref<1x10112x128xf32, #tpu.memory_space<hbm>> -> memref<10112x128xf32, #tpu.memory_space<hbm>>
      %dma_start3A_122 = arith.constant 0 : i32
      %dma_start3A_123 = arith.constant 0 : i32
      %dma_start3A_124 = tpu.memref_slice %dma_start3A_121[%dma_start3A_122, %dma_start3A_123] : memref<10112x128xf32, #tpu.memory_space<hbm>> -> memref<10112x128xf32, #tpu.memory_space<hbm>>
      tpu.enqueue_indirect_dma source(%dma_start3A_124 : memref<10112x128xf32, #tpu.memory_space<hbm>>) target(%arg8 : memref<128x128xf32, #tpu.memory_space<vmem>>) offsets(%dma_start3A_117 : memref<128xi32, #tpu.memory_space<vmem>>) semaphore(%arg11 : memref<!tpu.dma_semaphore, #tpu.memory_space<semaphore_mem>>)
      %dma_wait3A_125 = arith.constant 0 : i32
      %dma_wait3A_126 = arith.constant 1 : i32
      %dma_wait3A_127 = arith.constant 0 : i32
      %dma_wait3A_128 = tpu.memref_slice %arg6[%dma_wait3A_126, %dma_wait3A_127] : memref<8x128xi32, #tpu.memory_space<vmem>> -> memref<1x128xi32, #tpu.memory_space<vmem>>
      %dma_wait3A_129 = tpu.memref_squeeze %dma_wait3A_128 : memref<1x128xi32, #tpu.memory_space<vmem>> -> memref<128xi32, #tpu.memory_space<vmem>>
      %dma_wait3A_130 = arith.constant 0 : i32
      %dma_wait3A_131 = arith.constant 0 : i32
      %dma_wait3A_132 = tpu.memref_slice %arg2[%dma_wait3A_125, %dma_wait3A_130, %dma_wait3A_131] : memref<3x10112x128xf32, #tpu.memory_space<hbm>> -> memref<1x10112x128xf32, #tpu.memory_space<hbm>>
      %dma_wait3A_133 = tpu.memref_squeeze %dma_wait3A_132 : memref<1x10112x128xf32, #tpu.memory_space<hbm>> -> memref<10112x128xf32, #tpu.memory_space<hbm>>
      %dma_wait3A_134 = arith.constant 0 : i32
      %dma_wait3A_135 = arith.constant 0 : i32
      %dma_wait3A_136 = tpu.memref_slice %dma_wait3A_133[%dma_wait3A_134, %dma_wait3A_135] : memref<10112x128xf32, #tpu.memory_space<hbm>> -> memref<10112x128xf32, #tpu.memory_space<hbm>>
      tpu.wait_indirect_dma semaphore(%arg13 : memref<!tpu.dma_semaphore, #tpu.memory_space<semaphore_mem>>) src(%dma_wait3A_136 : memref<10112x128xf32, #tpu.memory_space<hbm>>) dst(%arg9 : memref<128x128xf32, #tpu.memory_space<vmem>>)
      %run_scoped3A_137 = arith.constant 1 : i32
      "tpu.region"() ({
        %run_scoped3A_276 = tpu.sem_alloc : memref<!tpu.dma_semaphore, #tpu.memory_space<semaphore_mem>>
        %dma_start3A_277 = arith.constant 0 : i32
        %dma_start3A_278 = tpu.memref_slice %arg7[%run_scoped3A_137, %dma_start3A_277] : memref<8x128xi32, #tpu.memory_space<vmem>> -> memref<1x128xi32, #tpu.memory_space<vmem>>
        %dma_start3A_279 = tpu.memref_squeeze %dma_start3A_278 : memref<1x128xi32, #tpu.memory_space<vmem>> -> memref<128xi32, #tpu.memory_space<vmem>>
        %dma_start3A_280 = arith.constant 0 : i32
        %dma_start3A_281 = arith.constant 0 : i32
        %dma_start3A_282 = tpu.memref_slice %arg10[%dma_start3A_280, %dma_start3A_281] : memref<10112x128xf32, #tpu.memory_space<vmem_shared>> -> memref<10112x128xf32, #tpu.memory_space<vmem_shared>>
        tpu.enqueue_indirect_dma source(%arg9 : memref<128x128xf32, #tpu.memory_space<vmem>>) target(%dma_start3A_282 : memref<10112x128xf32, #tpu.memory_space<vmem_shared>>) offsets(%dma_start3A_279 : memref<128xi32, #tpu.memory_space<vmem>>) semaphore(%run_scoped3A_276 : memref<!tpu.dma_semaphore, #tpu.memory_space<semaphore_mem>>) {add = true}
        %dma_wait3A_283 = arith.constant 0 : i32
        %dma_wait3A_284 = tpu.memref_slice %arg7[%run_scoped3A_137, %dma_wait3A_283] : memref<8x128xi32, #tpu.memory_space<vmem>> -> memref<1x128xi32, #tpu.memory_space<vmem>>
        %dma_wait3A_285 = tpu.memref_squeeze %dma_wait3A_284 : memref<1x128xi32, #tpu.memory_space<vmem>> -> memref<128xi32, #tpu.memory_space<vmem>>
        %dma_wait3A_286 = arith.constant 0 : i32
        %dma_wait3A_287 = arith.constant 0 : i32
        %dma_wait3A_288 = tpu.memref_slice %arg10[%dma_wait3A_286, %dma_wait3A_287] : memref<10112x128xf32, #tpu.memory_space<vmem_shared>> -> memref<10112x128xf32, #tpu.memory_space<vmem_shared>>
        tpu.wait_indirect_dma semaphore(%run_scoped3A_276 : memref<!tpu.dma_semaphore, #tpu.memory_space<semaphore_mem>>) src(%arg9 : memref<128x128xf32, #tpu.memory_space<vmem>>) dst(%dma_wait3A_288 : memref<10112x128xf32, #tpu.memory_space<vmem_shared>>)
        tpu.yield
      }) : () -> ()
      %dma_start3A_138 = arith.constant 0 : i32
      %dma_start3A_139 = arith.constant 3 : i32
      %dma_start3A_140 = arith.constant 0 : i32
      %dma_start3A_141 = tpu.memref_slice %arg6[%dma_start3A_139, %dma_start3A_140] : memref<8x128xi32, #tpu.memory_space<vmem>> -> memref<1x128xi32, #tpu.memory_space<vmem>>
      %dma_start3A_142 = tpu.memref_squeeze %dma_start3A_141 : memref<1x128xi32, #tpu.memory_space<vmem>> -> memref<128xi32, #tpu.memory_space<vmem>>
      %dma_start3A_143 = arith.constant 0 : i32
      %dma_start3A_144 = arith.constant 0 : i32
      %dma_start3A_145 = tpu.memref_slice %arg2[%dma_start3A_138, %dma_start3A_143, %dma_start3A_144] : memref<3x10112x128xf32, #tpu.memory_space<hbm>> -> memref<1x10112x128xf32, #tpu.memory_space<hbm>>
      %dma_start3A_146 = tpu.memref_squeeze %dma_start3A_145 : memref<1x10112x128xf32, #tpu.memory_space<hbm>> -> memref<10112x128xf32, #tpu.memory_space<hbm>>
      %dma_start3A_147 = arith.constant 0 : i32
      %dma_start3A_148 = arith.constant 0 : i32
      %dma_start3A_149 = tpu.memref_slice %dma_start3A_146[%dma_start3A_147, %dma_start3A_148] : memref<10112x128xf32, #tpu.memory_space<hbm>> -> memref<10112x128xf32, #tpu.memory_space<hbm>>
      tpu.enqueue_indirect_dma source(%dma_start3A_149 : memref<10112x128xf32, #tpu.memory_space<hbm>>) target(%arg9 : memref<128x128xf32, #tpu.memory_space<vmem>>) offsets(%dma_start3A_142 : memref<128xi32, #tpu.memory_space<vmem>>) semaphore(%arg13 : memref<!tpu.dma_semaphore, #tpu.memory_space<semaphore_mem>>)
      %dma_wait3A_150 = arith.constant 0 : i32
      %dma_wait3A_151 = arith.constant 2 : i32
      %dma_wait3A_152 = arith.constant 0 : i32
      %dma_wait3A_153 = tpu.memref_slice %arg6[%dma_wait3A_151, %dma_wait3A_152] : memref<8x128xi32, #tpu.memory_space<vmem>> -> memref<1x128xi32, #tpu.memory_space<vmem>>
      %dma_wait3A_154 = tpu.memref_squeeze %dma_wait3A_153 : memref<1x128xi32, #tpu.memory_space<vmem>> -> memref<128xi32, #tpu.memory_space<vmem>>
      %dma_wait3A_155 = arith.constant 0 : i32
      %dma_wait3A_156 = arith.constant 0 : i32
      %dma_wait3A_157 = tpu.memref_slice %arg2[%dma_wait3A_150, %dma_wait3A_155, %dma_wait3A_156] : memref<3x10112x128xf32, #tpu.memory_space<hbm>> -> memref<1x10112x128xf32, #tpu.memory_space<hbm>>
      %dma_wait3A_158 = tpu.memref_squeeze %dma_wait3A_157 : memref<1x10112x128xf32, #tpu.memory_space<hbm>> -> memref<10112x128xf32, #tpu.memory_space<hbm>>
      %dma_wait3A_159 = arith.constant 0 : i32
      %dma_wait3A_160 = arith.constant 0 : i32
      %dma_wait3A_161 = tpu.memref_slice %dma_wait3A_158[%dma_wait3A_159, %dma_wait3A_160] : memref<10112x128xf32, #tpu.memory_space<hbm>> -> memref<10112x128xf32, #tpu.memory_space<hbm>>
      tpu.wait_indirect_dma semaphore(%arg11 : memref<!tpu.dma_semaphore, #tpu.memory_space<semaphore_mem>>) src(%dma_wait3A_161 : memref<10112x128xf32, #tpu.memory_space<hbm>>) dst(%arg8 : memref<128x128xf32, #tpu.memory_space<vmem>>)
      %run_scoped3A_162 = arith.constant 2 : i32
      "tpu.region"() ({
        %run_scoped3A_276 = tpu.sem_alloc : memref<!tpu.dma_semaphore, #tpu.memory_space<semaphore_mem>>
        %dma_start3A_277 = arith.constant 0 : i32
        %dma_start3A_278 = tpu.memref_slice %arg7[%run_scoped3A_162, %dma_start3A_277] : memref<8x128xi32, #tpu.memory_space<vmem>> -> memref<1x128xi32, #tpu.memory_space<vmem>>
        %dma_start3A_279 = tpu.memref_squeeze %dma_start3A_278 : memref<1x128xi32, #tpu.memory_space<vmem>> -> memref<128xi32, #tpu.memory_space<vmem>>
        %dma_start3A_280 = arith.constant 0 : i32
        %dma_start3A_281 = arith.constant 0 : i32
        %dma_start3A_282 = tpu.memref_slice %arg10[%dma_start3A_280, %dma_start3A_281] : memref<10112x128xf32, #tpu.memory_space<vmem_shared>> -> memref<10112x128xf32, #tpu.memory_space<vmem_shared>>
        tpu.enqueue_indirect_dma source(%arg8 : memref<128x128xf32, #tpu.memory_space<vmem>>) target(%dma_start3A_282 : memref<10112x128xf32, #tpu.memory_space<vmem_shared>>) offsets(%dma_start3A_279 : memref<128xi32, #tpu.memory_space<vmem>>) semaphore(%run_scoped3A_276 : memref<!tpu.dma_semaphore, #tpu.memory_space<semaphore_mem>>) {add = true}
        %dma_wait3A_283 = arith.constant 0 : i32
        %dma_wait3A_284 = tpu.memref_slice %arg7[%run_scoped3A_162, %dma_wait3A_283] : memref<8x128xi32, #tpu.memory_space<vmem>> -> memref<1x128xi32, #tpu.memory_space<vmem>>
        %dma_wait3A_285 = tpu.memref_squeeze %dma_wait3A_284 : memref<1x128xi32, #tpu.memory_space<vmem>> -> memref<128xi32, #tpu.memory_space<vmem>>
        %dma_wait3A_286 = arith.constant 0 : i32
        %dma_wait3A_287 = arith.constant 0 : i32
        %dma_wait3A_288 = tpu.memref_slice %arg10[%dma_wait3A_286, %dma_wait3A_287] : memref<10112x128xf32, #tpu.memory_space<vmem_shared>> -> memref<10112x128xf32, #tpu.memory_space<vmem_shared>>
        tpu.wait_indirect_dma semaphore(%run_scoped3A_276 : memref<!tpu.dma_semaphore, #tpu.memory_space<semaphore_mem>>) src(%arg8 : memref<128x128xf32, #tpu.memory_space<vmem>>) dst(%dma_wait3A_288 : memref<10112x128xf32, #tpu.memory_space<vmem_shared>>)
        tpu.yield
      }) : () -> ()
      %dma_start3A_163 = arith.constant 0 : i32
      %dma_start3A_164 = arith.constant 4 : i32
      %dma_start3A_165 = arith.constant 0 : i32
      %dma_start3A_166 = tpu.memref_slice %arg6[%dma_start3A_164, %dma_start3A_165] : memref<8x128xi32, #tpu.memory_space<vmem>> -> memref<1x128xi32, #tpu.memory_space<vmem>>
      %dma_start3A_167 = tpu.memref_squeeze %dma_start3A_166 : memref<1x128xi32, #tpu.memory_space<vmem>> -> memref<128xi32, #tpu.memory_space<vmem>>
      %dma_start3A_168 = arith.constant 0 : i32
      %dma_start3A_169 = arith.constant 0 : i32
      %dma_start3A_170 = tpu.memref_slice %arg2[%dma_start3A_163, %dma_start3A_168, %dma_start3A_169] : memref<3x10112x128xf32, #tpu.memory_space<hbm>> -> memref<1x10112x128xf32, #tpu.memory_space<hbm>>
      %dma_start3A_171 = tpu.memref_squeeze %dma_start3A_170 : memref<1x10112x128xf32, #tpu.memory_space<hbm>> -> memref<10112x128xf32, #tpu.memory_space<hbm>>
      %dma_start3A_172 = arith.constant 0 : i32
      %dma_start3A_173 = arith.constant 0 : i32
      %dma_start3A_174 = tpu.memref_slice %dma_start3A_171[%dma_start3A_172, %dma_start3A_173] : memref<10112x128xf32, #tpu.memory_space<hbm>> -> memref<10112x128xf32, #tpu.memory_space<hbm>>
      tpu.enqueue_indirect_dma source(%dma_start3A_174 : memref<10112x128xf32, #tpu.memory_space<hbm>>) target(%arg8 : memref<128x128xf32, #tpu.memory_space<vmem>>) offsets(%dma_start3A_167 : memref<128xi32, #tpu.memory_space<vmem>>) semaphore(%arg11 : memref<!tpu.dma_semaphore, #tpu.memory_space<semaphore_mem>>)
      %dma_wait3A_175 = arith.constant 0 : i32
      %dma_wait3A_176 = arith.constant 3 : i32
      %dma_wait3A_177 = arith.constant 0 : i32
      %dma_wait3A_178 = tpu.memref_slice %arg6[%dma_wait3A_176, %dma_wait3A_177] : memref<8x128xi32, #tpu.memory_space<vmem>> -> memref<1x128xi32, #tpu.memory_space<vmem>>
      %dma_wait3A_179 = tpu.memref_squeeze %dma_wait3A_178 : memref<1x128xi32, #tpu.memory_space<vmem>> -> memref<128xi32, #tpu.memory_space<vmem>>
      %dma_wait3A_180 = arith.constant 0 : i32
      %dma_wait3A_181 = arith.constant 0 : i32
      %dma_wait3A_182 = tpu.memref_slice %arg2[%dma_wait3A_175, %dma_wait3A_180, %dma_wait3A_181] : memref<3x10112x128xf32, #tpu.memory_space<hbm>> -> memref<1x10112x128xf32, #tpu.memory_space<hbm>>
      %dma_wait3A_183 = tpu.memref_squeeze %dma_wait3A_182 : memref<1x10112x128xf32, #tpu.memory_space<hbm>> -> memref<10112x128xf32, #tpu.memory_space<hbm>>
      %dma_wait3A_184 = arith.constant 0 : i32
      %dma_wait3A_185 = arith.constant 0 : i32
      %dma_wait3A_186 = tpu.memref_slice %dma_wait3A_183[%dma_wait3A_184, %dma_wait3A_185] : memref<10112x128xf32, #tpu.memory_space<hbm>> -> memref<10112x128xf32, #tpu.memory_space<hbm>>
      tpu.wait_indirect_dma semaphore(%arg13 : memref<!tpu.dma_semaphore, #tpu.memory_space<semaphore_mem>>) src(%dma_wait3A_186 : memref<10112x128xf32, #tpu.memory_space<hbm>>) dst(%arg9 : memref<128x128xf32, #tpu.memory_space<vmem>>)
      %run_scoped3A_187 = arith.constant 3 : i32
      "tpu.region"() ({
        %run_scoped3A_276 = tpu.sem_alloc : memref<!tpu.dma_semaphore, #tpu.memory_space<semaphore_mem>>
        %dma_start3A_277 = arith.constant 0 : i32
        %dma_start3A_278 = tpu.memref_slice %arg7[%run_scoped3A_187, %dma_start3A_277] : memref<8x128xi32, #tpu.memory_space<vmem>> -> memref<1x128xi32, #tpu.memory_space<vmem>>
        %dma_start3A_279 = tpu.memref_squeeze %dma_start3A_278 : memref<1x128xi32, #tpu.memory_space<vmem>> -> memref<128xi32, #tpu.memory_space<vmem>>
        %dma_start3A_280 = arith.constant 0 : i32
        %dma_start3A_281 = arith.constant 0 : i32
        %dma_start3A_282 = tpu.memref_slice %arg10[%dma_start3A_280, %dma_start3A_281] : memref<10112x128xf32, #tpu.memory_space<vmem_shared>> -> memref<10112x128xf32, #tpu.memory_space<vmem_shared>>
        tpu.enqueue_indirect_dma source(%arg9 : memref<128x128xf32, #tpu.memory_space<vmem>>) target(%dma_start3A_282 : memref<10112x128xf32, #tpu.memory_space<vmem_shared>>) offsets(%dma_start3A_279 : memref<128xi32, #tpu.memory_space<vmem>>) semaphore(%run_scoped3A_276 : memref<!tpu.dma_semaphore, #tpu.memory_space<semaphore_mem>>) {add = true}
        %dma_wait3A_283 = arith.constant 0 : i32
        %dma_wait3A_284 = tpu.memref_slice %arg7[%run_scoped3A_187, %dma_wait3A_283] : memref<8x128xi32, #tpu.memory_space<vmem>> -> memref<1x128xi32, #tpu.memory_space<vmem>>
        %dma_wait3A_285 = tpu.memref_squeeze %dma_wait3A_284 : memref<1x128xi32, #tpu.memory_space<vmem>> -> memref<128xi32, #tpu.memory_space<vmem>>
        %dma_wait3A_286 = arith.constant 0 : i32
        %dma_wait3A_287 = arith.constant 0 : i32
        %dma_wait3A_288 = tpu.memref_slice %arg10[%dma_wait3A_286, %dma_wait3A_287] : memref<10112x128xf32, #tpu.memory_space<vmem_shared>> -> memref<10112x128xf32, #tpu.memory_space<vmem_shared>>
        tpu.wait_indirect_dma semaphore(%run_scoped3A_276 : memref<!tpu.dma_semaphore, #tpu.memory_space<semaphore_mem>>) src(%arg9 : memref<128x128xf32, #tpu.memory_space<vmem>>) dst(%dma_wait3A_288 : memref<10112x128xf32, #tpu.memory_space<vmem_shared>>)
        tpu.yield
      }) : () -> ()
      %dma_start3A_188 = arith.constant 0 : i32
      %dma_start3A_189 = arith.constant 5 : i32
      %dma_start3A_190 = arith.constant 0 : i32
      %dma_start3A_191 = tpu.memref_slice %arg6[%dma_start3A_189, %dma_start3A_190] : memref<8x128xi32, #tpu.memory_space<vmem>> -> memref<1x128xi32, #tpu.memory_space<vmem>>
      %dma_start3A_192 = tpu.memref_squeeze %dma_start3A_191 : memref<1x128xi32, #tpu.memory_space<vmem>> -> memref<128xi32, #tpu.memory_space<vmem>>
      %dma_start3A_193 = arith.constant 0 : i32
      %dma_start3A_194 = arith.constant 0 : i32
      %dma_start3A_195 = tpu.memref_slice %arg2[%dma_start3A_188, %dma_start3A_193, %dma_start3A_194] : memref<3x10112x128xf32, #tpu.memory_space<hbm>> -> memref<1x10112x128xf32, #tpu.memory_space<hbm>>
      %dma_start3A_196 = tpu.memref_squeeze %dma_start3A_195 : memref<1x10112x128xf32, #tpu.memory_space<hbm>> -> memref<10112x128xf32, #tpu.memory_space<hbm>>
      %dma_start3A_197 = arith.constant 0 : i32
      %dma_start3A_198 = arith.constant 0 : i32
      %dma_start3A_199 = tpu.memref_slice %dma_start3A_196[%dma_start3A_197, %dma_start3A_198] : memref<10112x128xf32, #tpu.memory_space<hbm>> -> memref<10112x128xf32, #tpu.memory_space<hbm>>
      tpu.enqueue_indirect_dma source(%dma_start3A_199 : memref<10112x128xf32, #tpu.memory_space<hbm>>) target(%arg9 : memref<128x128xf32, #tpu.memory_space<vmem>>) offsets(%dma_start3A_192 : memref<128xi32, #tpu.memory_space<vmem>>) semaphore(%arg13 : memref<!tpu.dma_semaphore, #tpu.memory_space<semaphore_mem>>)
      %dma_wait3A_200 = arith.constant 0 : i32
      %dma_wait3A_201 = arith.constant 4 : i32
      %dma_wait3A_202 = arith.constant 0 : i32
      %dma_wait3A_203 = tpu.memref_slice %arg6[%dma_wait3A_201, %dma_wait3A_202] : memref<8x128xi32, #tpu.memory_space<vmem>> -> memref<1x128xi32, #tpu.memory_space<vmem>>
      %dma_wait3A_204 = tpu.memref_squeeze %dma_wait3A_203 : memref<1x128xi32, #tpu.memory_space<vmem>> -> memref<128xi32, #tpu.memory_space<vmem>>
      %dma_wait3A_205 = arith.constant 0 : i32
      %dma_wait3A_206 = arith.constant 0 : i32
      %dma_wait3A_207 = tpu.memref_slice %arg2[%dma_wait3A_200, %dma_wait3A_205, %dma_wait3A_206] : memref<3x10112x128xf32, #tpu.memory_space<hbm>> -> memref<1x10112x128xf32, #tpu.memory_space<hbm>>
      %dma_wait3A_208 = tpu.memref_squeeze %dma_wait3A_207 : memref<1x10112x128xf32, #tpu.memory_space<hbm>> -> memref<10112x128xf32, #tpu.memory_space<hbm>>
      %dma_wait3A_209 = arith.constant 0 : i32
      %dma_wait3A_210 = arith.constant 0 : i32
      %dma_wait3A_211 = tpu.memref_slice %dma_wait3A_208[%dma_wait3A_209, %dma_wait3A_210] : memref<10112x128xf32, #tpu.memory_space<hbm>> -> memref<10112x128xf32, #tpu.memory_space<hbm>>
      tpu.wait_indirect_dma semaphore(%arg11 : memref<!tpu.dma_semaphore, #tpu.memory_space<semaphore_mem>>) src(%dma_wait3A_211 : memref<10112x128xf32, #tpu.memory_space<hbm>>) dst(%arg8 : memref<128x128xf32, #tpu.memory_space<vmem>>)
      %run_scoped3A_212 = arith.constant 4 : i32
      "tpu.region"() ({
        %run_scoped3A_276 = tpu.sem_alloc : memref<!tpu.dma_semaphore, #tpu.memory_space<semaphore_mem>>
        %dma_start3A_277 = arith.constant 0 : i32
        %dma_start3A_278 = tpu.memref_slice %arg7[%run_scoped3A_212, %dma_start3A_277] : memref<8x128xi32, #tpu.memory_space<vmem>> -> memref<1x128xi32, #tpu.memory_space<vmem>>
        %dma_start3A_279 = tpu.memref_squeeze %dma_start3A_278 : memref<1x128xi32, #tpu.memory_space<vmem>> -> memref<128xi32, #tpu.memory_space<vmem>>
        %dma_start3A_280 = arith.constant 0 : i32
        %dma_start3A_281 = arith.constant 0 : i32
        %dma_start3A_282 = tpu.memref_slice %arg10[%dma_start3A_280, %dma_start3A_281] : memref<10112x128xf32, #tpu.memory_space<vmem_shared>> -> memref<10112x128xf32, #tpu.memory_space<vmem_shared>>
        tpu.enqueue_indirect_dma source(%arg8 : memref<128x128xf32, #tpu.memory_space<vmem>>) target(%dma_start3A_282 : memref<10112x128xf32, #tpu.memory_space<vmem_shared>>) offsets(%dma_start3A_279 : memref<128xi32, #tpu.memory_space<vmem>>) semaphore(%run_scoped3A_276 : memref<!tpu.dma_semaphore, #tpu.memory_space<semaphore_mem>>) {add = true}
        %dma_wait3A_283 = arith.constant 0 : i32
        %dma_wait3A_284 = tpu.memref_slice %arg7[%run_scoped3A_212, %dma_wait3A_283] : memref<8x128xi32, #tpu.memory_space<vmem>> -> memref<1x128xi32, #tpu.memory_space<vmem>>
        %dma_wait3A_285 = tpu.memref_squeeze %dma_wait3A_284 : memref<1x128xi32, #tpu.memory_space<vmem>> -> memref<128xi32, #tpu.memory_space<vmem>>
        %dma_wait3A_286 = arith.constant 0 : i32
        %dma_wait3A_287 = arith.constant 0 : i32
        %dma_wait3A_288 = tpu.memref_slice %arg10[%dma_wait3A_286, %dma_wait3A_287] : memref<10112x128xf32, #tpu.memory_space<vmem_shared>> -> memref<10112x128xf32, #tpu.memory_space<vmem_shared>>
        tpu.wait_indirect_dma semaphore(%run_scoped3A_276 : memref<!tpu.dma_semaphore, #tpu.memory_space<semaphore_mem>>) src(%arg8 : memref<128x128xf32, #tpu.memory_space<vmem>>) dst(%dma_wait3A_288 : memref<10112x128xf32, #tpu.memory_space<vmem_shared>>)
        tpu.yield
      }) : () -> ()
      %dma_start3A_213 = arith.constant 0 : i32
      %dma_start3A_214 = arith.constant 6 : i32
      %dma_start3A_215 = arith.constant 0 : i32
      %dma_start3A_216 = tpu.memref_slice %arg6[%dma_start3A_214, %dma_start3A_215] : memref<8x128xi32, #tpu.memory_space<vmem>> -> memref<1x128xi32, #tpu.memory_space<vmem>>
      %dma_start3A_217 = tpu.memref_squeeze %dma_start3A_216 : memref<1x128xi32, #tpu.memory_space<vmem>> -> memref<128xi32, #tpu.memory_space<vmem>>
      %dma_start3A_218 = arith.constant 0 : i32
      %dma_start3A_219 = arith.constant 0 : i32
      %dma_start3A_220 = tpu.memref_slice %arg2[%dma_start3A_213, %dma_start3A_218, %dma_start3A_219] : memref<3x10112x128xf32, #tpu.memory_space<hbm>> -> memref<1x10112x128xf32, #tpu.memory_space<hbm>>
      %dma_start3A_221 = tpu.memref_squeeze %dma_start3A_220 : memref<1x10112x128xf32, #tpu.memory_space<hbm>> -> memref<10112x128xf32, #tpu.memory_space<hbm>>
      %dma_start3A_222 = arith.constant 0 : i32
      %dma_start3A_223 = arith.constant 0 : i32
      %dma_start3A_224 = tpu.memref_slice %dma_start3A_221[%dma_start3A_222, %dma_start3A_223] : memref<10112x128xf32, #tpu.memory_space<hbm>> -> memref<10112x128xf32, #tpu.memory_space<hbm>>
      tpu.enqueue_indirect_dma source(%dma_start3A_224 : memref<10112x128xf32, #tpu.memory_space<hbm>>) target(%arg8 : memref<128x128xf32, #tpu.memory_space<vmem>>) offsets(%dma_start3A_217 : memref<128xi32, #tpu.memory_space<vmem>>) semaphore(%arg11 : memref<!tpu.dma_semaphore, #tpu.memory_space<semaphore_mem>>)
      %dma_wait3A_225 = arith.constant 0 : i32
      %dma_wait3A_226 = arith.constant 5 : i32
      %dma_wait3A_227 = arith.constant 0 : i32
      %dma_wait3A_228 = tpu.memref_slice %arg6[%dma_wait3A_226, %dma_wait3A_227] : memref<8x128xi32, #tpu.memory_space<vmem>> -> memref<1x128xi32, #tpu.memory_space<vmem>>
      %dma_wait3A_229 = tpu.memref_squeeze %dma_wait3A_228 : memref<1x128xi32, #tpu.memory_space<vmem>> -> memref<128xi32, #tpu.memory_space<vmem>>
      %dma_wait3A_230 = arith.constant 0 : i32
      %dma_wait3A_231 = arith.constant 0 : i32
      %dma_wait3A_232 = tpu.memref_slice %arg2[%dma_wait3A_225, %dma_wait3A_230, %dma_wait3A_231] : memref<3x10112x128xf32, #tpu.memory_space<hbm>> -> memref<1x10112x128xf32, #tpu.memory_space<hbm>>
      %dma_wait3A_233 = tpu.memref_squeeze %dma_wait3A_232 : memref<1x10112x128xf32, #tpu.memory_space<hbm>> -> memref<10112x128xf32, #tpu.memory_space<hbm>>
      %dma_wait3A_234 = arith.constant 0 : i32
      %dma_wait3A_235 = arith.constant 0 : i32
      %dma_wait3A_236 = tpu.memref_slice %dma_wait3A_233[%dma_wait3A_234, %dma_wait3A_235] : memref<10112x128xf32, #tpu.memory_space<hbm>> -> memref<10112x128xf32, #tpu.memory_space<hbm>>
      tpu.wait_indirect_dma semaphore(%arg13 : memref<!tpu.dma_semaphore, #tpu.memory_space<semaphore_mem>>) src(%dma_wait3A_236 : memref<10112x128xf32, #tpu.memory_space<hbm>>) dst(%arg9 : memref<128x128xf32, #tpu.memory_space<vmem>>)
      %run_scoped3A_237 = arith.constant 5 : i32
      "tpu.region"() ({
        %run_scoped3A_276 = tpu.sem_alloc : memref<!tpu.dma_semaphore, #tpu.memory_space<semaphore_mem>>
        %dma_start3A_277 = arith.constant 0 : i32
        %dma_start3A_278 = tpu.memref_slice %arg7[%run_scoped3A_237, %dma_start3A_277] : memref<8x128xi32, #tpu.memory_space<vmem>> -> memref<1x128xi32, #tpu.memory_space<vmem>>
        %dma_start3A_279 = tpu.memref_squeeze %dma_start3A_278 : memref<1x128xi32, #tpu.memory_space<vmem>> -> memref<128xi32, #tpu.memory_space<vmem>>
        %dma_start3A_280 = arith.constant 0 : i32
        %dma_start3A_281 = arith.constant 0 : i32
        %dma_start3A_282 = tpu.memref_slice %arg10[%dma_start3A_280, %dma_start3A_281] : memref<10112x128xf32, #tpu.memory_space<vmem_shared>> -> memref<10112x128xf32, #tpu.memory_space<vmem_shared>>
        tpu.enqueue_indirect_dma source(%arg9 : memref<128x128xf32, #tpu.memory_space<vmem>>) target(%dma_start3A_282 : memref<10112x128xf32, #tpu.memory_space<vmem_shared>>) offsets(%dma_start3A_279 : memref<128xi32, #tpu.memory_space<vmem>>) semaphore(%run_scoped3A_276 : memref<!tpu.dma_semaphore, #tpu.memory_space<semaphore_mem>>) {add = true}
        %dma_wait3A_283 = arith.constant 0 : i32
        %dma_wait3A_284 = tpu.memref_slice %arg7[%run_scoped3A_237, %dma_wait3A_283] : memref<8x128xi32, #tpu.memory_space<vmem>> -> memref<1x128xi32, #tpu.memory_space<vmem>>
        %dma_wait3A_285 = tpu.memref_squeeze %dma_wait3A_284 : memref<1x128xi32, #tpu.memory_space<vmem>> -> memref<128xi32, #tpu.memory_space<vmem>>
        %dma_wait3A_286 = arith.constant 0 : i32
        %dma_wait3A_287 = arith.constant 0 : i32
        %dma_wait3A_288 = tpu.memref_slice %arg10[%dma_wait3A_286, %dma_wait3A_287] : memref<10112x128xf32, #tpu.memory_space<vmem_shared>> -> memref<10112x128xf32, #tpu.memory_space<vmem_shared>>
        tpu.wait_indirect_dma semaphore(%run_scoped3A_276 : memref<!tpu.dma_semaphore, #tpu.memory_space<semaphore_mem>>) src(%arg9 : memref<128x128xf32, #tpu.memory_space<vmem>>) dst(%dma_wait3A_288 : memref<10112x128xf32, #tpu.memory_space<vmem_shared>>)
        tpu.yield
      }) : () -> ()
      %dma_start3A_238 = arith.constant 0 : i32
      %dma_start3A_239 = arith.constant 7 : i32
      %dma_start3A_240 = arith.constant 0 : i32
      %dma_start3A_241 = tpu.memref_slice %arg6[%dma_start3A_239, %dma_start3A_240] : memref<8x128xi32, #tpu.memory_space<vmem>> -> memref<1x128xi32, #tpu.memory_space<vmem>>
      %dma_start3A_242 = tpu.memref_squeeze %dma_start3A_241 : memref<1x128xi32, #tpu.memory_space<vmem>> -> memref<128xi32, #tpu.memory_space<vmem>>
      %dma_start3A_243 = arith.constant 0 : i32
      %dma_start3A_244 = arith.constant 0 : i32
      %dma_start3A_245 = tpu.memref_slice %arg2[%dma_start3A_238, %dma_start3A_243, %dma_start3A_244] : memref<3x10112x128xf32, #tpu.memory_space<hbm>> -> memref<1x10112x128xf32, #tpu.memory_space<hbm>>
      %dma_start3A_246 = tpu.memref_squeeze %dma_start3A_245 : memref<1x10112x128xf32, #tpu.memory_space<hbm>> -> memref<10112x128xf32, #tpu.memory_space<hbm>>
      %dma_start3A_247 = arith.constant 0 : i32
      %dma_start3A_248 = arith.constant 0 : i32
      %dma_start3A_249 = tpu.memref_slice %dma_start3A_246[%dma_start3A_247, %dma_start3A_248] : memref<10112x128xf32, #tpu.memory_space<hbm>> -> memref<10112x128xf32, #tpu.memory_space<hbm>>
      tpu.enqueue_indirect_dma source(%dma_start3A_249 : memref<10112x128xf32, #tpu.memory_space<hbm>>) target(%arg9 : memref<128x128xf32, #tpu.memory_space<vmem>>) offsets(%dma_start3A_242 : memref<128xi32, #tpu.memory_space<vmem>>) semaphore(%arg13 : memref<!tpu.dma_semaphore, #tpu.memory_space<semaphore_mem>>)
      %dma_wait3A_250 = arith.constant 0 : i32
      %dma_wait3A_251 = arith.constant 6 : i32
      %dma_wait3A_252 = arith.constant 0 : i32
      %dma_wait3A_253 = tpu.memref_slice %arg6[%dma_wait3A_251, %dma_wait3A_252] : memref<8x128xi32, #tpu.memory_space<vmem>> -> memref<1x128xi32, #tpu.memory_space<vmem>>
      %dma_wait3A_254 = tpu.memref_squeeze %dma_wait3A_253 : memref<1x128xi32, #tpu.memory_space<vmem>> -> memref<128xi32, #tpu.memory_space<vmem>>
      %dma_wait3A_255 = arith.constant 0 : i32
      %dma_wait3A_256 = arith.constant 0 : i32
      %dma_wait3A_257 = tpu.memref_slice %arg2[%dma_wait3A_250, %dma_wait3A_255, %dma_wait3A_256] : memref<3x10112x128xf32, #tpu.memory_space<hbm>> -> memref<1x10112x128xf32, #tpu.memory_space<hbm>>
      %dma_wait3A_258 = tpu.memref_squeeze %dma_wait3A_257 : memref<1x10112x128xf32, #tpu.memory_space<hbm>> -> memref<10112x128xf32, #tpu.memory_space<hbm>>
      %dma_wait3A_259 = arith.constant 0 : i32
      %dma_wait3A_260 = arith.constant 0 : i32
      %dma_wait3A_261 = tpu.memref_slice %dma_wait3A_258[%dma_wait3A_259, %dma_wait3A_260] : memref<10112x128xf32, #tpu.memory_space<hbm>> -> memref<10112x128xf32, #tpu.memory_space<hbm>>
      tpu.wait_indirect_dma semaphore(%arg11 : memref<!tpu.dma_semaphore, #tpu.memory_space<semaphore_mem>>) src(%dma_wait3A_261 : memref<10112x128xf32, #tpu.memory_space<hbm>>) dst(%arg8 : memref<128x128xf32, #tpu.memory_space<vmem>>)
      %run_scoped3A_262 = arith.constant 6 : i32
      "tpu.region"() ({
        %run_scoped3A_276 = tpu.sem_alloc : memref<!tpu.dma_semaphore, #tpu.memory_space<semaphore_mem>>
        %dma_start3A_277 = arith.constant 0 : i32
        %dma_start3A_278 = tpu.memref_slice %arg7[%run_scoped3A_262, %dma_start3A_277] : memref<8x128xi32, #tpu.memory_space<vmem>> -> memref<1x128xi32, #tpu.memory_space<vmem>>
        %dma_start3A_279 = tpu.memref_squeeze %dma_start3A_278 : memref<1x128xi32, #tpu.memory_space<vmem>> -> memref<128xi32, #tpu.memory_space<vmem>>
        %dma_start3A_280 = arith.constant 0 : i32
        %dma_start3A_281 = arith.constant 0 : i32
        %dma_start3A_282 = tpu.memref_slice %arg10[%dma_start3A_280, %dma_start3A_281] : memref<10112x128xf32, #tpu.memory_space<vmem_shared>> -> memref<10112x128xf32, #tpu.memory_space<vmem_shared>>
        tpu.enqueue_indirect_dma source(%arg8 : memref<128x128xf32, #tpu.memory_space<vmem>>) target(%dma_start3A_282 : memref<10112x128xf32, #tpu.memory_space<vmem_shared>>) offsets(%dma_start3A_279 : memref<128xi32, #tpu.memory_space<vmem>>) semaphore(%run_scoped3A_276 : memref<!tpu.dma_semaphore, #tpu.memory_space<semaphore_mem>>) {add = true}
        %dma_wait3A_283 = arith.constant 0 : i32
        %dma_wait3A_284 = tpu.memref_slice %arg7[%run_scoped3A_262, %dma_wait3A_283] : memref<8x128xi32, #tpu.memory_space<vmem>> -> memref<1x128xi32, #tpu.memory_space<vmem>>
        %dma_wait3A_285 = tpu.memref_squeeze %dma_wait3A_284 : memref<1x128xi32, #tpu.memory_space<vmem>> -> memref<128xi32, #tpu.memory_space<vmem>>
        %dma_wait3A_286 = arith.constant 0 : i32
        %dma_wait3A_287 = arith.constant 0 : i32
        %dma_wait3A_288 = tpu.memref_slice %arg10[%dma_wait3A_286, %dma_wait3A_287] : memref<10112x128xf32, #tpu.memory_space<vmem_shared>> -> memref<10112x128xf32, #tpu.memory_space<vmem_shared>>
        tpu.wait_indirect_dma semaphore(%run_scoped3A_276 : memref<!tpu.dma_semaphore, #tpu.memory_space<semaphore_mem>>) src(%arg8 : memref<128x128xf32, #tpu.memory_space<vmem>>) dst(%dma_wait3A_288 : memref<10112x128xf32, #tpu.memory_space<vmem_shared>>)
        tpu.yield
      }) : () -> ()
      %dma_wait3A_263 = arith.constant 0 : i32
      %dma_wait3A_264 = arith.constant 7 : i32
      %dma_wait3A_265 = arith.constant 0 : i32
      %dma_wait3A_266 = tpu.memref_slice %arg6[%dma_wait3A_264, %dma_wait3A_265] : memref<8x128xi32, #tpu.memory_space<vmem>> -> memref<1x128xi32, #tpu.memory_space<vmem>>
      %dma_wait3A_267 = tpu.memref_squeeze %dma_wait3A_266 : memref<1x128xi32, #tpu.memory_space<vmem>> -> memref<128xi32, #tpu.memory_space<vmem>>
      %dma_wait3A_268 = arith.constant 0 : i32
      %dma_wait3A_269 = arith.constant 0 : i32
      %dma_wait3A_270 = tpu.memref_slice %arg2[%dma_wait3A_263, %dma_wait3A_268, %dma_wait3A_269] : memref<3x10112x128xf32, #tpu.memory_space<hbm>> -> memref<1x10112x128xf32, #tpu.memory_space<hbm>>
      %dma_wait3A_271 = tpu.memref_squeeze %dma_wait3A_270 : memref<1x10112x128xf32, #tpu.memory_space<hbm>> -> memref<10112x128xf32, #tpu.memory_space<hbm>>
      %dma_wait3A_272 = arith.constant 0 : i32
      %dma_wait3A_273 = arith.constant 0 : i32
      %dma_wait3A_274 = tpu.memref_slice %dma_wait3A_271[%dma_wait3A_272, %dma_wait3A_273] : memref<10112x128xf32, #tpu.memory_space<hbm>> -> memref<10112x128xf32, #tpu.memory_space<hbm>>
      tpu.wait_indirect_dma semaphore(%arg13 : memref<!tpu.dma_semaphore, #tpu.memory_space<semaphore_mem>>) src(%dma_wait3A_274 : memref<10112x128xf32, #tpu.memory_space<hbm>>) dst(%arg9 : memref<128x128xf32, #tpu.memory_space<vmem>>)
      %run_scoped3A_275 = arith.constant 7 : i32
      "tpu.region"() ({
        %run_scoped3A_276 = tpu.sem_alloc : memref<!tpu.dma_semaphore, #tpu.memory_space<semaphore_mem>>
        %dma_start3A_277 = arith.constant 0 : i32
        %dma_start3A_278 = tpu.memref_slice %arg7[%run_scoped3A_275, %dma_start3A_277] : memref<8x128xi32, #tpu.memory_space<vmem>> -> memref<1x128xi32, #tpu.memory_space<vmem>>
        %dma_start3A_279 = tpu.memref_squeeze %dma_start3A_278 : memref<1x128xi32, #tpu.memory_space<vmem>> -> memref<128xi32, #tpu.memory_space<vmem>>
        %dma_start3A_280 = arith.constant 0 : i32
        %dma_start3A_281 = arith.constant 0 : i32
        %dma_start3A_282 = tpu.memref_slice %arg10[%dma_start3A_280, %dma_start3A_281] : memref<10112x128xf32, #tpu.memory_space<vmem_shared>> -> memref<10112x128xf32, #tpu.memory_space<vmem_shared>>
        tpu.enqueue_indirect_dma source(%arg9 : memref<128x128xf32, #tpu.memory_space<vmem>>) target(%dma_start3A_282 : memref<10112x128xf32, #tpu.memory_space<vmem_shared>>) offsets(%dma_start3A_279 : memref<128xi32, #tpu.memory_space<vmem>>) semaphore(%run_scoped3A_276 : memref<!tpu.dma_semaphore, #tpu.memory_space<semaphore_mem>>) {add = true}
        %dma_wait3A_283 = arith.constant 0 : i32
        %dma_wait3A_284 = tpu.memref_slice %arg7[%run_scoped3A_275, %dma_wait3A_283] : memref<8x128xi32, #tpu.memory_space<vmem>> -> memref<1x128xi32, #tpu.memory_space<vmem>>
        %dma_wait3A_285 = tpu.memref_squeeze %dma_wait3A_284 : memref<1x128xi32, #tpu.memory_space<vmem>> -> memref<128xi32, #tpu.memory_space<vmem>>
        %dma_wait3A_286 = arith.constant 0 : i32
        %dma_wait3A_287 = arith.constant 0 : i32
        %dma_wait3A_288 = tpu.memref_slice %arg10[%dma_wait3A_286, %dma_wait3A_287] : memref<10112x128xf32, #tpu.memory_space<vmem_shared>> -> memref<10112x128xf32, #tpu.memory_space<vmem_shared>>
        tpu.wait_indirect_dma semaphore(%run_scoped3A_276 : memref<!tpu.dma_semaphore, #tpu.memory_space<semaphore_mem>>) src(%arg9 : memref<128x128xf32, #tpu.memory_space<vmem>>) dst(%dma_wait3A_288 : memref<10112x128xf32, #tpu.memory_space<vmem_shared>>)
        tpu.yield
      }) : () -> ()
    }
    %scan3A_14 = arith.constant 10 : i32
    %barrier3A_15 = arith.constant 0 : index
    tpu.barrier barrier_id(%barrier3A_15)
    %scan3A_16 = arith.constant 0 : i32
    %scan3A_17 = arith.constant 5 : i32
    %scan3A_18 = arith.addi %scan3A_16, %scan3A_17 : i32
    %scan3A_19 = arith.constant 1 : i32
    scf.for %scan3A_68 = %scan3A_16 to %scan3A_18 step %scan3A_19  : i32 {
      %mul3A_69 = arith.constant 1 : i32
      %mul3A_70 = arith.muli %scan3A_68, %mul3A_69 : i32
      %add3A_71 = arith.constant 0 : i32
      %add3A_72 = arith.addi %add3A_71, %mul3A_70 : i32
      %mul3A_73 = arith.constant 16 : i32
      %mul3A_74 = arith.muli %add3A_72, %mul3A_73 : i32
      %add3A_75 = arith.addi %arg1, %mul3A_74 : i32
      %lt3A = arith.constant 79 : i32
      %lt3A_76 = arith.cmpi slt, %add3A_75, %lt3A : i32
      %convert_element_type3A = arith.extui %lt3A_76 : i1 to i32
      %cond3A = arith.constant 0 : i32
      %cond3A_77 = arith.cmpi ne, %convert_element_type3A, %cond3A : i32
      scf.if %cond3A_77 {
        %mul3A_78 = arith.constant 128 : i32
        %mul3A_79 = arith.muli %add3A_75, %mul3A_78 : i32
        %mul3A_80 = arith.constant 128 : i32
        %mul3A_81 = arith.muli %add3A_75, %mul3A_80 : i32
        %run_scoped3A = arith.constant 0 : i32
        "tpu.region"() ({
          %run_scoped3A_82 = tpu.sem_alloc : memref<!tpu.dma_semaphore, #tpu.memory_space<semaphore_mem>>
          %dma_start3A = arith.constant 0 : i32
          %dma_start3A_83 = arith.constant 0 : i32
          %dma_start3A_84 = tpu.memref_slice %arg5[%arg0, %run_scoped3A, %dma_start3A, %dma_start3A_83] : memref<2x3x10112x128xf32, #tpu.memory_space<hbm>> -> memref<1x1x10112x128xf32, #tpu.memory_space<hbm>>
          %dma_start3A_85 = tpu.memref_squeeze %dma_start3A_84 : memref<1x1x10112x128xf32, #tpu.memory_space<hbm>> -> memref<10112x128xf32, #tpu.memory_space<hbm>>
          %dma_start3A_86 = arith.constant 0 : i32
          %dma_start3A_87 = tpu.memref_slice %dma_start3A_85[%mul3A_81, %dma_start3A_86] : memref<10112x128xf32, #tpu.memory_space<hbm>> -> memref<128x128xf32, #tpu.memory_space<hbm>>
          %dma_start3A_88 = arith.constant 0 : i32
          %dma_start3A_89 = tpu.memref_slice %arg10[%mul3A_79, %dma_start3A_88] : memref<10112x128xf32, #tpu.memory_space<vmem_shared>> -> memref<128x128xf32, #tpu.memory_space<vmem_shared>>
          tpu.enqueue_dma source(%dma_start3A_89 : memref<128x128xf32, #tpu.memory_space<vmem_shared>>) target(%dma_start3A_87 : memref<128x128xf32, #tpu.memory_space<hbm>>) target_semaphore(%run_scoped3A_82 : memref<!tpu.dma_semaphore, #tpu.memory_space<semaphore_mem>>)
          %dma_wait3A = arith.constant 0 : i32
          %dma_wait3A_90 = arith.constant 0 : i32
          %dma_wait3A_91 = tpu.memref_slice %arg5[%arg0, %run_scoped3A, %dma_wait3A, %dma_wait3A_90] : memref<2x3x10112x128xf32, #tpu.memory_space<hbm>> -> memref<1x1x10112x128xf32, #tpu.memory_space<hbm>>
          %dma_wait3A_92 = tpu.memref_squeeze %dma_wait3A_91 : memref<1x1x10112x128xf32, #tpu.memory_space<hbm>> -> memref<10112x128xf32, #tpu.memory_space<hbm>>
          %dma_wait3A_93 = arith.constant 0 : i32
          %dma_wait3A_94 = tpu.memref_slice %dma_wait3A_92[%mul3A_81, %dma_wait3A_93] : memref<10112x128xf32, #tpu.memory_space<hbm>> -> memref<128x128xf32, #tpu.memory_space<hbm>>
          %dma_wait3A_95 = arith.constant 0 : i32
          %dma_wait3A_96 = tpu.memref_slice %arg10[%mul3A_79, %dma_wait3A_95] : memref<10112x128xf32, #tpu.memory_space<vmem_shared>> -> memref<128x128xf32, #tpu.memory_space<vmem_shared>>
          tpu.wait_dma2 semaphore(%run_scoped3A_82 : memref<!tpu.dma_semaphore, #tpu.memory_space<semaphore_mem>>) src(%dma_wait3A_96 : memref<128x128xf32, #tpu.memory_space<vmem_shared>>) dst(%dma_wait3A_94 : memref<128x128xf32, #tpu.memory_space<hbm>>)
          tpu.yield
        }) : () -> ()
      } else {
      }
    }
    %scan3A_20 = arith.constant 5 : i32
    %barrier3A_21 = arith.constant 0 : index
    tpu.barrier barrier_id(%barrier3A_21)
    %scan3A_22 = arith.constant 0 : i32
    %scan3A_23 = arith.constant 128 : i32
    %scan3A_24 = arith.addi %scan3A_22, %scan3A_23 : i32
    %scan3A_25 = arith.constant 1 : i32
    scf.for %scan3A_68 = %scan3A_22 to %scan3A_24 step %scan3A_25  : i32 {
      %mul3A_69 = arith.constant 1 : i32
      %mul3A_70 = arith.muli %scan3A_68, %mul3A_69 : i32
      %add3A_71 = arith.constant 0 : i32
      %add3A_72 = arith.addi %add3A_71, %mul3A_70 : i32
      %scan3A_73 = arith.constant 0 : i32
      %scan3A_74 = arith.constant 8 : i32
      %scan3A_75 = arith.addi %scan3A_73, %scan3A_74 : i32
      %scan3A_76 = arith.constant 1 : i32
      scf.for %scan3A_78 = %scan3A_73 to %scan3A_75 step %scan3A_76  : i32 {
        %mul3A_79 = arith.constant 16 : i32
        %mul3A_80 = arith.muli %scan3A_78, %mul3A_79 : i32
        %add3A_81 = arith.constant 0 : i32
        %add3A_82 = arith.addi %add3A_81, %mul3A_80 : i32
        %broadcast_in_dim3A = arith.constant 0.000000e+00 : f32
        %broadcast_in_dim3A_83 = vector.broadcast %broadcast_in_dim3A : f32 to vector<16xf32>
        %swap3A = arith.index_cast %add3A_72 : i32 to index
        %swap3A_84 = arith.index_cast %add3A_82 : i32 to index
        %swap3A_85 = tpu.vector_load %arg8[%swap3A, %swap3A_84] {strides = array<i32>} : memref<128x128xf32, #tpu.memory_space<vmem>>, vector<1x16xf32>,
        %swap3A_86 = vector.shape_cast %swap3A_85 : vector<1x16xf32> to vector<16xf32>
        %swap3A_87 = vector.shape_cast %broadcast_in_dim3A_83 : vector<16xf32> to vector<1x16xf32>
        tpu.vector_store %arg8[%swap3A, %swap3A_84], %swap3A_87 {strides = array<i32>} : memref<128x128xf32, #tpu.memory_space<vmem>>, vector<1x16xf32>,
      }
      %scan3A_77 = arith.constant 8 : i32
    }
    %scan3A_26 = arith.constant 128 : i32
    %scan3A_27 = arith.constant 0 : i32
    %scan3A_28 = arith.constant 5 : i32
    %scan3A_29 = arith.addi %scan3A_27, %scan3A_28 : i32
    %scan3A_30 = arith.constant 1 : i32
    scf.for %scan3A_68 = %scan3A_27 to %scan3A_29 step %scan3A_30  : i32 {
      %mul3A_69 = arith.constant 1 : i32
      %mul3A_70 = arith.muli %scan3A_68, %mul3A_69 : i32
      %add3A_71 = arith.constant 0 : i32
      %add3A_72 = arith.addi %add3A_71, %mul3A_70 : i32
      %mul3A_73 = arith.constant 16 : i32
      %mul3A_74 = arith.muli %add3A_72, %mul3A_73 : i32
      %add3A_75 = arith.addi %arg1, %mul3A_74 : i32
      %lt3A = arith.constant 79 : i32
      %lt3A_76 = arith.cmpi slt, %add3A_75, %lt3A : i32
      %convert_element_type3A = arith.extui %lt3A_76 : i1 to i32
      %cond3A = arith.constant 0 : i32
      %cond3A_77 = arith.cmpi ne, %convert_element_type3A, %cond3A : i32
      scf.if %cond3A_77 {
        %mul3A_78 = arith.constant 128 : i32
        %mul3A_79 = arith.muli %add3A_75, %mul3A_78 : i32
        "tpu.region"() ({
          %run_scoped3A = tpu.sem_alloc : memref<!tpu.dma_semaphore, #tpu.memory_space<semaphore_mem>>
          %dma_start3A = arith.constant 0 : i32
          %dma_start3A_80 = tpu.memref_slice %arg10[%mul3A_79, %dma_start3A] : memref<10112x128xf32, #tpu.memory_space<vmem_shared>> -> memref<128x128xf32, #tpu.memory_space<vmem_shared>>
          %dma_start3A_81 = arith.constant 0 : i32
          %dma_start3A_82 = tpu.memref_slice %arg10[%mul3A_79, %dma_start3A_81] : memref<10112x128xf32, #tpu.memory_space<vmem_shared>> -> memref<128x128xf32, #tpu.memory_space<vmem_shared>>
          tpu.enqueue_dma source(%arg8 : memref<128x128xf32, #tpu.memory_space<vmem>>) target(%dma_start3A_82 : memref<128x128xf32, #tpu.memory_space<vmem_shared>>) target_semaphore(%run_scoped3A : memref<!tpu.dma_semaphore, #tpu.memory_space<semaphore_mem>>)
          %dma_wait3A = arith.constant 0 : i32
          %dma_wait3A_83 = tpu.memref_slice %arg10[%mul3A_79, %dma_wait3A] : memref<10112x128xf32, #tpu.memory_space<vmem_shared>> -> memref<128x128xf32, #tpu.memory_space<vmem_shared>>
          %dma_wait3A_84 = arith.constant 0 : i32
          %dma_wait3A_85 = tpu.memref_slice %arg10[%mul3A_79, %dma_wait3A_84] : memref<10112x128xf32, #tpu.memory_space<vmem_shared>> -> memref<128x128xf32, #tpu.memory_space<vmem_shared>>
          tpu.wait_dma2 semaphore(%run_scoped3A : memref<!tpu.dma_semaphore, #tpu.memory_space<semaphore_mem>>) src(%arg8 : memref<128x128xf32, #tpu.memory_space<vmem>>) dst(%dma_wait3A_85 : memref<128x128xf32, #tpu.memory_space<vmem_shared>>)
          tpu.yield
        }) : () -> ()
      } else {
      }
    }
    %scan3A_31 = arith.constant 5 : i32
    %barrier3A_32 = arith.constant 0 : index
    tpu.barrier barrier_id(%barrier3A_32)
    %scan3A_33 = arith.constant 0 : i32
    %scan3A_34 = arith.constant 10 : i32
    %scan3A_35 = arith.addi %scan3A_33, %scan3A_34 : i32
    %scan3A_36 = arith.constant 1 : i32
    scf.for %scan3A_68 = %scan3A_33 to %scan3A_35 step %scan3A_36  : i32 {
      %mul3A_69 = arith.constant 1 : i32
      %mul3A_70 = arith.muli %scan3A_68, %mul3A_69 : i32
      %add3A_71 = arith.constant 0 : i32
      %add3A_72 = arith.addi %add3A_71, %mul3A_70 : i32
      %mul3A_73 = arith.constant 8 : i32
      %mul3A_74 = arith.muli %add3A_72, %mul3A_73 : i32
      %run_scoped3A = arith.constant 1 : i32
      "tpu.region"() ({
        %run_scoped3A_276 = tpu.sem_alloc : memref<!tpu.dma_semaphore, #tpu.memory_space<semaphore_mem>>
        %dma_start3A_277 = arith.constant 0 : i32
        %dma_start3A_278 = arith.constant 0 : i32
        %dma_start3A_279 = tpu.memref_slice %arg3[%run_scoped3A, %add3A, %dma_start3A_277, %dma_start3A_278] : memref<3x32x80x128xi32, #tpu.memory_space<hbm>> -> memref<1x1x80x128xi32, #tpu.memory_space<hbm>>
        %dma_start3A_280 = tpu.memref_squeeze %dma_start3A_279 : memref<1x1x80x128xi32, #tpu.memory_space<hbm>> -> memref<80x128xi32, #tpu.memory_space<hbm>>
        %dma_start3A_281 = arith.constant 0 : i32
        %dma_start3A_282 = tpu.memref_slice %dma_start3A_280[%mul3A_74, %dma_start3A_281] : memref<80x128xi32, #tpu.memory_space<hbm>> -> memref<8x128xi32, #tpu.memory_space<hbm>>
        %dma_start3A_283 = arith.constant 0 : i32
        %dma_start3A_284 = arith.constant 0 : i32
        %dma_start3A_285 = tpu.memref_slice %arg3[%run_scoped3A, %add3A, %dma_start3A_283, %dma_start3A_284] : memref<3x32x80x128xi32, #tpu.memory_space<hbm>> -> memref<1x1x80x128xi32, #tpu.memory_space<hbm>>
        %dma_start3A_286 = tpu.memref_squeeze %dma_start3A_285 : memref<1x1x80x128xi32, #tpu.memory_space<hbm>> -> memref<80x128xi32, #tpu.memory_space<hbm>>
        %dma_start3A_287 = arith.constant 0 : i32
        %dma_start3A_288 = tpu.memref_slice %dma_start3A_286[%mul3A_74, %dma_start3A_287] : memref<80x128xi32, #tpu.memory_space<hbm>> -> memref<8x128xi32, #tpu.memory_space<hbm>>
        tpu.enqueue_dma source(%dma_start3A_288 : memref<8x128xi32, #tpu.memory_space<hbm>>) target(%arg6 : memref<8x128xi32, #tpu.memory_space<vmem>>) target_semaphore(%run_scoped3A_276 : memref<!tpu.dma_semaphore, #tpu.memory_space<semaphore_mem>>)
        %dma_wait3A_289 = arith.constant 0 : i32
        %dma_wait3A_290 = arith.constant 0 : i32
        %dma_wait3A_291 = tpu.memref_slice %arg3[%run_scoped3A, %add3A, %dma_wait3A_289, %dma_wait3A_290] : memref<3x32x80x128xi32, #tpu.memory_space<hbm>> -> memref<1x1x80x128xi32, #tpu.memory_space<hbm>>
        %dma_wait3A_292 = tpu.memref_squeeze %dma_wait3A_291 : memref<1x1x80x128xi32, #tpu.memory_space<hbm>> -> memref<80x128xi32, #tpu.memory_space<hbm>>
        %dma_wait3A_293 = arith.constant 0 : i32
        %dma_wait3A_294 = tpu.memref_slice %dma_wait3A_292[%mul3A_74, %dma_wait3A_293] : memref<80x128xi32, #tpu.memory_space<hbm>> -> memref<8x128xi32, #tpu.memory_space<hbm>>
        %dma_wait3A_295 = arith.constant 0 : i32
        %dma_wait3A_296 = arith.constant 0 : i32
        %dma_wait3A_297 = tpu.memref_slice %arg3[%run_scoped3A, %add3A, %dma_wait3A_295, %dma_wait3A_296] : memref<3x32x80x128xi32, #tpu.memory_space<hbm>> -> memref<1x1x80x128xi32, #tpu.memory_space<hbm>>
        %dma_wait3A_298 = tpu.memref_squeeze %dma_wait3A_297 : memref<1x1x80x128xi32, #tpu.memory_space<hbm>> -> memref<80x128xi32, #tpu.memory_space<hbm>>
        %dma_wait3A_299 = arith.constant 0 : i32
        %dma_wait3A_300 = tpu.memref_slice %dma_wait3A_298[%mul3A_74, %dma_wait3A_299] : memref<80x128xi32, #tpu.memory_space<hbm>> -> memref<8x128xi32, #tpu.memory_space<hbm>>
        tpu.wait_dma2 semaphore(%run_scoped3A_276 : memref<!tpu.dma_semaphore, #tpu.memory_space<semaphore_mem>>) src(%dma_wait3A_300 : memref<8x128xi32, #tpu.memory_space<hbm>>) dst(%arg6 : memref<8x128xi32, #tpu.memory_space<vmem>>)
        tpu.yield
      }) : () -> ()
      %mul3A_75 = arith.constant 8 : i32
      %mul3A_76 = arith.muli %add3A_72, %mul3A_75 : i32
      %run_scoped3A_77 = arith.constant 1 : i32
      "tpu.region"() ({
        %run_scoped3A_276 = tpu.sem_alloc : memref<!tpu.dma_semaphore, #tpu.memory_space<semaphore_mem>>
        %dma_start3A_277 = arith.constant 0 : i32
        %dma_start3A_278 = arith.constant 0 : i32
        %dma_start3A_279 = tpu.memref_slice %arg4[%run_scoped3A_77, %add3A, %dma_start3A_277, %dma_start3A_278] : memref<3x32x80x128xi32, #tpu.memory_space<hbm>> -> memref<1x1x80x128xi32, #tpu.memory_space<hbm>>
        %dma_start3A_280 = tpu.memref_squeeze %dma_start3A_279 : memref<1x1x80x128xi32, #tpu.memory_space<hbm>> -> memref<80x128xi32, #tpu.memory_space<hbm>>
        %dma_start3A_281 = arith.constant 0 : i32
        %dma_start3A_282 = tpu.memref_slice %dma_start3A_280[%mul3A_76, %dma_start3A_281] : memref<80x128xi32, #tpu.memory_space<hbm>> -> memref<8x128xi32, #tpu.memory_space<hbm>>
        %dma_start3A_283 = arith.constant 0 : i32
        %dma_start3A_284 = arith.constant 0 : i32
        %dma_start3A_285 = tpu.memref_slice %arg4[%run_scoped3A_77, %add3A, %dma_start3A_283, %dma_start3A_284] : memref<3x32x80x128xi32, #tpu.memory_space<hbm>> -> memref<1x1x80x128xi32, #tpu.memory_space<hbm>>
        %dma_start3A_286 = tpu.memref_squeeze %dma_start3A_285 : memref<1x1x80x128xi32, #tpu.memory_space<hbm>> -> memref<80x128xi32, #tpu.memory_space<hbm>>
        %dma_start3A_287 = arith.constant 0 : i32
        %dma_start3A_288 = tpu.memref_slice %dma_start3A_286[%mul3A_76, %dma_start3A_287] : memref<80x128xi32, #tpu.memory_space<hbm>> -> memref<8x128xi32, #tpu.memory_space<hbm>>
        tpu.enqueue_dma source(%dma_start3A_288 : memref<8x128xi32, #tpu.memory_space<hbm>>) target(%arg7 : memref<8x128xi32, #tpu.memory_space<vmem>>) target_semaphore(%run_scoped3A_276 : memref<!tpu.dma_semaphore, #tpu.memory_space<semaphore_mem>>)
        %dma_wait3A_289 = arith.constant 0 : i32
        %dma_wait3A_290 = arith.constant 0 : i32
        %dma_wait3A_291 = tpu.memref_slice %arg4[%run_scoped3A_77, %add3A, %dma_wait3A_289, %dma_wait3A_290] : memref<3x32x80x128xi32, #tpu.memory_space<hbm>> -> memref<1x1x80x128xi32, #tpu.memory_space<hbm>>
        %dma_wait3A_292 = tpu.memref_squeeze %dma_wait3A_291 : memref<1x1x80x128xi32, #tpu.memory_space<hbm>> -> memref<80x128xi32, #tpu.memory_space<hbm>>
        %dma_wait3A_293 = arith.constant 0 : i32
        %dma_wait3A_294 = tpu.memref_slice %dma_wait3A_292[%mul3A_76, %dma_wait3A_293] : memref<80x128xi32, #tpu.memory_space<hbm>> -> memref<8x128xi32, #tpu.memory_space<hbm>>
        %dma_wait3A_295 = arith.constant 0 : i32
        %dma_wait3A_296 = arith.constant 0 : i32
        %dma_wait3A_297 = tpu.memref_slice %arg4[%run_scoped3A_77, %add3A, %dma_wait3A_295, %dma_wait3A_296] : memref<3x32x80x128xi32, #tpu.memory_space<hbm>> -> memref<1x1x80x128xi32, #tpu.memory_space<hbm>>
        %dma_wait3A_298 = tpu.memref_squeeze %dma_wait3A_297 : memref<1x1x80x128xi32, #tpu.memory_space<hbm>> -> memref<80x128xi32, #tpu.memory_space<hbm>>
        %dma_wait3A_299 = arith.constant 0 : i32
        %dma_wait3A_300 = tpu.memref_slice %dma_wait3A_298[%mul3A_76, %dma_wait3A_299] : memref<80x128xi32, #tpu.memory_space<hbm>> -> memref<8x128xi32, #tpu.memory_space<hbm>>
        tpu.wait_dma2 semaphore(%run_scoped3A_276 : memref<!tpu.dma_semaphore, #tpu.memory_space<semaphore_mem>>) src(%dma_wait3A_300 : memref<8x128xi32, #tpu.memory_space<hbm>>) dst(%arg7 : memref<8x128xi32, #tpu.memory_space<vmem>>)
        tpu.yield
      }) : () -> ()
      %dma_start3A = arith.constant 1 : i32
      %dma_start3A_78 = arith.constant 0 : i32
      %dma_start3A_79 = arith.constant 0 : i32
      %dma_start3A_80 = tpu.memref_slice %arg6[%dma_start3A_78, %dma_start3A_79] : memref<8x128xi32, #tpu.memory_space<vmem>> -> memref<1x128xi32, #tpu.memory_space<vmem>>
      %dma_start3A_81 = tpu.memref_squeeze %dma_start3A_80 : memref<1x128xi32, #tpu.memory_space<vmem>> -> memref<128xi32, #tpu.memory_space<vmem>>
      %dma_start3A_82 = arith.constant 0 : i32
      %dma_start3A_83 = arith.constant 0 : i32
      %dma_start3A_84 = tpu.memref_slice %arg2[%dma_start3A, %dma_start3A_82, %dma_start3A_83] : memref<3x10112x128xf32, #tpu.memory_space<hbm>> -> memref<1x10112x128xf32, #tpu.memory_space<hbm>>
      %dma_start3A_85 = tpu.memref_squeeze %dma_start3A_84 : memref<1x10112x128xf32, #tpu.memory_space<hbm>> -> memref<10112x128xf32, #tpu.memory_space<hbm>>
      %dma_start3A_86 = arith.constant 0 : i32
      %dma_start3A_87 = arith.constant 0 : i32
      %dma_start3A_88 = tpu.memref_slice %dma_start3A_85[%dma_start3A_86, %dma_start3A_87] : memref<10112x128xf32, #tpu.memory_space<hbm>> -> memref<10112x128xf32, #tpu.memory_space<hbm>>
      tpu.enqueue_indirect_dma source(%dma_start3A_88 : memref<10112x128xf32, #tpu.memory_space<hbm>>) target(%arg8 : memref<128x128xf32, #tpu.memory_space<vmem>>) offsets(%dma_start3A_81 : memref<128xi32, #tpu.memory_space<vmem>>) semaphore(%arg11 : memref<!tpu.dma_semaphore, #tpu.memory_space<semaphore_mem>>)
      %dma_start3A_89 = arith.constant 1 : i32
      %dma_start3A_90 = arith.constant 1 : i32
      %dma_start3A_91 = arith.constant 0 : i32
      %dma_start3A_92 = tpu.memref_slice %arg6[%dma_start3A_90, %dma_start3A_91] : memref<8x128xi32, #tpu.memory_space<vmem>> -> memref<1x128xi32, #tpu.memory_space<vmem>>
      %dma_start3A_93 = tpu.memref_squeeze %dma_start3A_92 : memref<1x128xi32, #tpu.memory_space<vmem>> -> memref<128xi32, #tpu.memory_space<vmem>>
      %dma_start3A_94 = arith.constant 0 : i32
      %dma_start3A_95 = arith.constant 0 : i32
      %dma_start3A_96 = tpu.memref_slice %arg2[%dma_start3A_89, %dma_start3A_94, %dma_start3A_95] : memref<3x10112x128xf32, #tpu.memory_space<hbm>> -> memref<1x10112x128xf32, #tpu.memory_space<hbm>>
      %dma_start3A_97 = tpu.memref_squeeze %dma_start3A_96 : memref<1x10112x128xf32, #tpu.memory_space<hbm>> -> memref<10112x128xf32, #tpu.memory_space<hbm>>
      %dma_start3A_98 = arith.constant 0 : i32
      %dma_start3A_99 = arith.constant 0 : i32
      %dma_start3A_100 = tpu.memref_slice %dma_start3A_97[%dma_start3A_98, %dma_start3A_99] : memref<10112x128xf32, #tpu.memory_space<hbm>> -> memref<10112x128xf32, #tpu.memory_space<hbm>>
      tpu.enqueue_indirect_dma source(%dma_start3A_100 : memref<10112x128xf32, #tpu.memory_space<hbm>>) target(%arg9 : memref<128x128xf32, #tpu.memory_space<vmem>>) offsets(%dma_start3A_93 : memref<128xi32, #tpu.memory_space<vmem>>) semaphore(%arg13 : memref<!tpu.dma_semaphore, #tpu.memory_space<semaphore_mem>>)
      %dma_wait3A = arith.constant 1 : i32
      %dma_wait3A_101 = arith.constant 0 : i32
      %dma_wait3A_102 = arith.constant 0 : i32
      %dma_wait3A_103 = tpu.memref_slice %arg6[%dma_wait3A_101, %dma_wait3A_102] : memref<8x128xi32, #tpu.memory_space<vmem>> -> memref<1x128xi32, #tpu.memory_space<vmem>>
      %dma_wait3A_104 = tpu.memref_squeeze %dma_wait3A_103 : memref<1x128xi32, #tpu.memory_space<vmem>> -> memref<128xi32, #tpu.memory_space<vmem>>
      %dma_wait3A_105 = arith.constant 0 : i32
      %dma_wait3A_106 = arith.constant 0 : i32
      %dma_wait3A_107 = tpu.memref_slice %arg2[%dma_wait3A, %dma_wait3A_105, %dma_wait3A_106] : memref<3x10112x128xf32, #tpu.memory_space<hbm>> -> memref<1x10112x128xf32, #tpu.memory_space<hbm>>
      %dma_wait3A_108 = tpu.memref_squeeze %dma_wait3A_107 : memref<1x10112x128xf32, #tpu.memory_space<hbm>> -> memref<10112x128xf32, #tpu.memory_space<hbm>>
      %dma_wait3A_109 = arith.constant 0 : i32
      %dma_wait3A_110 = arith.constant 0 : i32
      %dma_wait3A_111 = tpu.memref_slice %dma_wait3A_108[%dma_wait3A_109, %dma_wait3A_110] : memref<10112x128xf32, #tpu.memory_space<hbm>> -> memref<10112x128xf32, #tpu.memory_space<hbm>>
      tpu.wait_indirect_dma semaphore(%arg11 : memref<!tpu.dma_semaphore, #tpu.memory_space<semaphore_mem>>) src(%dma_wait3A_111 : memref<10112x128xf32, #tpu.memory_space<hbm>>) dst(%arg8 : memref<128x128xf32, #tpu.memory_space<vmem>>)
      %run_scoped3A_112 = arith.constant 0 : i32
      "tpu.region"() ({
        %run_scoped3A_276 = tpu.sem_alloc : memref<!tpu.dma_semaphore, #tpu.memory_space<semaphore_mem>>
        %dma_start3A_277 = arith.constant 0 : i32
        %dma_start3A_278 = tpu.memref_slice %arg7[%run_scoped3A_112, %dma_start3A_277] : memref<8x128xi32, #tpu.memory_space<vmem>> -> memref<1x128xi32, #tpu.memory_space<vmem>>
        %dma_start3A_279 = tpu.memref_squeeze %dma_start3A_278 : memref<1x128xi32, #tpu.memory_space<vmem>> -> memref<128xi32, #tpu.memory_space<vmem>>
        %dma_start3A_280 = arith.constant 0 : i32
        %dma_start3A_281 = arith.constant 0 : i32
        %dma_start3A_282 = tpu.memref_slice %arg10[%dma_start3A_280, %dma_start3A_281] : memref<10112x128xf32, #tpu.memory_space<vmem_shared>> -> memref<10112x128xf32, #tpu.memory_space<vmem_shared>>
        tpu.enqueue_indirect_dma source(%arg8 : memref<128x128xf32, #tpu.memory_space<vmem>>) target(%dma_start3A_282 : memref<10112x128xf32, #tpu.memory_space<vmem_shared>>) offsets(%dma_start3A_279 : memref<128xi32, #tpu.memory_space<vmem>>) semaphore(%run_scoped3A_276 : memref<!tpu.dma_semaphore, #tpu.memory_space<semaphore_mem>>) {add = true}
        %dma_wait3A_283 = arith.constant 0 : i32
        %dma_wait3A_284 = tpu.memref_slice %arg7[%run_scoped3A_112, %dma_wait3A_283] : memref<8x128xi32, #tpu.memory_space<vmem>> -> memref<1x128xi32, #tpu.memory_space<vmem>>
        %dma_wait3A_285 = tpu.memref_squeeze %dma_wait3A_284 : memref<1x128xi32, #tpu.memory_space<vmem>> -> memref<128xi32, #tpu.memory_space<vmem>>
        %dma_wait3A_286 = arith.constant 0 : i32
        %dma_wait3A_287 = arith.constant 0 : i32
        %dma_wait3A_288 = tpu.memref_slice %arg10[%dma_wait3A_286, %dma_wait3A_287] : memref<10112x128xf32, #tpu.memory_space<vmem_shared>> -> memref<10112x128xf32, #tpu.memory_space<vmem_shared>>
        tpu.wait_indirect_dma semaphore(%run_scoped3A_276 : memref<!tpu.dma_semaphore, #tpu.memory_space<semaphore_mem>>) src(%arg8 : memref<128x128xf32, #tpu.memory_space<vmem>>) dst(%dma_wait3A_288 : memref<10112x128xf32, #tpu.memory_space<vmem_shared>>)
        tpu.yield
      }) : () -> ()
      %dma_start3A_113 = arith.constant 1 : i32
      %dma_start3A_114 = arith.constant 2 : i32
      %dma_start3A_115 = arith.constant 0 : i32
      %dma_start3A_116 = tpu.memref_slice %arg6[%dma_start3A_114, %dma_start3A_115] : memref<8x128xi32, #tpu.memory_space<vmem>> -> memref<1x128xi32, #tpu.memory_space<vmem>>
      %dma_start3A_117 = tpu.memref_squeeze %dma_start3A_116 : memref<1x128xi32, #tpu.memory_space<vmem>> -> memref<128xi32, #tpu.memory_space<vmem>>
      %dma_start3A_118 = arith.constant 0 : i32
      %dma_start3A_119 = arith.constant 0 : i32
      %dma_start3A_120 = tpu.memref_slice %arg2[%dma_start3A_113, %dma_start3A_118, %dma_start3A_119] : memref<3x10112x128xf32, #tpu.memory_space<hbm>> -> memref<1x10112x128xf32, #tpu.memory_space<hbm>>
      %dma_start3A_121 = tpu.memref_squeeze %dma_start3A_120 : memref<1x10112x128xf32, #tpu.memory_space<hbm>> -> memref<10112x128xf32, #tpu.memory_space<hbm>>
      %dma_start3A_122 = arith.constant 0 : i32
      %dma_start3A_123 = arith.constant 0 : i32
      %dma_start3A_124 = tpu.memref_slice %dma_start3A_121[%dma_start3A_122, %dma_start3A_123] : memref<10112x128xf32, #tpu.memory_space<hbm>> -> memref<10112x128xf32, #tpu.memory_space<hbm>>
      tpu.enqueue_indirect_dma source(%dma_start3A_124 : memref<10112x128xf32, #tpu.memory_space<hbm>>) target(%arg8 : memref<128x128xf32, #tpu.memory_space<vmem>>) offsets(%dma_start3A_117 : memref<128xi32, #tpu.memory_space<vmem>>) semaphore(%arg11 : memref<!tpu.dma_semaphore, #tpu.memory_space<semaphore_mem>>)
      %dma_wait3A_125 = arith.constant 1 : i32
      %dma_wait3A_126 = arith.constant 1 : i32
      %dma_wait3A_127 = arith.constant 0 : i32
      %dma_wait3A_128 = tpu.memref_slice %arg6[%dma_wait3A_126, %dma_wait3A_127] : memref<8x128xi32, #tpu.memory_space<vmem>> -> memref<1x128xi32, #tpu.memory_space<vmem>>
      %dma_wait3A_129 = tpu.memref_squeeze %dma_wait3A_128 : memref<1x128xi32, #tpu.memory_space<vmem>> -> memref<128xi32, #tpu.memory_space<vmem>>
      %dma_wait3A_130 = arith.constant 0 : i32
      %dma_wait3A_131 = arith.constant 0 : i32
      %dma_wait3A_132 = tpu.memref_slice %arg2[%dma_wait3A_125, %dma_wait3A_130, %dma_wait3A_131] : memref<3x10112x128xf32, #tpu.memory_space<hbm>> -> memref<1x10112x128xf32, #tpu.memory_space<hbm>>
      %dma_wait3A_133 = tpu.memref_squeeze %dma_wait3A_132 : memref<1x10112x128xf32, #tpu.memory_space<hbm>> -> memref<10112x128xf32, #tpu.memory_space<hbm>>
      %dma_wait3A_134 = arith.constant 0 : i32
      %dma_wait3A_135 = arith.constant 0 : i32
      %dma_wait3A_136 = tpu.memref_slice %dma_wait3A_133[%dma_wait3A_134, %dma_wait3A_135] : memref<10112x128xf32, #tpu.memory_space<hbm>> -> memref<10112x128xf32, #tpu.memory_space<hbm>>
      tpu.wait_indirect_dma semaphore(%arg13 : memref<!tpu.dma_semaphore, #tpu.memory_space<semaphore_mem>>) src(%dma_wait3A_136 : memref<10112x128xf32, #tpu.memory_space<hbm>>) dst(%arg9 : memref<128x128xf32, #tpu.memory_space<vmem>>)
      %run_scoped3A_137 = arith.constant 1 : i32
      "tpu.region"() ({
        %run_scoped3A_276 = tpu.sem_alloc : memref<!tpu.dma_semaphore, #tpu.memory_space<semaphore_mem>>
        %dma_start3A_277 = arith.constant 0 : i32
        %dma_start3A_278 = tpu.memref_slice %arg7[%run_scoped3A_137, %dma_start3A_277] : memref<8x128xi32, #tpu.memory_space<vmem>> -> memref<1x128xi32, #tpu.memory_space<vmem>>
        %dma_start3A_279 = tpu.memref_squeeze %dma_start3A_278 : memref<1x128xi32, #tpu.memory_space<vmem>> -> memref<128xi32, #tpu.memory_space<vmem>>
        %dma_start3A_280 = arith.constant 0 : i32
        %dma_start3A_281 = arith.constant 0 : i32
        %dma_start3A_282 = tpu.memref_slice %arg10[%dma_start3A_280, %dma_start3A_281] : memref<10112x128xf32, #tpu.memory_space<vmem_shared>> -> memref<10112x128xf32, #tpu.memory_space<vmem_shared>>
        tpu.enqueue_indirect_dma source(%arg9 : memref<128x128xf32, #tpu.memory_space<vmem>>) target(%dma_start3A_282 : memref<10112x128xf32, #tpu.memory_space<vmem_shared>>) offsets(%dma_start3A_279 : memref<128xi32, #tpu.memory_space<vmem>>) semaphore(%run_scoped3A_276 : memref<!tpu.dma_semaphore, #tpu.memory_space<semaphore_mem>>) {add = true}
        %dma_wait3A_283 = arith.constant 0 : i32
        %dma_wait3A_284 = tpu.memref_slice %arg7[%run_scoped3A_137, %dma_wait3A_283] : memref<8x128xi32, #tpu.memory_space<vmem>> -> memref<1x128xi32, #tpu.memory_space<vmem>>
        %dma_wait3A_285 = tpu.memref_squeeze %dma_wait3A_284 : memref<1x128xi32, #tpu.memory_space<vmem>> -> memref<128xi32, #tpu.memory_space<vmem>>
        %dma_wait3A_286 = arith.constant 0 : i32
        %dma_wait3A_287 = arith.constant 0 : i32
        %dma_wait3A_288 = tpu.memref_slice %arg10[%dma_wait3A_286, %dma_wait3A_287] : memref<10112x128xf32, #tpu.memory_space<vmem_shared>> -> memref<10112x128xf32, #tpu.memory_space<vmem_shared>>
        tpu.wait_indirect_dma semaphore(%run_scoped3A_276 : memref<!tpu.dma_semaphore, #tpu.memory_space<semaphore_mem>>) src(%arg9 : memref<128x128xf32, #tpu.memory_space<vmem>>) dst(%dma_wait3A_288 : memref<10112x128xf32, #tpu.memory_space<vmem_shared>>)
        tpu.yield
      }) : () -> ()
      %dma_start3A_138 = arith.constant 1 : i32
      %dma_start3A_139 = arith.constant 3 : i32
      %dma_start3A_140 = arith.constant 0 : i32
      %dma_start3A_141 = tpu.memref_slice %arg6[%dma_start3A_139, %dma_start3A_140] : memref<8x128xi32, #tpu.memory_space<vmem>> -> memref<1x128xi32, #tpu.memory_space<vmem>>
      %dma_start3A_142 = tpu.memref_squeeze %dma_start3A_141 : memref<1x128xi32, #tpu.memory_space<vmem>> -> memref<128xi32, #tpu.memory_space<vmem>>
      %dma_start3A_143 = arith.constant 0 : i32
      %dma_start3A_144 = arith.constant 0 : i32
      %dma_start3A_145 = tpu.memref_slice %arg2[%dma_start3A_138, %dma_start3A_143, %dma_start3A_144] : memref<3x10112x128xf32, #tpu.memory_space<hbm>> -> memref<1x10112x128xf32, #tpu.memory_space<hbm>>
      %dma_start3A_146 = tpu.memref_squeeze %dma_start3A_145 : memref<1x10112x128xf32, #tpu.memory_space<hbm>> -> memref<10112x128xf32, #tpu.memory_space<hbm>>
      %dma_start3A_147 = arith.constant 0 : i32
      %dma_start3A_148 = arith.constant 0 : i32
      %dma_start3A_149 = tpu.memref_slice %dma_start3A_146[%dma_start3A_147, %dma_start3A_148] : memref<10112x128xf32, #tpu.memory_space<hbm>> -> memref<10112x128xf32, #tpu.memory_space<hbm>>
      tpu.enqueue_indirect_dma source(%dma_start3A_149 : memref<10112x128xf32, #tpu.memory_space<hbm>>) target(%arg9 : memref<128x128xf32, #tpu.memory_space<vmem>>) offsets(%dma_start3A_142 : memref<128xi32, #tpu.memory_space<vmem>>) semaphore(%arg13 : memref<!tpu.dma_semaphore, #tpu.memory_space<semaphore_mem>>)
      %dma_wait3A_150 = arith.constant 1 : i32
      %dma_wait3A_151 = arith.constant 2 : i32
      %dma_wait3A_152 = arith.constant 0 : i32
      %dma_wait3A_153 = tpu.memref_slice %arg6[%dma_wait3A_151, %dma_wait3A_152] : memref<8x128xi32, #tpu.memory_space<vmem>> -> memref<1x128xi32, #tpu.memory_space<vmem>>
      %dma_wait3A_154 = tpu.memref_squeeze %dma_wait3A_153 : memref<1x128xi32, #tpu.memory_space<vmem>> -> memref<128xi32, #tpu.memory_space<vmem>>
      %dma_wait3A_155 = arith.constant 0 : i32
      %dma_wait3A_156 = arith.constant 0 : i32
      %dma_wait3A_157 = tpu.memref_slice %arg2[%dma_wait3A_150, %dma_wait3A_155, %dma_wait3A_156] : memref<3x10112x128xf32, #tpu.memory_space<hbm>> -> memref<1x10112x128xf32, #tpu.memory_space<hbm>>
      %dma_wait3A_158 = tpu.memref_squeeze %dma_wait3A_157 : memref<1x10112x128xf32, #tpu.memory_space<hbm>> -> memref<10112x128xf32, #tpu.memory_space<hbm>>
      %dma_wait3A_159 = arith.constant 0 : i32
      %dma_wait3A_160 = arith.constant 0 : i32
      %dma_wait3A_161 = tpu.memref_slice %dma_wait3A_158[%dma_wait3A_159, %dma_wait3A_160] : memref<10112x128xf32, #tpu.memory_space<hbm>> -> memref<10112x128xf32, #tpu.memory_space<hbm>>
      tpu.wait_indirect_dma semaphore(%arg11 : memref<!tpu.dma_semaphore, #tpu.memory_space<semaphore_mem>>) src(%dma_wait3A_161 : memref<10112x128xf32, #tpu.memory_space<hbm>>) dst(%arg8 : memref<128x128xf32, #tpu.memory_space<vmem>>)
      %run_scoped3A_162 = arith.constant 2 : i32
      "tpu.region"() ({
        %run_scoped3A_276 = tpu.sem_alloc : memref<!tpu.dma_semaphore, #tpu.memory_space<semaphore_mem>>
        %dma_start3A_277 = arith.constant 0 : i32
        %dma_start3A_278 = tpu.memref_slice %arg7[%run_scoped3A_162, %dma_start3A_277] : memref<8x128xi32, #tpu.memory_space<vmem>> -> memref<1x128xi32, #tpu.memory_space<vmem>>
        %dma_start3A_279 = tpu.memref_squeeze %dma_start3A_278 : memref<1x128xi32, #tpu.memory_space<vmem>> -> memref<128xi32, #tpu.memory_space<vmem>>
        %dma_start3A_280 = arith.constant 0 : i32
        %dma_start3A_281 = arith.constant 0 : i32
        %dma_start3A_282 = tpu.memref_slice %arg10[%dma_start3A_280, %dma_start3A_281] : memref<10112x128xf32, #tpu.memory_space<vmem_shared>> -> memref<10112x128xf32, #tpu.memory_space<vmem_shared>>
        tpu.enqueue_indirect_dma source(%arg8 : memref<128x128xf32, #tpu.memory_space<vmem>>) target(%dma_start3A_282 : memref<10112x128xf32, #tpu.memory_space<vmem_shared>>) offsets(%dma_start3A_279 : memref<128xi32, #tpu.memory_space<vmem>>) semaphore(%run_scoped3A_276 : memref<!tpu.dma_semaphore, #tpu.memory_space<semaphore_mem>>) {add = true}
        %dma_wait3A_283 = arith.constant 0 : i32
        %dma_wait3A_284 = tpu.memref_slice %arg7[%run_scoped3A_162, %dma_wait3A_283] : memref<8x128xi32, #tpu.memory_space<vmem>> -> memref<1x128xi32, #tpu.memory_space<vmem>>
        %dma_wait3A_285 = tpu.memref_squeeze %dma_wait3A_284 : memref<1x128xi32, #tpu.memory_space<vmem>> -> memref<128xi32, #tpu.memory_space<vmem>>
        %dma_wait3A_286 = arith.constant 0 : i32
        %dma_wait3A_287 = arith.constant 0 : i32
        %dma_wait3A_288 = tpu.memref_slice %arg10[%dma_wait3A_286, %dma_wait3A_287] : memref<10112x128xf32, #tpu.memory_space<vmem_shared>> -> memref<10112x128xf32, #tpu.memory_space<vmem_shared>>
        tpu.wait_indirect_dma semaphore(%run_scoped3A_276 : memref<!tpu.dma_semaphore, #tpu.memory_space<semaphore_mem>>) src(%arg8 : memref<128x128xf32, #tpu.memory_space<vmem>>) dst(%dma_wait3A_288 : memref<10112x128xf32, #tpu.memory_space<vmem_shared>>)
        tpu.yield
      }) : () -> ()
      %dma_start3A_163 = arith.constant 1 : i32
      %dma_start3A_164 = arith.constant 4 : i32
      %dma_start3A_165 = arith.constant 0 : i32
      %dma_start3A_166 = tpu.memref_slice %arg6[%dma_start3A_164, %dma_start3A_165] : memref<8x128xi32, #tpu.memory_space<vmem>> -> memref<1x128xi32, #tpu.memory_space<vmem>>
      %dma_start3A_167 = tpu.memref_squeeze %dma_start3A_166 : memref<1x128xi32, #tpu.memory_space<vmem>> -> memref<128xi32, #tpu.memory_space<vmem>>
      %dma_start3A_168 = arith.constant 0 : i32
      %dma_start3A_169 = arith.constant 0 : i32
      %dma_start3A_170 = tpu.memref_slice %arg2[%dma_start3A_163, %dma_start3A_168, %dma_start3A_169] : memref<3x10112x128xf32, #tpu.memory_space<hbm>> -> memref<1x10112x128xf32, #tpu.memory_space<hbm>>
      %dma_start3A_171 = tpu.memref_squeeze %dma_start3A_170 : memref<1x10112x128xf32, #tpu.memory_space<hbm>> -> memref<10112x128xf32, #tpu.memory_space<hbm>>
      %dma_start3A_172 = arith.constant 0 : i32
      %dma_start3A_173 = arith.constant 0 : i32
      %dma_start3A_174 = tpu.memref_slice %dma_start3A_171[%dma_start3A_172, %dma_start3A_173] : memref<10112x128xf32, #tpu.memory_space<hbm>> -> memref<10112x128xf32, #tpu.memory_space<hbm>>
      tpu.enqueue_indirect_dma source(%dma_start3A_174 : memref<10112x128xf32, #tpu.memory_space<hbm>>) target(%arg8 : memref<128x128xf32, #tpu.memory_space<vmem>>) offsets(%dma_start3A_167 : memref<128xi32, #tpu.memory_space<vmem>>) semaphore(%arg11 : memref<!tpu.dma_semaphore, #tpu.memory_space<semaphore_mem>>)
      %dma_wait3A_175 = arith.constant 1 : i32
      %dma_wait3A_176 = arith.constant 3 : i32
      %dma_wait3A_177 = arith.constant 0 : i32
      %dma_wait3A_178 = tpu.memref_slice %arg6[%dma_wait3A_176, %dma_wait3A_177] : memref<8x128xi32, #tpu.memory_space<vmem>> -> memref<1x128xi32, #tpu.memory_space<vmem>>
      %dma_wait3A_179 = tpu.memref_squeeze %dma_wait3A_178 : memref<1x128xi32, #tpu.memory_space<vmem>> -> memref<128xi32, #tpu.memory_space<vmem>>
      %dma_wait3A_180 = arith.constant 0 : i32
      %dma_wait3A_181 = arith.constant 0 : i32
      %dma_wait3A_182 = tpu.memref_slice %arg2[%dma_wait3A_175, %dma_wait3A_180, %dma_wait3A_181] : memref<3x10112x128xf32, #tpu.memory_space<hbm>> -> memref<1x10112x128xf32, #tpu.memory_space<hbm>>
      %dma_wait3A_183 = tpu.memref_squeeze %dma_wait3A_182 : memref<1x10112x128xf32, #tpu.memory_space<hbm>> -> memref<10112x128xf32, #tpu.memory_space<hbm>>
      %dma_wait3A_184 = arith.constant 0 : i32
      %dma_wait3A_185 = arith.constant 0 : i32
      %dma_wait3A_186 = tpu.memref_slice %dma_wait3A_183[%dma_wait3A_184, %dma_wait3A_185] : memref<10112x128xf32, #tpu.memory_space<hbm>> -> memref<10112x128xf32, #tpu.memory_space<hbm>>
      tpu.wait_indirect_dma semaphore(%arg13 : memref<!tpu.dma_semaphore, #tpu.memory_space<semaphore_mem>>) src(%dma_wait3A_186 : memref<10112x128xf32, #tpu.memory_space<hbm>>) dst(%arg9 : memref<128x128xf32, #tpu.memory_space<vmem>>)
      %run_scoped3A_187 = arith.constant 3 : i32
      "tpu.region"() ({
        %run_scoped3A_276 = tpu.sem_alloc : memref<!tpu.dma_semaphore, #tpu.memory_space<semaphore_mem>>
        %dma_start3A_277 = arith.constant 0 : i32
        %dma_start3A_278 = tpu.memref_slice %arg7[%run_scoped3A_187, %dma_start3A_277] : memref<8x128xi32, #tpu.memory_space<vmem>> -> memref<1x128xi32, #tpu.memory_space<vmem>>
        %dma_start3A_279 = tpu.memref_squeeze %dma_start3A_278 : memref<1x128xi32, #tpu.memory_space<vmem>> -> memref<128xi32, #tpu.memory_space<vmem>>
        %dma_start3A_280 = arith.constant 0 : i32
        %dma_start3A_281 = arith.constant 0 : i32
        %dma_start3A_282 = tpu.memref_slice %arg10[%dma_start3A_280, %dma_start3A_281] : memref<10112x128xf32, #tpu.memory_space<vmem_shared>> -> memref<10112x128xf32, #tpu.memory_space<vmem_shared>>
        tpu.enqueue_indirect_dma source(%arg9 : memref<128x128xf32, #tpu.memory_space<vmem>>) target(%dma_start3A_282 : memref<10112x128xf32, #tpu.memory_space<vmem_shared>>) offsets(%dma_start3A_279 : memref<128xi32, #tpu.memory_space<vmem>>) semaphore(%run_scoped3A_276 : memref<!tpu.dma_semaphore, #tpu.memory_space<semaphore_mem>>) {add = true}
        %dma_wait3A_283 = arith.constant 0 : i32
        %dma_wait3A_284 = tpu.memref_slice %arg7[%run_scoped3A_187, %dma_wait3A_283] : memref<8x128xi32, #tpu.memory_space<vmem>> -> memref<1x128xi32, #tpu.memory_space<vmem>>
        %dma_wait3A_285 = tpu.memref_squeeze %dma_wait3A_284 : memref<1x128xi32, #tpu.memory_space<vmem>> -> memref<128xi32, #tpu.memory_space<vmem>>
        %dma_wait3A_286 = arith.constant 0 : i32
        %dma_wait3A_287 = arith.constant 0 : i32
        %dma_wait3A_288 = tpu.memref_slice %arg10[%dma_wait3A_286, %dma_wait3A_287] : memref<10112x128xf32, #tpu.memory_space<vmem_shared>> -> memref<10112x128xf32, #tpu.memory_space<vmem_shared>>
        tpu.wait_indirect_dma semaphore(%run_scoped3A_276 : memref<!tpu.dma_semaphore, #tpu.memory_space<semaphore_mem>>) src(%arg9 : memref<128x128xf32, #tpu.memory_space<vmem>>) dst(%dma_wait3A_288 : memref<10112x128xf32, #tpu.memory_space<vmem_shared>>)
        tpu.yield
      }) : () -> ()
      %dma_start3A_188 = arith.constant 1 : i32
      %dma_start3A_189 = arith.constant 5 : i32
      %dma_start3A_190 = arith.constant 0 : i32
      %dma_start3A_191 = tpu.memref_slice %arg6[%dma_start3A_189, %dma_start3A_190] : memref<8x128xi32, #tpu.memory_space<vmem>> -> memref<1x128xi32, #tpu.memory_space<vmem>>
      %dma_start3A_192 = tpu.memref_squeeze %dma_start3A_191 : memref<1x128xi32, #tpu.memory_space<vmem>> -> memref<128xi32, #tpu.memory_space<vmem>>
      %dma_start3A_193 = arith.constant 0 : i32
      %dma_start3A_194 = arith.constant 0 : i32
      %dma_start3A_195 = tpu.memref_slice %arg2[%dma_start3A_188, %dma_start3A_193, %dma_start3A_194] : memref<3x10112x128xf32, #tpu.memory_space<hbm>> -> memref<1x10112x128xf32, #tpu.memory_space<hbm>>
      %dma_start3A_196 = tpu.memref_squeeze %dma_start3A_195 : memref<1x10112x128xf32, #tpu.memory_space<hbm>> -> memref<10112x128xf32, #tpu.memory_space<hbm>>
      %dma_start3A_197 = arith.constant 0 : i32
      %dma_start3A_198 = arith.constant 0 : i32
      %dma_start3A_199 = tpu.memref_slice %dma_start3A_196[%dma_start3A_197, %dma_start3A_198] : memref<10112x128xf32, #tpu.memory_space<hbm>> -> memref<10112x128xf32, #tpu.memory_space<hbm>>
      tpu.enqueue_indirect_dma source(%dma_start3A_199 : memref<10112x128xf32, #tpu.memory_space<hbm>>) target(%arg9 : memref<128x128xf32, #tpu.memory_space<vmem>>) offsets(%dma_start3A_192 : memref<128xi32, #tpu.memory_space<vmem>>) semaphore(%arg13 : memref<!tpu.dma_semaphore, #tpu.memory_space<semaphore_mem>>)
      %dma_wait3A_200 = arith.constant 1 : i32
      %dma_wait3A_201 = arith.constant 4 : i32
      %dma_wait3A_202 = arith.constant 0 : i32
      %dma_wait3A_203 = tpu.memref_slice %arg6[%dma_wait3A_201, %dma_wait3A_202] : memref<8x128xi32, #tpu.memory_space<vmem>> -> memref<1x128xi32, #tpu.memory_space<vmem>>
      %dma_wait3A_204 = tpu.memref_squeeze %dma_wait3A_203 : memref<1x128xi32, #tpu.memory_space<vmem>> -> memref<128xi32, #tpu.memory_space<vmem>>
      %dma_wait3A_205 = arith.constant 0 : i32
      %dma_wait3A_206 = arith.constant 0 : i32
      %dma_wait3A_207 = tpu.memref_slice %arg2[%dma_wait3A_200, %dma_wait3A_205, %dma_wait3A_206] : memref<3x10112x128xf32, #tpu.memory_space<hbm>> -> memref<1x10112x128xf32, #tpu.memory_space<hbm>>
      %dma_wait3A_208 = tpu.memref_squeeze %dma_wait3A_207 : memref<1x10112x128xf32, #tpu.memory_space<hbm>> -> memref<10112x128xf32, #tpu.memory_space<hbm>>
      %dma_wait3A_209 = arith.constant 0 : i32
      %dma_wait3A_210 = arith.constant 0 : i32
      %dma_wait3A_211 = tpu.memref_slice %dma_wait3A_208[%dma_wait3A_209, %dma_wait3A_210] : memref<10112x128xf32, #tpu.memory_space<hbm>> -> memref<10112x128xf32, #tpu.memory_space<hbm>>
      tpu.wait_indirect_dma semaphore(%arg11 : memref<!tpu.dma_semaphore, #tpu.memory_space<semaphore_mem>>) src(%dma_wait3A_211 : memref<10112x128xf32, #tpu.memory_space<hbm>>) dst(%arg8 : memref<128x128xf32, #tpu.memory_space<vmem>>)
      %run_scoped3A_212 = arith.constant 4 : i32
      "tpu.region"() ({
        %run_scoped3A_276 = tpu.sem_alloc : memref<!tpu.dma_semaphore, #tpu.memory_space<semaphore_mem>>
        %dma_start3A_277 = arith.constant 0 : i32
        %dma_start3A_278 = tpu.memref_slice %arg7[%run_scoped3A_212, %dma_start3A_277] : memref<8x128xi32, #tpu.memory_space<vmem>> -> memref<1x128xi32, #tpu.memory_space<vmem>>
        %dma_start3A_279 = tpu.memref_squeeze %dma_start3A_278 : memref<1x128xi32, #tpu.memory_space<vmem>> -> memref<128xi32, #tpu.memory_space<vmem>>
        %dma_start3A_280 = arith.constant 0 : i32
        %dma_start3A_281 = arith.constant 0 : i32
        %dma_start3A_282 = tpu.memref_slice %arg10[%dma_start3A_280, %dma_start3A_281] : memref<10112x128xf32, #tpu.memory_space<vmem_shared>> -> memref<10112x128xf32, #tpu.memory_space<vmem_shared>>
        tpu.enqueue_indirect_dma source(%arg8 : memref<128x128xf32, #tpu.memory_space<vmem>>) target(%dma_start3A_282 : memref<10112x128xf32, #tpu.memory_space<vmem_shared>>) offsets(%dma_start3A_279 : memref<128xi32, #tpu.memory_space<vmem>>) semaphore(%run_scoped3A_276 : memref<!tpu.dma_semaphore, #tpu.memory_space<semaphore_mem>>) {add = true}
        %dma_wait3A_283 = arith.constant 0 : i32
        %dma_wait3A_284 = tpu.memref_slice %arg7[%run_scoped3A_212, %dma_wait3A_283] : memref<8x128xi32, #tpu.memory_space<vmem>> -> memref<1x128xi32, #tpu.memory_space<vmem>>
        %dma_wait3A_285 = tpu.memref_squeeze %dma_wait3A_284 : memref<1x128xi32, #tpu.memory_space<vmem>> -> memref<128xi32, #tpu.memory_space<vmem>>
        %dma_wait3A_286 = arith.constant 0 : i32
        %dma_wait3A_287 = arith.constant 0 : i32
        %dma_wait3A_288 = tpu.memref_slice %arg10[%dma_wait3A_286, %dma_wait3A_287] : memref<10112x128xf32, #tpu.memory_space<vmem_shared>> -> memref<10112x128xf32, #tpu.memory_space<vmem_shared>>
        tpu.wait_indirect_dma semaphore(%run_scoped3A_276 : memref<!tpu.dma_semaphore, #tpu.memory_space<semaphore_mem>>) src(%arg8 : memref<128x128xf32, #tpu.memory_space<vmem>>) dst(%dma_wait3A_288 : memref<10112x128xf32, #tpu.memory_space<vmem_shared>>)
        tpu.yield
      }) : () -> ()
      %dma_start3A_213 = arith.constant 1 : i32
      %dma_start3A_214 = arith.constant 6 : i32
      %dma_start3A_215 = arith.constant 0 : i32
      %dma_start3A_216 = tpu.memref_slice %arg6[%dma_start3A_214, %dma_start3A_215] : memref<8x128xi32, #tpu.memory_space<vmem>> -> memref<1x128xi32, #tpu.memory_space<vmem>>
      %dma_start3A_217 = tpu.memref_squeeze %dma_start3A_216 : memref<1x128xi32, #tpu.memory_space<vmem>> -> memref<128xi32, #tpu.memory_space<vmem>>
      %dma_start3A_218 = arith.constant 0 : i32
      %dma_start3A_219 = arith.constant 0 : i32
      %dma_start3A_220 = tpu.memref_slice %arg2[%dma_start3A_213, %dma_start3A_218, %dma_start3A_219] : memref<3x10112x128xf32, #tpu.memory_space<hbm>> -> memref<1x10112x128xf32, #tpu.memory_space<hbm>>
      %dma_start3A_221 = tpu.memref_squeeze %dma_start3A_220 : memref<1x10112x128xf32, #tpu.memory_space<hbm>> -> memref<10112x128xf32, #tpu.memory_space<hbm>>
      %dma_start3A_222 = arith.constant 0 : i32
      %dma_start3A_223 = arith.constant 0 : i32
      %dma_start3A_224 = tpu.memref_slice %dma_start3A_221[%dma_start3A_222, %dma_start3A_223] : memref<10112x128xf32, #tpu.memory_space<hbm>> -> memref<10112x128xf32, #tpu.memory_space<hbm>>
      tpu.enqueue_indirect_dma source(%dma_start3A_224 : memref<10112x128xf32, #tpu.memory_space<hbm>>) target(%arg8 : memref<128x128xf32, #tpu.memory_space<vmem>>) offsets(%dma_start3A_217 : memref<128xi32, #tpu.memory_space<vmem>>) semaphore(%arg11 : memref<!tpu.dma_semaphore, #tpu.memory_space<semaphore_mem>>)
      %dma_wait3A_225 = arith.constant 1 : i32
      %dma_wait3A_226 = arith.constant 5 : i32
      %dma_wait3A_227 = arith.constant 0 : i32
      %dma_wait3A_228 = tpu.memref_slice %arg6[%dma_wait3A_226, %dma_wait3A_227] : memref<8x128xi32, #tpu.memory_space<vmem>> -> memref<1x128xi32, #tpu.memory_space<vmem>>
      %dma_wait3A_229 = tpu.memref_squeeze %dma_wait3A_228 : memref<1x128xi32, #tpu.memory_space<vmem>> -> memref<128xi32, #tpu.memory_space<vmem>>
      %dma_wait3A_230 = arith.constant 0 : i32
      %dma_wait3A_231 = arith.constant 0 : i32
      %dma_wait3A_232 = tpu.memref_slice %arg2[%dma_wait3A_225, %dma_wait3A_230, %dma_wait3A_231] : memref<3x10112x128xf32, #tpu.memory_space<hbm>> -> memref<1x10112x128xf32, #tpu.memory_space<hbm>>
      %dma_wait3A_233 = tpu.memref_squeeze %dma_wait3A_232 : memref<1x10112x128xf32, #tpu.memory_space<hbm>> -> memref<10112x128xf32, #tpu.memory_space<hbm>>
      %dma_wait3A_234 = arith.constant 0 : i32
      %dma_wait3A_235 = arith.constant 0 : i32
      %dma_wait3A_236 = tpu.memref_slice %dma_wait3A_233[%dma_wait3A_234, %dma_wait3A_235] : memref<10112x128xf32, #tpu.memory_space<hbm>> -> memref<10112x128xf32, #tpu.memory_space<hbm>>
      tpu.wait_indirect_dma semaphore(%arg13 : memref<!tpu.dma_semaphore, #tpu.memory_space<semaphore_mem>>) src(%dma_wait3A_236 : memref<10112x128xf32, #tpu.memory_space<hbm>>) dst(%arg9 : memref<128x128xf32, #tpu.memory_space<vmem>>)
      %run_scoped3A_237 = arith.constant 5 : i32
      "tpu.region"() ({
        %run_scoped3A_276 = tpu.sem_alloc : memref<!tpu.dma_semaphore, #tpu.memory_space<semaphore_mem>>
        %dma_start3A_277 = arith.constant 0 : i32
        %dma_start3A_278 = tpu.memref_slice %arg7[%run_scoped3A_237, %dma_start3A_277] : memref<8x128xi32, #tpu.memory_space<vmem>> -> memref<1x128xi32, #tpu.memory_space<vmem>>
        %dma_start3A_279 = tpu.memref_squeeze %dma_start3A_278 : memref<1x128xi32, #tpu.memory_space<vmem>> -> memref<128xi32, #tpu.memory_space<vmem>>
        %dma_start3A_280 = arith.constant 0 : i32
        %dma_start3A_281 = arith.constant 0 : i32
        %dma_start3A_282 = tpu.memref_slice %arg10[%dma_start3A_280, %dma_start3A_281] : memref<10112x128xf32, #tpu.memory_space<vmem_shared>> -> memref<10112x128xf32, #tpu.memory_space<vmem_shared>>
        tpu.enqueue_indirect_dma source(%arg9 : memref<128x128xf32, #tpu.memory_space<vmem>>) target(%dma_start3A_282 : memref<10112x128xf32, #tpu.memory_space<vmem_shared>>) offsets(%dma_start3A_279 : memref<128xi32, #tpu.memory_space<vmem>>) semaphore(%run_scoped3A_276 : memref<!tpu.dma_semaphore, #tpu.memory_space<semaphore_mem>>) {add = true}
        %dma_wait3A_283 = arith.constant 0 : i32
        %dma_wait3A_284 = tpu.memref_slice %arg7[%run_scoped3A_237, %dma_wait3A_283] : memref<8x128xi32, #tpu.memory_space<vmem>> -> memref<1x128xi32, #tpu.memory_space<vmem>>
        %dma_wait3A_285 = tpu.memref_squeeze %dma_wait3A_284 : memref<1x128xi32, #tpu.memory_space<vmem>> -> memref<128xi32, #tpu.memory_space<vmem>>
        %dma_wait3A_286 = arith.constant 0 : i32
        %dma_wait3A_287 = arith.constant 0 : i32
        %dma_wait3A_288 = tpu.memref_slice %arg10[%dma_wait3A_286, %dma_wait3A_287] : memref<10112x128xf32, #tpu.memory_space<vmem_shared>> -> memref<10112x128xf32, #tpu.memory_space<vmem_shared>>
        tpu.wait_indirect_dma semaphore(%run_scoped3A_276 : memref<!tpu.dma_semaphore, #tpu.memory_space<semaphore_mem>>) src(%arg9 : memref<128x128xf32, #tpu.memory_space<vmem>>) dst(%dma_wait3A_288 : memref<10112x128xf32, #tpu.memory_space<vmem_shared>>)
        tpu.yield
      }) : () -> ()
      %dma_start3A_238 = arith.constant 1 : i32
      %dma_start3A_239 = arith.constant 7 : i32
      %dma_start3A_240 = arith.constant 0 : i32
      %dma_start3A_241 = tpu.memref_slice %arg6[%dma_start3A_239, %dma_start3A_240] : memref<8x128xi32, #tpu.memory_space<vmem>> -> memref<1x128xi32, #tpu.memory_space<vmem>>
      %dma_start3A_242 = tpu.memref_squeeze %dma_start3A_241 : memref<1x128xi32, #tpu.memory_space<vmem>> -> memref<128xi32, #tpu.memory_space<vmem>>
      %dma_start3A_243 = arith.constant 0 : i32
      %dma_start3A_244 = arith.constant 0 : i32
      %dma_start3A_245 = tpu.memref_slice %arg2[%dma_start3A_238, %dma_start3A_243, %dma_start3A_244] : memref<3x10112x128xf32, #tpu.memory_space<hbm>> -> memref<1x10112x128xf32, #tpu.memory_space<hbm>>
      %dma_start3A_246 = tpu.memref_squeeze %dma_start3A_245 : memref<1x10112x128xf32, #tpu.memory_space<hbm>> -> memref<10112x128xf32, #tpu.memory_space<hbm>>
      %dma_start3A_247 = arith.constant 0 : i32
      %dma_start3A_248 = arith.constant 0 : i32
      %dma_start3A_249 = tpu.memref_slice %dma_start3A_246[%dma_start3A_247, %dma_start3A_248] : memref<10112x128xf32, #tpu.memory_space<hbm>> -> memref<10112x128xf32, #tpu.memory_space<hbm>>
      tpu.enqueue_indirect_dma source(%dma_start3A_249 : memref<10112x128xf32, #tpu.memory_space<hbm>>) target(%arg9 : memref<128x128xf32, #tpu.memory_space<vmem>>) offsets(%dma_start3A_242 : memref<128xi32, #tpu.memory_space<vmem>>) semaphore(%arg13 : memref<!tpu.dma_semaphore, #tpu.memory_space<semaphore_mem>>)
      %dma_wait3A_250 = arith.constant 1 : i32
      %dma_wait3A_251 = arith.constant 6 : i32
      %dma_wait3A_252 = arith.constant 0 : i32
      %dma_wait3A_253 = tpu.memref_slice %arg6[%dma_wait3A_251, %dma_wait3A_252] : memref<8x128xi32, #tpu.memory_space<vmem>> -> memref<1x128xi32, #tpu.memory_space<vmem>>
      %dma_wait3A_254 = tpu.memref_squeeze %dma_wait3A_253 : memref<1x128xi32, #tpu.memory_space<vmem>> -> memref<128xi32, #tpu.memory_space<vmem>>
      %dma_wait3A_255 = arith.constant 0 : i32
      %dma_wait3A_256 = arith.constant 0 : i32
      %dma_wait3A_257 = tpu.memref_slice %arg2[%dma_wait3A_250, %dma_wait3A_255, %dma_wait3A_256] : memref<3x10112x128xf32, #tpu.memory_space<hbm>> -> memref<1x10112x128xf32, #tpu.memory_space<hbm>>
      %dma_wait3A_258 = tpu.memref_squeeze %dma_wait3A_257 : memref<1x10112x128xf32, #tpu.memory_space<hbm>> -> memref<10112x128xf32, #tpu.memory_space<hbm>>
      %dma_wait3A_259 = arith.constant 0 : i32
      %dma_wait3A_260 = arith.constant 0 : i32
      %dma_wait3A_261 = tpu.memref_slice %dma_wait3A_258[%dma_wait3A_259, %dma_wait3A_260] : memref<10112x128xf32, #tpu.memory_space<hbm>> -> memref<10112x128xf32, #tpu.memory_space<hbm>>
      tpu.wait_indirect_dma semaphore(%arg11 : memref<!tpu.dma_semaphore, #tpu.memory_space<semaphore_mem>>) src(%dma_wait3A_261 : memref<10112x128xf32, #tpu.memory_space<hbm>>) dst(%arg8 : memref<128x128xf32, #tpu.memory_space<vmem>>)
      %run_scoped3A_262 = arith.constant 6 : i32
      "tpu.region"() ({
        %run_scoped3A_276 = tpu.sem_alloc : memref<!tpu.dma_semaphore, #tpu.memory_space<semaphore_mem>>
        %dma_start3A_277 = arith.constant 0 : i32
        %dma_start3A_278 = tpu.memref_slice %arg7[%run_scoped3A_262, %dma_start3A_277] : memref<8x128xi32, #tpu.memory_space<vmem>> -> memref<1x128xi32, #tpu.memory_space<vmem>>
        %dma_start3A_279 = tpu.memref_squeeze %dma_start3A_278 : memref<1x128xi32, #tpu.memory_space<vmem>> -> memref<128xi32, #tpu.memory_space<vmem>>
        %dma_start3A_280 = arith.constant 0 : i32
        %dma_start3A_281 = arith.constant 0 : i32
        %dma_start3A_282 = tpu.memref_slice %arg10[%dma_start3A_280, %dma_start3A_281] : memref<10112x128xf32, #tpu.memory_space<vmem_shared>> -> memref<10112x128xf32, #tpu.memory_space<vmem_shared>>
        tpu.enqueue_indirect_dma source(%arg8 : memref<128x128xf32, #tpu.memory_space<vmem>>) target(%dma_start3A_282 : memref<10112x128xf32, #tpu.memory_space<vmem_shared>>) offsets(%dma_start3A_279 : memref<128xi32, #tpu.memory_space<vmem>>) semaphore(%run_scoped3A_276 : memref<!tpu.dma_semaphore, #tpu.memory_space<semaphore_mem>>) {add = true}
        %dma_wait3A_283 = arith.constant 0 : i32
        %dma_wait3A_284 = tpu.memref_slice %arg7[%run_scoped3A_262, %dma_wait3A_283] : memref<8x128xi32, #tpu.memory_space<vmem>> -> memref<1x128xi32, #tpu.memory_space<vmem>>
        %dma_wait3A_285 = tpu.memref_squeeze %dma_wait3A_284 : memref<1x128xi32, #tpu.memory_space<vmem>> -> memref<128xi32, #tpu.memory_space<vmem>>
        %dma_wait3A_286 = arith.constant 0 : i32
        %dma_wait3A_287 = arith.constant 0 : i32
        %dma_wait3A_288 = tpu.memref_slice %arg10[%dma_wait3A_286, %dma_wait3A_287] : memref<10112x128xf32, #tpu.memory_space<vmem_shared>> -> memref<10112x128xf32, #tpu.memory_space<vmem_shared>>
        tpu.wait_indirect_dma semaphore(%run_scoped3A_276 : memref<!tpu.dma_semaphore, #tpu.memory_space<semaphore_mem>>) src(%arg8 : memref<128x128xf32, #tpu.memory_space<vmem>>) dst(%dma_wait3A_288 : memref<10112x128xf32, #tpu.memory_space<vmem_shared>>)
        tpu.yield
      }) : () -> ()
      %dma_wait3A_263 = arith.constant 1 : i32
      %dma_wait3A_264 = arith.constant 7 : i32
      %dma_wait3A_265 = arith.constant 0 : i32
      %dma_wait3A_266 = tpu.memref_slice %arg6[%dma_wait3A_264, %dma_wait3A_265] : memref<8x128xi32, #tpu.memory_space<vmem>> -> memref<1x128xi32, #tpu.memory_space<vmem>>
      %dma_wait3A_267 = tpu.memref_squeeze %dma_wait3A_266 : memref<1x128xi32, #tpu.memory_space<vmem>> -> memref<128xi32, #tpu.memory_space<vmem>>
      %dma_wait3A_268 = arith.constant 0 : i32
      %dma_wait3A_269 = arith.constant 0 : i32
      %dma_wait3A_270 = tpu.memref_slice %arg2[%dma_wait3A_263, %dma_wait3A_268, %dma_wait3A_269] : memref<3x10112x128xf32, #tpu.memory_space<hbm>> -> memref<1x10112x128xf32, #tpu.memory_space<hbm>>
      %dma_wait3A_271 = tpu.memref_squeeze %dma_wait3A_270 : memref<1x10112x128xf32, #tpu.memory_space<hbm>> -> memref<10112x128xf32, #tpu.memory_space<hbm>>
      %dma_wait3A_272 = arith.constant 0 : i32
      %dma_wait3A_273 = arith.constant 0 : i32
      %dma_wait3A_274 = tpu.memref_slice %dma_wait3A_271[%dma_wait3A_272, %dma_wait3A_273] : memref<10112x128xf32, #tpu.memory_space<hbm>> -> memref<10112x128xf32, #tpu.memory_space<hbm>>
      tpu.wait_indirect_dma semaphore(%arg13 : memref<!tpu.dma_semaphore, #tpu.memory_space<semaphore_mem>>) src(%dma_wait3A_274 : memref<10112x128xf32, #tpu.memory_space<hbm>>) dst(%arg9 : memref<128x128xf32, #tpu.memory_space<vmem>>)
      %run_scoped3A_275 = arith.constant 7 : i32
      "tpu.region"() ({
        %run_scoped3A_276 = tpu.sem_alloc : memref<!tpu.dma_semaphore, #tpu.memory_space<semaphore_mem>>
        %dma_start3A_277 = arith.constant 0 : i32
        %dma_start3A_278 = tpu.memref_slice %arg7[%run_scoped3A_275, %dma_start3A_277] : memref<8x128xi32, #tpu.memory_space<vmem>> -> memref<1x128xi32, #tpu.memory_space<vmem>>
        %dma_start3A_279 = tpu.memref_squeeze %dma_start3A_278 : memref<1x128xi32, #tpu.memory_space<vmem>> -> memref<128xi32, #tpu.memory_space<vmem>>
        %dma_start3A_280 = arith.constant 0 : i32
        %dma_start3A_281 = arith.constant 0 : i32
        %dma_start3A_282 = tpu.memref_slice %arg10[%dma_start3A_280, %dma_start3A_281] : memref<10112x128xf32, #tpu.memory_space<vmem_shared>> -> memref<10112x128xf32, #tpu.memory_space<vmem_shared>>
        tpu.enqueue_indirect_dma source(%arg9 : memref<128x128xf32, #tpu.memory_space<vmem>>) target(%dma_start3A_282 : memref<10112x128xf32, #tpu.memory_space<vmem_shared>>) offsets(%dma_start3A_279 : memref<128xi32, #tpu.memory_space<vmem>>) semaphore(%run_scoped3A_276 : memref<!tpu.dma_semaphore, #tpu.memory_space<semaphore_mem>>) {add = true}
        %dma_wait3A_283 = arith.constant 0 : i32
        %dma_wait3A_284 = tpu.memref_slice %arg7[%run_scoped3A_275, %dma_wait3A_283] : memref<8x128xi32, #tpu.memory_space<vmem>> -> memref<1x128xi32, #tpu.memory_space<vmem>>
        %dma_wait3A_285 = tpu.memref_squeeze %dma_wait3A_284 : memref<1x128xi32, #tpu.memory_space<vmem>> -> memref<128xi32, #tpu.memory_space<vmem>>
        %dma_wait3A_286 = arith.constant 0 : i32
        %dma_wait3A_287 = arith.constant 0 : i32
        %dma_wait3A_288 = tpu.memref_slice %arg10[%dma_wait3A_286, %dma_wait3A_287] : memref<10112x128xf32, #tpu.memory_space<vmem_shared>> -> memref<10112x128xf32, #tpu.memory_space<vmem_shared>>
        tpu.wait_indirect_dma semaphore(%run_scoped3A_276 : memref<!tpu.dma_semaphore, #tpu.memory_space<semaphore_mem>>) src(%arg9 : memref<128x128xf32, #tpu.memory_space<vmem>>) dst(%dma_wait3A_288 : memref<10112x128xf32, #tpu.memory_space<vmem_shared>>)
        tpu.yield
      }) : () -> ()
    }
    %scan3A_37 = arith.constant 10 : i32
    %barrier3A_38 = arith.constant 0 : index
    tpu.barrier barrier_id(%barrier3A_38)
    %scan3A_39 = arith.constant 0 : i32
    %scan3A_40 = arith.constant 5 : i32
    %scan3A_41 = arith.addi %scan3A_39, %scan3A_40 : i32
    %scan3A_42 = arith.constant 1 : i32
    scf.for %scan3A_68 = %scan3A_39 to %scan3A_41 step %scan3A_42  : i32 {
      %mul3A_69 = arith.constant 1 : i32
      %mul3A_70 = arith.muli %scan3A_68, %mul3A_69 : i32
      %add3A_71 = arith.constant 0 : i32
      %add3A_72 = arith.addi %add3A_71, %mul3A_70 : i32
      %mul3A_73 = arith.constant 16 : i32
      %mul3A_74 = arith.muli %add3A_72, %mul3A_73 : i32
      %add3A_75 = arith.addi %arg1, %mul3A_74 : i32
      %lt3A = arith.constant 79 : i32
      %lt3A_76 = arith.cmpi slt, %add3A_75, %lt3A : i32
      %convert_element_type3A = arith.extui %lt3A_76 : i1 to i32
      %cond3A = arith.constant 0 : i32
      %cond3A_77 = arith.cmpi ne, %convert_element_type3A, %cond3A : i32
      scf.if %cond3A_77 {
        %mul3A_78 = arith.constant 128 : i32
        %mul3A_79 = arith.muli %add3A_75, %mul3A_78 : i32
        %mul3A_80 = arith.constant 128 : i32
        %mul3A_81 = arith.muli %add3A_75, %mul3A_80 : i32
        %run_scoped3A = arith.constant 1 : i32
        "tpu.region"() ({
          %run_scoped3A_82 = tpu.sem_alloc : memref<!tpu.dma_semaphore, #tpu.memory_space<semaphore_mem>>
          %dma_start3A = arith.constant 0 : i32
          %dma_start3A_83 = arith.constant 0 : i32
          %dma_start3A_84 = tpu.memref_slice %arg5[%arg0, %run_scoped3A, %dma_start3A, %dma_start3A_83] : memref<2x3x10112x128xf32, #tpu.memory_space<hbm>> -> memref<1x1x10112x128xf32, #tpu.memory_space<hbm>>
          %dma_start3A_85 = tpu.memref_squeeze %dma_start3A_84 : memref<1x1x10112x128xf32, #tpu.memory_space<hbm>> -> memref<10112x128xf32, #tpu.memory_space<hbm>>
          %dma_start3A_86 = arith.constant 0 : i32
          %dma_start3A_87 = tpu.memref_slice %dma_start3A_85[%mul3A_81, %dma_start3A_86] : memref<10112x128xf32, #tpu.memory_space<hbm>> -> memref<128x128xf32, #tpu.memory_space<hbm>>
          %dma_start3A_88 = arith.constant 0 : i32
          %dma_start3A_89 = tpu.memref_slice %arg10[%mul3A_79, %dma_start3A_88] : memref<10112x128xf32, #tpu.memory_space<vmem_shared>> -> memref<128x128xf32, #tpu.memory_space<vmem_shared>>
          tpu.enqueue_dma source(%dma_start3A_89 : memref<128x128xf32, #tpu.memory_space<vmem_shared>>) target(%dma_start3A_87 : memref<128x128xf32, #tpu.memory_space<hbm>>) target_semaphore(%run_scoped3A_82 : memref<!tpu.dma_semaphore, #tpu.memory_space<semaphore_mem>>)
          %dma_wait3A = arith.constant 0 : i32
          %dma_wait3A_90 = arith.constant 0 : i32
          %dma_wait3A_91 = tpu.memref_slice %arg5[%arg0, %run_scoped3A, %dma_wait3A, %dma_wait3A_90] : memref<2x3x10112x128xf32, #tpu.memory_space<hbm>> -> memref<1x1x10112x128xf32, #tpu.memory_space<hbm>>
          %dma_wait3A_92 = tpu.memref_squeeze %dma_wait3A_91 : memref<1x1x10112x128xf32, #tpu.memory_space<hbm>> -> memref<10112x128xf32, #tpu.memory_space<hbm>>
          %dma_wait3A_93 = arith.constant 0 : i32
          %dma_wait3A_94 = tpu.memref_slice %dma_wait3A_92[%mul3A_81, %dma_wait3A_93] : memref<10112x128xf32, #tpu.memory_space<hbm>> -> memref<128x128xf32, #tpu.memory_space<hbm>>
          %dma_wait3A_95 = arith.constant 0 : i32
          %dma_wait3A_96 = tpu.memref_slice %arg10[%mul3A_79, %dma_wait3A_95] : memref<10112x128xf32, #tpu.memory_space<vmem_shared>> -> memref<128x128xf32, #tpu.memory_space<vmem_shared>>
          tpu.wait_dma2 semaphore(%run_scoped3A_82 : memref<!tpu.dma_semaphore, #tpu.memory_space<semaphore_mem>>) src(%dma_wait3A_96 : memref<128x128xf32, #tpu.memory_space<vmem_shared>>) dst(%dma_wait3A_94 : memref<128x128xf32, #tpu.memory_space<hbm>>)
          tpu.yield
        }) : () -> ()
      } else {
      }
    }
    %scan3A_43 = arith.constant 5 : i32
    %barrier3A_44 = arith.constant 0 : index
    tpu.barrier barrier_id(%barrier3A_44)
    %scan3A_45 = arith.constant 0 : i32
    %scan3A_46 = arith.constant 128 : i32
    %scan3A_47 = arith.addi %scan3A_45, %scan3A_46 : i32
    %scan3A_48 = arith.constant 1 : i32
    scf.for %scan3A_68 = %scan3A_45 to %scan3A_47 step %scan3A_48  : i32 {
      %mul3A_69 = arith.constant 1 : i32
      %mul3A_70 = arith.muli %scan3A_68, %mul3A_69 : i32
      %add3A_71 = arith.constant 0 : i32
      %add3A_72 = arith.addi %add3A_71, %mul3A_70 : i32
      %scan3A_73 = arith.constant 0 : i32
      %scan3A_74 = arith.constant 8 : i32
      %scan3A_75 = arith.addi %scan3A_73, %scan3A_74 : i32
      %scan3A_76 = arith.constant 1 : i32
      scf.for %scan3A_78 = %scan3A_73 to %scan3A_75 step %scan3A_76  : i32 {
        %mul3A_79 = arith.constant 16 : i32
        %mul3A_80 = arith.muli %scan3A_78, %mul3A_79 : i32
        %add3A_81 = arith.constant 0 : i32
        %add3A_82 = arith.addi %add3A_81, %mul3A_80 : i32
        %broadcast_in_dim3A = arith.constant 0.000000e+00 : f32
        %broadcast_in_dim3A_83 = vector.broadcast %broadcast_in_dim3A : f32 to vector<16xf32>
        %swap3A = arith.index_cast %add3A_72 : i32 to index
        %swap3A_84 = arith.index_cast %add3A_82 : i32 to index
        %swap3A_85 = tpu.vector_load %arg8[%swap3A, %swap3A_84] {strides = array<i32>} : memref<128x128xf32, #tpu.memory_space<vmem>>, vector<1x16xf32>,
        %swap3A_86 = vector.shape_cast %swap3A_85 : vector<1x16xf32> to vector<16xf32>
        %swap3A_87 = vector.shape_cast %broadcast_in_dim3A_83 : vector<16xf32> to vector<1x16xf32>
        tpu.vector_store %arg8[%swap3A, %swap3A_84], %swap3A_87 {strides = array<i32>} : memref<128x128xf32, #tpu.memory_space<vmem>>, vector<1x16xf32>,
      }
      %scan3A_77 = arith.constant 8 : i32
    }
    %scan3A_49 = arith.constant 128 : i32
    %scan3A_50 = arith.constant 0 : i32
    %scan3A_51 = arith.constant 5 : i32
    %scan3A_52 = arith.addi %scan3A_50, %scan3A_51 : i32
    %scan3A_53 = arith.constant 1 : i32
    scf.for %scan3A_68 = %scan3A_50 to %scan3A_52 step %scan3A_53  : i32 {
      %mul3A_69 = arith.constant 1 : i32
      %mul3A_70 = arith.muli %scan3A_68, %mul3A_69 : i32
      %add3A_71 = arith.constant 0 : i32
      %add3A_72 = arith.addi %add3A_71, %mul3A_70 : i32
      %mul3A_73 = arith.constant 16 : i32
      %mul3A_74 = arith.muli %add3A_72, %mul3A_73 : i32
      %add3A_75 = arith.addi %arg1, %mul3A_74 : i32
      %lt3A = arith.constant 79 : i32
      %lt3A_76 = arith.cmpi slt, %add3A_75, %lt3A : i32
      %convert_element_type3A = arith.extui %lt3A_76 : i1 to i32
      %cond3A = arith.constant 0 : i32
      %cond3A_77 = arith.cmpi ne, %convert_element_type3A, %cond3A : i32
      scf.if %cond3A_77 {
        %mul3A_78 = arith.constant 128 : i32
        %mul3A_79 = arith.muli %add3A_75, %mul3A_78 : i32
        "tpu.region"() ({
          %run_scoped3A = tpu.sem_alloc : memref<!tpu.dma_semaphore, #tpu.memory_space<semaphore_mem>>
          %dma_start3A = arith.constant 0 : i32
          %dma_start3A_80 = tpu.memref_slice %arg10[%mul3A_79, %dma_start3A] : memref<10112x128xf32, #tpu.memory_space<vmem_shared>> -> memref<128x128xf32, #tpu.memory_space<vmem_shared>>
          %dma_start3A_81 = arith.constant 0 : i32
          %dma_start3A_82 = tpu.memref_slice %arg10[%mul3A_79, %dma_start3A_81] : memref<10112x128xf32, #tpu.memory_space<vmem_shared>> -> memref<128x128xf32, #tpu.memory_space<vmem_shared>>
          tpu.enqueue_dma source(%arg8 : memref<128x128xf32, #tpu.memory_space<vmem>>) target(%dma_start3A_82 : memref<128x128xf32, #tpu.memory_space<vmem_shared>>) target_semaphore(%run_scoped3A : memref<!tpu.dma_semaphore, #tpu.memory_space<semaphore_mem>>)
          %dma_wait3A = arith.constant 0 : i32
          %dma_wait3A_83 = tpu.memref_slice %arg10[%mul3A_79, %dma_wait3A] : memref<10112x128xf32, #tpu.memory_space<vmem_shared>> -> memref<128x128xf32, #tpu.memory_space<vmem_shared>>
          %dma_wait3A_84 = arith.constant 0 : i32
          %dma_wait3A_85 = tpu.memref_slice %arg10[%mul3A_79, %dma_wait3A_84] : memref<10112x128xf32, #tpu.memory_space<vmem_shared>> -> memref<128x128xf32, #tpu.memory_space<vmem_shared>>
          tpu.wait_dma2 semaphore(%run_scoped3A : memref<!tpu.dma_semaphore, #tpu.memory_space<semaphore_mem>>) src(%arg8 : memref<128x128xf32, #tpu.memory_space<vmem>>) dst(%dma_wait3A_85 : memref<128x128xf32, #tpu.memory_space<vmem_shared>>)
          tpu.yield
        }) : () -> ()
      } else {
      }
    }
    %scan3A_54 = arith.constant 5 : i32
    %barrier3A_55 = arith.constant 0 : index
    tpu.barrier barrier_id(%barrier3A_55)
    %scan3A_56 = arith.constant 0 : i32
    %scan3A_57 = arith.constant 10 : i32
    %scan3A_58 = arith.addi %scan3A_56, %scan3A_57 : i32
    %scan3A_59 = arith.constant 1 : i32
    scf.for %scan3A_68 = %scan3A_56 to %scan3A_58 step %scan3A_59  : i32 {
      %mul3A_69 = arith.constant 1 : i32
      %mul3A_70 = arith.muli %scan3A_68, %mul3A_69 : i32
      %add3A_71 = arith.constant 0 : i32
      %add3A_72 = arith.addi %add3A_71, %mul3A_70 : i32
      %mul3A_73 = arith.constant 8 : i32
      %mul3A_74 = arith.muli %add3A_72, %mul3A_73 : i32
      %run_scoped3A = arith.constant 2 : i32
      "tpu.region"() ({
        %run_scoped3A_276 = tpu.sem_alloc : memref<!tpu.dma_semaphore, #tpu.memory_space<semaphore_mem>>
        %dma_start3A_277 = arith.constant 0 : i32
        %dma_start3A_278 = arith.constant 0 : i32
        %dma_start3A_279 = tpu.memref_slice %arg3[%run_scoped3A, %add3A, %dma_start3A_277, %dma_start3A_278] : memref<3x32x80x128xi32, #tpu.memory_space<hbm>> -> memref<1x1x80x128xi32, #tpu.memory_space<hbm>>
        %dma_start3A_280 = tpu.memref_squeeze %dma_start3A_279 : memref<1x1x80x128xi32, #tpu.memory_space<hbm>> -> memref<80x128xi32, #tpu.memory_space<hbm>>
        %dma_start3A_281 = arith.constant 0 : i32
        %dma_start3A_282 = tpu.memref_slice %dma_start3A_280[%mul3A_74, %dma_start3A_281] : memref<80x128xi32, #tpu.memory_space<hbm>> -> memref<8x128xi32, #tpu.memory_space<hbm>>
        %dma_start3A_283 = arith.constant 0 : i32
        %dma_start3A_284 = arith.constant 0 : i32
        %dma_start3A_285 = tpu.memref_slice %arg3[%run_scoped3A, %add3A, %dma_start3A_283, %dma_start3A_284] : memref<3x32x80x128xi32, #tpu.memory_space<hbm>> -> memref<1x1x80x128xi32, #tpu.memory_space<hbm>>
        %dma_start3A_286 = tpu.memref_squeeze %dma_start3A_285 : memref<1x1x80x128xi32, #tpu.memory_space<hbm>> -> memref<80x128xi32, #tpu.memory_space<hbm>>
        %dma_start3A_287 = arith.constant 0 : i32
        %dma_start3A_288 = tpu.memref_slice %dma_start3A_286[%mul3A_74, %dma_start3A_287] : memref<80x128xi32, #tpu.memory_space<hbm>> -> memref<8x128xi32, #tpu.memory_space<hbm>>
        tpu.enqueue_dma source(%dma_start3A_288 : memref<8x128xi32, #tpu.memory_space<hbm>>) target(%arg6 : memref<8x128xi32, #tpu.memory_space<vmem>>) target_semaphore(%run_scoped3A_276 : memref<!tpu.dma_semaphore, #tpu.memory_space<semaphore_mem>>)
        %dma_wait3A_289 = arith.constant 0 : i32
        %dma_wait3A_290 = arith.constant 0 : i32
        %dma_wait3A_291 = tpu.memref_slice %arg3[%run_scoped3A, %add3A, %dma_wait3A_289, %dma_wait3A_290] : memref<3x32x80x128xi32, #tpu.memory_space<hbm>> -> memref<1x1x80x128xi32, #tpu.memory_space<hbm>>
        %dma_wait3A_292 = tpu.memref_squeeze %dma_wait3A_291 : memref<1x1x80x128xi32, #tpu.memory_space<hbm>> -> memref<80x128xi32, #tpu.memory_space<hbm>>
        %dma_wait3A_293 = arith.constant 0 : i32
        %dma_wait3A_294 = tpu.memref_slice %dma_wait3A_292[%mul3A_74, %dma_wait3A_293] : memref<80x128xi32, #tpu.memory_space<hbm>> -> memref<8x128xi32, #tpu.memory_space<hbm>>
        %dma_wait3A_295 = arith.constant 0 : i32
        %dma_wait3A_296 = arith.constant 0 : i32
        %dma_wait3A_297 = tpu.memref_slice %arg3[%run_scoped3A, %add3A, %dma_wait3A_295, %dma_wait3A_296] : memref<3x32x80x128xi32, #tpu.memory_space<hbm>> -> memref<1x1x80x128xi32, #tpu.memory_space<hbm>>
        %dma_wait3A_298 = tpu.memref_squeeze %dma_wait3A_297 : memref<1x1x80x128xi32, #tpu.memory_space<hbm>> -> memref<80x128xi32, #tpu.memory_space<hbm>>
        %dma_wait3A_299 = arith.constant 0 : i32
        %dma_wait3A_300 = tpu.memref_slice %dma_wait3A_298[%mul3A_74, %dma_wait3A_299] : memref<80x128xi32, #tpu.memory_space<hbm>> -> memref<8x128xi32, #tpu.memory_space<hbm>>
        tpu.wait_dma2 semaphore(%run_scoped3A_276 : memref<!tpu.dma_semaphore, #tpu.memory_space<semaphore_mem>>) src(%dma_wait3A_300 : memref<8x128xi32, #tpu.memory_space<hbm>>) dst(%arg6 : memref<8x128xi32, #tpu.memory_space<vmem>>)
        tpu.yield
      }) : () -> ()
      %mul3A_75 = arith.constant 8 : i32
      %mul3A_76 = arith.muli %add3A_72, %mul3A_75 : i32
      %run_scoped3A_77 = arith.constant 2 : i32
      "tpu.region"() ({
        %run_scoped3A_276 = tpu.sem_alloc : memref<!tpu.dma_semaphore, #tpu.memory_space<semaphore_mem>>
        %dma_start3A_277 = arith.constant 0 : i32
        %dma_start3A_278 = arith.constant 0 : i32
        %dma_start3A_279 = tpu.memref_slice %arg4[%run_scoped3A_77, %add3A, %dma_start3A_277, %dma_start3A_278] : memref<3x32x80x128xi32, #tpu.memory_space<hbm>> -> memref<1x1x80x128xi32, #tpu.memory_space<hbm>>
        %dma_start3A_280 = tpu.memref_squeeze %dma_start3A_279 : memref<1x1x80x128xi32, #tpu.memory_space<hbm>> -> memref<80x128xi32, #tpu.memory_space<hbm>>
        %dma_start3A_281 = arith.constant 0 : i32
        %dma_start3A_282 = tpu.memref_slice %dma_start3A_280[%mul3A_76, %dma_start3A_281] : memref<80x128xi32, #tpu.memory_space<hbm>> -> memref<8x128xi32, #tpu.memory_space<hbm>>
        %dma_start3A_283 = arith.constant 0 : i32
        %dma_start3A_284 = arith.constant 0 : i32
        %dma_start3A_285 = tpu.memref_slice %arg4[%run_scoped3A_77, %add3A, %dma_start3A_283, %dma_start3A_284] : memref<3x32x80x128xi32, #tpu.memory_space<hbm>> -> memref<1x1x80x128xi32, #tpu.memory_space<hbm>>
        %dma_start3A_286 = tpu.memref_squeeze %dma_start3A_285 : memref<1x1x80x128xi32, #tpu.memory_space<hbm>> -> memref<80x128xi32, #tpu.memory_space<hbm>>
        %dma_start3A_287 = arith.constant 0 : i32
        %dma_start3A_288 = tpu.memref_slice %dma_start3A_286[%mul3A_76, %dma_start3A_287] : memref<80x128xi32, #tpu.memory_space<hbm>> -> memref<8x128xi32, #tpu.memory_space<hbm>>
        tpu.enqueue_dma source(%dma_start3A_288 : memref<8x128xi32, #tpu.memory_space<hbm>>) target(%arg7 : memref<8x128xi32, #tpu.memory_space<vmem>>) target_semaphore(%run_scoped3A_276 : memref<!tpu.dma_semaphore, #tpu.memory_space<semaphore_mem>>)
        %dma_wait3A_289 = arith.constant 0 : i32
        %dma_wait3A_290 = arith.constant 0 : i32
        %dma_wait3A_291 = tpu.memref_slice %arg4[%run_scoped3A_77, %add3A, %dma_wait3A_289, %dma_wait3A_290] : memref<3x32x80x128xi32, #tpu.memory_space<hbm>> -> memref<1x1x80x128xi32, #tpu.memory_space<hbm>>
        %dma_wait3A_292 = tpu.memref_squeeze %dma_wait3A_291 : memref<1x1x80x128xi32, #tpu.memory_space<hbm>> -> memref<80x128xi32, #tpu.memory_space<hbm>>
        %dma_wait3A_293 = arith.constant 0 : i32
        %dma_wait3A_294 = tpu.memref_slice %dma_wait3A_292[%mul3A_76, %dma_wait3A_293] : memref<80x128xi32, #tpu.memory_space<hbm>> -> memref<8x128xi32, #tpu.memory_space<hbm>>
        %dma_wait3A_295 = arith.constant 0 : i32
        %dma_wait3A_296 = arith.constant 0 : i32
        %dma_wait3A_297 = tpu.memref_slice %arg4[%run_scoped3A_77, %add3A, %dma_wait3A_295, %dma_wait3A_296] : memref<3x32x80x128xi32, #tpu.memory_space<hbm>> -> memref<1x1x80x128xi32, #tpu.memory_space<hbm>>
        %dma_wait3A_298 = tpu.memref_squeeze %dma_wait3A_297 : memref<1x1x80x128xi32, #tpu.memory_space<hbm>> -> memref<80x128xi32, #tpu.memory_space<hbm>>
        %dma_wait3A_299 = arith.constant 0 : i32
        %dma_wait3A_300 = tpu.memref_slice %dma_wait3A_298[%mul3A_76, %dma_wait3A_299] : memref<80x128xi32, #tpu.memory_space<hbm>> -> memref<8x128xi32, #tpu.memory_space<hbm>>
        tpu.wait_dma2 semaphore(%run_scoped3A_276 : memref<!tpu.dma_semaphore, #tpu.memory_space<semaphore_mem>>) src(%dma_wait3A_300 : memref<8x128xi32, #tpu.memory_space<hbm>>) dst(%arg7 : memref<8x128xi32, #tpu.memory_space<vmem>>)
        tpu.yield
      }) : () -> ()
      %dma_start3A = arith.constant 2 : i32
      %dma_start3A_78 = arith.constant 0 : i32
      %dma_start3A_79 = arith.constant 0 : i32
      %dma_start3A_80 = tpu.memref_slice %arg6[%dma_start3A_78, %dma_start3A_79] : memref<8x128xi32, #tpu.memory_space<vmem>> -> memref<1x128xi32, #tpu.memory_space<vmem>>
      %dma_start3A_81 = tpu.memref_squeeze %dma_start3A_80 : memref<1x128xi32, #tpu.memory_space<vmem>> -> memref<128xi32, #tpu.memory_space<vmem>>
      %dma_start3A_82 = arith.constant 0 : i32
      %dma_start3A_83 = arith.constant 0 : i32
      %dma_start3A_84 = tpu.memref_slice %arg2[%dma_start3A, %dma_start3A_82, %dma_start3A_83] : memref<3x10112x128xf32, #tpu.memory_space<hbm>> -> memref<1x10112x128xf32, #tpu.memory_space<hbm>>
      %dma_start3A_85 = tpu.memref_squeeze %dma_start3A_84 : memref<1x10112x128xf32, #tpu.memory_space<hbm>> -> memref<10112x128xf32, #tpu.memory_space<hbm>>
      %dma_start3A_86 = arith.constant 0 : i32
      %dma_start3A_87 = arith.constant 0 : i32
      %dma_start3A_88 = tpu.memref_slice %dma_start3A_85[%dma_start3A_86, %dma_start3A_87] : memref<10112x128xf32, #tpu.memory_space<hbm>> -> memref<10112x128xf32, #tpu.memory_space<hbm>>
      tpu.enqueue_indirect_dma source(%dma_start3A_88 : memref<10112x128xf32, #tpu.memory_space<hbm>>) target(%arg8 : memref<128x128xf32, #tpu.memory_space<vmem>>) offsets(%dma_start3A_81 : memref<128xi32, #tpu.memory_space<vmem>>) semaphore(%arg11 : memref<!tpu.dma_semaphore, #tpu.memory_space<semaphore_mem>>)
      %dma_start3A_89 = arith.constant 2 : i32
      %dma_start3A_90 = arith.constant 1 : i32
      %dma_start3A_91 = arith.constant 0 : i32
      %dma_start3A_92 = tpu.memref_slice %arg6[%dma_start3A_90, %dma_start3A_91] : memref<8x128xi32, #tpu.memory_space<vmem>> -> memref<1x128xi32, #tpu.memory_space<vmem>>
      %dma_start3A_93 = tpu.memref_squeeze %dma_start3A_92 : memref<1x128xi32, #tpu.memory_space<vmem>> -> memref<128xi32, #tpu.memory_space<vmem>>
      %dma_start3A_94 = arith.constant 0 : i32
      %dma_start3A_95 = arith.constant 0 : i32
      %dma_start3A_96 = tpu.memref_slice %arg2[%dma_start3A_89, %dma_start3A_94, %dma_start3A_95] : memref<3x10112x128xf32, #tpu.memory_space<hbm>> -> memref<1x10112x128xf32, #tpu.memory_space<hbm>>
      %dma_start3A_97 = tpu.memref_squeeze %dma_start3A_96 : memref<1x10112x128xf32, #tpu.memory_space<hbm>> -> memref<10112x128xf32, #tpu.memory_space<hbm>>
      %dma_start3A_98 = arith.constant 0 : i32
      %dma_start3A_99 = arith.constant 0 : i32
      %dma_start3A_100 = tpu.memref_slice %dma_start3A_97[%dma_start3A_98, %dma_start3A_99] : memref<10112x128xf32, #tpu.memory_space<hbm>> -> memref<10112x128xf32, #tpu.memory_space<hbm>>
      tpu.enqueue_indirect_dma source(%dma_start3A_100 : memref<10112x128xf32, #tpu.memory_space<hbm>>) target(%arg9 : memref<128x128xf32, #tpu.memory_space<vmem>>) offsets(%dma_start3A_93 : memref<128xi32, #tpu.memory_space<vmem>>) semaphore(%arg13 : memref<!tpu.dma_semaphore, #tpu.memory_space<semaphore_mem>>)
      %dma_wait3A = arith.constant 2 : i32
      %dma_wait3A_101 = arith.constant 0 : i32
      %dma_wait3A_102 = arith.constant 0 : i32
      %dma_wait3A_103 = tpu.memref_slice %arg6[%dma_wait3A_101, %dma_wait3A_102] : memref<8x128xi32, #tpu.memory_space<vmem>> -> memref<1x128xi32, #tpu.memory_space<vmem>>
      %dma_wait3A_104 = tpu.memref_squeeze %dma_wait3A_103 : memref<1x128xi32, #tpu.memory_space<vmem>> -> memref<128xi32, #tpu.memory_space<vmem>>
      %dma_wait3A_105 = arith.constant 0 : i32
      %dma_wait3A_106 = arith.constant 0 : i32
      %dma_wait3A_107 = tpu.memref_slice %arg2[%dma_wait3A, %dma_wait3A_105, %dma_wait3A_106] : memref<3x10112x128xf32, #tpu.memory_space<hbm>> -> memref<1x10112x128xf32, #tpu.memory_space<hbm>>
      %dma_wait3A_108 = tpu.memref_squeeze %dma_wait3A_107 : memref<1x10112x128xf32, #tpu.memory_space<hbm>> -> memref<10112x128xf32, #tpu.memory_space<hbm>>
      %dma_wait3A_109 = arith.constant 0 : i32
      %dma_wait3A_110 = arith.constant 0 : i32
      %dma_wait3A_111 = tpu.memref_slice %dma_wait3A_108[%dma_wait3A_109, %dma_wait3A_110] : memref<10112x128xf32, #tpu.memory_space<hbm>> -> memref<10112x128xf32, #tpu.memory_space<hbm>>
      tpu.wait_indirect_dma semaphore(%arg11 : memref<!tpu.dma_semaphore, #tpu.memory_space<semaphore_mem>>) src(%dma_wait3A_111 : memref<10112x128xf32, #tpu.memory_space<hbm>>) dst(%arg8 : memref<128x128xf32, #tpu.memory_space<vmem>>)
      %run_scoped3A_112 = arith.constant 0 : i32
      "tpu.region"() ({
        %run_scoped3A_276 = tpu.sem_alloc : memref<!tpu.dma_semaphore, #tpu.memory_space<semaphore_mem>>
        %dma_start3A_277 = arith.constant 0 : i32
        %dma_start3A_278 = tpu.memref_slice %arg7[%run_scoped3A_112, %dma_start3A_277] : memref<8x128xi32, #tpu.memory_space<vmem>> -> memref<1x128xi32, #tpu.memory_space<vmem>>
        %dma_start3A_279 = tpu.memref_squeeze %dma_start3A_278 : memref<1x128xi32, #tpu.memory_space<vmem>> -> memref<128xi32, #tpu.memory_space<vmem>>
        %dma_start3A_280 = arith.constant 0 : i32
        %dma_start3A_281 = arith.constant 0 : i32
        %dma_start3A_282 = tpu.memref_slice %arg10[%dma_start3A_280, %dma_start3A_281] : memref<10112x128xf32, #tpu.memory_space<vmem_shared>> -> memref<10112x128xf32, #tpu.memory_space<vmem_shared>>
        tpu.enqueue_indirect_dma source(%arg8 : memref<128x128xf32, #tpu.memory_space<vmem>>) target(%dma_start3A_282 : memref<10112x128xf32, #tpu.memory_space<vmem_shared>>) offsets(%dma_start3A_279 : memref<128xi32, #tpu.memory_space<vmem>>) semaphore(%run_scoped3A_276 : memref<!tpu.dma_semaphore, #tpu.memory_space<semaphore_mem>>) {add = true}
        %dma_wait3A_283 = arith.constant 0 : i32
        %dma_wait3A_284 = tpu.memref_slice %arg7[%run_scoped3A_112, %dma_wait3A_283] : memref<8x128xi32, #tpu.memory_space<vmem>> -> memref<1x128xi32, #tpu.memory_space<vmem>>
        %dma_wait3A_285 = tpu.memref_squeeze %dma_wait3A_284 : memref<1x128xi32, #tpu.memory_space<vmem>> -> memref<128xi32, #tpu.memory_space<vmem>>
        %dma_wait3A_286 = arith.constant 0 : i32
        %dma_wait3A_287 = arith.constant 0 : i32
        %dma_wait3A_288 = tpu.memref_slice %arg10[%dma_wait3A_286, %dma_wait3A_287] : memref<10112x128xf32, #tpu.memory_space<vmem_shared>> -> memref<10112x128xf32, #tpu.memory_space<vmem_shared>>
        tpu.wait_indirect_dma semaphore(%run_scoped3A_276 : memref<!tpu.dma_semaphore, #tpu.memory_space<semaphore_mem>>) src(%arg8 : memref<128x128xf32, #tpu.memory_space<vmem>>) dst(%dma_wait3A_288 : memref<10112x128xf32, #tpu.memory_space<vmem_shared>>)
        tpu.yield
      }) : () -> ()
      %dma_start3A_113 = arith.constant 2 : i32
      %dma_start3A_114 = arith.constant 2 : i32
      %dma_start3A_115 = arith.constant 0 : i32
      %dma_start3A_116 = tpu.memref_slice %arg6[%dma_start3A_114, %dma_start3A_115] : memref<8x128xi32, #tpu.memory_space<vmem>> -> memref<1x128xi32, #tpu.memory_space<vmem>>
      %dma_start3A_117 = tpu.memref_squeeze %dma_start3A_116 : memref<1x128xi32, #tpu.memory_space<vmem>> -> memref<128xi32, #tpu.memory_space<vmem>>
      %dma_start3A_118 = arith.constant 0 : i32
      %dma_start3A_119 = arith.constant 0 : i32
      %dma_start3A_120 = tpu.memref_slice %arg2[%dma_start3A_113, %dma_start3A_118, %dma_start3A_119] : memref<3x10112x128xf32, #tpu.memory_space<hbm>> -> memref<1x10112x128xf32, #tpu.memory_space<hbm>>
      %dma_start3A_121 = tpu.memref_squeeze %dma_start3A_120 : memref<1x10112x128xf32, #tpu.memory_space<hbm>> -> memref<10112x128xf32, #tpu.memory_space<hbm>>
      %dma_start3A_122 = arith.constant 0 : i32
      %dma_start3A_123 = arith.constant 0 : i32
      %dma_start3A_124 = tpu.memref_slice %dma_start3A_121[%dma_start3A_122, %dma_start3A_123] : memref<10112x128xf32, #tpu.memory_space<hbm>> -> memref<10112x128xf32, #tpu.memory_space<hbm>>
      tpu.enqueue_indirect_dma source(%dma_start3A_124 : memref<10112x128xf32, #tpu.memory_space<hbm>>) target(%arg8 : memref<128x128xf32, #tpu.memory_space<vmem>>) offsets(%dma_start3A_117 : memref<128xi32, #tpu.memory_space<vmem>>) semaphore(%arg11 : memref<!tpu.dma_semaphore, #tpu.memory_space<semaphore_mem>>)
      %dma_wait3A_125 = arith.constant 2 : i32
      %dma_wait3A_126 = arith.constant 1 : i32
      %dma_wait3A_127 = arith.constant 0 : i32
      %dma_wait3A_128 = tpu.memref_slice %arg6[%dma_wait3A_126, %dma_wait3A_127] : memref<8x128xi32, #tpu.memory_space<vmem>> -> memref<1x128xi32, #tpu.memory_space<vmem>>
      %dma_wait3A_129 = tpu.memref_squeeze %dma_wait3A_128 : memref<1x128xi32, #tpu.memory_space<vmem>> -> memref<128xi32, #tpu.memory_space<vmem>>
      %dma_wait3A_130 = arith.constant 0 : i32
      %dma_wait3A_131 = arith.constant 0 : i32
      %dma_wait3A_132 = tpu.memref_slice %arg2[%dma_wait3A_125, %dma_wait3A_130, %dma_wait3A_131] : memref<3x10112x128xf32, #tpu.memory_space<hbm>> -> memref<1x10112x128xf32, #tpu.memory_space<hbm>>
      %dma_wait3A_133 = tpu.memref_squeeze %dma_wait3A_132 : memref<1x10112x128xf32, #tpu.memory_space<hbm>> -> memref<10112x128xf32, #tpu.memory_space<hbm>>
      %dma_wait3A_134 = arith.constant 0 : i32
      %dma_wait3A_135 = arith.constant 0 : i32
      %dma_wait3A_136 = tpu.memref_slice %dma_wait3A_133[%dma_wait3A_134, %dma_wait3A_135] : memref<10112x128xf32, #tpu.memory_space<hbm>> -> memref<10112x128xf32, #tpu.memory_space<hbm>>
      tpu.wait_indirect_dma semaphore(%arg13 : memref<!tpu.dma_semaphore, #tpu.memory_space<semaphore_mem>>) src(%dma_wait3A_136 : memref<10112x128xf32, #tpu.memory_space<hbm>>) dst(%arg9 : memref<128x128xf32, #tpu.memory_space<vmem>>)
      %run_scoped3A_137 = arith.constant 1 : i32
      "tpu.region"() ({
        %run_scoped3A_276 = tpu.sem_alloc : memref<!tpu.dma_semaphore, #tpu.memory_space<semaphore_mem>>
        %dma_start3A_277 = arith.constant 0 : i32
        %dma_start3A_278 = tpu.memref_slice %arg7[%run_scoped3A_137, %dma_start3A_277] : memref<8x128xi32, #tpu.memory_space<vmem>> -> memref<1x128xi32, #tpu.memory_space<vmem>>
        %dma_start3A_279 = tpu.memref_squeeze %dma_start3A_278 : memref<1x128xi32, #tpu.memory_space<vmem>> -> memref<128xi32, #tpu.memory_space<vmem>>
        %dma_start3A_280 = arith.constant 0 : i32
        %dma_start3A_281 = arith.constant 0 : i32
        %dma_start3A_282 = tpu.memref_slice %arg10[%dma_start3A_280, %dma_start3A_281] : memref<10112x128xf32, #tpu.memory_space<vmem_shared>> -> memref<10112x128xf32, #tpu.memory_space<vmem_shared>>
        tpu.enqueue_indirect_dma source(%arg9 : memref<128x128xf32, #tpu.memory_space<vmem>>) target(%dma_start3A_282 : memref<10112x128xf32, #tpu.memory_space<vmem_shared>>) offsets(%dma_start3A_279 : memref<128xi32, #tpu.memory_space<vmem>>) semaphore(%run_scoped3A_276 : memref<!tpu.dma_semaphore, #tpu.memory_space<semaphore_mem>>) {add = true}
        %dma_wait3A_283 = arith.constant 0 : i32
        %dma_wait3A_284 = tpu.memref_slice %arg7[%run_scoped3A_137, %dma_wait3A_283] : memref<8x128xi32, #tpu.memory_space<vmem>> -> memref<1x128xi32, #tpu.memory_space<vmem>>
        %dma_wait3A_285 = tpu.memref_squeeze %dma_wait3A_284 : memref<1x128xi32, #tpu.memory_space<vmem>> -> memref<128xi32, #tpu.memory_space<vmem>>
        %dma_wait3A_286 = arith.constant 0 : i32
        %dma_wait3A_287 = arith.constant 0 : i32
        %dma_wait3A_288 = tpu.memref_slice %arg10[%dma_wait3A_286, %dma_wait3A_287] : memref<10112x128xf32, #tpu.memory_space<vmem_shared>> -> memref<10112x128xf32, #tpu.memory_space<vmem_shared>>
        tpu.wait_indirect_dma semaphore(%run_scoped3A_276 : memref<!tpu.dma_semaphore, #tpu.memory_space<semaphore_mem>>) src(%arg9 : memref<128x128xf32, #tpu.memory_space<vmem>>) dst(%dma_wait3A_288 : memref<10112x128xf32, #tpu.memory_space<vmem_shared>>)
        tpu.yield
      }) : () -> ()
      %dma_start3A_138 = arith.constant 2 : i32
      %dma_start3A_139 = arith.constant 3 : i32
      %dma_start3A_140 = arith.constant 0 : i32
      %dma_start3A_141 = tpu.memref_slice %arg6[%dma_start3A_139, %dma_start3A_140] : memref<8x128xi32, #tpu.memory_space<vmem>> -> memref<1x128xi32, #tpu.memory_space<vmem>>
      %dma_start3A_142 = tpu.memref_squeeze %dma_start3A_141 : memref<1x128xi32, #tpu.memory_space<vmem>> -> memref<128xi32, #tpu.memory_space<vmem>>
      %dma_start3A_143 = arith.constant 0 : i32
      %dma_start3A_144 = arith.constant 0 : i32
      %dma_start3A_145 = tpu.memref_slice %arg2[%dma_start3A_138, %dma_start3A_143, %dma_start3A_144] : memref<3x10112x128xf32, #tpu.memory_space<hbm>> -> memref<1x10112x128xf32, #tpu.memory_space<hbm>>
      %dma_start3A_146 = tpu.memref_squeeze %dma_start3A_145 : memref<1x10112x128xf32, #tpu.memory_space<hbm>> -> memref<10112x128xf32, #tpu.memory_space<hbm>>
      %dma_start3A_147 = arith.constant 0 : i32
      %dma_start3A_148 = arith.constant 0 : i32
      %dma_start3A_149 = tpu.memref_slice %dma_start3A_146[%dma_start3A_147, %dma_start3A_148] : memref<10112x128xf32, #tpu.memory_space<hbm>> -> memref<10112x128xf32, #tpu.memory_space<hbm>>
      tpu.enqueue_indirect_dma source(%dma_start3A_149 : memref<10112x128xf32, #tpu.memory_space<hbm>>) target(%arg9 : memref<128x128xf32, #tpu.memory_space<vmem>>) offsets(%dma_start3A_142 : memref<128xi32, #tpu.memory_space<vmem>>) semaphore(%arg13 : memref<!tpu.dma_semaphore, #tpu.memory_space<semaphore_mem>>)
      %dma_wait3A_150 = arith.constant 2 : i32
      %dma_wait3A_151 = arith.constant 2 : i32
      %dma_wait3A_152 = arith.constant 0 : i32
      %dma_wait3A_153 = tpu.memref_slice %arg6[%dma_wait3A_151, %dma_wait3A_152] : memref<8x128xi32, #tpu.memory_space<vmem>> -> memref<1x128xi32, #tpu.memory_space<vmem>>
      %dma_wait3A_154 = tpu.memref_squeeze %dma_wait3A_153 : memref<1x128xi32, #tpu.memory_space<vmem>> -> memref<128xi32, #tpu.memory_space<vmem>>
      %dma_wait3A_155 = arith.constant 0 : i32
      %dma_wait3A_156 = arith.constant 0 : i32
      %dma_wait3A_157 = tpu.memref_slice %arg2[%dma_wait3A_150, %dma_wait3A_155, %dma_wait3A_156] : memref<3x10112x128xf32, #tpu.memory_space<hbm>> -> memref<1x10112x128xf32, #tpu.memory_space<hbm>>
      %dma_wait3A_158 = tpu.memref_squeeze %dma_wait3A_157 : memref<1x10112x128xf32, #tpu.memory_space<hbm>> -> memref<10112x128xf32, #tpu.memory_space<hbm>>
      %dma_wait3A_159 = arith.constant 0 : i32
      %dma_wait3A_160 = arith.constant 0 : i32
      %dma_wait3A_161 = tpu.memref_slice %dma_wait3A_158[%dma_wait3A_159, %dma_wait3A_160] : memref<10112x128xf32, #tpu.memory_space<hbm>> -> memref<10112x128xf32, #tpu.memory_space<hbm>>
      tpu.wait_indirect_dma semaphore(%arg11 : memref<!tpu.dma_semaphore, #tpu.memory_space<semaphore_mem>>) src(%dma_wait3A_161 : memref<10112x128xf32, #tpu.memory_space<hbm>>) dst(%arg8 : memref<128x128xf32, #tpu.memory_space<vmem>>)
      %run_scoped3A_162 = arith.constant 2 : i32
      "tpu.region"() ({
        %run_scoped3A_276 = tpu.sem_alloc : memref<!tpu.dma_semaphore, #tpu.memory_space<semaphore_mem>>
        %dma_start3A_277 = arith.constant 0 : i32
        %dma_start3A_278 = tpu.memref_slice %arg7[%run_scoped3A_162, %dma_start3A_277] : memref<8x128xi32, #tpu.memory_space<vmem>> -> memref<1x128xi32, #tpu.memory_space<vmem>>
        %dma_start3A_279 = tpu.memref_squeeze %dma_start3A_278 : memref<1x128xi32, #tpu.memory_space<vmem>> -> memref<128xi32, #tpu.memory_space<vmem>>
        %dma_start3A_280 = arith.constant 0 : i32
        %dma_start3A_281 = arith.constant 0 : i32
        %dma_start3A_282 = tpu.memref_slice %arg10[%dma_start3A_280, %dma_start3A_281] : memref<10112x128xf32, #tpu.memory_space<vmem_shared>> -> memref<10112x128xf32, #tpu.memory_space<vmem_shared>>
        tpu.enqueue_indirect_dma source(%arg8 : memref<128x128xf32, #tpu.memory_space<vmem>>) target(%dma_start3A_282 : memref<10112x128xf32, #tpu.memory_space<vmem_shared>>) offsets(%dma_start3A_279 : memref<128xi32, #tpu.memory_space<vmem>>) semaphore(%run_scoped3A_276 : memref<!tpu.dma_semaphore, #tpu.memory_space<semaphore_mem>>) {add = true}
        %dma_wait3A_283 = arith.constant 0 : i32
        %dma_wait3A_284 = tpu.memref_slice %arg7[%run_scoped3A_162, %dma_wait3A_283] : memref<8x128xi32, #tpu.memory_space<vmem>> -> memref<1x128xi32, #tpu.memory_space<vmem>>
        %dma_wait3A_285 = tpu.memref_squeeze %dma_wait3A_284 : memref<1x128xi32, #tpu.memory_space<vmem>> -> memref<128xi32, #tpu.memory_space<vmem>>
        %dma_wait3A_286 = arith.constant 0 : i32
        %dma_wait3A_287 = arith.constant 0 : i32
        %dma_wait3A_288 = tpu.memref_slice %arg10[%dma_wait3A_286, %dma_wait3A_287] : memref<10112x128xf32, #tpu.memory_space<vmem_shared>> -> memref<10112x128xf32, #tpu.memory_space<vmem_shared>>
        tpu.wait_indirect_dma semaphore(%run_scoped3A_276 : memref<!tpu.dma_semaphore, #tpu.memory_space<semaphore_mem>>) src(%arg8 : memref<128x128xf32, #tpu.memory_space<vmem>>) dst(%dma_wait3A_288 : memref<10112x128xf32, #tpu.memory_space<vmem_shared>>)
        tpu.yield
      }) : () -> ()
      %dma_start3A_163 = arith.constant 2 : i32
      %dma_start3A_164 = arith.constant 4 : i32
      %dma_start3A_165 = arith.constant 0 : i32
      %dma_start3A_166 = tpu.memref_slice %arg6[%dma_start3A_164, %dma_start3A_165] : memref<8x128xi32, #tpu.memory_space<vmem>> -> memref<1x128xi32, #tpu.memory_space<vmem>>
      %dma_start3A_167 = tpu.memref_squeeze %dma_start3A_166 : memref<1x128xi32, #tpu.memory_space<vmem>> -> memref<128xi32, #tpu.memory_space<vmem>>
      %dma_start3A_168 = arith.constant 0 : i32
      %dma_start3A_169 = arith.constant 0 : i32
      %dma_start3A_170 = tpu.memref_slice %arg2[%dma_start3A_163, %dma_start3A_168, %dma_start3A_169] : memref<3x10112x128xf32, #tpu.memory_space<hbm>> -> memref<1x10112x128xf32, #tpu.memory_space<hbm>>
      %dma_start3A_171 = tpu.memref_squeeze %dma_start3A_170 : memref<1x10112x128xf32, #tpu.memory_space<hbm>> -> memref<10112x128xf32, #tpu.memory_space<hbm>>
      %dma_start3A_172 = arith.constant 0 : i32
      %dma_start3A_173 = arith.constant 0 : i32
      %dma_start3A_174 = tpu.memref_slice %dma_start3A_171[%dma_start3A_172, %dma_start3A_173] : memref<10112x128xf32, #tpu.memory_space<hbm>> -> memref<10112x128xf32, #tpu.memory_space<hbm>>
      tpu.enqueue_indirect_dma source(%dma_start3A_174 : memref<10112x128xf32, #tpu.memory_space<hbm>>) target(%arg8 : memref<128x128xf32, #tpu.memory_space<vmem>>) offsets(%dma_start3A_167 : memref<128xi32, #tpu.memory_space<vmem>>) semaphore(%arg11 : memref<!tpu.dma_semaphore, #tpu.memory_space<semaphore_mem>>)
      %dma_wait3A_175 = arith.constant 2 : i32
      %dma_wait3A_176 = arith.constant 3 : i32
      %dma_wait3A_177 = arith.constant 0 : i32
      %dma_wait3A_178 = tpu.memref_slice %arg6[%dma_wait3A_176, %dma_wait3A_177] : memref<8x128xi32, #tpu.memory_space<vmem>> -> memref<1x128xi32, #tpu.memory_space<vmem>>
      %dma_wait3A_179 = tpu.memref_squeeze %dma_wait3A_178 : memref<1x128xi32, #tpu.memory_space<vmem>> -> memref<128xi32, #tpu.memory_space<vmem>>
      %dma_wait3A_180 = arith.constant 0 : i32
      %dma_wait3A_181 = arith.constant 0 : i32
      %dma_wait3A_182 = tpu.memref_slice %arg2[%dma_wait3A_175, %dma_wait3A_180, %dma_wait3A_181] : memref<3x10112x128xf32, #tpu.memory_space<hbm>> -> memref<1x10112x128xf32, #tpu.memory_space<hbm>>
      %dma_wait3A_183 = tpu.memref_squeeze %dma_wait3A_182 : memref<1x10112x128xf32, #tpu.memory_space<hbm>> -> memref<10112x128xf32, #tpu.memory_space<hbm>>
      %dma_wait3A_184 = arith.constant 0 : i32
      %dma_wait3A_185 = arith.constant 0 : i32
      %dma_wait3A_186 = tpu.memref_slice %dma_wait3A_183[%dma_wait3A_184, %dma_wait3A_185] : memref<10112x128xf32, #tpu.memory_space<hbm>> -> memref<10112x128xf32, #tpu.memory_space<hbm>>
      tpu.wait_indirect_dma semaphore(%arg13 : memref<!tpu.dma_semaphore, #tpu.memory_space<semaphore_mem>>) src(%dma_wait3A_186 : memref<10112x128xf32, #tpu.memory_space<hbm>>) dst(%arg9 : memref<128x128xf32, #tpu.memory_space<vmem>>)
      %run_scoped3A_187 = arith.constant 3 : i32
      "tpu.region"() ({
        %run_scoped3A_276 = tpu.sem_alloc : memref<!tpu.dma_semaphore, #tpu.memory_space<semaphore_mem>>
        %dma_start3A_277 = arith.constant 0 : i32
        %dma_start3A_278 = tpu.memref_slice %arg7[%run_scoped3A_187, %dma_start3A_277] : memref<8x128xi32, #tpu.memory_space<vmem>> -> memref<1x128xi32, #tpu.memory_space<vmem>>
        %dma_start3A_279 = tpu.memref_squeeze %dma_start3A_278 : memref<1x128xi32, #tpu.memory_space<vmem>> -> memref<128xi32, #tpu.memory_space<vmem>>
        %dma_start3A_280 = arith.constant 0 : i32
        %dma_start3A_281 = arith.constant 0 : i32
        %dma_start3A_282 = tpu.memref_slice %arg10[%dma_start3A_280, %dma_start3A_281] : memref<10112x128xf32, #tpu.memory_space<vmem_shared>> -> memref<10112x128xf32, #tpu.memory_space<vmem_shared>>
        tpu.enqueue_indirect_dma source(%arg9 : memref<128x128xf32, #tpu.memory_space<vmem>>) target(%dma_start3A_282 : memref<10112x128xf32, #tpu.memory_space<vmem_shared>>) offsets(%dma_start3A_279 : memref<128xi32, #tpu.memory_space<vmem>>) semaphore(%run_scoped3A_276 : memref<!tpu.dma_semaphore, #tpu.memory_space<semaphore_mem>>) {add = true}
        %dma_wait3A_283 = arith.constant 0 : i32
        %dma_wait3A_284 = tpu.memref_slice %arg7[%run_scoped3A_187, %dma_wait3A_283] : memref<8x128xi32, #tpu.memory_space<vmem>> -> memref<1x128xi32, #tpu.memory_space<vmem>>
        %dma_wait3A_285 = tpu.memref_squeeze %dma_wait3A_284 : memref<1x128xi32, #tpu.memory_space<vmem>> -> memref<128xi32, #tpu.memory_space<vmem>>
        %dma_wait3A_286 = arith.constant 0 : i32
        %dma_wait3A_287 = arith.constant 0 : i32
        %dma_wait3A_288 = tpu.memref_slice %arg10[%dma_wait3A_286, %dma_wait3A_287] : memref<10112x128xf32, #tpu.memory_space<vmem_shared>> -> memref<10112x128xf32, #tpu.memory_space<vmem_shared>>
        tpu.wait_indirect_dma semaphore(%run_scoped3A_276 : memref<!tpu.dma_semaphore, #tpu.memory_space<semaphore_mem>>) src(%arg9 : memref<128x128xf32, #tpu.memory_space<vmem>>) dst(%dma_wait3A_288 : memref<10112x128xf32, #tpu.memory_space<vmem_shared>>)
        tpu.yield
      }) : () -> ()
      %dma_start3A_188 = arith.constant 2 : i32
      %dma_start3A_189 = arith.constant 5 : i32
      %dma_start3A_190 = arith.constant 0 : i32
      %dma_start3A_191 = tpu.memref_slice %arg6[%dma_start3A_189, %dma_start3A_190] : memref<8x128xi32, #tpu.memory_space<vmem>> -> memref<1x128xi32, #tpu.memory_space<vmem>>
      %dma_start3A_192 = tpu.memref_squeeze %dma_start3A_191 : memref<1x128xi32, #tpu.memory_space<vmem>> -> memref<128xi32, #tpu.memory_space<vmem>>
      %dma_start3A_193 = arith.constant 0 : i32
      %dma_start3A_194 = arith.constant 0 : i32
      %dma_start3A_195 = tpu.memref_slice %arg2[%dma_start3A_188, %dma_start3A_193, %dma_start3A_194] : memref<3x10112x128xf32, #tpu.memory_space<hbm>> -> memref<1x10112x128xf32, #tpu.memory_space<hbm>>
      %dma_start3A_196 = tpu.memref_squeeze %dma_start3A_195 : memref<1x10112x128xf32, #tpu.memory_space<hbm>> -> memref<10112x128xf32, #tpu.memory_space<hbm>>
      %dma_start3A_197 = arith.constant 0 : i32
      %dma_start3A_198 = arith.constant 0 : i32
      %dma_start3A_199 = tpu.memref_slice %dma_start3A_196[%dma_start3A_197, %dma_start3A_198] : memref<10112x128xf32, #tpu.memory_space<hbm>> -> memref<10112x128xf32, #tpu.memory_space<hbm>>
      tpu.enqueue_indirect_dma source(%dma_start3A_199 : memref<10112x128xf32, #tpu.memory_space<hbm>>) target(%arg9 : memref<128x128xf32, #tpu.memory_space<vmem>>) offsets(%dma_start3A_192 : memref<128xi32, #tpu.memory_space<vmem>>) semaphore(%arg13 : memref<!tpu.dma_semaphore, #tpu.memory_space<semaphore_mem>>)
      %dma_wait3A_200 = arith.constant 2 : i32
      %dma_wait3A_201 = arith.constant 4 : i32
      %dma_wait3A_202 = arith.constant 0 : i32
      %dma_wait3A_203 = tpu.memref_slice %arg6[%dma_wait3A_201, %dma_wait3A_202] : memref<8x128xi32, #tpu.memory_space<vmem>> -> memref<1x128xi32, #tpu.memory_space<vmem>>
      %dma_wait3A_204 = tpu.memref_squeeze %dma_wait3A_203 : memref<1x128xi32, #tpu.memory_space<vmem>> -> memref<128xi32, #tpu.memory_space<vmem>>
      %dma_wait3A_205 = arith.constant 0 : i32
      %dma_wait3A_206 = arith.constant 0 : i32
      %dma_wait3A_207 = tpu.memref_slice %arg2[%dma_wait3A_200, %dma_wait3A_205, %dma_wait3A_206] : memref<3x10112x128xf32, #tpu.memory_space<hbm>> -> memref<1x10112x128xf32, #tpu.memory_space<hbm>>
      %dma_wait3A_208 = tpu.memref_squeeze %dma_wait3A_207 : memref<1x10112x128xf32, #tpu.memory_space<hbm>> -> memref<10112x128xf32, #tpu.memory_space<hbm>>
      %dma_wait3A_209 = arith.constant 0 : i32
      %dma_wait3A_210 = arith.constant 0 : i32
      %dma_wait3A_211 = tpu.memref_slice %dma_wait3A_208[%dma_wait3A_209, %dma_wait3A_210] : memref<10112x128xf32, #tpu.memory_space<hbm>> -> memref<10112x128xf32, #tpu.memory_space<hbm>>
      tpu.wait_indirect_dma semaphore(%arg11 : memref<!tpu.dma_semaphore, #tpu.memory_space<semaphore_mem>>) src(%dma_wait3A_211 : memref<10112x128xf32, #tpu.memory_space<hbm>>) dst(%arg8 : memref<128x128xf32, #tpu.memory_space<vmem>>)
      %run_scoped3A_212 = arith.constant 4 : i32
      "tpu.region"() ({
        %run_scoped3A_276 = tpu.sem_alloc : memref<!tpu.dma_semaphore, #tpu.memory_space<semaphore_mem>>
        %dma_start3A_277 = arith.constant 0 : i32
        %dma_start3A_278 = tpu.memref_slice %arg7[%run_scoped3A_212, %dma_start3A_277] : memref<8x128xi32, #tpu.memory_space<vmem>> -> memref<1x128xi32, #tpu.memory_space<vmem>>
        %dma_start3A_279 = tpu.memref_squeeze %dma_start3A_278 : memref<1x128xi32, #tpu.memory_space<vmem>> -> memref<128xi32, #tpu.memory_space<vmem>>
        %dma_start3A_280 = arith.constant 0 : i32
        %dma_start3A_281 = arith.constant 0 : i32
        %dma_start3A_282 = tpu.memref_slice %arg10[%dma_start3A_280, %dma_start3A_281] : memref<10112x128xf32, #tpu.memory_space<vmem_shared>> -> memref<10112x128xf32, #tpu.memory_space<vmem_shared>>
        tpu.enqueue_indirect_dma source(%arg8 : memref<128x128xf32, #tpu.memory_space<vmem>>) target(%dma_start3A_282 : memref<10112x128xf32, #tpu.memory_space<vmem_shared>>) offsets(%dma_start3A_279 : memref<128xi32, #tpu.memory_space<vmem>>) semaphore(%run_scoped3A_276 : memref<!tpu.dma_semaphore, #tpu.memory_space<semaphore_mem>>) {add = true}
        %dma_wait3A_283 = arith.constant 0 : i32
        %dma_wait3A_284 = tpu.memref_slice %arg7[%run_scoped3A_212, %dma_wait3A_283] : memref<8x128xi32, #tpu.memory_space<vmem>> -> memref<1x128xi32, #tpu.memory_space<vmem>>
        %dma_wait3A_285 = tpu.memref_squeeze %dma_wait3A_284 : memref<1x128xi32, #tpu.memory_space<vmem>> -> memref<128xi32, #tpu.memory_space<vmem>>
        %dma_wait3A_286 = arith.constant 0 : i32
        %dma_wait3A_287 = arith.constant 0 : i32
        %dma_wait3A_288 = tpu.memref_slice %arg10[%dma_wait3A_286, %dma_wait3A_287] : memref<10112x128xf32, #tpu.memory_space<vmem_shared>> -> memref<10112x128xf32, #tpu.memory_space<vmem_shared>>
        tpu.wait_indirect_dma semaphore(%run_scoped3A_276 : memref<!tpu.dma_semaphore, #tpu.memory_space<semaphore_mem>>) src(%arg8 : memref<128x128xf32, #tpu.memory_space<vmem>>) dst(%dma_wait3A_288 : memref<10112x128xf32, #tpu.memory_space<vmem_shared>>)
        tpu.yield
      }) : () -> ()
      %dma_start3A_213 = arith.constant 2 : i32
      %dma_start3A_214 = arith.constant 6 : i32
      %dma_start3A_215 = arith.constant 0 : i32
      %dma_start3A_216 = tpu.memref_slice %arg6[%dma_start3A_214, %dma_start3A_215] : memref<8x128xi32, #tpu.memory_space<vmem>> -> memref<1x128xi32, #tpu.memory_space<vmem>>
      %dma_start3A_217 = tpu.memref_squeeze %dma_start3A_216 : memref<1x128xi32, #tpu.memory_space<vmem>> -> memref<128xi32, #tpu.memory_space<vmem>>
      %dma_start3A_218 = arith.constant 0 : i32
      %dma_start3A_219 = arith.constant 0 : i32
      %dma_start3A_220 = tpu.memref_slice %arg2[%dma_start3A_213, %dma_start3A_218, %dma_start3A_219] : memref<3x10112x128xf32, #tpu.memory_space<hbm>> -> memref<1x10112x128xf32, #tpu.memory_space<hbm>>
      %dma_start3A_221 = tpu.memref_squeeze %dma_start3A_220 : memref<1x10112x128xf32, #tpu.memory_space<hbm>> -> memref<10112x128xf32, #tpu.memory_space<hbm>>
      %dma_start3A_222 = arith.constant 0 : i32
      %dma_start3A_223 = arith.constant 0 : i32
      %dma_start3A_224 = tpu.memref_slice %dma_start3A_221[%dma_start3A_222, %dma_start3A_223] : memref<10112x128xf32, #tpu.memory_space<hbm>> -> memref<10112x128xf32, #tpu.memory_space<hbm>>
      tpu.enqueue_indirect_dma source(%dma_start3A_224 : memref<10112x128xf32, #tpu.memory_space<hbm>>) target(%arg8 : memref<128x128xf32, #tpu.memory_space<vmem>>) offsets(%dma_start3A_217 : memref<128xi32, #tpu.memory_space<vmem>>) semaphore(%arg11 : memref<!tpu.dma_semaphore, #tpu.memory_space<semaphore_mem>>)
      %dma_wait3A_225 = arith.constant 2 : i32
      %dma_wait3A_226 = arith.constant 5 : i32
      %dma_wait3A_227 = arith.constant 0 : i32
      %dma_wait3A_228 = tpu.memref_slice %arg6[%dma_wait3A_226, %dma_wait3A_227] : memref<8x128xi32, #tpu.memory_space<vmem>> -> memref<1x128xi32, #tpu.memory_space<vmem>>
      %dma_wait3A_229 = tpu.memref_squeeze %dma_wait3A_228 : memref<1x128xi32, #tpu.memory_space<vmem>> -> memref<128xi32, #tpu.memory_space<vmem>>
      %dma_wait3A_230 = arith.constant 0 : i32
      %dma_wait3A_231 = arith.constant 0 : i32
      %dma_wait3A_232 = tpu.memref_slice %arg2[%dma_wait3A_225, %dma_wait3A_230, %dma_wait3A_231] : memref<3x10112x128xf32, #tpu.memory_space<hbm>> -> memref<1x10112x128xf32, #tpu.memory_space<hbm>>
      %dma_wait3A_233 = tpu.memref_squeeze %dma_wait3A_232 : memref<1x10112x128xf32, #tpu.memory_space<hbm>> -> memref<10112x128xf32, #tpu.memory_space<hbm>>
      %dma_wait3A_234 = arith.constant 0 : i32
      %dma_wait3A_235 = arith.constant 0 : i32
      %dma_wait3A_236 = tpu.memref_slice %dma_wait3A_233[%dma_wait3A_234, %dma_wait3A_235] : memref<10112x128xf32, #tpu.memory_space<hbm>> -> memref<10112x128xf32, #tpu.memory_space<hbm>>
      tpu.wait_indirect_dma semaphore(%arg13 : memref<!tpu.dma_semaphore, #tpu.memory_space<semaphore_mem>>) src(%dma_wait3A_236 : memref<10112x128xf32, #tpu.memory_space<hbm>>) dst(%arg9 : memref<128x128xf32, #tpu.memory_space<vmem>>)
      %run_scoped3A_237 = arith.constant 5 : i32
      "tpu.region"() ({
        %run_scoped3A_276 = tpu.sem_alloc : memref<!tpu.dma_semaphore, #tpu.memory_space<semaphore_mem>>
        %dma_start3A_277 = arith.constant 0 : i32
        %dma_start3A_278 = tpu.memref_slice %arg7[%run_scoped3A_237, %dma_start3A_277] : memref<8x128xi32, #tpu.memory_space<vmem>> -> memref<1x128xi32, #tpu.memory_space<vmem>>
        %dma_start3A_279 = tpu.memref_squeeze %dma_start3A_278 : memref<1x128xi32, #tpu.memory_space<vmem>> -> memref<128xi32, #tpu.memory_space<vmem>>
        %dma_start3A_280 = arith.constant 0 : i32
        %dma_start3A_281 = arith.constant 0 : i32
        %dma_start3A_282 = tpu.memref_slice %arg10[%dma_start3A_280, %dma_start3A_281] : memref<10112x128xf32, #tpu.memory_space<vmem_shared>> -> memref<10112x128xf32, #tpu.memory_space<vmem_shared>>
        tpu.enqueue_indirect_dma source(%arg9 : memref<128x128xf32, #tpu.memory_space<vmem>>) target(%dma_start3A_282 : memref<10112x128xf32, #tpu.memory_space<vmem_shared>>) offsets(%dma_start3A_279 : memref<128xi32, #tpu.memory_space<vmem>>) semaphore(%run_scoped3A_276 : memref<!tpu.dma_semaphore, #tpu.memory_space<semaphore_mem>>) {add = true}
        %dma_wait3A_283 = arith.constant 0 : i32
        %dma_wait3A_284 = tpu.memref_slice %arg7[%run_scoped3A_237, %dma_wait3A_283] : memref<8x128xi32, #tpu.memory_space<vmem>> -> memref<1x128xi32, #tpu.memory_space<vmem>>
        %dma_wait3A_285 = tpu.memref_squeeze %dma_wait3A_284 : memref<1x128xi32, #tpu.memory_space<vmem>> -> memref<128xi32, #tpu.memory_space<vmem>>
        %dma_wait3A_286 = arith.constant 0 : i32
        %dma_wait3A_287 = arith.constant 0 : i32
        %dma_wait3A_288 = tpu.memref_slice %arg10[%dma_wait3A_286, %dma_wait3A_287] : memref<10112x128xf32, #tpu.memory_space<vmem_shared>> -> memref<10112x128xf32, #tpu.memory_space<vmem_shared>>
        tpu.wait_indirect_dma semaphore(%run_scoped3A_276 : memref<!tpu.dma_semaphore, #tpu.memory_space<semaphore_mem>>) src(%arg9 : memref<128x128xf32, #tpu.memory_space<vmem>>) dst(%dma_wait3A_288 : memref<10112x128xf32, #tpu.memory_space<vmem_shared>>)
        tpu.yield
      }) : () -> ()
      %dma_start3A_238 = arith.constant 2 : i32
      %dma_start3A_239 = arith.constant 7 : i32
      %dma_start3A_240 = arith.constant 0 : i32
      %dma_start3A_241 = tpu.memref_slice %arg6[%dma_start3A_239, %dma_start3A_240] : memref<8x128xi32, #tpu.memory_space<vmem>> -> memref<1x128xi32, #tpu.memory_space<vmem>>
      %dma_start3A_242 = tpu.memref_squeeze %dma_start3A_241 : memref<1x128xi32, #tpu.memory_space<vmem>> -> memref<128xi32, #tpu.memory_space<vmem>>
      %dma_start3A_243 = arith.constant 0 : i32
      %dma_start3A_244 = arith.constant 0 : i32
      %dma_start3A_245 = tpu.memref_slice %arg2[%dma_start3A_238, %dma_start3A_243, %dma_start3A_244] : memref<3x10112x128xf32, #tpu.memory_space<hbm>> -> memref<1x10112x128xf32, #tpu.memory_space<hbm>>
      %dma_start3A_246 = tpu.memref_squeeze %dma_start3A_245 : memref<1x10112x128xf32, #tpu.memory_space<hbm>> -> memref<10112x128xf32, #tpu.memory_space<hbm>>
      %dma_start3A_247 = arith.constant 0 : i32
      %dma_start3A_248 = arith.constant 0 : i32
      %dma_start3A_249 = tpu.memref_slice %dma_start3A_246[%dma_start3A_247, %dma_start3A_248] : memref<10112x128xf32, #tpu.memory_space<hbm>> -> memref<10112x128xf32, #tpu.memory_space<hbm>>
      tpu.enqueue_indirect_dma source(%dma_start3A_249 : memref<10112x128xf32, #tpu.memory_space<hbm>>) target(%arg9 : memref<128x128xf32, #tpu.memory_space<vmem>>) offsets(%dma_start3A_242 : memref<128xi32, #tpu.memory_space<vmem>>) semaphore(%arg13 : memref<!tpu.dma_semaphore, #tpu.memory_space<semaphore_mem>>)
      %dma_wait3A_250 = arith.constant 2 : i32
      %dma_wait3A_251 = arith.constant 6 : i32
      %dma_wait3A_252 = arith.constant 0 : i32
      %dma_wait3A_253 = tpu.memref_slice %arg6[%dma_wait3A_251, %dma_wait3A_252] : memref<8x128xi32, #tpu.memory_space<vmem>> -> memref<1x128xi32, #tpu.memory_space<vmem>>
      %dma_wait3A_254 = tpu.memref_squeeze %dma_wait3A_253 : memref<1x128xi32, #tpu.memory_space<vmem>> -> memref<128xi32, #tpu.memory_space<vmem>>
      %dma_wait3A_255 = arith.constant 0 : i32
      %dma_wait3A_256 = arith.constant 0 : i32
      %dma_wait3A_257 = tpu.memref_slice %arg2[%dma_wait3A_250, %dma_wait3A_255, %dma_wait3A_256] : memref<3x10112x128xf32, #tpu.memory_space<hbm>> -> memref<1x10112x128xf32, #tpu.memory_space<hbm>>
      %dma_wait3A_258 = tpu.memref_squeeze %dma_wait3A_257 : memref<1x10112x128xf32, #tpu.memory_space<hbm>> -> memref<10112x128xf32, #tpu.memory_space<hbm>>
      %dma_wait3A_259 = arith.constant 0 : i32
      %dma_wait3A_260 = arith.constant 0 : i32
      %dma_wait3A_261 = tpu.memref_slice %dma_wait3A_258[%dma_wait3A_259, %dma_wait3A_260] : memref<10112x128xf32, #tpu.memory_space<hbm>> -> memref<10112x128xf32, #tpu.memory_space<hbm>>
      tpu.wait_indirect_dma semaphore(%arg11 : memref<!tpu.dma_semaphore, #tpu.memory_space<semaphore_mem>>) src(%dma_wait3A_261 : memref<10112x128xf32, #tpu.memory_space<hbm>>) dst(%arg8 : memref<128x128xf32, #tpu.memory_space<vmem>>)
      %run_scoped3A_262 = arith.constant 6 : i32
      "tpu.region"() ({
        %run_scoped3A_276 = tpu.sem_alloc : memref<!tpu.dma_semaphore, #tpu.memory_space<semaphore_mem>>
        %dma_start3A_277 = arith.constant 0 : i32
        %dma_start3A_278 = tpu.memref_slice %arg7[%run_scoped3A_262, %dma_start3A_277] : memref<8x128xi32, #tpu.memory_space<vmem>> -> memref<1x128xi32, #tpu.memory_space<vmem>>
        %dma_start3A_279 = tpu.memref_squeeze %dma_start3A_278 : memref<1x128xi32, #tpu.memory_space<vmem>> -> memref<128xi32, #tpu.memory_space<vmem>>
        %dma_start3A_280 = arith.constant 0 : i32
        %dma_start3A_281 = arith.constant 0 : i32
        %dma_start3A_282 = tpu.memref_slice %arg10[%dma_start3A_280, %dma_start3A_281] : memref<10112x128xf32, #tpu.memory_space<vmem_shared>> -> memref<10112x128xf32, #tpu.memory_space<vmem_shared>>
        tpu.enqueue_indirect_dma source(%arg8 : memref<128x128xf32, #tpu.memory_space<vmem>>) target(%dma_start3A_282 : memref<10112x128xf32, #tpu.memory_space<vmem_shared>>) offsets(%dma_start3A_279 : memref<128xi32, #tpu.memory_space<vmem>>) semaphore(%run_scoped3A_276 : memref<!tpu.dma_semaphore, #tpu.memory_space<semaphore_mem>>) {add = true}
        %dma_wait3A_283 = arith.constant 0 : i32
        %dma_wait3A_284 = tpu.memref_slice %arg7[%run_scoped3A_262, %dma_wait3A_283] : memref<8x128xi32, #tpu.memory_space<vmem>> -> memref<1x128xi32, #tpu.memory_space<vmem>>
        %dma_wait3A_285 = tpu.memref_squeeze %dma_wait3A_284 : memref<1x128xi32, #tpu.memory_space<vmem>> -> memref<128xi32, #tpu.memory_space<vmem>>
        %dma_wait3A_286 = arith.constant 0 : i32
        %dma_wait3A_287 = arith.constant 0 : i32
        %dma_wait3A_288 = tpu.memref_slice %arg10[%dma_wait3A_286, %dma_wait3A_287] : memref<10112x128xf32, #tpu.memory_space<vmem_shared>> -> memref<10112x128xf32, #tpu.memory_space<vmem_shared>>
        tpu.wait_indirect_dma semaphore(%run_scoped3A_276 : memref<!tpu.dma_semaphore, #tpu.memory_space<semaphore_mem>>) src(%arg8 : memref<128x128xf32, #tpu.memory_space<vmem>>) dst(%dma_wait3A_288 : memref<10112x128xf32, #tpu.memory_space<vmem_shared>>)
        tpu.yield
      }) : () -> ()
      %dma_wait3A_263 = arith.constant 2 : i32
      %dma_wait3A_264 = arith.constant 7 : i32
      %dma_wait3A_265 = arith.constant 0 : i32
      %dma_wait3A_266 = tpu.memref_slice %arg6[%dma_wait3A_264, %dma_wait3A_265] : memref<8x128xi32, #tpu.memory_space<vmem>> -> memref<1x128xi32, #tpu.memory_space<vmem>>
      %dma_wait3A_267 = tpu.memref_squeeze %dma_wait3A_266 : memref<1x128xi32, #tpu.memory_space<vmem>> -> memref<128xi32, #tpu.memory_space<vmem>>
      %dma_wait3A_268 = arith.constant 0 : i32
      %dma_wait3A_269 = arith.constant 0 : i32
      %dma_wait3A_270 = tpu.memref_slice %arg2[%dma_wait3A_263, %dma_wait3A_268, %dma_wait3A_269] : memref<3x10112x128xf32, #tpu.memory_space<hbm>> -> memref<1x10112x128xf32, #tpu.memory_space<hbm>>
      %dma_wait3A_271 = tpu.memref_squeeze %dma_wait3A_270 : memref<1x10112x128xf32, #tpu.memory_space<hbm>> -> memref<10112x128xf32, #tpu.memory_space<hbm>>
      %dma_wait3A_272 = arith.constant 0 : i32
      %dma_wait3A_273 = arith.constant 0 : i32
      %dma_wait3A_274 = tpu.memref_slice %dma_wait3A_271[%dma_wait3A_272, %dma_wait3A_273] : memref<10112x128xf32, #tpu.memory_space<hbm>> -> memref<10112x128xf32, #tpu.memory_space<hbm>>
      tpu.wait_indirect_dma semaphore(%arg13 : memref<!tpu.dma_semaphore, #tpu.memory_space<semaphore_mem>>) src(%dma_wait3A_274 : memref<10112x128xf32, #tpu.memory_space<hbm>>) dst(%arg9 : memref<128x128xf32, #tpu.memory_space<vmem>>)
      %run_scoped3A_275 = arith.constant 7 : i32
      "tpu.region"() ({
        %run_scoped3A_276 = tpu.sem_alloc : memref<!tpu.dma_semaphore, #tpu.memory_space<semaphore_mem>>
        %dma_start3A_277 = arith.constant 0 : i32
        %dma_start3A_278 = tpu.memref_slice %arg7[%run_scoped3A_275, %dma_start3A_277] : memref<8x128xi32, #tpu.memory_space<vmem>> -> memref<1x128xi32, #tpu.memory_space<vmem>>
        %dma_start3A_279 = tpu.memref_squeeze %dma_start3A_278 : memref<1x128xi32, #tpu.memory_space<vmem>> -> memref<128xi32, #tpu.memory_space<vmem>>
        %dma_start3A_280 = arith.constant 0 : i32
        %dma_start3A_281 = arith.constant 0 : i32
        %dma_start3A_282 = tpu.memref_slice %arg10[%dma_start3A_280, %dma_start3A_281] : memref<10112x128xf32, #tpu.memory_space<vmem_shared>> -> memref<10112x128xf32, #tpu.memory_space<vmem_shared>>
        tpu.enqueue_indirect_dma source(%arg9 : memref<128x128xf32, #tpu.memory_space<vmem>>) target(%dma_start3A_282 : memref<10112x128xf32, #tpu.memory_space<vmem_shared>>) offsets(%dma_start3A_279 : memref<128xi32, #tpu.memory_space<vmem>>) semaphore(%run_scoped3A_276 : memref<!tpu.dma_semaphore, #tpu.memory_space<semaphore_mem>>) {add = true}
        %dma_wait3A_283 = arith.constant 0 : i32
        %dma_wait3A_284 = tpu.memref_slice %arg7[%run_scoped3A_275, %dma_wait3A_283] : memref<8x128xi32, #tpu.memory_space<vmem>> -> memref<1x128xi32, #tpu.memory_space<vmem>>
        %dma_wait3A_285 = tpu.memref_squeeze %dma_wait3A_284 : memref<1x128xi32, #tpu.memory_space<vmem>> -> memref<128xi32, #tpu.memory_space<vmem>>
        %dma_wait3A_286 = arith.constant 0 : i32
        %dma_wait3A_287 = arith.constant 0 : i32
        %dma_wait3A_288 = tpu.memref_slice %arg10[%dma_wait3A_286, %dma_wait3A_287] : memref<10112x128xf32, #tpu.memory_space<vmem_shared>> -> memref<10112x128xf32, #tpu.memory_space<vmem_shared>>
        tpu.wait_indirect_dma semaphore(%run_scoped3A_276 : memref<!tpu.dma_semaphore, #tpu.memory_space<semaphore_mem>>) src(%arg9 : memref<128x128xf32, #tpu.memory_space<vmem>>) dst(%dma_wait3A_288 : memref<10112x128xf32, #tpu.memory_space<vmem_shared>>)
        tpu.yield
      }) : () -> ()
    }
    %scan3A_60 = arith.constant 10 : i32
    %barrier3A_61 = arith.constant 0 : index
    tpu.barrier barrier_id(%barrier3A_61)
    %scan3A_62 = arith.constant 0 : i32
    %scan3A_63 = arith.constant 5 : i32
    %scan3A_64 = arith.addi %scan3A_62, %scan3A_63 : i32
    %scan3A_65 = arith.constant 1 : i32
    scf.for %scan3A_68 = %scan3A_62 to %scan3A_64 step %scan3A_65  : i32 {
      %mul3A_69 = arith.constant 1 : i32
      %mul3A_70 = arith.muli %scan3A_68, %mul3A_69 : i32
      %add3A_71 = arith.constant 0 : i32
      %add3A_72 = arith.addi %add3A_71, %mul3A_70 : i32
      %mul3A_73 = arith.constant 16 : i32
      %mul3A_74 = arith.muli %add3A_72, %mul3A_73 : i32
      %add3A_75 = arith.addi %arg1, %mul3A_74 : i32
      %lt3A = arith.constant 79 : i32
      %lt3A_76 = arith.cmpi slt, %add3A_75, %lt3A : i32
      %convert_element_type3A = arith.extui %lt3A_76 : i1 to i32
      %cond3A = arith.constant 0 : i32
      %cond3A_77 = arith.cmpi ne, %convert_element_type3A, %cond3A : i32
      scf.if %cond3A_77 {
        %mul3A_78 = arith.constant 128 : i32
        %mul3A_79 = arith.muli %add3A_75, %mul3A_78 : i32
        %mul3A_80 = arith.constant 128 : i32
        %mul3A_81 = arith.muli %add3A_75, %mul3A_80 : i32
        %run_scoped3A = arith.constant 2 : i32
        "tpu.region"() ({
          %run_scoped3A_82 = tpu.sem_alloc : memref<!tpu.dma_semaphore, #tpu.memory_space<semaphore_mem>>
          %dma_start3A = arith.constant 0 : i32
          %dma_start3A_83 = arith.constant 0 : i32
          %dma_start3A_84 = tpu.memref_slice %arg5[%arg0, %run_scoped3A, %dma_start3A, %dma_start3A_83] : memref<2x3x10112x128xf32, #tpu.memory_space<hbm>> -> memref<1x1x10112x128xf32, #tpu.memory_space<hbm>>
          %dma_start3A_85 = tpu.memref_squeeze %dma_start3A_84 : memref<1x1x10112x128xf32, #tpu.memory_space<hbm>> -> memref<10112x128xf32, #tpu.memory_space<hbm>>
          %dma_start3A_86 = arith.constant 0 : i32
          %dma_start3A_87 = tpu.memref_slice %dma_start3A_85[%mul3A_81, %dma_start3A_86] : memref<10112x128xf32, #tpu.memory_space<hbm>> -> memref<128x128xf32, #tpu.memory_space<hbm>>
          %dma_start3A_88 = arith.constant 0 : i32
          %dma_start3A_89 = tpu.memref_slice %arg10[%mul3A_79, %dma_start3A_88] : memref<10112x128xf32, #tpu.memory_space<vmem_shared>> -> memref<128x128xf32, #tpu.memory_space<vmem_shared>>
          tpu.enqueue_dma source(%dma_start3A_89 : memref<128x128xf32, #tpu.memory_space<vmem_shared>>) target(%dma_start3A_87 : memref<128x128xf32, #tpu.memory_space<hbm>>) target_semaphore(%run_scoped3A_82 : memref<!tpu.dma_semaphore, #tpu.memory_space<semaphore_mem>>)
          %dma_wait3A = arith.constant 0 : i32
          %dma_wait3A_90 = arith.constant 0 : i32
          %dma_wait3A_91 = tpu.memref_slice %arg5[%arg0, %run_scoped3A, %dma_wait3A, %dma_wait3A_90] : memref<2x3x10112x128xf32, #tpu.memory_space<hbm>> -> memref<1x1x10112x128xf32, #tpu.memory_space<hbm>>
          %dma_wait3A_92 = tpu.memref_squeeze %dma_wait3A_91 : memref<1x1x10112x128xf32, #tpu.memory_space<hbm>> -> memref<10112x128xf32, #tpu.memory_space<hbm>>
          %dma_wait3A_93 = arith.constant 0 : i32
          %dma_wait3A_94 = tpu.memref_slice %dma_wait3A_92[%mul3A_81, %dma_wait3A_93] : memref<10112x128xf32, #tpu.memory_space<hbm>> -> memref<128x128xf32, #tpu.memory_space<hbm>>
          %dma_wait3A_95 = arith.constant 0 : i32
          %dma_wait3A_96 = tpu.memref_slice %arg10[%mul3A_79, %dma_wait3A_95] : memref<10112x128xf32, #tpu.memory_space<vmem_shared>> -> memref<128x128xf32, #tpu.memory_space<vmem_shared>>
          tpu.wait_dma2 semaphore(%run_scoped3A_82 : memref<!tpu.dma_semaphore, #tpu.memory_space<semaphore_mem>>) src(%dma_wait3A_96 : memref<128x128xf32, #tpu.memory_space<vmem_shared>>) dst(%dma_wait3A_94 : memref<128x128xf32, #tpu.memory_space<hbm>>)
          tpu.yield
        }) : () -> ()
      } else {
      }
    }
    %scan3A_66 = arith.constant 5 : i32
    %barrier3A_67 = arith.constant 0 : index
    tpu.barrier barrier_id(%barrier3A_67)
    return
  }
}

module attributes {stable_mosaic.version = 14 : i64} {
  func.func @_mm_body(%arg0: i32, %arg1: i32, %arg2: memref<632x128xf32, #tpu.memory_space<vmem>>, %arg3: memref<1x128x128xf32, #tpu.memory_space<vmem>>, %arg4: memref<1x632x128xf32, #tpu.memory_space<vmem>>) attributes {dimension_semantics = [#tpu.dimension_semantics<arbitrary>, #tpu.dimension_semantics<arbitrary>], iteration_bounds = array<i64: 3, 16>, scalar_prefetch = 0 : i64, scratch_operands = 0 : i64, tpu.core_type = #tpu.core_type<tc>, window_params = [{transform_indices = @transform_0, window_bounds = array<i64: 632, 128>}, {transform_indices = @transform_1, window_bounds = array<i64: 1, 128, 128>}, {transform_indices = @transform_2, window_bounds = array<i64: 1, 632, 128>}]} {
    %get3A = arith.constant 0 : index
    %get3A_0 = arith.constant 0 : index
    %get3A_1 = vector.load %arg2[%get3A, %get3A_0] : memref<632x128xf32, #tpu.memory_space<vmem>>, vector<632x128xf32>
    %get3A_2 = arith.constant 0 : index
    %get3A_3 = arith.constant 0 : index
    %get3A_4 = arith.constant 0 : index
    %get3A_5 = vector.load %arg3[%get3A_2, %get3A_3, %get3A_4] : memref<1x128x128xf32, #tpu.memory_space<vmem>>, vector<1x128x128xf32>
    %get3A_6 = vector.shape_cast %get3A_5 : vector<1x128x128xf32> to vector<128x128xf32>
    %dot_general3A = arith.constant dense<0.000000e+00> : vector<632x128xf32>
    %dot_general3A_7 = tpu.matmul %get3A_1, %get3A_6, %dot_general3A {dimension_numbers = #tpu.dot_dimension_numbers<[1], [0], [0], [1], [0, 0, 1, 1], [], []>, precision = #tpu.contract_precision<fp32>, transpose_lhs_hint = false} : vector<632x128xf32>, vector<128x128xf32>, vector<632x128xf32> -> vector<632x128xf32>
    %swap3A = arith.constant 0 : index
    %swap3A_8 = arith.constant 0 : index
    %swap3A_9 = arith.constant 0 : index
    %swap3A_10 = vector.load %arg4[%swap3A, %swap3A_8, %swap3A_9] : memref<1x632x128xf32, #tpu.memory_space<vmem>>, vector<1x632x128xf32>
    %swap3A_11 = vector.shape_cast %swap3A_10 : vector<1x632x128xf32> to vector<632x128xf32>
    %swap3A_12 = vector.shape_cast %dot_general3A_7 : vector<632x128xf32> to vector<1x632x128xf32>
    tpu.vector_store %arg4[%swap3A, %swap3A_8, %swap3A_9], %swap3A_12 {strides = array<i32>} : memref<1x632x128xf32, #tpu.memory_space<vmem>>, vector<1x632x128xf32>,
    return
  }
  func.func @transform_0(%arg0: i32, %arg1: i32) -> (i32, i32) {
    %c0_i32 = arith.constant 0 : i32
    %c0_i32_0 = arith.constant 0 : i32
    return %arg1, %c0_i32 : i32, i32
  }
  func.func @transform_1(%arg0: i32, %arg1: i32) -> (i32, i32, i32) {
    %c0_i32 = arith.constant 0 : i32
    %c0_i32_0 = arith.constant 0 : i32
    %c0_i32_1 = arith.constant 0 : i32
    return %arg0, %c0_i32, %c0_i32_0 : i32, i32, i32
  }
  func.func @transform_2(%arg0: i32, %arg1: i32) -> (i32, i32, i32) {
    %c0_i32 = arith.constant 0 : i32
    %c0_i32_0 = arith.constant 0 : i32
    return %arg0, %arg1, %c0_i32 : i32, i32, i32
  }
}

module attributes {stable_mosaic.version = 14 : i64} {
  func.func @_scale_body(%arg0: i32, %arg1: i32, %arg2: memref<1x632x128xf32, #tpu.memory_space<vmem>>, %arg3: memref<2x1x632x16xf32, #tpu.memory_space<vmem>>, %arg4: memref<1x632x128xf32, #tpu.memory_space<vmem>>, %arg5: memref<1x632x1xf32, #tpu.memory_space<vmem>>) attributes {dimension_semantics = [#tpu.dimension_semantics<arbitrary>, #tpu.dimension_semantics<arbitrary>], iteration_bounds = array<i64: 3, 16>, scalar_prefetch = 0 : i64, scratch_operands = 0 : i64, tpu.core_type = #tpu.core_type<tc>, window_params = [{transform_indices = @transform_0, window_bounds = array<i64: 1, 632, 128>}, {transform_indices = @transform_1, window_bounds = array<i64: 2, 1, 632, 16>}, {transform_indices = @transform_2, window_bounds = array<i64: 1, 632, 128>}, {transform_indices = @transform_3, window_bounds = array<i64: 1, 632, 1>}]} {
    %get3A = arith.constant 0 : index
    %get3A_0 = arith.constant 0 : index
    %get3A_1 = arith.constant 0 : index
    %get3A_2 = arith.constant 0 : index
    %get3A_3 = vector.load %arg3[%get3A, %get3A_0, %get3A_1, %get3A_2] : memref<2x1x632x16xf32, #tpu.memory_space<vmem>>, vector<1x1x632x1xf32>
    %get3A_4 = vector.shape_cast %get3A_3 : vector<1x1x632x1xf32> to vector<632x1xf32>
    %get3A_5 = arith.constant 1 : index
    %get3A_6 = arith.constant 0 : index
    %get3A_7 = arith.constant 0 : index
    %get3A_8 = arith.constant 0 : index
    %get3A_9 = vector.load %arg3[%get3A_5, %get3A_6, %get3A_7, %get3A_8] : memref<2x1x632x16xf32, #tpu.memory_space<vmem>>, vector<1x1x632x1xf32>
    %get3A_10 = vector.shape_cast %get3A_9 : vector<1x1x632x1xf32> to vector<632x1xf32>
    %add3A = arith.addf %get3A_4, %get3A_10 : vector<632x1xf32>
    %add3A_11 = arith.constant 1.000000e+00 : f32
    %add3A_12 = vector.broadcast %add3A_11 : f32 to vector<632x1xf32>
    %add3A_13 = arith.addf %add3A, %add3A_12 : vector<632x1xf32>
    %rsqrt3A = math.rsqrt %add3A_13 : vector<632x1xf32>
    %swap3A = arith.constant 0 : index
    %swap3A_14 = arith.constant 0 : index
    %swap3A_15 = arith.constant 0 : index
    %swap3A_16 = vector.load %arg5[%swap3A, %swap3A_14, %swap3A_15] : memref<1x632x1xf32, #tpu.memory_space<vmem>>, vector<1x632x1xf32>
    %swap3A_17 = vector.shape_cast %swap3A_16 : vector<1x632x1xf32> to vector<632x1xf32>
    %swap3A_18 = vector.shape_cast %rsqrt3A : vector<632x1xf32> to vector<1x632x1xf32>
    tpu.vector_store %arg5[%swap3A, %swap3A_14, %swap3A_15], %swap3A_18 {strides = array<i32>} : memref<1x632x1xf32, #tpu.memory_space<vmem>>, vector<1x632x1xf32>,
    %get3A_19 = arith.constant 0 : index
    %get3A_20 = arith.constant 0 : index
    %get3A_21 = arith.constant 0 : index
    %get3A_22 = vector.load %arg2[%get3A_19, %get3A_20, %get3A_21] : memref<1x632x128xf32, #tpu.memory_space<vmem>>, vector<1x632x128xf32>
    %get3A_23 = vector.shape_cast %get3A_22 : vector<1x632x128xf32> to vector<632x128xf32>
    %mul3A = vector.broadcast %rsqrt3A : vector<632x1xf32> to vector<632x128xf32>
    %mul3A_24 = arith.mulf %get3A_23, %mul3A : vector<632x128xf32>
    %swap3A_25 = arith.constant 0 : index
    %swap3A_26 = arith.constant 0 : index
    %swap3A_27 = arith.constant 0 : index
    %swap3A_28 = vector.load %arg4[%swap3A_25, %swap3A_26, %swap3A_27] : memref<1x632x128xf32, #tpu.memory_space<vmem>>, vector<1x632x128xf32>
    %swap3A_29 = vector.shape_cast %swap3A_28 : vector<1x632x128xf32> to vector<632x128xf32>
    %swap3A_30 = vector.shape_cast %mul3A_24 : vector<632x128xf32> to vector<1x632x128xf32>
    tpu.vector_store %arg4[%swap3A_25, %swap3A_26, %swap3A_27], %swap3A_30 {strides = array<i32>} : memref<1x632x128xf32, #tpu.memory_space<vmem>>, vector<1x632x128xf32>,
    return
  }
  func.func @transform_0(%arg0: i32, %arg1: i32) -> (i32, i32, i32) {
    %c0_i32 = arith.constant 0 : i32
    %c0_i32_0 = arith.constant 0 : i32
    return %arg0, %arg1, %c0_i32 : i32, i32, i32
  }
  func.func @transform_1(%arg0: i32, %arg1: i32) -> (i32, i32, i32, i32) {
    %c0_i32 = arith.constant 0 : i32
    %c0_i32_0 = arith.constant 0 : i32
    %c0_i32_1 = arith.constant 0 : i32
    return %c0_i32, %arg0, %arg1, %c0_i32_0 : i32, i32, i32, i32
  }
  func.func @transform_2(%arg0: i32, %arg1: i32) -> (i32, i32, i32) {
    %c0_i32 = arith.constant 0 : i32
    %c0_i32_0 = arith.constant 0 : i32
    return %arg0, %arg1, %c0_i32 : i32, i32, i32
  }
  func.func @transform_3(%arg0: i32, %arg1: i32) -> (i32, i32, i32) {
    %c0_i32 = arith.constant 0 : i32
    %c0_i32_0 = arith.constant 0 : i32
    return %arg0, %arg1, %c0_i32 : i32, i32, i32
  }
}

module attributes {stable_mosaic.version = 14 : i64} {
  func.func @_att_body(%arg0: i32, %arg1: memref<2x3x632x128xf32, #tpu.memory_space<vmem>>, %arg2: memref<3x632x128xf32, #tpu.memory_space<vmem>>, %arg3: memref<3x632x1xf32, #tpu.memory_space<vmem>>, %arg4: memref<3x128xf32, #tpu.memory_space<vmem>>, %arg5: memref<128x128xf32, #tpu.memory_space<vmem>>, %arg6: memref<1x128xf32, #tpu.memory_space<vmem>>, %arg7: memref<128x1xf32, #tpu.memory_space<vmem>>, %arg8: memref<632x128xf32, #tpu.memory_space<vmem>>) attributes {dimension_semantics = [#tpu.dimension_semantics<arbitrary>], iteration_bounds = array<i64: 16>, scalar_prefetch = 0 : i64, scratch_operands = 0 : i64, tpu.core_type = #tpu.core_type<tc>, window_params = [{transform_indices = @transform_0, window_bounds = array<i64: 2, 3, 632, 128>}, {transform_indices = @transform_1, window_bounds = array<i64: 3, 632, 128>}, {transform_indices = @transform_2, window_bounds = array<i64: 3, 632, 1>}, {pipeline_mode = #tpu.pipeline_mode<synchronous>, transform_indices = @transform_3, window_bounds = array<i64: 3, 128>}, {pipeline_mode = #tpu.pipeline_mode<synchronous>, transform_indices = @transform_4, window_bounds = array<i64: 128, 128>}, {pipeline_mode = #tpu.pipeline_mode<synchronous>, transform_indices = @transform_5, window_bounds = array<i64: 1, 128>}, {pipeline_mode = #tpu.pipeline_mode<synchronous>, transform_indices = @transform_6, window_bounds = array<i64: 128, 1>}, {transform_indices = @transform_7, window_bounds = array<i64: 632, 128>}]} {
    %get3A = arith.constant 0 : index
    %get3A_0 = arith.constant 0 : index
    %get3A_1 = arith.constant 0 : index
    %get3A_2 = vector.load %arg3[%get3A, %get3A_0, %get3A_1] : memref<3x632x1xf32, #tpu.memory_space<vmem>>, vector<1x632x1xf32>
    %get3A_3 = vector.shape_cast %get3A_2 : vector<1x632x1xf32> to vector<632x1xf32>
    %get3A_4 = arith.constant 0 : index
    %get3A_5 = arith.constant 0 : index
    %get3A_6 = arith.constant 0 : index
    %get3A_7 = arith.constant 0 : index
    %get3A_8 = vector.load %arg1[%get3A_4, %get3A_5, %get3A_6, %get3A_7] : memref<2x3x632x128xf32, #tpu.memory_space<vmem>>, vector<1x1x632x128xf32>
    %get3A_9 = vector.shape_cast %get3A_8 : vector<1x1x632x128xf32> to vector<632x128xf32>
    %get3A_10 = arith.constant 1 : index
    %get3A_11 = arith.constant 0 : index
    %get3A_12 = arith.constant 0 : index
    %get3A_13 = arith.constant 0 : index
    %get3A_14 = vector.load %arg1[%get3A_10, %get3A_11, %get3A_12, %get3A_13] : memref<2x3x632x128xf32, #tpu.memory_space<vmem>>, vector<1x1x632x128xf32>
    %get3A_15 = vector.shape_cast %get3A_14 : vector<1x1x632x128xf32> to vector<632x128xf32>
    %add3A = arith.addf %get3A_9, %get3A_15 : vector<632x128xf32>
    %mul3A = vector.broadcast %get3A_3 : vector<632x1xf32> to vector<632x128xf32>
    %mul3A_16 = arith.mulf %mul3A, %add3A : vector<632x128xf32>
    %get3A_17 = arith.constant 0 : index
    %get3A_18 = arith.constant 0 : index
    %get3A_19 = arith.constant 0 : index
    %get3A_20 = vector.load %arg2[%get3A_17, %get3A_18, %get3A_19] : memref<3x632x128xf32, #tpu.memory_space<vmem>>, vector<1x632x128xf32>
    %get3A_21 = vector.shape_cast %get3A_20 : vector<1x632x128xf32> to vector<632x128xf32>
    %mul3A_22 = arith.mulf %get3A_3, %get3A_3 : vector<632x1xf32>
    %mul3A_23 = vector.broadcast %mul3A_22 : vector<632x1xf32> to vector<632x128xf32>
    %mul3A_24 = arith.mulf %get3A_21, %mul3A_23 : vector<632x128xf32>
    %add3A_25 = arith.addf %mul3A_16, %mul3A_24 : vector<632x128xf32>
    %get3A_26 = arith.constant 0 : index
    %get3A_27 = arith.constant 0 : index
    %get3A_28 = vector.load %arg4[%get3A_26, %get3A_27] : memref<3x128xf32, #tpu.memory_space<vmem>>, vector<1x128xf32>
    %get3A_29 = vector.shape_cast %get3A_28 : vector<1x128xf32> to vector<128xf32>
    %broadcast_in_dim3A = vector.shape_cast %get3A_29 : vector<128xf32> to vector<1x128xf32>
    %add3A_30 = vector.broadcast %broadcast_in_dim3A : vector<1x128xf32> to vector<632x128xf32>
    %add3A_31 = arith.addf %add3A_25, %add3A_30 : vector<632x128xf32>
    %get3A_32 = arith.constant 0 : index
    %get3A_33 = arith.constant 0 : index
    %get3A_34 = vector.load %arg5[%get3A_32, %get3A_33] : memref<128x128xf32, #tpu.memory_space<vmem>>, vector<128x128xf32>
    %dot_general3A = arith.constant dense<0.000000e+00> : vector<632x128xf32>
    %dot_general3A_35 = tpu.matmul %add3A_31, %get3A_34, %dot_general3A {dimension_numbers = #tpu.dot_dimension_numbers<[1], [0], [0], [1], [0, 0, 1, 1], [], []>, precision = #tpu.contract_precision<fp32>, transpose_lhs_hint = false} : vector<632x128xf32>, vector<128x128xf32>, vector<632x128xf32> -> vector<632x128xf32>
    %get3A_36 = arith.constant 0 : index
    %get3A_37 = arith.constant 0 : index
    %get3A_38 = vector.load %arg6[%get3A_36, %get3A_37] : memref<1x128xf32, #tpu.memory_space<vmem>>, vector<1x128xf32>
    %get3A_39 = vector.shape_cast %get3A_38 : vector<1x128xf32> to vector<128xf32>
    %broadcast_in_dim3A_40 = vector.shape_cast %get3A_39 : vector<128xf32> to vector<1x128xf32>
    %add3A_41 = vector.broadcast %broadcast_in_dim3A_40 : vector<1x128xf32> to vector<632x128xf32>
    %add3A_42 = arith.addf %dot_general3A_35, %add3A_41 : vector<632x128xf32>
    %tanh3A = math.tanh %add3A_42 : vector<632x128xf32>
    %get3A_43 = arith.constant 0 : index
    %get3A_44 = arith.constant 0 : index
    %get3A_45 = vector.load %arg7[%get3A_43, %get3A_44] : memref<128x1xf32, #tpu.memory_space<vmem>>, vector<128x1xf32>
    %dot_general3A_46 = arith.constant dense<0.000000e+00> : vector<632x1xf32>
    %dot_general3A_47 = tpu.matmul %tanh3A, %get3A_45, %dot_general3A_46 {dimension_numbers = #tpu.dot_dimension_numbers<[1], [0], [0], [1], [0, 0, 1, 1], [], []>, precision = #tpu.contract_precision<fp32>, transpose_lhs_hint = false} : vector<632x128xf32>, vector<128x1xf32>, vector<632x1xf32> -> vector<632x1xf32>
    %get3A_48 = arith.constant 1 : index
    %get3A_49 = arith.constant 0 : index
    %get3A_50 = arith.constant 0 : index
    %get3A_51 = vector.load %arg3[%get3A_48, %get3A_49, %get3A_50] : memref<3x632x1xf32, #tpu.memory_space<vmem>>, vector<1x632x1xf32>
    %get3A_52 = vector.shape_cast %get3A_51 : vector<1x632x1xf32> to vector<632x1xf32>
    %get3A_53 = arith.constant 0 : index
    %get3A_54 = arith.constant 1 : index
    %get3A_55 = arith.constant 0 : index
    %get3A_56 = arith.constant 0 : index
    %get3A_57 = vector.load %arg1[%get3A_53, %get3A_54, %get3A_55, %get3A_56] : memref<2x3x632x128xf32, #tpu.memory_space<vmem>>, vector<1x1x632x128xf32>
    %get3A_58 = vector.shape_cast %get3A_57 : vector<1x1x632x128xf32> to vector<632x128xf32>
    %get3A_59 = arith.constant 1 : index
    %get3A_60 = arith.constant 1 : index
    %get3A_61 = arith.constant 0 : index
    %get3A_62 = arith.constant 0 : index
    %get3A_63 = vector.load %arg1[%get3A_59, %get3A_60, %get3A_61, %get3A_62] : memref<2x3x632x128xf32, #tpu.memory_space<vmem>>, vector<1x1x632x128xf32>
    %get3A_64 = vector.shape_cast %get3A_63 : vector<1x1x632x128xf32> to vector<632x128xf32>
    %add3A_65 = arith.addf %get3A_58, %get3A_64 : vector<632x128xf32>
    %mul3A_66 = vector.broadcast %get3A_52 : vector<632x1xf32> to vector<632x128xf32>
    %mul3A_67 = arith.mulf %mul3A_66, %add3A_65 : vector<632x128xf32>
    %get3A_68 = arith.constant 1 : index
    %get3A_69 = arith.constant 0 : index
    %get3A_70 = arith.constant 0 : index
    %get3A_71 = vector.load %arg2[%get3A_68, %get3A_69, %get3A_70] : memref<3x632x128xf32, #tpu.memory_space<vmem>>, vector<1x632x128xf32>
    %get3A_72 = vector.shape_cast %get3A_71 : vector<1x632x128xf32> to vector<632x128xf32>
    %mul3A_73 = arith.mulf %get3A_52, %get3A_52 : vector<632x1xf32>
    %mul3A_74 = vector.broadcast %mul3A_73 : vector<632x1xf32> to vector<632x128xf32>
    %mul3A_75 = arith.mulf %get3A_72, %mul3A_74 : vector<632x128xf32>
    %add3A_76 = arith.addf %mul3A_67, %mul3A_75 : vector<632x128xf32>
    %get3A_77 = arith.constant 1 : index
    %get3A_78 = arith.constant 0 : index
    %get3A_79 = vector.load %arg4[%get3A_77, %get3A_78] : memref<3x128xf32, #tpu.memory_space<vmem>>, vector<1x128xf32>
    %get3A_80 = vector.shape_cast %get3A_79 : vector<1x128xf32> to vector<128xf32>
    %broadcast_in_dim3A_81 = vector.shape_cast %get3A_80 : vector<128xf32> to vector<1x128xf32>
    %add3A_82 = vector.broadcast %broadcast_in_dim3A_81 : vector<1x128xf32> to vector<632x128xf32>
    %add3A_83 = arith.addf %add3A_76, %add3A_82 : vector<632x128xf32>
    %get3A_84 = arith.constant 0 : index
    %get3A_85 = arith.constant 0 : index
    %get3A_86 = vector.load %arg5[%get3A_84, %get3A_85] : memref<128x128xf32, #tpu.memory_space<vmem>>, vector<128x128xf32>
    %dot_general3A_87 = arith.constant dense<0.000000e+00> : vector<632x128xf32>
    %dot_general3A_88 = tpu.matmul %add3A_83, %get3A_86, %dot_general3A_87 {dimension_numbers = #tpu.dot_dimension_numbers<[1], [0], [0], [1], [0, 0, 1, 1], [], []>, precision = #tpu.contract_precision<fp32>, transpose_lhs_hint = false} : vector<632x128xf32>, vector<128x128xf32>, vector<632x128xf32> -> vector<632x128xf32>
    %get3A_89 = arith.constant 0 : index
    %get3A_90 = arith.constant 0 : index
    %get3A_91 = vector.load %arg6[%get3A_89, %get3A_90] : memref<1x128xf32, #tpu.memory_space<vmem>>, vector<1x128xf32>
    %get3A_92 = vector.shape_cast %get3A_91 : vector<1x128xf32> to vector<128xf32>
    %broadcast_in_dim3A_93 = vector.shape_cast %get3A_92 : vector<128xf32> to vector<1x128xf32>
    %add3A_94 = vector.broadcast %broadcast_in_dim3A_93 : vector<1x128xf32> to vector<632x128xf32>
    %add3A_95 = arith.addf %dot_general3A_88, %add3A_94 : vector<632x128xf32>
    %tanh3A_96 = math.tanh %add3A_95 : vector<632x128xf32>
    %get3A_97 = arith.constant 0 : index
    %get3A_98 = arith.constant 0 : index
    %get3A_99 = vector.load %arg7[%get3A_97, %get3A_98] : memref<128x1xf32, #tpu.memory_space<vmem>>, vector<128x1xf32>
    %dot_general3A_100 = arith.constant dense<0.000000e+00> : vector<632x1xf32>
    %dot_general3A_101 = tpu.matmul %tanh3A_96, %get3A_99, %dot_general3A_100 {dimension_numbers = #tpu.dot_dimension_numbers<[1], [0], [0], [1], [0, 0, 1, 1], [], []>, precision = #tpu.contract_precision<fp32>, transpose_lhs_hint = false} : vector<632x128xf32>, vector<128x1xf32>, vector<632x1xf32> -> vector<632x1xf32>
    %get3A_102 = arith.constant 2 : index
    %get3A_103 = arith.constant 0 : index
    %get3A_104 = arith.constant 0 : index
    %get3A_105 = vector.load %arg3[%get3A_102, %get3A_103, %get3A_104] : memref<3x632x1xf32, #tpu.memory_space<vmem>>, vector<1x632x1xf32>
    %get3A_106 = vector.shape_cast %get3A_105 : vector<1x632x1xf32> to vector<632x1xf32>
    %get3A_107 = arith.constant 0 : index
    %get3A_108 = arith.constant 2 : index
    %get3A_109 = arith.constant 0 : index
    %get3A_110 = arith.constant 0 : index
    %get3A_111 = vector.load %arg1[%get3A_107, %get3A_108, %get3A_109, %get3A_110] : memref<2x3x632x128xf32, #tpu.memory_space<vmem>>, vector<1x1x632x128xf32>
    %get3A_112 = vector.shape_cast %get3A_111 : vector<1x1x632x128xf32> to vector<632x128xf32>
    %get3A_113 = arith.constant 1 : index
    %get3A_114 = arith.constant 2 : index
    %get3A_115 = arith.constant 0 : index
    %get3A_116 = arith.constant 0 : index
    %get3A_117 = vector.load %arg1[%get3A_113, %get3A_114, %get3A_115, %get3A_116] : memref<2x3x632x128xf32, #tpu.memory_space<vmem>>, vector<1x1x632x128xf32>
    %get3A_118 = vector.shape_cast %get3A_117 : vector<1x1x632x128xf32> to vector<632x128xf32>
    %add3A_119 = arith.addf %get3A_112, %get3A_118 : vector<632x128xf32>
    %mul3A_120 = vector.broadcast %get3A_106 : vector<632x1xf32> to vector<632x128xf32>
    %mul3A_121 = arith.mulf %mul3A_120, %add3A_119 : vector<632x128xf32>
    %get3A_122 = arith.constant 2 : index
    %get3A_123 = arith.constant 0 : index
    %get3A_124 = arith.constant 0 : index
    %get3A_125 = vector.load %arg2[%get3A_122, %get3A_123, %get3A_124] : memref<3x632x128xf32, #tpu.memory_space<vmem>>, vector<1x632x128xf32>
    %get3A_126 = vector.shape_cast %get3A_125 : vector<1x632x128xf32> to vector<632x128xf32>
    %mul3A_127 = arith.mulf %get3A_106, %get3A_106 : vector<632x1xf32>
    %mul3A_128 = vector.broadcast %mul3A_127 : vector<632x1xf32> to vector<632x128xf32>
    %mul3A_129 = arith.mulf %get3A_126, %mul3A_128 : vector<632x128xf32>
    %add3A_130 = arith.addf %mul3A_121, %mul3A_129 : vector<632x128xf32>
    %get3A_131 = arith.constant 2 : index
    %get3A_132 = arith.constant 0 : index
    %get3A_133 = vector.load %arg4[%get3A_131, %get3A_132] : memref<3x128xf32, #tpu.memory_space<vmem>>, vector<1x128xf32>
    %get3A_134 = vector.shape_cast %get3A_133 : vector<1x128xf32> to vector<128xf32>
    %broadcast_in_dim3A_135 = vector.shape_cast %get3A_134 : vector<128xf32> to vector<1x128xf32>
    %add3A_136 = vector.broadcast %broadcast_in_dim3A_135 : vector<1x128xf32> to vector<632x128xf32>
    %add3A_137 = arith.addf %add3A_130, %add3A_136 : vector<632x128xf32>
    %get3A_138 = arith.constant 0 : index
    %get3A_139 = arith.constant 0 : index
    %get3A_140 = vector.load %arg5[%get3A_138, %get3A_139] : memref<128x128xf32, #tpu.memory_space<vmem>>, vector<128x128xf32>
    %dot_general3A_141 = arith.constant dense<0.000000e+00> : vector<632x128xf32>
    %dot_general3A_142 = tpu.matmul %add3A_137, %get3A_140, %dot_general3A_141 {dimension_numbers = #tpu.dot_dimension_numbers<[1], [0], [0], [1], [0, 0, 1, 1], [], []>, precision = #tpu.contract_precision<fp32>, transpose_lhs_hint = false} : vector<632x128xf32>, vector<128x128xf32>, vector<632x128xf32> -> vector<632x128xf32>
    %get3A_143 = arith.constant 0 : index
    %get3A_144 = arith.constant 0 : index
    %get3A_145 = vector.load %arg6[%get3A_143, %get3A_144] : memref<1x128xf32, #tpu.memory_space<vmem>>, vector<1x128xf32>
    %get3A_146 = vector.shape_cast %get3A_145 : vector<1x128xf32> to vector<128xf32>
    %broadcast_in_dim3A_147 = vector.shape_cast %get3A_146 : vector<128xf32> to vector<1x128xf32>
    %add3A_148 = vector.broadcast %broadcast_in_dim3A_147 : vector<1x128xf32> to vector<632x128xf32>
    %add3A_149 = arith.addf %dot_general3A_142, %add3A_148 : vector<632x128xf32>
    %tanh3A_150 = math.tanh %add3A_149 : vector<632x128xf32>
    %get3A_151 = arith.constant 0 : index
    %get3A_152 = arith.constant 0 : index
    %get3A_153 = vector.load %arg7[%get3A_151, %get3A_152] : memref<128x1xf32, #tpu.memory_space<vmem>>, vector<128x1xf32>
    %dot_general3A_154 = arith.constant dense<0.000000e+00> : vector<632x1xf32>
    %dot_general3A_155 = tpu.matmul %tanh3A_150, %get3A_153, %dot_general3A_154 {dimension_numbers = #tpu.dot_dimension_numbers<[1], [0], [0], [1], [0, 0, 1, 1], [], []>, precision = #tpu.contract_precision<fp32>, transpose_lhs_hint = false} : vector<632x128xf32>, vector<128x1xf32>, vector<632x1xf32> -> vector<632x1xf32>
    %max3A = arith.maximumf %dot_general3A_101, %dot_general3A_155 : vector<632x1xf32>
    %max3A_156 = arith.maximumf %dot_general3A_47, %max3A : vector<632x1xf32>
    %sub3A = arith.subf %dot_general3A_47, %max3A_156 : vector<632x1xf32>
    %exp3A = math.exp %sub3A : vector<632x1xf32>
    %sub3A_157 = arith.subf %dot_general3A_101, %max3A_156 : vector<632x1xf32>
    %exp3A_158 = math.exp %sub3A_157 : vector<632x1xf32>
    %sub3A_159 = arith.subf %dot_general3A_155, %max3A_156 : vector<632x1xf32>
    %exp3A_160 = math.exp %sub3A_159 : vector<632x1xf32>
    %add3A_161 = arith.addf %exp3A, %exp3A_158 : vector<632x1xf32>
    %add3A_162 = arith.addf %add3A_161, %exp3A_160 : vector<632x1xf32>
    %mul3A_163 = vector.broadcast %exp3A : vector<632x1xf32> to vector<632x128xf32>
    %mul3A_164 = arith.mulf %mul3A_163, %add3A_31 : vector<632x128xf32>
    %mul3A_165 = vector.broadcast %exp3A_158 : vector<632x1xf32> to vector<632x128xf32>
    %mul3A_166 = arith.mulf %mul3A_165, %add3A_83 : vector<632x128xf32>
    %add3A_167 = arith.addf %mul3A_164, %mul3A_166 : vector<632x128xf32>
    %mul3A_168 = vector.broadcast %exp3A_160 : vector<632x1xf32> to vector<632x128xf32>
    %mul3A_169 = arith.mulf %mul3A_168, %add3A_137 : vector<632x128xf32>
    %add3A_170 = arith.addf %add3A_167, %mul3A_169 : vector<632x128xf32>
    %div3A = vector.broadcast %add3A_162 : vector<632x1xf32> to vector<632x128xf32>
    %div3A_171 = arith.divf %add3A_170, %div3A : vector<632x128xf32>
    %swap3A = arith.constant 0 : index
    %swap3A_172 = arith.constant 0 : index
    %swap3A_173 = vector.load %arg8[%swap3A, %swap3A_172] : memref<632x128xf32, #tpu.memory_space<vmem>>, vector<632x128xf32>
    tpu.vector_store %arg8[%swap3A, %swap3A_172], %div3A_171 {strides = array<i32>} : memref<632x128xf32, #tpu.memory_space<vmem>>, vector<632x128xf32>,
    return
  }
  func.func @transform_0(%arg0: i32) -> (i32, i32, i32, i32) {
    %c0_i32 = arith.constant 0 : i32
    %c0_i32_0 = arith.constant 0 : i32
    %c0_i32_1 = arith.constant 0 : i32
    %c0_i32_2 = arith.constant 0 : i32
    return %c0_i32, %c0_i32_0, %arg0, %c0_i32_1 : i32, i32, i32, i32
  }
  func.func @transform_1(%arg0: i32) -> (i32, i32, i32) {
    %c0_i32 = arith.constant 0 : i32
    %c0_i32_0 = arith.constant 0 : i32
    %c0_i32_1 = arith.constant 0 : i32
    return %c0_i32, %arg0, %c0_i32_0 : i32, i32, i32
  }
  func.func @transform_2(%arg0: i32) -> (i32, i32, i32) {
    %c0_i32 = arith.constant 0 : i32
    %c0_i32_0 = arith.constant 0 : i32
    %c0_i32_1 = arith.constant 0 : i32
    return %c0_i32, %arg0, %c0_i32_0 : i32, i32, i32
  }
  func.func @transform_3(%arg0: i32) -> (i32, i32) {
    %c0_i32 = arith.constant 0 : i32
    %c0_i32_0 = arith.constant 0 : i32
    %c0_i32_1 = arith.constant 0 : i32
    return %c0_i32, %c0_i32_0 : i32, i32
  }
  func.func @transform_4(%arg0: i32) -> (i32, i32) {
    %c0_i32 = arith.constant 0 : i32
    %c0_i32_0 = arith.constant 0 : i32
    %c0_i32_1 = arith.constant 0 : i32
    return %c0_i32, %c0_i32_0 : i32, i32
  }
  func.func @transform_5(%arg0: i32) -> (i32, i32) {
    %c0_i32 = arith.constant 0 : i32
    %c0_i32_0 = arith.constant 0 : i32
    %c0_i32_1 = arith.constant 0 : i32
    return %c0_i32, %c0_i32_0 : i32, i32
  }
  func.func @transform_6(%arg0: i32) -> (i32, i32) {
    %c0_i32 = arith.constant 0 : i32
    %c0_i32_0 = arith.constant 0 : i32
    %c0_i32_1 = arith.constant 0 : i32
    return %c0_i32, %c0_i32_0 : i32, i32
  }
  func.func @transform_7(%arg0: i32) -> (i32, i32) {
    %c0_i32 = arith.constant 0 : i32
    %c0_i32_0 = arith.constant 0 : i32
    return %arg0, %c0_i32 : i32, i32
  }
}

</mosaic_0001>

<sc_bundles>
// kernel: kernel.10.cloned.1.call-start
scs
__scs_entry_jumppad:
0x0: {  	(pc) =	sbr.rel $0x88, $3  }
0x1: {  	(tag) =	ssettag $0x0;
	lr =	simm.s32 $0x1  }
0x2: {  	[smem:$0x3F98] =	sst lr;
	_ =	strace $0xD0000000  }
0x3: {  	_ = 	snop  }
0x4: {  	_ = 	snop  }
0x5: {  	_ = 	snop  }
0x6: {  	_ = 	snop  }
0x7: {  	_ = 	snop  }
__scs_overlays_trampoline_lowered:
0x8: {  	[smem:$0x3FA7] =	sst s0  }
0x9: {  	[smem:$0x3FA8] =	sst s1  }
0xa: {  	[smem:$0x3FA9] =	sst s2  }
0xb: {  	[smem:$0x3FAA] =	sst s3  }
0xc: {  	[smem:$0x3FAB] =	sst s4  }
0xd: {  	[smem:$0x3FAC] =	sst s5  }
0xe: {  	[smem:$0x3FAD] =	sst s6  }
0xf: {  	[smem:$0x3FAE] =	sst s7  }
0x10: {  	[smem:$0x3FAF] =	sst s8  }
0x11: {  	[smem:$0x3FB0] =	sst s9;
	s0 =	simm.s32 @!p0 $0x0  }
0x12: {  	s1 =	sld [smem:$0x3F96];
	s0 =	simm.s32 @p0 $0x1  }
0x13: {  	[smem:$0x3FB1] =	sst s0;
	s0 =	simm.s32 @!p1 $0x0  }
0x14: {  	s2 =	sld [smem:$0x3F95];
	s0 =	simm.s32 @p1 $0x1  }
0x15: {  	[smem:$0x3FB2] =	sst s0;
	s0 =	simm.s32 @!p2 $0x0  }
0x16: {  	s3 =	sld [smem:$0x3FDB];
	s0 =	simm.s32 @p2 $0x1  }
0x17: {  	s4 =	simm.s32 $0x1BF5;
	[smem:$0x3FB4] =	sst s0  }
0x18: {  	s0 =	sld [smem:$0x3F97];
	_ =	swait.ge [sflag:s4], $0x0  }
0x19: {  	s7 =	sld [smem:$0x3F98]  }
0x1a: {  	s8 =	sadd.s32 $0xFFFFE003, lr  }
0x1b: {  	s9 =	sadd.s32 $0xFFFFFEF7, lr;
	s5 =	simm.s32 $0xFFFFFFFF;
	p2 =	slt.u32 s8, $0xFFFFF086  }
0x1c: {  	p1 =	slt.u32 s9, $0xF7A;
	s5 =	simm.s32 @!p2 $0x0  }
0x1d: {  	s5 =	simm.s32 @p1 $0x1;
	p0 =	seq.s32 s7, s2  }
0x1e: {  	s7 =	smul.u32 @!p0 $0xF7A, s2;
	p2 =	seq.s32 @!p0 s5, $0x0  }
0x1f: {  	s9 =	smul.u32 $0xF7A, s1;
	s8 =	simm.s32 @!p0 $0x1BF5;
	p2 =	por !p2, p0  }
0x20: {  	[sflag:s8] =	ssyncset.s32 @!p0 $0xFFFFF086;
	s6 =	sadd.s32 @!p0 s3, s7;
	s7 =	simm.s32 @!p0 $0x108  }
0x21: {  	s3 =	sadd.s32 s3, s9;
	s6 =	sadd.s32 @!p0 $0x88, s6;
	s7 =	simm.s32 @p2 $0x1082  }
0x22: {  	[simem:s7], [sflag:s8] =	dma.local @!p0 [hbm:s6], $0xF7A  }
0x23: {  	s9 =	sor.u32 $0xD0000000, s2;
	s6 =	simm.s32 $0x108;
	_ =	swait.ge @!p0 [sflag:s8], $0x0  }
0x24: {  	s3 =	sadd.s32 $0x88, s3;
	s6 =	simm.s32 @!p1 $0x1082;
	[sflag:s4] =	ssyncset.s32 $0xFFFFF086  }
0x25: {  	[simem:s6], [sflag:s4] =	dma.local [hbm:s3], $0xF7A  }
0x26: {  	[smem:$0x3F98] =	sst s1;
	(tag) =	ssettag s2;
	_ =	strace s9  }
0x27: {  	s1 =	sld [smem:$0x3FA8]  }
0x28: {  	s2 =	sld [smem:$0x3FA9]  }
0x29: {  	s4 =	sld [smem:$0x3FAB]  }
0x2a: {  	p0 =	seq.s32 s5, $0x0;
	s5 =	sld [smem:$0x3FAC]  }
0x2b: {  	s6 =	sld [smem:$0x3FAD]  }
0x2c: {  	s7 =	sld [smem:$0x3FAE]  }
0x2d: {  	s3 =	simm.s32 $0x108;
	s8 =	sld [smem:$0x3FAF]  }
0x2e: {  	s3 =	simm.s32 @!p0 $0x1082;
	s9 =	sld [smem:$0x3FB0]  }
0x2f: {  	lr =	sadd.s32 s0, s3;
	s0 =	sld [smem:$0x3FA7]  }
0x30: {  	s3 =	sld [smem:$0x3FAA]  }
0x31: {  	[smem:$0x3FB3] =	sst s10  }
0x32: {  	s10 =	sld [smem:$0x3FB1];
	_ =	sdelay $0x3  }
0x33: {  	p0 =	seq.s32 s10, $0x1;
	s10 =	sld [smem:$0x3FB3];
	_ =	sdelay $0x3  }
0x34: {  	[smem:$0x3FB3] =	sst s10  }
0x35: {  	s10 =	sld [smem:$0x3FB2];
	_ =	sdelay $0x3  }
0x36: {  	p1 =	seq.s32 s10, $0x1;
	s10 =	sld [smem:$0x3FB3];
	_ =	sdelay $0x3  }
0x37: {  	[smem:$0x3FB3] =	sst s10  }
0x38: {  	s10 =	sld [smem:$0x3FB4]  }
0x39: {  	_ = 	snop;
	(pc) =	sbr.ind lr, $3  }
0x3a: {  	_ = 	snop  }
0x3b: {  	_ = 	snop  }
0x3c: {  	p2 =	seq.s32 s10, $0x1;
	s10 =	sld [smem:$0x3FB3]  }
0x3d: {  	_ =	shalt  }
0x3e: {  	_ =	shalt  }
0x3f: {  	_ =	shalt  }
0x40: {  	_ =	shalt  }
0x41: {  	_ =	shalt  }
0x42: {  	_ =	shalt  }
0x43: {  	_ =	shalt  }
0x44: {  	_ =	shalt  }
0x45: {  	_ =	shalt  }
0x46: {  	_ =	shalt  }
0x47: {  	_ =	shalt  }
0x48: {  	_ =	shalt  }
0x49: {  	_ =	shalt  }
0x4a: {  	_ =	shalt  }
0x4b: {  	_ =	shalt  }
0x4c: {  	_ =	shalt  }
0x4d: {  	_ =	shalt  }
0x4e: {  	_ =	shalt  }
0x4f: {  	_ =	shalt  }
0x50: {  	_ =	shalt  }
0x51: {  	_ =	shalt  }
0x52: {  	_ =	shalt  }
0x53: {  	_ =	shalt  }
0x54: {  	_ =	shalt  }
0x55: {  	_ =	shalt  }
0x56: {  	_ =	shalt  }
0x57: {  	_ =	shalt  }
0x58: {  	_ =	shalt  }
0x59: {  	_ =	shalt  }
0x5a: {  	_ =	shalt  }
0x5b: {  	_ =	shalt  }
0x5c: {  	_ =	shalt  }
0x5d: {  	_ =	shalt  }
0x5e: {  	_ =	shalt  }
0x5f: {  	_ =	shalt  }
0x60: {  	_ =	shalt  }
0x61: {  	_ =	shalt  }
0x62: {  	_ =	shalt  }
0x63: {  	_ =	shalt  }
0x64: {  	_ =	shalt  }
0x65: {  	_ =	shalt  }
0x66: {  	_ =	shalt  }
0x67: {  	_ =	shalt  }
0x68: {  	_ =	shalt  }
0x69: {  	_ =	shalt  }
0x6a: {  	_ =	shalt  }
0x6b: {  	_ =	shalt  }
0x6c: {  	_ =	shalt  }
0x6d: {  	_ =	shalt  }
0x6e: {  	_ =	shalt  }
0x6f: {  	_ =	shalt  }
0x70: {  	_ =	shalt  }
0x71: {  	_ =	shalt  }
0x72: {  	_ =	shalt  }
0x73: {  	_ =	shalt  }
0x74: {  	_ =	shalt  }
0x75: {  	_ =	shalt  }
0x76: {  	_ =	shalt  }
0x77: {  	_ =	shalt  }
0x78: {  	_ =	shalt  }
0x79: {  	_ =	shalt  }
0x7a: {  	_ =	shalt  }
0x7b: {  	_ =	shalt  }
0x7c: {  	_ =	shalt  }
0x7d: {  	_ =	shalt  }
0x7e: {  	_ =	shalt  }
0x7f: {  	_ =	shalt  }
0x80: {  	_ =	shalt  }
0x81: {  	_ =	shalt  }
0x82: {  	_ =	shalt  }
0x83: {  	_ =	shalt  }
0x84: {  	_ =	shalt  }
0x85: {  	_ =	shalt  }
0x86: {  	_ =	shalt  }
0x87: {  	_ =	shalt  }
.Lfunc_end0:
.L_simem_size_0:
called_computation.1_lowered:
.L_overlay_start_0:
0x88: {  	s2 =	sld [smem:$0x3FD9]  }
0x89: {  	s3 =	sld [smem:$0x3FFE];
	_ =	sdelay $0x1  }
0x8a: {  	s1 =	srdreg.scid  }
0x8b: {  	s0 =	sand.u32 $0x1, s1  }
0x8c: {  	s17 =	sshll.u32 s0, $0xA;
	s2 =	sadd.s32 s3, s2  }
0x8d: {  	s2 =	sadd.s32 s2, s17  }
0x8e: {  	[smem:$0x3FBF] =	sst s2  }
0x8f: {  	_ = 	snop  }
0x90: {  	s2 =	sld [smem:$0x3FD0];
	(tm) =	ssettm $0x1  }
0x91: {  	s18 =	sld [smem:$0x3FFB];
	_ =	sdelay $0x3  }
0x92: {  	_ =	strace s18  }
0x93: {  	s3 =	sld [smem:$0x3FFC];
	_ =	sdelay $0x3  }
0x94: {  	_ =	strace s3  }
0x95: {  	s3 =	sld [smem:$0x3FFD];
	_ =	sdelay $0x3  }
0x96: {  	_ =	strace s3  }
0x97: {  	_ =	strace $0x8FFFFFFF  }
0x98: {  	s19 =	sld [smem:$0x3FDB];
	_ =	sdelay $0x1  }
0x99: {  	s4 =	simm.s32 $_scs_section_size  }
0x9a: {  	s5 =	simm.s32 $_size__tile_overlayer_lowered;
	s6 =	simm.s32 $_tile_overlayer_lowered  }
0x9b: {  	s22 =	simm.s32 $0x1BFF;
	s21 =	sshll.u32 s6, $0x1;
	s3 =	sadd.s32 s4, s19  }
0x9c: {  	s7 =	simm.s32 $0x0;
	s20 =	sshll.u32 s5, $0x1;
	s5 =	sadd.s32 s21, s3  }
0x9d: {  	[timem:s7], [sflag:s22] =	dma.local [hbm:s5], s20  }
0x9e: {  	_ =	swait.ge [sflag:s22], s20  }
0x9f: {  	s4 =	ssub.s32 $0x0, s20;
	[sflag:s22] =	ssyncset.done $0x0  }
0xa0: {  	[sflag:s22] =	ssyncadd.s32 s4;
	_ =	sdelay $0x1  }
0xa1: {  	s23 =	simm.s32 $0x1B8B  }
0xa2: {  	_ =	swait.ge [sflag:s23], $0x1  }
0xa3: {  	[sflag:s23] =	ssyncset.done $0x0  }
0xa4: {  	s25 =	simm.s32 $0x1B8E;
	s24 =	sld [smem:$0x3FFE];
	[sflag:s23] =	ssyncadd.s32 $0xFFFFFFFF  }
0xa5: {  	s26 =	simm.s32 $execute0_lowered;
	[smem:$0x3FD2] =	sst s25  }
0xa6: {  	s5 =	sshll.u32 s26, $0x1;
	_ =	strace $0x80000049;
	[dreg:$0x1] =	wrdreg $0xFFFFFFFF  }
0xa7: {  	s28 =	simm.s32 $_size_execute0_lowered;
	s3 =	sadd.s32 s3, s5;
	[dreg:$0x0] =	wrdreg $0x0  }
0xa8: {  	s5 =	sshll.u32 s28, $0x1;
	[dreg:$0x2] =	wrdreg s3  }
0xa9: {  	[dreg:$0x3] =	wrdreg s5  }
0xaa: {  	[dreg:$0x4] =	wrdreg $0xC0  }
0xab: {  	_ =	task [dreg:s7], $0x5FFFF  }
0xac: {  	[dreg:$0x1] =	wrdreg $0xFFFFFFFF  }
0xad: {  	[dreg:$0x0] =	wrdreg $0x60  }
0xae: {  	[dreg:$0x2] =	wrdreg s24  }
0xaf: {  	[dreg:$0x3] =	wrdreg s2  }
0xb0: {  	[dreg:$0x4] =	wrdreg $0x88000  }
0xb1: {  	[dreg:$0x5] =	wrdreg $0x9  }
0xb2: {  	_ =	task.clear_ibuf [dreg:s7], $0x6FFFF;
	_ =	strace $0x90000049  }
0xb3: {  	s29 =	simm.s32 $0x9;
	_ =	strace $0x8000004B  }
0xb4: {  	_ =	swait.ge [sflag:s29], $0x1  }
0xb5: {  	[sflag:s29] =	ssyncadd.s32 $0xFFFFFFFF  }
0xb6: {  	_ =	strace $0x9000004B  }
0xb7: {  	_ =	sfence  }
0xb8: {  	s30 =	sld [smem:$0x0];
	_ =	sdelay $0x2  }
0xb9: {  	s31 =	sshll.u32 s1, $0xD;
	s1 =	sshrl.u32 s1, $0x2  }
0xba: {  	s3 =	sand.u32 $0x4000, s31;
	s1 =	sadd.s32 s1, s30  }
0xbb: {  	s0 =	sor.u32 s3, s0;
	s1 =	sshll.u32 s1, $0x11  }
0xbc: {  	s0 =	sor.u32 s1, s0  }
0xbd: {  	s0 =	sadd.s32 $0x8F2B, s0  }
0xbe: {  	[sflag:s0] =	ssyncadd.remote.s32 $0x1  }
0xbf: {  	_ =	sfence.sel $0xFFFF  }
0xc0: {  	[dreg:$0x0] =	wrdreg $0xFFFFFFFF;
	(pc) =	sbr.abs _section_cstart, $3  }
0xc1: {  	[dreg:$0x1] =	wrdreg $0xFFFFFFFF  }
0xc2: {  	_ =	task.clear_ibuf [dreg:s7], $0x2FFFF;
	_ =	strace $0x9FFFFFFF  }
0xc3: {  	(tm) =	ssettm $0x7FFFFFFF  }
tec
execute0_lowered:
.L_overlay_start_1:
0x0: {  	(tag) =	ssettag $0x1  }
0x1: {  	s0 =	rddreg [dreg:$0x0]  }
0x2: {  	s1 =	rddreg [dreg:$0x1]  }
0x3: {  	s2 =	rddreg [dreg:$0x2]  }
0x4: {  	s4 =	srdreg.scid;
	s15 =	stileid.u32  }
0x5: {  	s3 =	simm.s32 $0x0;
	s28 =	simm.s32 $0x800;
	s29 =	simm.s32 $0x3  }
0x6: {  	s30 =	simm.s32 $0x400;
	s31 =	simm.s32 $0x80;
	s5 =	sand.u32 $0x1, s4  }
0x7: {  	s20 =	sshll.u32 s15, $0x1;
	[smem:$0x7FF] =	sst s3;
	s4 =	sadd.s32 $0x3800, s0  }
0x8: {  	s8 =	sadd.s32 $0xF0800, s0;
	s10 =	sadd.s32 $0x1FB800, s0;
	s14 =	sadd.s32 $0x52800, s0  }
0x9: {  	s25 =	sor.u32 $0x10, s15;
	s16 =	sor.u32 $0x30, s15;
	s12 =	smul.u32 $0x76800, s5  }
0xa: {  	s6 =	sor.u32 s5, s20;
	s9 =	ssub.s32 $0x2, s5;
	s5 =	smul.u32 $0x3B4000, s5  }
0xb: {  	s17 =	sor.u32 $0x40, s15;
	p0 =	seq.s32 s15, $0xF;
	s7 =	smul.u32 $0x500, s6  }
0xc: {  	_ =	strace $0x8000004A;
	s6 =	smul.u32 $0x2800, s6;
	s11 =	sshrl.u32 s9, $0x1  }
0xd: {  	s19 =	sshll.u32 s16, $0xE;
	s20 =	sshll.u32 s17, $0xE;
	s11 =	ssub.s32 s9, s11  }
0xe: {  	s12 =	sadd.s32 s10, s12;
	s5 =	sshrl.u32 s5, $0x3;
	s6 =	sshrl.u32 s6, $0x3  }
0xf: {  	s9 =	sadd.s32 s8, s7;
	s13 =	sadd.s32 s1, s7;
	[dreg:$0x7] =	wrdreg s12  }
0x10: {  	s5 =	sadd.s32 s10, s5;
	s10 =	sadd.s32 $0x2B000, s0;
	s0 =	sshll.u32 s25, $0xB  }
0x11: {  	s12 =	sor.u32 $0x20, s15;
	s21 =	sadd.s32 $0xA000, s6;
	[dreg:$0x12] =	wrdreg s0  }
0x12: {  	s6 =	sadd.s32 $0x14000, s6;
	s23 =	sadd.s32 $0x27800, s5;
	[dreg:$0x6] =	wrdreg s13  }
0x13: {  	s26 =	sadd.s32 $0x4F000, s5;
	s5 =	sshll.u32 s15, $0xE;
	[dreg:$0x9] =	wrdreg s23  }
0x14: {  	s18 =	sshll.u32 s12, $0xE;
	s22 =	sadd.s32 s8, s21;
	[dreg:$0xb] =	wrdreg s26  }
0x15: {  	s0 =	simm.s32 $0x4800;
	s7 =	sadd.s32 s1, s21;
	[dreg:$0x8] =	wrdreg s22  }
0x16: {  	s24 =	sadd.s32 s8, s6;
	s1 =	sadd.s32 s1, s6;
	[dreg:$0x4] =	wrdreg s7  }
0x17: {  	s8 =	smax.u32 s11, $0x1;
	s21 =	sadd.s32 s19, s2;
	[dreg:$0xa] =	wrdreg s24  }
0x18: {  	s23 =	sshll.u32 s12, $0xB;
	s26 =	sshll.u32 s15, $0xB;
	[dreg:$0x5] =	wrdreg s1  }
0x19: {  	s12 =	simm.s32 $0x100;
	s19 =	simm.s32 $0x600;
	[dreg:$0xc] =	wrdreg s8  }
0x1a: {  	s15 =	simm.s32 $0x780;
	s6 =	simm.s32 $0x0;
	[dreg:$0x10] =	wrdreg s21  }
0x1b: {  	s7 =	sshll.u32 s25, $0xE;
	s1 =	sadd.s32 s5, s2;
	[dreg:$0x13] =	wrdreg s23  }
0x1c: {  	s22 =	sadd.s32 s20, s2;
	s24 =	sshll.u32 s16, $0xB;
	[dreg:$0x16] =	wrdreg s26  }
0x1d: {  	s25 =	sshll.u32 s17, $0xB;
	s23 =	simm.s32 $0x480;
	[dreg:$0xd] =	wrdreg s1  }
0x1e: {  	s26 =	simm.s32 $0x200;
	s17 =	simm.s32 $0x580;
	[dreg:$0x11] =	wrdreg s22  }
0x1f: {  	s20 =	simm.s32 $0x300;
	s21 =	simm.s32 $0x680;
	[dreg:$0x14] =	wrdreg s24  }
0x20: {  	s11 =	sadd.s32 s7, s2;
	s7 =	sadd.s32 s18, s2;
	[dreg:$0x15] =	wrdreg s25  }
0x21: {  	s1 =	simm.s32 $0x1;
	s22 =	simm.s32 $0x2;
	s24 =	simm.s32 $0x180  }
0x22: {  	s25 =	simm.s32 $0x500;
	s18 =	simm.s32 $0x280;
	[dreg:$0xe] =	wrdreg s11  }
0x23: {  	v0 =	vimm.f32 $0.0e+00;
	[dreg:$0xf] =	wrdreg s7;
	s7 =	simm.s32 $0x380;
	s11 =	simm.s32 $0x700  }
.LBB2_1:
0x24: {  	[dreg:$0x17] =	wrdreg s6;
	s5 =	simm.s32 $0x0;
	s6 =	simm.s32 $0x200  }
.LBB2_2:
0x25: {  	p1 =	sne.s32 s6, $0xFE00;
	[tilespmem:s5+$0x870] =	vst v0  }
0x26: {  	[tilespmem:s5+$0x800] =	vst v0  }
0x27: {  	[tilespmem:s5+$0x810] =	vst v0  }
.Ltmp0:
0x28: {  	[tilespmem:s5+$0x820] =	vst v0;
	(pc) =	sbr.rel @p1 .LBB2_2-.Ltmp0, $4  }
0x29: {  	[tilespmem:s5+$0x830] =	vst v0  }
0x2a: {  	[tilespmem:s5+$0x840] =	vst v0  }
0x2b: {  	[tilespmem:s5+$0x850] =	vst v0  }
0x2c: {  	[tilespmem:s5+$0x860] =	vst v0;
	s5 =	sshra.s32 s6, $0x2;
	s6 =	sadd.s32 $0x200, s6  }
0x2d: {  	[tilespmem:s5+$0x870] =	vst v0  }
0x2e: {  	[tilespmem:s5+$0x800] =	vst v0  }
0x2f: {  	[tilespmem:s5+$0x810] =	vst v0  }
0x30: {  	[tilespmem:s5+$0x820] =	vst v0  }
0x31: {  	[tilespmem:s5+$0x830] =	vst v0  }
0x32: {  	[tilespmem:s5+$0x840] =	vst v0  }
0x33: {  	[tilespmem:s5+$0x850] =	vst v0  }
0x34: {  	[tilespmem:s5+$0x860] =	vst v0;
	s6 =	rddreg [dreg:$0xd]  }
0x35: {  	[spmem:s6] =	stream.linear.scatter [tilespmem:s28], [sflag:$0x3], $0x4000, $0x38;
	[tilespmem:$0x1C400] =	vst v63  }
0x36: {  	_ =	swait.ge [sflag:s29], $0x4000  }
0x37: {  	[sflag:s29] =	ssyncset.done $0x0  }
0x38: {  	s8 =	rddreg [dreg:$0xe];
	[sflag:s29] =	ssyncadd.s32 $0xFFFFC000  }
0x39: {  	[spmem:s8] =	stream.linear.scatter [tilespmem:s28], [sflag:$0x3], $0x4000, $0x38;
	[tilespmem:$0x1C400] =	vst v63  }
0x3a: {  	_ =	swait.ge [sflag:s29], $0x4000  }
0x3b: {  	[sflag:s29] =	ssyncset.done $0x0  }
0x3c: {  	s16 =	rddreg [dreg:$0xf];
	[sflag:s29] =	ssyncadd.s32 $0xFFFFC000  }
0x3d: {  	[spmem:s16] =	stream.linear.scatter [tilespmem:s28], [sflag:$0x3], $0x4000, $0x38;
	[tilespmem:$0x1C400] =	vst v63  }
0x3e: {  	_ =	swait.ge [sflag:s29], $0x4000  }
0x3f: {  	[sflag:s29] =	ssyncset.done $0x0  }
0x40: {  	s6 =	rddreg [dreg:$0x10];
	[sflag:s29] =	ssyncadd.s32 $0xFFFFC000  }
0x41: {  	[spmem:s6] =	stream.linear.scatter [tilespmem:s28], [sflag:$0x3], $0x4000, $0x38;
	[tilespmem:$0x1C400] =	vst v63  }
0x42: {  	_ =	swait.ge [sflag:s29], $0x4000  }
0x43: {  	[sflag:s29] =	ssyncset.done $0x0  }
0x44: {  	s5 =	simm.s32 @!p0 $0x800;
	s6 =	rddreg [dreg:$0x11];
	[sflag:s29] =	ssyncadd.s32 $0xFFFFC000  }
0x45: {  	[spmem:s6] =	stream.linear.scatter @!p0 [tilespmem:s5], [sflag:$0x3], $0x4000, $0x38;
	[tilespmem:$0x1C400] =	vst v63  }
0x46: {  	s5 =	simm.s32 @!p0 $0x3  }
0x47: {  	_ =	swait.ge @!p0 [sflag:s5], $0x4000  }
0x48: {  	[sflag:s5] =	ssyncset.done @!p0 $0x0  }
0x49: {  	[sflag:s5] =	ssyncadd.s32 @!p0 $0xFFFFC000  }
0x4a: {  	s8 =	sadd.s32 $0x0, s9;
	[bflag:$0x0] =	sbarrier.arrive $0xFFFF  }
0x4b: {  	[tilespmem:s3], [sflag:$0x3] =	stream.linear.gather [hbm4b:s8+s3], $0x400, $0x38;
	[tilespmem:$0x1C400] =	vst v63  }
0x4c: {  	_ =	swait.ge [sflag:s29], $0x400  }
0x4d: {  	[sflag:s29] =	ssyncset.done $0x0  }
0x4e: {  	s16 =	sadd.s32 $0x0, s13;
	[sflag:s29] =	ssyncadd.s32 $0xFFFFFC00  }
0x4f: {  	[tilespmem:s30], [sflag:$0x3] =	stream.linear.gather [hbm4b:s16+s3], $0x400, $0x38;
	[tilespmem:$0x1C400] =	vst v63  }
0x50: {  	_ =	swait.ge [sflag:s29], $0x400  }
0x51: {  	[sflag:s29] =	ssyncset.done $0x0  }
0x52: {  	[sflag:s29] =	ssyncadd.s32 $0xFFFFFC00  }
0x53: {  	[tilespmem:s28], [sflag:$0x1] =	stream.indirect.gather [hbm4b:s4+s31], $0x80, s3, s31, $0xb8;
	[tilespmem:$0x1C400] =	vst v63  }
0x54: {  	_ = 	snop  }
0x55: {  	[tilespmem:s0], [sflag:$0x2] =	stream.indirect.gather [hbm4b:s4+s31], $0x80, s31, s31, $0xb8;
	[tilespmem:$0x1C400] =	vst v63  }
0x56: {  	_ =	swait.ge [sflag:s1], $0x4000  }
0x57: {  	[sflag:s1] =	ssyncset.done $0x0  }
0x58: {  	[sflag:s1] =	ssyncadd.s32 $0xFFFFC000  }
0x59: {  	[spmem:s2] =	stream.indirect.scatter.add.f32 [tilespmem:s28], [sflag:$0x3], $0x80, s30, s31, $0xb8;
	[tilespmem:$0x1C400] =	vst v63  }
0x5a: {  	_ =	swait.ge [sflag:s29], $0x4000  }
0x5b: {  	[sflag:s29] =	ssyncset.done $0x0  }
0x5c: {  	[sflag:s29] =	ssyncadd.s32 $0xFFFFC000  }
0x5d: {  	[tilespmem:s28], [sflag:$0x1] =	stream.indirect.gather [hbm4b:s4+s31], $0x80, s12, s31, $0xb8;
	[tilespmem:$0x1C400] =	vst v63  }
0x5e: {  	_ =	swait.ge [sflag:s22], $0x4000  }
0x5f: {  	[sflag:s22] =	ssyncset.done $0x0  }
0x60: {  	[sflag:s22] =	ssyncadd.s32 $0xFFFFC000  }
0x61: {  	[spmem:s2] =	stream.indirect.scatter.add.f32 [tilespmem:s0], [sflag:$0x3], $0x80, s23, s31, $0xb8;
	[tilespmem:$0x1C400] =	vst v63  }
0x62: {  	_ =	swait.ge [sflag:s29], $0x4000  }
0x63: {  	[sflag:s29] =	ssyncset.done $0x0  }
0x64: {  	[sflag:s29] =	ssyncadd.s32 $0xFFFFC000  }
0x65: {  	[tilespmem:s0], [sflag:$0x2] =	stream.indirect.gather [hbm4b:s4+s31], $0x80, s24, s31, $0xb8;
	[tilespmem:$0x1C400] =	vst v63  }
0x66: {  	_ =	swait.ge [sflag:s1], $0x4000  }
0x67: {  	[sflag:s1] =	ssyncset.done $0x0  }
0x68: {  	[sflag:s1] =	ssyncadd.s32 $0xFFFFC000  }
0x69: {  	[spmem:s2] =	stream.indirect.scatter.add.f32 [tilespmem:s28], [sflag:$0x3], $0x80, s25, s31, $0xb8;
	[tilespmem:$0x1C400] =	vst v63  }
0x6a: {  	_ =	swait.ge [sflag:s29], $0x4000  }
0x6b: {  	[sflag:s29] =	ssyncset.done $0x0  }
0x6c: {  	[sflag:s29] =	ssyncadd.s32 $0xFFFFC000  }
0x6d: {  	[tilespmem:s28], [sflag:$0x1] =	stream.indirect.gather [hbm4b:s4+s31], $0x80, s26, s31, $0xb8;
	[tilespmem:$0x1C400] =	vst v63  }
0x6e: {  	_ =	swait.ge [sflag:s22], $0x4000  }
0x6f: {  	[sflag:s22] =	ssyncset.done $0x0  }
0x70: {  	[sflag:s22] =	ssyncadd.s32 $0xFFFFC000  }
0x71: {  	[spmem:s2] =	stream.indirect.scatter.add.f32 [tilespmem:s0], [sflag:$0x3], $0x80, s17, s31, $0xb8;
	[tilespmem:$0x1C400] =	vst v63  }
0x72: {  	_ =	swait.ge [sflag:s29], $0x4000  }
0x73: {  	[sflag:s29] =	ssyncset.done $0x0  }
0x74: {  	[sflag:s29] =	ssyncadd.s32 $0xFFFFC000  }
0x75: {  	[tilespmem:s0], [sflag:$0x2] =	stream.indirect.gather [hbm4b:s4+s31], $0x80, s18, s31, $0xb8;
	[tilespmem:$0x1C400] =	vst v63  }
0x76: {  	_ =	swait.ge [sflag:s1], $0x4000  }
0x77: {  	[sflag:s1] =	ssyncset.done $0x0  }
0x78: {  	[sflag:s1] =	ssyncadd.s32 $0xFFFFC000  }
0x79: {  	[spmem:s2] =	stream.indirect.scatter.add.f32 [tilespmem:s28], [sflag:$0x3], $0x80, s19, s31, $0xb8;
	[tilespmem:$0x1C400] =	vst v63  }
0x7a: {  	_ =	swait.ge [sflag:s29], $0x4000  }
0x7b: {  	[sflag:s29] =	ssyncset.done $0x0  }
0x7c: {  	[sflag:s29] =	ssyncadd.s32 $0xFFFFC000  }
0x7d: {  	[tilespmem:s28], [sflag:$0x1] =	stream.indirect.gather [hbm4b:s4+s31], $0x80, s20, s31, $0xb8;
	[tilespmem:$0x1C400] =	vst v63  }
0x7e: {  	_ =	swait.ge [sflag:s22], $0x4000  }
0x7f: {  	[sflag:s22] =	ssyncset.done $0x0  }
0x80: {  	[sflag:s22] =	ssyncadd.s32 $0xFFFFC000  }
0x81: {  	[spmem:s2] =	stream.indirect.scatter.add.f32 [tilespmem:s0], [sflag:$0x3], $0x80, s21, s31, $0xb8;
	[tilespmem:$0x1C400] =	vst v63  }
0x82: {  	_ =	swait.ge [sflag:s29], $0x4000  }
0x83: {  	[sflag:s29] =	ssyncset.done $0x0  }
0x84: {  	[sflag:s29] =	ssyncadd.s32 $0xFFFFC000  }
0x85: {  	[tilespmem:s0], [sflag:$0x2] =	stream.indirect.gather [hbm4b:s4+s31], $0x80, s7, s31, $0xb8;
	[tilespmem:$0x1C400] =	vst v63  }
0x86: {  	_ =	swait.ge [sflag:s1], $0x4000  }
0x87: {  	[sflag:s1] =	ssyncset.done $0x0  }
0x88: {  	[sflag:s1] =	ssyncadd.s32 $0xFFFFC000  }
0x89: {  	[spmem:s2] =	stream.indirect.scatter.add.f32 [tilespmem:s28], [sflag:$0x3], $0x80, s11, s31, $0xb8;
	[tilespmem:$0x1C400] =	vst v63  }
0x8a: {  	_ =	swait.ge [sflag:s29], $0x4000  }
0x8b: {  	[sflag:s29] =	ssyncset.done $0x0  }
0x8c: {  	[sflag:s29] =	ssyncadd.s32 $0xFFFFC000  }
0x8d: {  	_ =	swait.ge [sflag:s22], $0x4000  }
0x8e: {  	[sflag:s22] =	ssyncset.done $0x0  }
0x8f: {  	[sflag:s22] =	ssyncadd.s32 $0xFFFFC000  }
0x90: {  	[spmem:s2] =	stream.indirect.scatter.add.f32 [tilespmem:s0], [sflag:$0x3], $0x80, s15, s31, $0xb8;
	[tilespmem:$0x1C400] =	vst v63  }
0x91: {  	_ =	swait.ge [sflag:s29], $0x4000  }
0x92: {  	s6 =	simm.s32 $0x100;
	s5 =	simm.s32 $0x80;
	[sflag:s29] =	ssyncset.done $0x0  }
.LBB2_4:
0x93: {  	s16 =	smov.u32 s9;
	s9 =	sadd.s32 s5, s9  }
0x94: {  	[sflag:s29] =	ssyncadd.s32 $0xFFFFC000;
	s12 =	smov.u32 s6;
	s8 =	sadd.s32 $0x80, s6  }
0x95: {  	[tilespmem:s3], [sflag:$0x3] =	stream.linear.gather [hbm4b:s9+s3], $0x400, $0x38;
	[tilespmem:$0x1C400] =	vst v63  }
0x96: {  	s9 =	smov.u32 s16  }
0x97: {  	p1 =	sne.s32 s6, $0x480;
	_ =	swait.ge [sflag:s29], $0x400  }
0x98: {  	s6 =	sadd.s32 s5, s13;
	[sflag:s29] =	ssyncset.done $0x0  }
0x99: {  	s5 =	smov.u32 s12;
	s12 =	simm.s32 $0x100;
	[sflag:s29] =	ssyncadd.s32 $0xFFFFFC00  }
0x9a: {  	[tilespmem:s30], [sflag:$0x3] =	stream.linear.gather [hbm4b:s6+s3], $0x400, $0x38;
	[tilespmem:$0x1C400] =	vst v63  }
0x9b: {  	_ =	swait.ge [sflag:s29], $0x400  }
0x9c: {  	[sflag:s29] =	ssyncset.done $0x0  }
0x9d: {  	[sflag:s29] =	ssyncadd.s32 $0xFFFFFC00  }
0x9e: {  	[tilespmem:s28], [sflag:$0x1] =	stream.indirect.gather [hbm4b:s4+s31], $0x80, s3, s31, $0xb8;
	[tilespmem:$0x1C400] =	vst v63  }
0x9f: {  	_ = 	snop  }
0xa0: {  	[tilespmem:s0], [sflag:$0x2] =	stream.indirect.gather [hbm4b:s4+s31], $0x80, s31, s31, $0xb8;
	[tilespmem:$0x1C400] =	vst v63  }
0xa1: {  	_ =	swait.ge [sflag:s1], $0x4000  }
0xa2: {  	[sflag:s1] =	ssyncset.done $0x0  }
0xa3: {  	[sflag:s1] =	ssyncadd.s32 $0xFFFFC000  }
0xa4: {  	[spmem:s2] =	stream.indirect.scatter.add.f32 [tilespmem:s28], [sflag:$0x3], $0x80, s30, s31, $0xb8;
	[tilespmem:$0x1C400] =	vst v63  }
0xa5: {  	_ =	swait.ge [sflag:s29], $0x4000  }
0xa6: {  	[sflag:s29] =	ssyncset.done $0x0  }
0xa7: {  	[sflag:s29] =	ssyncadd.s32 $0xFFFFC000  }
0xa8: {  	[tilespmem:s28], [sflag:$0x1] =	stream.indirect.gather [hbm4b:s4+s31], $0x80, s12, s31, $0xb8;
	[tilespmem:$0x1C400] =	vst v63  }
0xa9: {  	_ =	swait.ge [sflag:s22], $0x4000  }
0xaa: {  	[sflag:s22] =	ssyncset.done $0x0  }
0xab: {  	[sflag:s22] =	ssyncadd.s32 $0xFFFFC000  }
0xac: {  	[spmem:s2] =	stream.indirect.scatter.add.f32 [tilespmem:s0], [sflag:$0x3], $0x80, s23, s31, $0xb8;
	[tilespmem:$0x1C400] =	vst v63  }
0xad: {  	_ =	swait.ge [sflag:s29], $0x4000  }
0xae: {  	[sflag:s29] =	ssyncset.done $0x0  }
0xaf: {  	[sflag:s29] =	ssyncadd.s32 $0xFFFFC000  }
0xb0: {  	[tilespmem:s0], [sflag:$0x2] =	stream.indirect.gather [hbm4b:s4+s31], $0x80, s24, s31, $0xb8;
	[tilespmem:$0x1C400] =	vst v63  }
0xb1: {  	_ =	swait.ge [sflag:s1], $0x4000  }
0xb2: {  	[sflag:s1] =	ssyncset.done $0x0  }
0xb3: {  	[sflag:s1] =	ssyncadd.s32 $0xFFFFC000  }
0xb4: {  	[spmem:s2] =	stream.indirect.scatter.add.f32 [tilespmem:s28], [sflag:$0x3], $0x80, s25, s31, $0xb8;
	[tilespmem:$0x1C400] =	vst v63  }
0xb5: {  	_ =	swait.ge [sflag:s29], $0x4000  }
0xb6: {  	[sflag:s29] =	ssyncset.done $0x0  }
0xb7: {  	[sflag:s29] =	ssyncadd.s32 $0xFFFFC000  }
0xb8: {  	[tilespmem:s28], [sflag:$0x1] =	stream.indirect.gather [hbm4b:s4+s31], $0x80, s26, s31, $0xb8;
	[tilespmem:$0x1C400] =	vst v63  }
0xb9: {  	_ =	swait.ge [sflag:s22], $0x4000  }
0xba: {  	[sflag:s22] =	ssyncset.done $0x0  }
0xbb: {  	[sflag:s22] =	ssyncadd.s32 $0xFFFFC000  }
0xbc: {  	[spmem:s2] =	stream.indirect.scatter.add.f32 [tilespmem:s0], [sflag:$0x3], $0x80, s17, s31, $0xb8;
	[tilespmem:$0x1C400] =	vst v63  }
0xbd: {  	_ =	swait.ge [sflag:s29], $0x4000  }
0xbe: {  	[sflag:s29] =	ssyncset.done $0x0  }
0xbf: {  	[sflag:s29] =	ssyncadd.s32 $0xFFFFC000  }
0xc0: {  	[tilespmem:s0], [sflag:$0x2] =	stream.indirect.gather [hbm4b:s4+s31], $0x80, s18, s31, $0xb8;
	[tilespmem:$0x1C400] =	vst v63  }
0xc1: {  	_ =	swait.ge [sflag:s1], $0x4000  }
0xc2: {  	[sflag:s1] =	ssyncset.done $0x0  }
0xc3: {  	[sflag:s1] =	ssyncadd.s32 $0xFFFFC000  }
0xc4: {  	[spmem:s2] =	stream.indirect.scatter.add.f32 [tilespmem:s28], [sflag:$0x3], $0x80, s19, s31, $0xb8;
	[tilespmem:$0x1C400] =	vst v63  }
0xc5: {  	_ =	swait.ge [sflag:s29], $0x4000  }
0xc6: {  	[sflag:s29] =	ssyncset.done $0x0  }
0xc7: {  	[sflag:s29] =	ssyncadd.s32 $0xFFFFC000  }
0xc8: {  	[tilespmem:s28], [sflag:$0x1] =	stream.indirect.gather [hbm4b:s4+s31], $0x80, s20, s31, $0xb8;
	[tilespmem:$0x1C400] =	vst v63  }
0xc9: {  	_ =	swait.ge [sflag:s22], $0x4000  }
0xca: {  	[sflag:s22] =	ssyncset.done $0x0  }
0xcb: {  	[sflag:s22] =	ssyncadd.s32 $0xFFFFC000  }
0xcc: {  	[spmem:s2] =	stream.indirect.scatter.add.f32 [tilespmem:s0], [sflag:$0x3], $0x80, s21, s31, $0xb8;
	[tilespmem:$0x1C400] =	vst v63  }
0xcd: {  	_ =	swait.ge [sflag:s29], $0x4000  }
0xce: {  	[sflag:s29] =	ssyncset.done $0x0  }
0xcf: {  	[sflag:s29] =	ssyncadd.s32 $0xFFFFC000  }
0xd0: {  	[tilespmem:s0], [sflag:$0x2] =	stream.indirect.gather [hbm4b:s4+s31], $0x80, s7, s31, $0xb8;
	[tilespmem:$0x1C400] =	vst v63  }
0xd1: {  	_ =	swait.ge [sflag:s1], $0x4000  }
0xd2: {  	[sflag:s1] =	ssyncset.done $0x0  }
0xd3: {  	[sflag:s1] =	ssyncadd.s32 $0xFFFFC000  }
0xd4: {  	[spmem:s2] =	stream.indirect.scatter.add.f32 [tilespmem:s28], [sflag:$0x3], $0x80, s11, s31, $0xb8;
	[tilespmem:$0x1C400] =	vst v63  }
0xd5: {  	_ =	swait.ge [sflag:s29], $0x4000  }
0xd6: {  	[sflag:s29] =	ssyncset.done $0x0  }
0xd7: {  	[sflag:s29] =	ssyncadd.s32 $0xFFFFC000  }
0xd8: {  	_ =	swait.ge [sflag:s22], $0x4000  }
.Ltmp1:
0xd9: {  	[sflag:s22] =	ssyncset.done $0x0;
	(pc) =	sbr.rel @p1 .LBB2_4-.Ltmp1, $4  }
0xda: {  	[sflag:s22] =	ssyncadd.s32 $0xFFFFC000  }
0xdb: {  	[spmem:s2] =	stream.indirect.scatter.add.f32 [tilespmem:s0], [sflag:$0x3], $0x80, s15, s31, $0xb8;
	[tilespmem:$0x1C400] =	vst v63  }
0xdc: {  	_ =	swait.ge [sflag:s29], $0x4000  }
0xdd: {  	s6 =	smov.u32 s8;
	[sflag:s29] =	ssyncset.done $0x0  }
0xde: {  	s6 =	sadd.s32 s5, s9;
	[sflag:s29] =	ssyncadd.s32 $0xFFFFC000  }
0xdf: {  	[tilespmem:s3], [sflag:$0x3] =	stream.linear.gather [hbm4b:s6+s3], $0x400, $0x38;
	[tilespmem:$0x1C400] =	vst v63  }
0xe0: {  	_ =	swait.ge [sflag:s29], $0x400  }
0xe1: {  	[sflag:s29] =	ssyncset.done $0x0  }
0xe2: {  	s6 =	sadd.s32 s5, s13;
	[sflag:s29] =	ssyncadd.s32 $0xFFFFFC00  }
0xe3: {  	[tilespmem:s30], [sflag:$0x3] =	stream.linear.gather [hbm4b:s6+s3], $0x400, $0x38;
	[tilespmem:$0x1C400] =	vst v63  }
0xe4: {  	_ =	swait.ge [sflag:s29], $0x400  }
0xe5: {  	[sflag:s29] =	ssyncset.done $0x0  }
0xe6: {  	[sflag:s29] =	ssyncadd.s32 $0xFFFFFC00  }
0xe7: {  	[tilespmem:s28], [sflag:$0x1] =	stream.indirect.gather [hbm4b:s4+s31], $0x80, s3, s31, $0xb8;
	[tilespmem:$0x1C400] =	vst v63  }
0xe8: {  	_ = 	snop  }
0xe9: {  	[tilespmem:s0], [sflag:$0x2] =	stream.indirect.gather [hbm4b:s4+s31], $0x80, s31, s31, $0xb8;
	[tilespmem:$0x1C400] =	vst v63  }
0xea: {  	_ =	swait.ge [sflag:s1], $0x4000  }
0xeb: {  	[sflag:s1] =	ssyncset.done $0x0  }
0xec: {  	[sflag:s1] =	ssyncadd.s32 $0xFFFFC000  }
0xed: {  	[spmem:s2] =	stream.indirect.scatter.add.f32 [tilespmem:s28], [sflag:$0x3], $0x80, s30, s31, $0xb8;
	[tilespmem:$0x1C400] =	vst v63  }
0xee: {  	_ =	swait.ge [sflag:s29], $0x4000  }
0xef: {  	[sflag:s29] =	ssyncset.done $0x0  }
0xf0: {  	[sflag:s29] =	ssyncadd.s32 $0xFFFFC000  }
0xf1: {  	[tilespmem:s28], [sflag:$0x1] =	stream.indirect.gather [hbm4b:s4+s31], $0x80, s12, s31, $0xb8;
	[tilespmem:$0x1C400] =	vst v63  }
0xf2: {  	_ =	swait.ge [sflag:s22], $0x4000  }
0xf3: {  	[sflag:s22] =	ssyncset.done $0x0  }
0xf4: {  	[sflag:s22] =	ssyncadd.s32 $0xFFFFC000  }
0xf5: {  	[spmem:s2] =	stream.indirect.scatter.add.f32 [tilespmem:s0], [sflag:$0x3], $0x80, s23, s31, $0xb8;
	[tilespmem:$0x1C400] =	vst v63  }
0xf6: {  	_ =	swait.ge [sflag:s29], $0x4000  }
0xf7: {  	[sflag:s29] =	ssyncset.done $0x0  }
0xf8: {  	[sflag:s29] =	ssyncadd.s32 $0xFFFFC000  }
0xf9: {  	[tilespmem:s0], [sflag:$0x2] =	stream.indirect.gather [hbm4b:s4+s31], $0x80, s24, s31, $0xb8;
	[tilespmem:$0x1C400] =	vst v63  }
0xfa: {  	_ =	swait.ge [sflag:s1], $0x4000  }
0xfb: {  	[sflag:s1] =	ssyncset.done $0x0  }
0xfc: {  	[sflag:s1] =	ssyncadd.s32 $0xFFFFC000  }
0xfd: {  	[spmem:s2] =	stream.indirect.scatter.add.f32 [tilespmem:s28], [sflag:$0x3], $0x80, s25, s31, $0xb8;
	[tilespmem:$0x1C400] =	vst v63  }
0xfe: {  	_ =	swait.ge [sflag:s29], $0x4000  }
0xff: {  	[sflag:s29] =	ssyncset.done $0x0  }
0x100: {  	[sflag:s29] =	ssyncadd.s32 $0xFFFFC000  }
0x101: {  	[tilespmem:s28], [sflag:$0x1] =	stream.indirect.gather [hbm4b:s4+s31], $0x80, s26, s31, $0xb8;
	[tilespmem:$0x1C400] =	vst v63  }
0x102: {  	_ =	swait.ge [sflag:s22], $0x4000  }
0x103: {  	[sflag:s22] =	ssyncset.done $0x0  }
0x104: {  	[sflag:s22] =	ssyncadd.s32 $0xFFFFC000  }
0x105: {  	[spmem:s2] =	stream.indirect.scatter.add.f32 [tilespmem:s0], [sflag:$0x3], $0x80, s17, s31, $0xb8;
	[tilespmem:$0x1C400] =	vst v63  }
0x106: {  	_ =	swait.ge [sflag:s29], $0x4000  }
0x107: {  	[sflag:s29] =	ssyncset.done $0x0  }
0x108: {  	[sflag:s29] =	ssyncadd.s32 $0xFFFFC000  }
0x109: {  	[tilespmem:s0], [sflag:$0x2] =	stream.indirect.gather [hbm4b:s4+s31], $0x80, s18, s31, $0xb8;
	[tilespmem:$0x1C400] =	vst v63  }
0x10a: {  	_ =	swait.ge [sflag:s1], $0x4000  }
0x10b: {  	[sflag:s1] =	ssyncset.done $0x0  }
0x10c: {  	[sflag:s1] =	ssyncadd.s32 $0xFFFFC000  }
0x10d: {  	[spmem:s2] =	stream.indirect.scatter.add.f32 [tilespmem:s28], [sflag:$0x3], $0x80, s19, s31, $0xb8;
	[tilespmem:$0x1C400] =	vst v63  }
0x10e: {  	_ =	swait.ge [sflag:s29], $0x4000  }
0x10f: {  	[sflag:s29] =	ssyncset.done $0x0  }
0x110: {  	[sflag:s29] =	ssyncadd.s32 $0xFFFFC000  }
0x111: {  	[tilespmem:s28], [sflag:$0x1] =	stream.indirect.gather [hbm4b:s4+s31], $0x80, s20, s31, $0xb8;
	[tilespmem:$0x1C400] =	vst v63  }
0x112: {  	_ =	swait.ge [sflag:s22], $0x4000  }
0x113: {  	[sflag:s22] =	ssyncset.done $0x0  }
0x114: {  	[sflag:s22] =	ssyncadd.s32 $0xFFFFC000  }
0x115: {  	[spmem:s2] =	stream.indirect.scatter.add.f32 [tilespmem:s0], [sflag:$0x3], $0x80, s21, s31, $0xb8;
	[tilespmem:$0x1C400] =	vst v63  }
0x116: {  	_ =	swait.ge [sflag:s29], $0x4000  }
0x117: {  	[sflag:s29] =	ssyncset.done $0x0  }
0x118: {  	[sflag:s29] =	ssyncadd.s32 $0xFFFFC000  }
0x119: {  	[tilespmem:s0], [sflag:$0x2] =	stream.indirect.gather [hbm4b:s4+s31], $0x80, s7, s31, $0xb8;
	[tilespmem:$0x1C400] =	vst v63  }
0x11a: {  	_ =	swait.ge [sflag:s1], $0x4000  }
0x11b: {  	[sflag:s1] =	ssyncset.done $0x0  }
0x11c: {  	[sflag:s1] =	ssyncadd.s32 $0xFFFFC000  }
0x11d: {  	[spmem:s2] =	stream.indirect.scatter.add.f32 [tilespmem:s28], [sflag:$0x3], $0x80, s11, s31, $0xb8;
	[tilespmem:$0x1C400] =	vst v63  }
0x11e: {  	_ =	swait.ge [sflag:s29], $0x4000  }
0x11f: {  	[sflag:s29] =	ssyncset.done $0x0  }
0x120: {  	[sflag:s29] =	ssyncadd.s32 $0xFFFFC000  }
0x121: {  	_ =	swait.ge [sflag:s22], $0x4000  }
0x122: {  	[sflag:s22] =	ssyncset.done $0x0  }
0x123: {  	[sflag:s22] =	ssyncadd.s32 $0xFFFFC000  }
0x124: {  	[spmem:s2] =	stream.indirect.scatter.add.f32 [tilespmem:s0], [sflag:$0x3], $0x80, s15, s31, $0xb8;
	[tilespmem:$0x1C400] =	vst v63  }
0x125: {  	_ =	swait.ge [sflag:s29], $0x4000  }
0x126: {  	[sflag:s29] =	ssyncset.done $0x0  }
0x127: {  	[sflag:s29] =	ssyncadd.s32 $0xFFFFC000  }
0x128: {  	s8 =	stileid.u32;
	[bflag:$0x0] =	sbarrier.arrive $0xFFFF  }
0x129: {  	s5 =	sshll.u32 s8, $0x6;
	s8 =	rddreg [dreg:$0x7]  }
0x12a: {  	s9 =	rddreg [dreg:$0x16]  }
0x12b: {  	s13 =	rddreg [dreg:$0xd]  }
0x12c: {  	s6 =	sadd.s32 s9, s8;
	s9 =	sor.u32 $0x1C03, s5;
	s5 =	sshrl.u32 s13, $0x3  }
0x12d: {  	[dreg:$0x19] =	wrdreg s5  }
0x12e: {  	[hbm:s6], [sflag:s9] =	dma.local [spmem:s5], $0x800  }
0x12f: {  	_ =	swait.ge [sflag:s29], $0x800  }
0x130: {  	s6 =	rddreg [dreg:$0x12]  }
0x131: {  	s13 =	rddreg [dreg:$0xe]  }
0x132: {  	[sflag:s29] =	ssyncset.done $0x0;
	s5 =	sadd.s32 s6, s8;
	s6 =	sshrl.u32 s13, $0x3  }
0x133: {  	[sflag:s29] =	ssyncadd.s32 $0xFFFFF800;
	[dreg:$0x1a] =	wrdreg s6  }
0x134: {  	[hbm:s5], [sflag:s9] =	dma.local [spmem:s6], $0x800  }
0x135: {  	_ =	swait.ge [sflag:s29], $0x800  }
0x136: {  	s6 =	rddreg [dreg:$0x13]  }
0x137: {  	s13 =	rddreg [dreg:$0xf]  }
0x138: {  	[sflag:s29] =	ssyncset.done $0x0;
	s5 =	sadd.s32 s6, s8;
	s6 =	sshrl.u32 s13, $0x3  }
0x139: {  	[sflag:s29] =	ssyncadd.s32 $0xFFFFF800;
	[dreg:$0x1b] =	wrdreg s6  }
0x13a: {  	[hbm:s5], [sflag:s9] =	dma.local [spmem:s6], $0x800  }
0x13b: {  	_ =	swait.ge [sflag:s29], $0x800  }
0x13c: {  	s6 =	rddreg [dreg:$0x14]  }
0x13d: {  	s13 =	rddreg [dreg:$0x10]  }
0x13e: {  	[sflag:s29] =	ssyncset.done $0x0;
	s5 =	sadd.s32 s6, s8;
	s6 =	sshrl.u32 s13, $0x3  }
0x13f: {  	[sflag:s29] =	ssyncadd.s32 $0xFFFFF800;
	[dreg:$0x1c] =	wrdreg s6  }
0x140: {  	[hbm:s5], [sflag:s9] =	dma.local [spmem:s6], $0x800  }
0x141: {  	_ =	swait.ge [sflag:s29], $0x800;
	[dreg:$0x18] =	wrdreg s9  }
0x142: {  	s6 =	rddreg [dreg:$0x11]  }
0x143: {  	[sflag:s29] =	ssyncset.done $0x0;
	s5 =	rddreg [dreg:$0x15];
	s6 =	sshrl.u32 @!p0 s6, $0x3  }
0x144: {  	[sflag:s29] =	ssyncadd.s32 $0xFFFFF800;
	s5 =	sadd.s32 @!p0 s5, s8;
	[dreg:$0x1d] =	wrdreg s6  }
0x145: {  	[hbm:s5], [sflag:s9] =	dma.local @!p0 [spmem:s6], $0x800  }
0x146: {  	s5 =	simm.s32 @!p0 $0x3  }
0x147: {  	_ =	swait.ge @!p0 [sflag:s5], $0x800  }
0x148: {  	[sflag:s5] =	ssyncset.done @!p0 $0x0  }
0x149: {  	[sflag:s5] =	ssyncadd.s32 @!p0 $0xFFFFF800  }
0x14a: {  	s6 =	simm.s32 $0x200;
	s5 =	simm.s32 $0x0;
	[bflag:$0x0] =	sbarrier.arrive $0xFFFF  }
.LBB2_6:
0x14b: {  	p1 =	sne.s32 s6, $0xFE00;
	[tilespmem:s5+$0x870] =	vst v0  }
0x14c: {  	[tilespmem:s5+$0x800] =	vst v0  }
0x14d: {  	[tilespmem:s5+$0x810] =	vst v0  }
.Ltmp2:
0x14e: {  	[tilespmem:s5+$0x820] =	vst v0;
	(pc) =	sbr.rel @p1 .LBB2_6-.Ltmp2, $4  }
0x14f: {  	[tilespmem:s5+$0x830] =	vst v0  }
0x150: {  	[tilespmem:s5+$0x840] =	vst v0  }
0x151: {  	[tilespmem:s5+$0x850] =	vst v0  }
0x152: {  	[tilespmem:s5+$0x860] =	vst v0;
	s5 =	sshra.s32 s6, $0x2;
	s6 =	sadd.s32 $0x200, s6  }
0x153: {  	[tilespmem:s5+$0x870] =	vst v0  }
0x154: {  	[tilespmem:s5+$0x800] =	vst v0  }
0x155: {  	[tilespmem:s5+$0x810] =	vst v0  }
0x156: {  	[tilespmem:s5+$0x820] =	vst v0  }
0x157: {  	[tilespmem:s5+$0x830] =	vst v0  }
0x158: {  	[tilespmem:s5+$0x840] =	vst v0  }
0x159: {  	[tilespmem:s5+$0x850] =	vst v0  }
0x15a: {  	[tilespmem:s5+$0x860] =	vst v0;
	s8 =	rddreg [dreg:$0xd]  }
0x15b: {  	[spmem:s8] =	stream.linear.scatter [tilespmem:s28], [sflag:$0x3], $0x4000, $0x38;
	[tilespmem:$0x1C400] =	vst v63  }
0x15c: {  	_ =	swait.ge [sflag:s29], $0x4000  }
0x15d: {  	[sflag:s29] =	ssyncset.done $0x0  }
0x15e: {  	s9 =	rddreg [dreg:$0xe];
	[sflag:s29] =	ssyncadd.s32 $0xFFFFC000  }
0x15f: {  	[spmem:s9] =	stream.linear.scatter [tilespmem:s28], [sflag:$0x3], $0x4000, $0x38;
	[tilespmem:$0x1C400] =	vst v63  }
0x160: {  	_ =	swait.ge [sflag:s29], $0x4000  }
0x161: {  	[sflag:s29] =	ssyncset.done $0x0  }
0x162: {  	s13 =	rddreg [dreg:$0xf];
	[sflag:s29] =	ssyncadd.s32 $0xFFFFC000  }
0x163: {  	[spmem:s13] =	stream.linear.scatter [tilespmem:s28], [sflag:$0x3], $0x4000, $0x38;
	[tilespmem:$0x1C400] =	vst v63  }
0x164: {  	_ =	swait.ge [sflag:s29], $0x4000  }
0x165: {  	[sflag:s29] =	ssyncset.done $0x0  }
0x166: {  	s6 =	rddreg [dreg:$0x10];
	[sflag:s29] =	ssyncadd.s32 $0xFFFFC000  }
0x167: {  	[spmem:s6] =	stream.linear.scatter [tilespmem:s28], [sflag:$0x3], $0x4000, $0x38;
	[tilespmem:$0x1C400] =	vst v63  }
0x168: {  	_ =	swait.ge [sflag:s29], $0x4000  }
0x169: {  	[sflag:s29] =	ssyncset.done $0x0  }
0x16a: {  	s5 =	simm.s32 @!p0 $0x800;
	s6 =	rddreg [dreg:$0x11];
	[sflag:s29] =	ssyncadd.s32 $0xFFFFC000  }
0x16b: {  	[spmem:s6] =	stream.linear.scatter @!p0 [tilespmem:s5], [sflag:$0x3], $0x4000, $0x38;
	[tilespmem:$0x1C400] =	vst v63  }
0x16c: {  	s5 =	simm.s32 @!p0 $0x3  }
0x16d: {  	_ =	swait.ge @!p0 [sflag:s5], $0x4000  }
0x16e: {  	[sflag:s5] =	ssyncset.done @!p0 $0x0  }
0x16f: {  	[sflag:s5] =	ssyncadd.s32 @!p0 $0xFFFFC000  }
0x170: {  	[bflag:$0x0] =	sbarrier.arrive $0xFFFF  }
0x171: {  	s13 =	rddreg [dreg:$0x8]  }
0x172: {  	s8 =	sadd.s32 $0x0, s13  }
0x173: {  	[tilespmem:s3], [sflag:$0x3] =	stream.linear.gather [hbm4b:s8+s3], $0x400, $0x38;
	[tilespmem:$0x1C400] =	vst v63  }
0x174: {  	_ =	swait.ge [sflag:s29], $0x400  }
0x175: {  	[sflag:s29] =	ssyncset.done $0x0;
	s9 =	rddreg [dreg:$0x4]  }
0x176: {  	[sflag:s29] =	ssyncadd.s32 $0xFFFFFC00;
	s5 =	sadd.s32 $0x0, s9  }
0x177: {  	[tilespmem:s30], [sflag:$0x3] =	stream.linear.gather [hbm4b:s5+s3], $0x400, $0x38;
	[tilespmem:$0x1C400] =	vst v63  }
0x178: {  	_ =	swait.ge [sflag:s29], $0x400  }
0x179: {  	[sflag:s29] =	ssyncset.done $0x0  }
0x17a: {  	[sflag:s29] =	ssyncadd.s32 $0xFFFFFC00  }
0x17b: {  	[tilespmem:s28], [sflag:$0x1] =	stream.indirect.gather [hbm4b:s10+s31], $0x80, s3, s31, $0xb8;
	[tilespmem:$0x1C400] =	vst v63  }
0x17c: {  	_ = 	snop  }
0x17d: {  	[tilespmem:s0], [sflag:$0x2] =	stream.indirect.gather [hbm4b:s10+s31], $0x80, s31, s31, $0xb8;
	[tilespmem:$0x1C400] =	vst v63  }
0x17e: {  	_ =	swait.ge [sflag:s1], $0x4000  }
0x17f: {  	[sflag:s1] =	ssyncset.done $0x0  }
0x180: {  	[sflag:s1] =	ssyncadd.s32 $0xFFFFC000  }
0x181: {  	[spmem:s2] =	stream.indirect.scatter.add.f32 [tilespmem:s28], [sflag:$0x3], $0x80, s30, s31, $0xb8;
	[tilespmem:$0x1C400] =	vst v63  }
0x182: {  	_ =	swait.ge [sflag:s29], $0x4000  }
0x183: {  	[sflag:s29] =	ssyncset.done $0x0  }
0x184: {  	[sflag:s29] =	ssyncadd.s32 $0xFFFFC000  }
0x185: {  	[tilespmem:s28], [sflag:$0x1] =	stream.indirect.gather [hbm4b:s10+s31], $0x80, s12, s31, $0xb8;
	[tilespmem:$0x1C400] =	vst v63  }
0x186: {  	_ =	swait.ge [sflag:s22], $0x4000  }
0x187: {  	[sflag:s22] =	ssyncset.done $0x0  }
0x188: {  	[sflag:s22] =	ssyncadd.s32 $0xFFFFC000  }
0x189: {  	[spmem:s2] =	stream.indirect.scatter.add.f32 [tilespmem:s0], [sflag:$0x3], $0x80, s23, s31, $0xb8;
	[tilespmem:$0x1C400] =	vst v63  }
0x18a: {  	_ =	swait.ge [sflag:s29], $0x4000  }
0x18b: {  	[sflag:s29] =	ssyncset.done $0x0  }
0x18c: {  	[sflag:s29] =	ssyncadd.s32 $0xFFFFC000  }
0x18d: {  	[tilespmem:s0], [sflag:$0x2] =	stream.indirect.gather [hbm4b:s10+s31], $0x80, s24, s31, $0xb8;
	[tilespmem:$0x1C400] =	vst v63  }
0x18e: {  	_ =	swait.ge [sflag:s1], $0x4000  }
0x18f: {  	[sflag:s1] =	ssyncset.done $0x0  }
0x190: {  	[sflag:s1] =	ssyncadd.s32 $0xFFFFC000  }
0x191: {  	[spmem:s2] =	stream.indirect.scatter.add.f32 [tilespmem:s28], [sflag:$0x3], $0x80, s25, s31, $0xb8;
	[tilespmem:$0x1C400] =	vst v63  }
0x192: {  	_ =	swait.ge [sflag:s29], $0x4000  }
0x193: {  	[sflag:s29] =	ssyncset.done $0x0  }
0x194: {  	[sflag:s29] =	ssyncadd.s32 $0xFFFFC000  }
0x195: {  	[tilespmem:s28], [sflag:$0x1] =	stream.indirect.gather [hbm4b:s10+s31], $0x80, s26, s31, $0xb8;
	[tilespmem:$0x1C400] =	vst v63  }
0x196: {  	_ =	swait.ge [sflag:s22], $0x4000  }
0x197: {  	[sflag:s22] =	ssyncset.done $0x0  }
0x198: {  	[sflag:s22] =	ssyncadd.s32 $0xFFFFC000  }
0x199: {  	[spmem:s2] =	stream.indirect.scatter.add.f32 [tilespmem:s0], [sflag:$0x3], $0x80, s17, s31, $0xb8;
	[tilespmem:$0x1C400] =	vst v63  }
0x19a: {  	_ =	swait.ge [sflag:s29], $0x4000  }
0x19b: {  	[sflag:s29] =	ssyncset.done $0x0  }
0x19c: {  	[sflag:s29] =	ssyncadd.s32 $0xFFFFC000  }
0x19d: {  	[tilespmem:s0], [sflag:$0x2] =	stream.indirect.gather [hbm4b:s10+s31], $0x80, s18, s31, $0xb8;
	[tilespmem:$0x1C400] =	vst v63  }
0x19e: {  	_ =	swait.ge [sflag:s1], $0x4000  }
0x19f: {  	[sflag:s1] =	ssyncset.done $0x0  }
0x1a0: {  	[sflag:s1] =	ssyncadd.s32 $0xFFFFC000  }
0x1a1: {  	[spmem:s2] =	stream.indirect.scatter.add.f32 [tilespmem:s28], [sflag:$0x3], $0x80, s19, s31, $0xb8;
	[tilespmem:$0x1C400] =	vst v63  }
0x1a2: {  	_ =	swait.ge [sflag:s29], $0x4000  }
0x1a3: {  	[sflag:s29] =	ssyncset.done $0x0  }
0x1a4: {  	[sflag:s29] =	ssyncadd.s32 $0xFFFFC000  }
0x1a5: {  	[tilespmem:s28], [sflag:$0x1] =	stream.indirect.gather [hbm4b:s10+s31], $0x80, s20, s31, $0xb8;
	[tilespmem:$0x1C400] =	vst v63  }
0x1a6: {  	_ =	swait.ge [sflag:s22], $0x4000  }
0x1a7: {  	[sflag:s22] =	ssyncset.done $0x0  }
0x1a8: {  	[sflag:s22] =	ssyncadd.s32 $0xFFFFC000  }
0x1a9: {  	[spmem:s2] =	stream.indirect.scatter.add.f32 [tilespmem:s0], [sflag:$0x3], $0x80, s21, s31, $0xb8;
	[tilespmem:$0x1C400] =	vst v63  }
0x1aa: {  	_ =	swait.ge [sflag:s29], $0x4000  }
0x1ab: {  	[sflag:s29] =	ssyncset.done $0x0  }
0x1ac: {  	[sflag:s29] =	ssyncadd.s32 $0xFFFFC000  }
0x1ad: {  	[tilespmem:s0], [sflag:$0x2] =	stream.indirect.gather [hbm4b:s10+s31], $0x80, s7, s31, $0xb8;
	[tilespmem:$0x1C400] =	vst v63  }
0x1ae: {  	_ =	swait.ge [sflag:s1], $0x4000  }
0x1af: {  	[sflag:s1] =	ssyncset.done $0x0  }
0x1b0: {  	[sflag:s1] =	ssyncadd.s32 $0xFFFFC000  }
0x1b1: {  	[spmem:s2] =	stream.indirect.scatter.add.f32 [tilespmem:s28], [sflag:$0x3], $0x80, s11, s31, $0xb8;
	[tilespmem:$0x1C400] =	vst v63  }
0x1b2: {  	_ =	swait.ge [sflag:s29], $0x4000  }
0x1b3: {  	[sflag:s29] =	ssyncset.done $0x0  }
0x1b4: {  	[sflag:s29] =	ssyncadd.s32 $0xFFFFC000  }
0x1b5: {  	_ =	swait.ge [sflag:s22], $0x4000  }
0x1b6: {  	[sflag:s22] =	ssyncset.done $0x0  }
0x1b7: {  	[sflag:s22] =	ssyncadd.s32 $0xFFFFC000  }
0x1b8: {  	[spmem:s2] =	stream.indirect.scatter.add.f32 [tilespmem:s0], [sflag:$0x3], $0x80, s15, s31, $0xb8;
	[tilespmem:$0x1C400] =	vst v63  }
0x1b9: {  	_ =	swait.ge [sflag:s29], $0x4000  }
0x1ba: {  	s8 =	simm.s32 $0x100;
	s5 =	simm.s32 $0x80;
	[sflag:s29] =	ssyncset.done $0x0  }
.LBB2_8:
0x1bb: {  	s9 =	sadd.s32 s5, s13;
	[sflag:s29] =	ssyncadd.s32 $0xFFFFC000  }
0x1bc: {  	[tilespmem:s3], [sflag:$0x3] =	stream.linear.gather [hbm4b:s9+s3], $0x400, $0x38;
	[tilespmem:$0x1C400] =	vst v63  }
0x1bd: {  	s9 =	rddreg [dreg:$0x4];
	_ =	swait.ge [sflag:s29], $0x400  }
0x1be: {  	s12 =	smov.u32 s8;
	s6 =	sadd.s32 $0x80, s8;
	[sflag:s29] =	ssyncset.done $0x0  }
0x1bf: {  	p1 =	sne.s32 s8, $0x480;
	s8 =	sadd.s32 s5, s9;
	[sflag:s29] =	ssyncadd.s32 $0xFFFFFC00  }
0x1c0: {  	[tilespmem:s30], [sflag:$0x3] =	stream.linear.gather [hbm4b:s8+s3], $0x400, $0x38;
	[tilespmem:$0x1C400] =	vst v63  }
0x1c1: {  	_ =	swait.ge [sflag:s29], $0x400  }
0x1c2: {  	[sflag:s29] =	ssyncset.done $0x0  }
0x1c3: {  	[sflag:s29] =	ssyncadd.s32 $0xFFFFFC00  }
0x1c4: {  	[tilespmem:s28], [sflag:$0x1] =	stream.indirect.gather [hbm4b:s10+s31], $0x80, s3, s31, $0xb8;
	[tilespmem:$0x1C400] =	vst v63  }
0x1c5: {  	_ = 	snop  }
0x1c6: {  	[tilespmem:s0], [sflag:$0x2] =	stream.indirect.gather [hbm4b:s10+s31], $0x80, s31, s31, $0xb8;
	[tilespmem:$0x1C400] =	vst v63  }
0x1c7: {  	_ =	swait.ge [sflag:s1], $0x4000  }
0x1c8: {  	[sflag:s1] =	ssyncset.done $0x0  }
0x1c9: {  	[sflag:s1] =	ssyncadd.s32 $0xFFFFC000  }
0x1ca: {  	[spmem:s2] =	stream.indirect.scatter.add.f32 [tilespmem:s28], [sflag:$0x3], $0x80, s30, s31, $0xb8;
	[tilespmem:$0x1C400] =	vst v63  }
0x1cb: {  	_ =	swait.ge [sflag:s29], $0x4000  }
0x1cc: {  	[sflag:s29] =	ssyncset.done $0x0  }
0x1cd: {  	s5 =	smov.u32 s12;
	s12 =	simm.s32 $0x100;
	[sflag:s29] =	ssyncadd.s32 $0xFFFFC000  }
0x1ce: {  	[tilespmem:s28], [sflag:$0x1] =	stream.indirect.gather [hbm4b:s10+s31], $0x80, s12, s31, $0xb8;
	[tilespmem:$0x1C400] =	vst v63  }
0x1cf: {  	_ =	swait.ge [sflag:s22], $0x4000  }
0x1d0: {  	[sflag:s22] =	ssyncset.done $0x0  }
0x1d1: {  	[sflag:s22] =	ssyncadd.s32 $0xFFFFC000  }
0x1d2: {  	[spmem:s2] =	stream.indirect.scatter.add.f32 [tilespmem:s0], [sflag:$0x3], $0x80, s23, s31, $0xb8;
	[tilespmem:$0x1C400] =	vst v63  }
0x1d3: {  	_ =	swait.ge [sflag:s29], $0x4000  }
0x1d4: {  	[sflag:s29] =	ssyncset.done $0x0  }
0x1d5: {  	[sflag:s29] =	ssyncadd.s32 $0xFFFFC000  }
0x1d6: {  	[tilespmem:s0], [sflag:$0x2] =	stream.indirect.gather [hbm4b:s10+s31], $0x80, s24, s31, $0xb8;
	[tilespmem:$0x1C400] =	vst v63  }
0x1d7: {  	_ =	swait.ge [sflag:s1], $0x4000  }
0x1d8: {  	[sflag:s1] =	ssyncset.done $0x0  }
0x1d9: {  	[sflag:s1] =	ssyncadd.s32 $0xFFFFC000  }
0x1da: {  	[spmem:s2] =	stream.indirect.scatter.add.f32 [tilespmem:s28], [sflag:$0x3], $0x80, s25, s31, $0xb8;
	[tilespmem:$0x1C400] =	vst v63  }
0x1db: {  	_ =	swait.ge [sflag:s29], $0x4000  }
0x1dc: {  	[sflag:s29] =	ssyncset.done $0x0  }
0x1dd: {  	[sflag:s29] =	ssyncadd.s32 $0xFFFFC000  }
0x1de: {  	[tilespmem:s28], [sflag:$0x1] =	stream.indirect.gather [hbm4b:s10+s31], $0x80, s26, s31, $0xb8;
	[tilespmem:$0x1C400] =	vst v63  }
0x1df: {  	_ =	swait.ge [sflag:s22], $0x4000  }
0x1e0: {  	[sflag:s22] =	ssyncset.done $0x0  }
0x1e1: {  	[sflag:s22] =	ssyncadd.s32 $0xFFFFC000  }
0x1e2: {  	[spmem:s2] =	stream.indirect.scatter.add.f32 [tilespmem:s0], [sflag:$0x3], $0x80, s17, s31, $0xb8;
	[tilespmem:$0x1C400] =	vst v63  }
0x1e3: {  	_ =	swait.ge [sflag:s29], $0x4000  }
0x1e4: {  	[sflag:s29] =	ssyncset.done $0x0  }
0x1e5: {  	[sflag:s29] =	ssyncadd.s32 $0xFFFFC000  }
0x1e6: {  	[tilespmem:s0], [sflag:$0x2] =	stream.indirect.gather [hbm4b:s10+s31], $0x80, s18, s31, $0xb8;
	[tilespmem:$0x1C400] =	vst v63  }
0x1e7: {  	_ =	swait.ge [sflag:s1], $0x4000  }
0x1e8: {  	[sflag:s1] =	ssyncset.done $0x0  }
0x1e9: {  	[sflag:s1] =	ssyncadd.s32 $0xFFFFC000  }
0x1ea: {  	[spmem:s2] =	stream.indirect.scatter.add.f32 [tilespmem:s28], [sflag:$0x3], $0x80, s19, s31, $0xb8;
	[tilespmem:$0x1C400] =	vst v63  }
0x1eb: {  	_ =	swait.ge [sflag:s29], $0x4000  }
0x1ec: {  	[sflag:s29] =	ssyncset.done $0x0  }
0x1ed: {  	[sflag:s29] =	ssyncadd.s32 $0xFFFFC000  }
0x1ee: {  	[tilespmem:s28], [sflag:$0x1] =	stream.indirect.gather [hbm4b:s10+s31], $0x80, s20, s31, $0xb8;
	[tilespmem:$0x1C400] =	vst v63  }
0x1ef: {  	_ =	swait.ge [sflag:s22], $0x4000  }
0x1f0: {  	[sflag:s22] =	ssyncset.done $0x0  }
0x1f1: {  	[sflag:s22] =	ssyncadd.s32 $0xFFFFC000  }
0x1f2: {  	[spmem:s2] =	stream.indirect.scatter.add.f32 [tilespmem:s0], [sflag:$0x3], $0x80, s21, s31, $0xb8;
	[tilespmem:$0x1C400] =	vst v63  }
0x1f3: {  	_ =	swait.ge [sflag:s29], $0x4000  }
0x1f4: {  	[sflag:s29] =	ssyncset.done $0x0  }
0x1f5: {  	[sflag:s29] =	ssyncadd.s32 $0xFFFFC000  }
0x1f6: {  	[tilespmem:s0], [sflag:$0x2] =	stream.indirect.gather [hbm4b:s10+s31], $0x80, s7, s31, $0xb8;
	[tilespmem:$0x1C400] =	vst v63  }
0x1f7: {  	_ =	swait.ge [sflag:s1], $0x4000  }
0x1f8: {  	[sflag:s1] =	ssyncset.done $0x0  }
0x1f9: {  	[sflag:s1] =	ssyncadd.s32 $0xFFFFC000  }
0x1fa: {  	[spmem:s2] =	stream.indirect.scatter.add.f32 [tilespmem:s28], [sflag:$0x3], $0x80, s11, s31, $0xb8;
	[tilespmem:$0x1C400] =	vst v63  }
0x1fb: {  	_ =	swait.ge [sflag:s29], $0x4000  }
0x1fc: {  	[sflag:s29] =	ssyncset.done $0x0  }
0x1fd: {  	[sflag:s29] =	ssyncadd.s32 $0xFFFFC000  }
0x1fe: {  	_ =	swait.ge [sflag:s22], $0x4000  }
.Ltmp3:
0x1ff: {  	[sflag:s22] =	ssyncset.done $0x0;
	(pc) =	sbr.rel @p1 .LBB2_8-.Ltmp3, $4  }
0x200: {  	[sflag:s22] =	ssyncadd.s32 $0xFFFFC000  }
0x201: {  	[spmem:s2] =	stream.indirect.scatter.add.f32 [tilespmem:s0], [sflag:$0x3], $0x80, s15, s31, $0xb8;
	[tilespmem:$0x1C400] =	vst v63  }
0x202: {  	_ =	swait.ge [sflag:s29], $0x4000  }
0x203: {  	s8 =	smov.u32 s6;
	[sflag:s29] =	ssyncset.done $0x0  }
0x204: {  	s6 =	sadd.s32 s5, s13;
	[sflag:s29] =	ssyncadd.s32 $0xFFFFC000  }
0x205: {  	[tilespmem:s3], [sflag:$0x3] =	stream.linear.gather [hbm4b:s6+s3], $0x400, $0x38;
	[tilespmem:$0x1C400] =	vst v63  }
0x206: {  	_ =	swait.ge [sflag:s29], $0x400  }
0x207: {  	[sflag:s29] =	ssyncset.done $0x0  }
0x208: {  	s8 =	sadd.s32 s5, s9;
	[sflag:s29] =	ssyncadd.s32 $0xFFFFFC00  }
0x209: {  	[tilespmem:s30], [sflag:$0x3] =	stream.linear.gather [hbm4b:s8+s3], $0x400, $0x38;
	[tilespmem:$0x1C400] =	vst v63  }
0x20a: {  	_ =	swait.ge [sflag:s29], $0x400  }
0x20b: {  	[sflag:s29] =	ssyncset.done $0x0  }
0x20c: {  	[sflag:s29] =	ssyncadd.s32 $0xFFFFFC00  }
0x20d: {  	[tilespmem:s28], [sflag:$0x1] =	stream.indirect.gather [hbm4b:s10+s31], $0x80, s3, s31, $0xb8;
	[tilespmem:$0x1C400] =	vst v63  }
0x20e: {  	_ = 	snop  }
0x20f: {  	[tilespmem:s0], [sflag:$0x2] =	stream.indirect.gather [hbm4b:s10+s31], $0x80, s31, s31, $0xb8;
	[tilespmem:$0x1C400] =	vst v63  }
0x210: {  	_ =	swait.ge [sflag:s1], $0x4000  }
0x211: {  	[sflag:s1] =	ssyncset.done $0x0  }
0x212: {  	[sflag:s1] =	ssyncadd.s32 $0xFFFFC000  }
0x213: {  	[spmem:s2] =	stream.indirect.scatter.add.f32 [tilespmem:s28], [sflag:$0x3], $0x80, s30, s31, $0xb8;
	[tilespmem:$0x1C400] =	vst v63  }
0x214: {  	_ =	swait.ge [sflag:s29], $0x4000  }
0x215: {  	[sflag:s29] =	ssyncset.done $0x0  }
0x216: {  	[sflag:s29] =	ssyncadd.s32 $0xFFFFC000  }
0x217: {  	[tilespmem:s28], [sflag:$0x1] =	stream.indirect.gather [hbm4b:s10+s31], $0x80, s12, s31, $0xb8;
	[tilespmem:$0x1C400] =	vst v63  }
0x218: {  	_ =	swait.ge [sflag:s22], $0x4000  }
0x219: {  	[sflag:s22] =	ssyncset.done $0x0  }
0x21a: {  	[sflag:s22] =	ssyncadd.s32 $0xFFFFC000  }
0x21b: {  	[spmem:s2] =	stream.indirect.scatter.add.f32 [tilespmem:s0], [sflag:$0x3], $0x80, s23, s31, $0xb8;
	[tilespmem:$0x1C400] =	vst v63  }
0x21c: {  	_ =	swait.ge [sflag:s29], $0x4000  }
0x21d: {  	[sflag:s29] =	ssyncset.done $0x0  }
0x21e: {  	[sflag:s29] =	ssyncadd.s32 $0xFFFFC000  }
0x21f: {  	[tilespmem:s0], [sflag:$0x2] =	stream.indirect.gather [hbm4b:s10+s31], $0x80, s24, s31, $0xb8;
	[tilespmem:$0x1C400] =	vst v63  }
0x220: {  	_ =	swait.ge [sflag:s1], $0x4000  }
0x221: {  	[sflag:s1] =	ssyncset.done $0x0  }
0x222: {  	[sflag:s1] =	ssyncadd.s32 $0xFFFFC000  }
0x223: {  	[spmem:s2] =	stream.indirect.scatter.add.f32 [tilespmem:s28], [sflag:$0x3], $0x80, s25, s31, $0xb8;
	[tilespmem:$0x1C400] =	vst v63  }
0x224: {  	_ =	swait.ge [sflag:s29], $0x4000  }
0x225: {  	[sflag:s29] =	ssyncset.done $0x0  }
0x226: {  	[sflag:s29] =	ssyncadd.s32 $0xFFFFC000  }
0x227: {  	[tilespmem:s28], [sflag:$0x1] =	stream.indirect.gather [hbm4b:s10+s31], $0x80, s26, s31, $0xb8;
	[tilespmem:$0x1C400] =	vst v63  }
0x228: {  	_ =	swait.ge [sflag:s22], $0x4000  }
0x229: {  	[sflag:s22] =	ssyncset.done $0x0  }
0x22a: {  	[sflag:s22] =	ssyncadd.s32 $0xFFFFC000  }
0x22b: {  	[spmem:s2] =	stream.indirect.scatter.add.f32 [tilespmem:s0], [sflag:$0x3], $0x80, s17, s31, $0xb8;
	[tilespmem:$0x1C400] =	vst v63  }
0x22c: {  	_ =	swait.ge [sflag:s29], $0x4000  }
0x22d: {  	[sflag:s29] =	ssyncset.done $0x0  }
0x22e: {  	[sflag:s29] =	ssyncadd.s32 $0xFFFFC000  }
0x22f: {  	[tilespmem:s0], [sflag:$0x2] =	stream.indirect.gather [hbm4b:s10+s31], $0x80, s18, s31, $0xb8;
	[tilespmem:$0x1C400] =	vst v63  }
0x230: {  	_ =	swait.ge [sflag:s1], $0x4000  }
0x231: {  	[sflag:s1] =	ssyncset.done $0x0  }
0x232: {  	[sflag:s1] =	ssyncadd.s32 $0xFFFFC000  }
0x233: {  	[spmem:s2] =	stream.indirect.scatter.add.f32 [tilespmem:s28], [sflag:$0x3], $0x80, s19, s31, $0xb8;
	[tilespmem:$0x1C400] =	vst v63  }
0x234: {  	_ =	swait.ge [sflag:s29], $0x4000  }
0x235: {  	[sflag:s29] =	ssyncset.done $0x0  }
0x236: {  	[sflag:s29] =	ssyncadd.s32 $0xFFFFC000  }
0x237: {  	[tilespmem:s28], [sflag:$0x1] =	stream.indirect.gather [hbm4b:s10+s31], $0x80, s20, s31, $0xb8;
	[tilespmem:$0x1C400] =	vst v63  }
0x238: {  	_ =	swait.ge [sflag:s22], $0x4000  }
0x239: {  	[sflag:s22] =	ssyncset.done $0x0  }
0x23a: {  	[sflag:s22] =	ssyncadd.s32 $0xFFFFC000  }
0x23b: {  	[spmem:s2] =	stream.indirect.scatter.add.f32 [tilespmem:s0], [sflag:$0x3], $0x80, s21, s31, $0xb8;
	[tilespmem:$0x1C400] =	vst v63  }
0x23c: {  	_ =	swait.ge [sflag:s29], $0x4000  }
0x23d: {  	[sflag:s29] =	ssyncset.done $0x0  }
0x23e: {  	[sflag:s29] =	ssyncadd.s32 $0xFFFFC000  }
0x23f: {  	[tilespmem:s0], [sflag:$0x2] =	stream.indirect.gather [hbm4b:s10+s31], $0x80, s7, s31, $0xb8;
	[tilespmem:$0x1C400] =	vst v63  }
0x240: {  	_ =	swait.ge [sflag:s1], $0x4000  }
0x241: {  	[sflag:s1] =	ssyncset.done $0x0  }
0x242: {  	[sflag:s1] =	ssyncadd.s32 $0xFFFFC000  }
0x243: {  	[spmem:s2] =	stream.indirect.scatter.add.f32 [tilespmem:s28], [sflag:$0x3], $0x80, s11, s31, $0xb8;
	[tilespmem:$0x1C400] =	vst v63  }
0x244: {  	_ =	swait.ge [sflag:s29], $0x4000  }
0x245: {  	[sflag:s29] =	ssyncset.done $0x0  }
0x246: {  	[sflag:s29] =	ssyncadd.s32 $0xFFFFC000  }
0x247: {  	_ =	swait.ge [sflag:s22], $0x4000  }
0x248: {  	[sflag:s22] =	ssyncset.done $0x0  }
0x249: {  	[sflag:s22] =	ssyncadd.s32 $0xFFFFC000  }
0x24a: {  	[spmem:s2] =	stream.indirect.scatter.add.f32 [tilespmem:s0], [sflag:$0x3], $0x80, s15, s31, $0xb8;
	[tilespmem:$0x1C400] =	vst v63  }
0x24b: {  	_ =	swait.ge [sflag:s29], $0x4000  }
0x24c: {  	[sflag:s29] =	ssyncset.done $0x0  }
0x24d: {  	[sflag:s29] =	ssyncadd.s32 $0xFFFFC000  }
0x24e: {  	[bflag:$0x0] =	sbarrier.arrive $0xFFFF  }
0x24f: {  	s6 =	rddreg [dreg:$0x9]  }
0x250: {  	s9 =	rddreg [dreg:$0x16]  }
0x251: {  	s8 =	rddreg [dreg:$0x18]  }
0x252: {  	s13 =	rddreg [dreg:$0x19];
	s5 =	sadd.s32 s9, s6  }
0x253: {  	[hbm:s5], [sflag:s8] =	dma.local [spmem:s13], $0x800  }
0x254: {  	_ =	swait.ge [sflag:s29], $0x800  }
0x255: {  	[sflag:s29] =	ssyncset.done $0x0;
	s9 =	rddreg [dreg:$0x12]  }
0x256: {  	s13 =	rddreg [dreg:$0x1a];
	[sflag:s29] =	ssyncadd.s32 $0xFFFFF800;
	s5 =	sadd.s32 s9, s6  }
0x257: {  	[hbm:s5], [sflag:s8] =	dma.local [spmem:s13], $0x800  }
0x258: {  	_ =	swait.ge [sflag:s29], $0x800  }
0x259: {  	[sflag:s29] =	ssyncset.done $0x0;
	s9 =	rddreg [dreg:$0x13]  }
0x25a: {  	s13 =	rddreg [dreg:$0x1b];
	[sflag:s29] =	ssyncadd.s32 $0xFFFFF800;
	s5 =	sadd.s32 s9, s6  }
0x25b: {  	[hbm:s5], [sflag:s8] =	dma.local [spmem:s13], $0x800  }
0x25c: {  	_ =	swait.ge [sflag:s29], $0x800  }
0x25d: {  	[sflag:s29] =	ssyncset.done $0x0;
	s9 =	rddreg [dreg:$0x14]  }
0x25e: {  	s13 =	rddreg [dreg:$0x1c];
	[sflag:s29] =	ssyncadd.s32 $0xFFFFF800;
	s5 =	sadd.s32 s9, s6  }
0x25f: {  	[hbm:s5], [sflag:s8] =	dma.local [spmem:s13], $0x800  }
0x260: {  	_ =	swait.ge [sflag:s29], $0x800  }
0x261: {  	[sflag:s29] =	ssyncset.done $0x0;
	s5 =	rddreg [dreg:$0x15]  }
0x262: {  	[sflag:s29] =	ssyncadd.s32 $0xFFFFF800;
	s5 =	sadd.s32 @!p0 s5, s6;
	s6 =	rddreg [dreg:$0x1d]  }
0x263: {  	[hbm:s5], [sflag:s8] =	dma.local @!p0 [spmem:s6], $0x800  }
0x264: {  	s5 =	simm.s32 @!p0 $0x3  }
0x265: {  	_ =	swait.ge @!p0 [sflag:s5], $0x800  }
0x266: {  	[sflag:s5] =	ssyncset.done @!p0 $0x0  }
0x267: {  	[sflag:s5] =	ssyncadd.s32 @!p0 $0xFFFFF800  }
0x268: {  	s6 =	simm.s32 $0x200;
	s5 =	simm.s32 $0x0;
	[bflag:$0x0] =	sbarrier.arrive $0xFFFF  }
.LBB2_10:
0x269: {  	p1 =	sne.s32 s6, $0xFE00;
	[tilespmem:s5+$0x870] =	vst v0  }
0x26a: {  	[tilespmem:s5+$0x800] =	vst v0  }
0x26b: {  	[tilespmem:s5+$0x810] =	vst v0  }
.Ltmp4:
0x26c: {  	[tilespmem:s5+$0x820] =	vst v0;
	(pc) =	sbr.rel @p1 .LBB2_10-.Ltmp4, $4  }
0x26d: {  	[tilespmem:s5+$0x830] =	vst v0  }
0x26e: {  	[tilespmem:s5+$0x840] =	vst v0  }
0x26f: {  	[tilespmem:s5+$0x850] =	vst v0  }
0x270: {  	[tilespmem:s5+$0x860] =	vst v0;
	s5 =	sshra.s32 s6, $0x2;
	s6 =	sadd.s32 $0x200, s6  }
0x271: {  	[tilespmem:s5+$0x870] =	vst v0  }
0x272: {  	[tilespmem:s5+$0x800] =	vst v0  }
0x273: {  	[tilespmem:s5+$0x810] =	vst v0  }
0x274: {  	[tilespmem:s5+$0x820] =	vst v0  }
0x275: {  	[tilespmem:s5+$0x830] =	vst v0  }
0x276: {  	[tilespmem:s5+$0x840] =	vst v0  }
0x277: {  	[tilespmem:s5+$0x850] =	vst v0  }
0x278: {  	[tilespmem:s5+$0x860] =	vst v0;
	s8 =	rddreg [dreg:$0xd]  }
0x279: {  	[spmem:s8] =	stream.linear.scatter [tilespmem:s28], [sflag:$0x3], $0x4000, $0x38;
	[tilespmem:$0x1C400] =	vst v63  }
0x27a: {  	_ =	swait.ge [sflag:s29], $0x4000  }
0x27b: {  	[sflag:s29] =	ssyncset.done $0x0  }
0x27c: {  	s9 =	rddreg [dreg:$0xe];
	[sflag:s29] =	ssyncadd.s32 $0xFFFFC000  }
0x27d: {  	[spmem:s9] =	stream.linear.scatter [tilespmem:s28], [sflag:$0x3], $0x4000, $0x38;
	[tilespmem:$0x1C400] =	vst v63  }
0x27e: {  	_ =	swait.ge [sflag:s29], $0x4000  }
0x27f: {  	[sflag:s29] =	ssyncset.done $0x0  }
0x280: {  	s13 =	rddreg [dreg:$0xf];
	[sflag:s29] =	ssyncadd.s32 $0xFFFFC000  }
0x281: {  	[spmem:s13] =	stream.linear.scatter [tilespmem:s28], [sflag:$0x3], $0x4000, $0x38;
	[tilespmem:$0x1C400] =	vst v63  }
0x282: {  	_ =	swait.ge [sflag:s29], $0x4000  }
0x283: {  	[sflag:s29] =	ssyncset.done $0x0  }
0x284: {  	s6 =	rddreg [dreg:$0x10];
	[sflag:s29] =	ssyncadd.s32 $0xFFFFC000  }
0x285: {  	[spmem:s6] =	stream.linear.scatter [tilespmem:s28], [sflag:$0x3], $0x4000, $0x38;
	[tilespmem:$0x1C400] =	vst v63  }
0x286: {  	_ =	swait.ge [sflag:s29], $0x4000  }
0x287: {  	[sflag:s29] =	ssyncset.done $0x0  }
0x288: {  	s5 =	simm.s32 @!p0 $0x800;
	s6 =	rddreg [dreg:$0x11];
	[sflag:s29] =	ssyncadd.s32 $0xFFFFC000  }
0x289: {  	[spmem:s6] =	stream.linear.scatter @!p0 [tilespmem:s5], [sflag:$0x3], $0x4000, $0x38;
	[tilespmem:$0x1C400] =	vst v63  }
0x28a: {  	s5 =	simm.s32 @!p0 $0x3  }
0x28b: {  	_ =	swait.ge @!p0 [sflag:s5], $0x4000  }
0x28c: {  	[sflag:s5] =	ssyncset.done @!p0 $0x0  }
0x28d: {  	[sflag:s5] =	ssyncadd.s32 @!p0 $0xFFFFC000  }
0x28e: {  	[bflag:$0x0] =	sbarrier.arrive $0xFFFF  }
0x28f: {  	s13 =	rddreg [dreg:$0xa]  }
0x290: {  	s8 =	sadd.s32 $0x0, s13  }
0x291: {  	[tilespmem:s3], [sflag:$0x3] =	stream.linear.gather [hbm4b:s8+s3], $0x400, $0x38;
	[tilespmem:$0x1C400] =	vst v63  }
0x292: {  	_ =	swait.ge [sflag:s29], $0x400  }
0x293: {  	[sflag:s29] =	ssyncset.done $0x0;
	s9 =	rddreg [dreg:$0x5]  }
0x294: {  	[sflag:s29] =	ssyncadd.s32 $0xFFFFFC00;
	s5 =	sadd.s32 $0x0, s9  }
0x295: {  	[tilespmem:s30], [sflag:$0x3] =	stream.linear.gather [hbm4b:s5+s3], $0x400, $0x38;
	[tilespmem:$0x1C400] =	vst v63  }
0x296: {  	_ =	swait.ge [sflag:s29], $0x400  }
0x297: {  	[sflag:s29] =	ssyncset.done $0x0  }
0x298: {  	[sflag:s29] =	ssyncadd.s32 $0xFFFFFC00  }
0x299: {  	[tilespmem:s28], [sflag:$0x1] =	stream.indirect.gather [hbm4b:s14+s31], $0x80, s3, s31, $0xb8;
	[tilespmem:$0x1C400] =	vst v63  }
0x29a: {  	_ = 	snop  }
0x29b: {  	[tilespmem:s0], [sflag:$0x2] =	stream.indirect.gather [hbm4b:s14+s31], $0x80, s31, s31, $0xb8;
	[tilespmem:$0x1C400] =	vst v63  }
0x29c: {  	_ =	swait.ge [sflag:s1], $0x4000  }
0x29d: {  	[sflag:s1] =	ssyncset.done $0x0  }
0x29e: {  	[sflag:s1] =	ssyncadd.s32 $0xFFFFC000  }
0x29f: {  	[spmem:s2] =	stream.indirect.scatter.add.f32 [tilespmem:s28], [sflag:$0x3], $0x80, s30, s31, $0xb8;
	[tilespmem:$0x1C400] =	vst v63  }
0x2a0: {  	_ =	swait.ge [sflag:s29], $0x4000  }
0x2a1: {  	[sflag:s29] =	ssyncset.done $0x0  }
0x2a2: {  	[sflag:s29] =	ssyncadd.s32 $0xFFFFC000  }
0x2a3: {  	[tilespmem:s28], [sflag:$0x1] =	stream.indirect.gather [hbm4b:s14+s31], $0x80, s12, s31, $0xb8;
	[tilespmem:$0x1C400] =	vst v63  }
0x2a4: {  	_ =	swait.ge [sflag:s22], $0x4000  }
0x2a5: {  	[sflag:s22] =	ssyncset.done $0x0  }
0x2a6: {  	[sflag:s22] =	ssyncadd.s32 $0xFFFFC000  }
0x2a7: {  	[spmem:s2] =	stream.indirect.scatter.add.f32 [tilespmem:s0], [sflag:$0x3], $0x80, s23, s31, $0xb8;
	[tilespmem:$0x1C400] =	vst v63  }
0x2a8: {  	_ =	swait.ge [sflag:s29], $0x4000  }
0x2a9: {  	[sflag:s29] =	ssyncset.done $0x0  }
0x2aa: {  	[sflag:s29] =	ssyncadd.s32 $0xFFFFC000  }
0x2ab: {  	[tilespmem:s0], [sflag:$0x2] =	stream.indirect.gather [hbm4b:s14+s31], $0x80, s24, s31, $0xb8;
	[tilespmem:$0x1C400] =	vst v63  }
0x2ac: {  	_ =	swait.ge [sflag:s1], $0x4000  }
0x2ad: {  	[sflag:s1] =	ssyncset.done $0x0  }
0x2ae: {  	[sflag:s1] =	ssyncadd.s32 $0xFFFFC000  }
0x2af: {  	[spmem:s2] =	stream.indirect.scatter.add.f32 [tilespmem:s28], [sflag:$0x3], $0x80, s25, s31, $0xb8;
	[tilespmem:$0x1C400] =	vst v63  }
0x2b0: {  	_ =	swait.ge [sflag:s29], $0x4000  }
0x2b1: {  	[sflag:s29] =	ssyncset.done $0x0  }
0x2b2: {  	[sflag:s29] =	ssyncadd.s32 $0xFFFFC000  }
0x2b3: {  	[tilespmem:s28], [sflag:$0x1] =	stream.indirect.gather [hbm4b:s14+s31], $0x80, s26, s31, $0xb8;
	[tilespmem:$0x1C400] =	vst v63  }
0x2b4: {  	_ =	swait.ge [sflag:s22], $0x4000  }
0x2b5: {  	[sflag:s22] =	ssyncset.done $0x0  }
0x2b6: {  	[sflag:s22] =	ssyncadd.s32 $0xFFFFC000  }
0x2b7: {  	[spmem:s2] =	stream.indirect.scatter.add.f32 [tilespmem:s0], [sflag:$0x3], $0x80, s17, s31, $0xb8;
	[tilespmem:$0x1C400] =	vst v63  }
0x2b8: {  	_ =	swait.ge [sflag:s29], $0x4000  }
0x2b9: {  	[sflag:s29] =	ssyncset.done $0x0  }
0x2ba: {  	[sflag:s29] =	ssyncadd.s32 $0xFFFFC000  }
0x2bb: {  	[tilespmem:s0], [sflag:$0x2] =	stream.indirect.gather [hbm4b:s14+s31], $0x80, s18, s31, $0xb8;
	[tilespmem:$0x1C400] =	vst v63  }
0x2bc: {  	_ =	swait.ge [sflag:s1], $0x4000  }
0x2bd: {  	[sflag:s1] =	ssyncset.done $0x0  }
0x2be: {  	[sflag:s1] =	ssyncadd.s32 $0xFFFFC000  }
0x2bf: {  	[spmem:s2] =	stream.indirect.scatter.add.f32 [tilespmem:s28], [sflag:$0x3], $0x80, s19, s31, $0xb8;
	[tilespmem:$0x1C400] =	vst v63  }
0x2c0: {  	_ =	swait.ge [sflag:s29], $0x4000  }
0x2c1: {  	[sflag:s29] =	ssyncset.done $0x0  }
0x2c2: {  	[sflag:s29] =	ssyncadd.s32 $0xFFFFC000  }
0x2c3: {  	[tilespmem:s28], [sflag:$0x1] =	stream.indirect.gather [hbm4b:s14+s31], $0x80, s20, s31, $0xb8;
	[tilespmem:$0x1C400] =	vst v63  }
0x2c4: {  	_ =	swait.ge [sflag:s22], $0x4000  }
0x2c5: {  	[sflag:s22] =	ssyncset.done $0x0  }
0x2c6: {  	[sflag:s22] =	ssyncadd.s32 $0xFFFFC000  }
0x2c7: {  	[spmem:s2] =	stream.indirect.scatter.add.f32 [tilespmem:s0], [sflag:$0x3], $0x80, s21, s31, $0xb8;
	[tilespmem:$0x1C400] =	vst v63  }
0x2c8: {  	_ =	swait.ge [sflag:s29], $0x4000  }
0x2c9: {  	[sflag:s29] =	ssyncset.done $0x0  }
0x2ca: {  	[sflag:s29] =	ssyncadd.s32 $0xFFFFC000  }
0x2cb: {  	[tilespmem:s0], [sflag:$0x2] =	stream.indirect.gather [hbm4b:s14+s31], $0x80, s7, s31, $0xb8;
	[tilespmem:$0x1C400] =	vst v63  }
0x2cc: {  	_ =	swait.ge [sflag:s1], $0x4000  }
0x2cd: {  	[sflag:s1] =	ssyncset.done $0x0  }
0x2ce: {  	[sflag:s1] =	ssyncadd.s32 $0xFFFFC000  }
0x2cf: {  	[spmem:s2] =	stream.indirect.scatter.add.f32 [tilespmem:s28], [sflag:$0x3], $0x80, s11, s31, $0xb8;
	[tilespmem:$0x1C400] =	vst v63  }
0x2d0: {  	_ =	swait.ge [sflag:s29], $0x4000  }
0x2d1: {  	[sflag:s29] =	ssyncset.done $0x0  }
0x2d2: {  	[sflag:s29] =	ssyncadd.s32 $0xFFFFC000  }
0x2d3: {  	_ =	swait.ge [sflag:s22], $0x4000  }
0x2d4: {  	[sflag:s22] =	ssyncset.done $0x0  }
0x2d5: {  	[sflag:s22] =	ssyncadd.s32 $0xFFFFC000  }
0x2d6: {  	[spmem:s2] =	stream.indirect.scatter.add.f32 [tilespmem:s0], [sflag:$0x3], $0x80, s15, s31, $0xb8;
	[tilespmem:$0x1C400] =	vst v63  }
0x2d7: {  	_ =	swait.ge [sflag:s29], $0x4000  }
0x2d8: {  	s8 =	simm.s32 $0x100;
	s5 =	simm.s32 $0x80;
	[sflag:s29] =	ssyncset.done $0x0  }
.LBB2_12:
0x2d9: {  	s9 =	sadd.s32 s5, s13;
	[sflag:s29] =	ssyncadd.s32 $0xFFFFC000  }
0x2da: {  	[tilespmem:s3], [sflag:$0x3] =	stream.linear.gather [hbm4b:s9+s3], $0x400, $0x38;
	[tilespmem:$0x1C400] =	vst v63  }
0x2db: {  	s9 =	rddreg [dreg:$0x5];
	_ =	swait.ge [sflag:s29], $0x400  }
0x2dc: {  	s12 =	smov.u32 s8;
	s6 =	sadd.s32 $0x80, s8;
	[sflag:s29] =	ssyncset.done $0x0  }
0x2dd: {  	p1 =	sne.s32 s8, $0x480;
	s8 =	sadd.s32 s5, s9;
	[sflag:s29] =	ssyncadd.s32 $0xFFFFFC00  }
0x2de: {  	[tilespmem:s30], [sflag:$0x3] =	stream.linear.gather [hbm4b:s8+s3], $0x400, $0x38;
	[tilespmem:$0x1C400] =	vst v63  }
0x2df: {  	_ =	swait.ge [sflag:s29], $0x400  }
0x2e0: {  	[sflag:s29] =	ssyncset.done $0x0  }
0x2e1: {  	[sflag:s29] =	ssyncadd.s32 $0xFFFFFC00  }
0x2e2: {  	[tilespmem:s28], [sflag:$0x1] =	stream.indirect.gather [hbm4b:s14+s31], $0x80, s3, s31, $0xb8;
	[tilespmem:$0x1C400] =	vst v63  }
0x2e3: {  	_ = 	snop  }
0x2e4: {  	[tilespmem:s0], [sflag:$0x2] =	stream.indirect.gather [hbm4b:s14+s31], $0x80, s31, s31, $0xb8;
	[tilespmem:$0x1C400] =	vst v63  }
0x2e5: {  	_ =	swait.ge [sflag:s1], $0x4000  }
0x2e6: {  	[sflag:s1] =	ssyncset.done $0x0  }
0x2e7: {  	[sflag:s1] =	ssyncadd.s32 $0xFFFFC000  }
0x2e8: {  	[spmem:s2] =	stream.indirect.scatter.add.f32 [tilespmem:s28], [sflag:$0x3], $0x80, s30, s31, $0xb8;
	[tilespmem:$0x1C400] =	vst v63  }
0x2e9: {  	_ =	swait.ge [sflag:s29], $0x4000  }
0x2ea: {  	[sflag:s29] =	ssyncset.done $0x0  }
0x2eb: {  	s5 =	smov.u32 s12;
	s12 =	simm.s32 $0x100;
	[sflag:s29] =	ssyncadd.s32 $0xFFFFC000  }
0x2ec: {  	[tilespmem:s28], [sflag:$0x1] =	stream.indirect.gather [hbm4b:s14+s31], $0x80, s12, s31, $0xb8;
	[tilespmem:$0x1C400] =	vst v63  }
0x2ed: {  	_ =	swait.ge [sflag:s22], $0x4000  }
0x2ee: {  	[sflag:s22] =	ssyncset.done $0x0  }
0x2ef: {  	[sflag:s22] =	ssyncadd.s32 $0xFFFFC000  }
0x2f0: {  	[spmem:s2] =	stream.indirect.scatter.add.f32 [tilespmem:s0], [sflag:$0x3], $0x80, s23, s31, $0xb8;
	[tilespmem:$0x1C400] =	vst v63  }
0x2f1: {  	_ =	swait.ge [sflag:s29], $0x4000  }
0x2f2: {  	[sflag:s29] =	ssyncset.done $0x0  }
0x2f3: {  	[sflag:s29] =	ssyncadd.s32 $0xFFFFC000  }
0x2f4: {  	[tilespmem:s0], [sflag:$0x2] =	stream.indirect.gather [hbm4b:s14+s31], $0x80, s24, s31, $0xb8;
	[tilespmem:$0x1C400] =	vst v63  }
0x2f5: {  	_ =	swait.ge [sflag:s1], $0x4000  }
0x2f6: {  	[sflag:s1] =	ssyncset.done $0x0  }
0x2f7: {  	[sflag:s1] =	ssyncadd.s32 $0xFFFFC000  }
0x2f8: {  	[spmem:s2] =	stream.indirect.scatter.add.f32 [tilespmem:s28], [sflag:$0x3], $0x80, s25, s31, $0xb8;
	[tilespmem:$0x1C400] =	vst v63  }
0x2f9: {  	_ =	swait.ge [sflag:s29], $0x4000  }
0x2fa: {  	[sflag:s29] =	ssyncset.done $0x0  }
0x2fb: {  	[sflag:s29] =	ssyncadd.s32 $0xFFFFC000  }
0x2fc: {  	[tilespmem:s28], [sflag:$0x1] =	stream.indirect.gather [hbm4b:s14+s31], $0x80, s26, s31, $0xb8;
	[tilespmem:$0x1C400] =	vst v63  }
0x2fd: {  	_ =	swait.ge [sflag:s22], $0x4000  }
0x2fe: {  	[sflag:s22] =	ssyncset.done $0x0  }
0x2ff: {  	[sflag:s22] =	ssyncadd.s32 $0xFFFFC000  }
0x300: {  	[spmem:s2] =	stream.indirect.scatter.add.f32 [tilespmem:s0], [sflag:$0x3], $0x80, s17, s31, $0xb8;
	[tilespmem:$0x1C400] =	vst v63  }
0x301: {  	_ =	swait.ge [sflag:s29], $0x4000  }
0x302: {  	[sflag:s29] =	ssyncset.done $0x0  }
0x303: {  	[sflag:s29] =	ssyncadd.s32 $0xFFFFC000  }
0x304: {  	[tilespmem:s0], [sflag:$0x2] =	stream.indirect.gather [hbm4b:s14+s31], $0x80, s18, s31, $0xb8;
	[tilespmem:$0x1C400] =	vst v63  }
0x305: {  	_ =	swait.ge [sflag:s1], $0x4000  }
0x306: {  	[sflag:s1] =	ssyncset.done $0x0  }
0x307: {  	[sflag:s1] =	ssyncadd.s32 $0xFFFFC000  }
0x308: {  	[spmem:s2] =	stream.indirect.scatter.add.f32 [tilespmem:s28], [sflag:$0x3], $0x80, s19, s31, $0xb8;
	[tilespmem:$0x1C400] =	vst v63  }
0x309: {  	_ =	swait.ge [sflag:s29], $0x4000  }
0x30a: {  	[sflag:s29] =	ssyncset.done $0x0  }
0x30b: {  	[sflag:s29] =	ssyncadd.s32 $0xFFFFC000  }
0x30c: {  	[tilespmem:s28], [sflag:$0x1] =	stream.indirect.gather [hbm4b:s14+s31], $0x80, s20, s31, $0xb8;
	[tilespmem:$0x1C400] =	vst v63  }
0x30d: {  	_ =	swait.ge [sflag:s22], $0x4000  }
0x30e: {  	[sflag:s22] =	ssyncset.done $0x0  }
0x30f: {  	[sflag:s22] =	ssyncadd.s32 $0xFFFFC000  }
0x310: {  	[spmem:s2] =	stream.indirect.scatter.add.f32 [tilespmem:s0], [sflag:$0x3], $0x80, s21, s31, $0xb8;
	[tilespmem:$0x1C400] =	vst v63  }
0x311: {  	_ =	swait.ge [sflag:s29], $0x4000  }
0x312: {  	[sflag:s29] =	ssyncset.done $0x0  }
0x313: {  	[sflag:s29] =	ssyncadd.s32 $0xFFFFC000  }
0x314: {  	[tilespmem:s0], [sflag:$0x2] =	stream.indirect.gather [hbm4b:s14+s31], $0x80, s7, s31, $0xb8;
	[tilespmem:$0x1C400] =	vst v63  }
0x315: {  	_ =	swait.ge [sflag:s1], $0x4000  }
0x316: {  	[sflag:s1] =	ssyncset.done $0x0  }
0x317: {  	[sflag:s1] =	ssyncadd.s32 $0xFFFFC000  }
0x318: {  	[spmem:s2] =	stream.indirect.scatter.add.f32 [tilespmem:s28], [sflag:$0x3], $0x80, s11, s31, $0xb8;
	[tilespmem:$0x1C400] =	vst v63  }
0x319: {  	_ =	swait.ge [sflag:s29], $0x4000  }
0x31a: {  	[sflag:s29] =	ssyncset.done $0x0  }
0x31b: {  	[sflag:s29] =	ssyncadd.s32 $0xFFFFC000  }
0x31c: {  	_ =	swait.ge [sflag:s22], $0x4000  }
.Ltmp5:
0x31d: {  	[sflag:s22] =	ssyncset.done $0x0;
	(pc) =	sbr.rel @p1 .LBB2_12-.Ltmp5, $4  }
0x31e: {  	[sflag:s22] =	ssyncadd.s32 $0xFFFFC000  }
0x31f: {  	[spmem:s2] =	stream.indirect.scatter.add.f32 [tilespmem:s0], [sflag:$0x3], $0x80, s15, s31, $0xb8;
	[tilespmem:$0x1C400] =	vst v63  }
0x320: {  	_ =	swait.ge [sflag:s29], $0x4000  }
0x321: {  	s8 =	smov.u32 s6;
	[sflag:s29] =	ssyncset.done $0x0  }
0x322: {  	s6 =	sadd.s32 s5, s13;
	[sflag:s29] =	ssyncadd.s32 $0xFFFFC000  }
0x323: {  	[tilespmem:s3], [sflag:$0x3] =	stream.linear.gather [hbm4b:s6+s3], $0x400, $0x38;
	[tilespmem:$0x1C400] =	vst v63  }
0x324: {  	_ =	swait.ge [sflag:s29], $0x400  }
0x325: {  	[sflag:s29] =	ssyncset.done $0x0  }
0x326: {  	s8 =	sadd.s32 s5, s9;
	[sflag:s29] =	ssyncadd.s32 $0xFFFFFC00  }
0x327: {  	[tilespmem:s30], [sflag:$0x3] =	stream.linear.gather [hbm4b:s8+s3], $0x400, $0x38;
	[tilespmem:$0x1C400] =	vst v63  }
0x328: {  	_ =	swait.ge [sflag:s29], $0x400  }
0x329: {  	[sflag:s29] =	ssyncset.done $0x0  }
0x32a: {  	[sflag:s29] =	ssyncadd.s32 $0xFFFFFC00  }
0x32b: {  	[tilespmem:s28], [sflag:$0x1] =	stream.indirect.gather [hbm4b:s14+s31], $0x80, s3, s31, $0xb8;
	[tilespmem:$0x1C400] =	vst v63  }
0x32c: {  	_ = 	snop  }
0x32d: {  	[tilespmem:s0], [sflag:$0x2] =	stream.indirect.gather [hbm4b:s14+s31], $0x80, s31, s31, $0xb8;
	[tilespmem:$0x1C400] =	vst v63  }
0x32e: {  	_ =	swait.ge [sflag:s1], $0x4000  }
0x32f: {  	[sflag:s1] =	ssyncset.done $0x0  }
0x330: {  	[sflag:s1] =	ssyncadd.s32 $0xFFFFC000  }
0x331: {  	[spmem:s2] =	stream.indirect.scatter.add.f32 [tilespmem:s28], [sflag:$0x3], $0x80, s30, s31, $0xb8;
	[tilespmem:$0x1C400] =	vst v63  }
0x332: {  	_ =	swait.ge [sflag:s29], $0x4000  }
0x333: {  	[sflag:s29] =	ssyncset.done $0x0  }
0x334: {  	[sflag:s29] =	ssyncadd.s32 $0xFFFFC000  }
0x335: {  	[tilespmem:s28], [sflag:$0x1] =	stream.indirect.gather [hbm4b:s14+s31], $0x80, s12, s31, $0xb8;
	[tilespmem:$0x1C400] =	vst v63  }
0x336: {  	_ =	swait.ge [sflag:s22], $0x4000  }
0x337: {  	[sflag:s22] =	ssyncset.done $0x0  }
0x338: {  	[sflag:s22] =	ssyncadd.s32 $0xFFFFC000  }
0x339: {  	[spmem:s2] =	stream.indirect.scatter.add.f32 [tilespmem:s0], [sflag:$0x3], $0x80, s23, s31, $0xb8;
	[tilespmem:$0x1C400] =	vst v63  }
0x33a: {  	_ =	swait.ge [sflag:s29], $0x4000  }
0x33b: {  	[sflag:s29] =	ssyncset.done $0x0  }
0x33c: {  	[sflag:s29] =	ssyncadd.s32 $0xFFFFC000  }
0x33d: {  	[tilespmem:s0], [sflag:$0x2] =	stream.indirect.gather [hbm4b:s14+s31], $0x80, s24, s31, $0xb8;
	[tilespmem:$0x1C400] =	vst v63  }
0x33e: {  	_ =	swait.ge [sflag:s1], $0x4000  }
0x33f: {  	[sflag:s1] =	ssyncset.done $0x0  }
0x340: {  	[sflag:s1] =	ssyncadd.s32 $0xFFFFC000  }
0x341: {  	[spmem:s2] =	stream.indirect.scatter.add.f32 [tilespmem:s28], [sflag:$0x3], $0x80, s25, s31, $0xb8;
	[tilespmem:$0x1C400] =	vst v63  }
0x342: {  	_ =	swait.ge [sflag:s29], $0x4000  }
0x343: {  	[sflag:s29] =	ssyncset.done $0x0  }
0x344: {  	[sflag:s29] =	ssyncadd.s32 $0xFFFFC000  }
0x345: {  	[tilespmem:s28], [sflag:$0x1] =	stream.indirect.gather [hbm4b:s14+s31], $0x80, s26, s31, $0xb8;
	[tilespmem:$0x1C400] =	vst v63  }
0x346: {  	_ =	swait.ge [sflag:s22], $0x4000  }
0x347: {  	[sflag:s22] =	ssyncset.done $0x0  }
0x348: {  	[sflag:s22] =	ssyncadd.s32 $0xFFFFC000  }
0x349: {  	[spmem:s2] =	stream.indirect.scatter.add.f32 [tilespmem:s0], [sflag:$0x3], $0x80, s17, s31, $0xb8;
	[tilespmem:$0x1C400] =	vst v63  }
0x34a: {  	_ =	swait.ge [sflag:s29], $0x4000  }
0x34b: {  	[sflag:s29] =	ssyncset.done $0x0  }
0x34c: {  	[sflag:s29] =	ssyncadd.s32 $0xFFFFC000  }
0x34d: {  	[tilespmem:s0], [sflag:$0x2] =	stream.indirect.gather [hbm4b:s14+s31], $0x80, s18, s31, $0xb8;
	[tilespmem:$0x1C400] =	vst v63  }
0x34e: {  	_ =	swait.ge [sflag:s1], $0x4000  }
0x34f: {  	[sflag:s1] =	ssyncset.done $0x0  }
0x350: {  	[sflag:s1] =	ssyncadd.s32 $0xFFFFC000  }
0x351: {  	[spmem:s2] =	stream.indirect.scatter.add.f32 [tilespmem:s28], [sflag:$0x3], $0x80, s19, s31, $0xb8;
	[tilespmem:$0x1C400] =	vst v63  }
0x352: {  	_ =	swait.ge [sflag:s29], $0x4000  }
0x353: {  	[sflag:s29] =	ssyncset.done $0x0  }
0x354: {  	[sflag:s29] =	ssyncadd.s32 $0xFFFFC000  }
0x355: {  	[tilespmem:s28], [sflag:$0x1] =	stream.indirect.gather [hbm4b:s14+s31], $0x80, s20, s31, $0xb8;
	[tilespmem:$0x1C400] =	vst v63  }
0x356: {  	_ =	swait.ge [sflag:s22], $0x4000  }
0x357: {  	[sflag:s22] =	ssyncset.done $0x0  }
0x358: {  	[sflag:s22] =	ssyncadd.s32 $0xFFFFC000  }
0x359: {  	[spmem:s2] =	stream.indirect.scatter.add.f32 [tilespmem:s0], [sflag:$0x3], $0x80, s21, s31, $0xb8;
	[tilespmem:$0x1C400] =	vst v63  }
0x35a: {  	_ =	swait.ge [sflag:s29], $0x4000  }
0x35b: {  	[sflag:s29] =	ssyncset.done $0x0  }
0x35c: {  	[sflag:s29] =	ssyncadd.s32 $0xFFFFC000  }
0x35d: {  	[tilespmem:s0], [sflag:$0x2] =	stream.indirect.gather [hbm4b:s14+s31], $0x80, s7, s31, $0xb8;
	[tilespmem:$0x1C400] =	vst v63  }
0x35e: {  	_ =	swait.ge [sflag:s1], $0x4000  }
0x35f: {  	[sflag:s1] =	ssyncset.done $0x0  }
0x360: {  	[sflag:s1] =	ssyncadd.s32 $0xFFFFC000  }
0x361: {  	[spmem:s2] =	stream.indirect.scatter.add.f32 [tilespmem:s28], [sflag:$0x3], $0x80, s11, s31, $0xb8;
	[tilespmem:$0x1C400] =	vst v63  }
0x362: {  	_ =	swait.ge [sflag:s29], $0x4000  }
0x363: {  	[sflag:s29] =	ssyncset.done $0x0  }
0x364: {  	[sflag:s29] =	ssyncadd.s32 $0xFFFFC000  }
0x365: {  	_ =	swait.ge [sflag:s22], $0x4000  }
0x366: {  	[sflag:s22] =	ssyncset.done $0x0  }
0x367: {  	[sflag:s22] =	ssyncadd.s32 $0xFFFFC000  }
0x368: {  	[spmem:s2] =	stream.indirect.scatter.add.f32 [tilespmem:s0], [sflag:$0x3], $0x80, s15, s31, $0xb8;
	[tilespmem:$0x1C400] =	vst v63  }
0x369: {  	_ =	swait.ge [sflag:s29], $0x4000  }
0x36a: {  	[sflag:s29] =	ssyncset.done $0x0  }
0x36b: {  	[sflag:s29] =	ssyncadd.s32 $0xFFFFC000  }
0x36c: {  	[bflag:$0x0] =	sbarrier.arrive $0xFFFF  }
0x36d: {  	s6 =	rddreg [dreg:$0xb]  }
0x36e: {  	s9 =	rddreg [dreg:$0x16]  }
0x36f: {  	s8 =	rddreg [dreg:$0x18]  }
0x370: {  	s13 =	rddreg [dreg:$0x19];
	s5 =	sadd.s32 s9, s6  }
0x371: {  	[hbm:s5], [sflag:s8] =	dma.local [spmem:s13], $0x800  }
0x372: {  	_ =	swait.ge [sflag:s29], $0x800  }
0x373: {  	[sflag:s29] =	ssyncset.done $0x0;
	s9 =	rddreg [dreg:$0x12]  }
0x374: {  	s13 =	rddreg [dreg:$0x1a];
	[sflag:s29] =	ssyncadd.s32 $0xFFFFF800;
	s5 =	sadd.s32 s9, s6  }
0x375: {  	[hbm:s5], [sflag:s8] =	dma.local [spmem:s13], $0x800  }
0x376: {  	_ =	swait.ge [sflag:s29], $0x800  }
0x377: {  	[sflag:s29] =	ssyncset.done $0x0;
	s9 =	rddreg [dreg:$0x13]  }
0x378: {  	s13 =	rddreg [dreg:$0x1b];
	[sflag:s29] =	ssyncadd.s32 $0xFFFFF800;
	s5 =	sadd.s32 s9, s6  }
0x379: {  	[hbm:s5], [sflag:s8] =	dma.local [spmem:s13], $0x800  }
0x37a: {  	_ =	swait.ge [sflag:s29], $0x800  }
0x37b: {  	[sflag:s29] =	ssyncset.done $0x0;
	s9 =	rddreg [dreg:$0x14]  }
0x37c: {  	s13 =	rddreg [dreg:$0x1c];
	[sflag:s29] =	ssyncadd.s32 $0xFFFFF800;
	s5 =	sadd.s32 s9, s6  }
0x37d: {  	[hbm:s5], [sflag:s8] =	dma.local [spmem:s13], $0x800  }
0x37e: {  	_ =	swait.ge [sflag:s29], $0x800  }
0x37f: {  	[sflag:s29] =	ssyncset.done $0x0;
	s5 =	rddreg [dreg:$0x15]  }
0x380: {  	[sflag:s29] =	ssyncadd.s32 $0xFFFFF800;
	s5 =	sadd.s32 @!p0 s5, s6;
	s6 =	rddreg [dreg:$0x1d]  }
0x381: {  	[hbm:s5], [sflag:s8] =	dma.local @!p0 [spmem:s6], $0x800  }
0x382: {  	s5 =	simm.s32 @!p0 $0x3  }
0x383: {  	_ =	swait.ge @!p0 [sflag:s5], $0x800  }
0x384: {  	s9 =	rddreg [dreg:$0x17]  }
0x385: {  	s13 =	rddreg [dreg:$0xc];
	s6 =	sadd.s32 $0x1, s9  }
0x386: {  	p1 =	sne.s32 s6, s13  }
.Ltmp6:
0x387: {  	_ = 	snop;
	(pc) =	sbr.rel @p1 .LBB2_1-.Ltmp6, $4  }
0x388: {  	[sflag:s5] =	ssyncset.done @!p0 $0x0  }
0x389: {  	[sflag:s5] =	ssyncadd.s32 @!p0 $0xFFFFF800  }
0x38a: {  	[bflag:$0x0] =	sbarrier.arrive $0xFFFF  }
0x38b: {  	s9 =	smov.u32 s16;
	s13 =	rddreg [dreg:$0x6]  }
0x38c: {  	_ =	sfence.sel $0x180000  }
0x38d: {  	[bflag:$0x0] =	sbarrier.arrive $0xFFFF  }
0x38e: {  	_ =	strace $0x9000004A  }
0x38f: {  	s0 =	stileid.u32;
	[bflag:$0x2] =	sbarrier.arrive $0xFFFF  }
0x390: {  	p0 =	sne.s32 s0, $0x0;
	s0 =	rddreg [dreg:$0x3]  }
0x391: {  	s0 =	sadd.s32 @!p0 $0x100000, s0  }
0x392: {  	[sflag:s0] =	ssyncadd.tile.s32 @!p0 $0x1;
	_ =	shalt  }
.Lfunc_end2:
_tile_overlayer_lowered:
.L_overlay_start_2:
0x393: {  	(tag) =	ssettag $0x2  }
0x394: {  	s0 =	rddreg [dreg:$0x0];
	s2 =	stileid.u32  }
0x395: {  	s1 =	rddreg [dreg:$0x1];
	p0 =	sne.s32 s2, $0x0  }
0x396: {  	s3 =	rddreg [dreg:$0x2];
	[bflag:$0x3] =	sbarrier.arrive $0xFFFF;
	s2 =	simm.s32 @!p0 $0x1C03  }
0x397: {  	[timem:s3], [sflag:s2] =	dma.local @!p0 [hbm:s0], s1  }
0x398: {  	s0 =	simm.s32 @!p0 $0x3  }
0x399: {  	_ =	swait.ge @!p0 [sflag:s0], s1  }
0x39a: {  	s1 =	ssub.s32 @!p0 $0x0, s1;
	[sflag:s0] =	ssyncset.done @!p0 $0x0  }
0x39b: {  	[sflag:s0] =	ssyncadd.s32 @!p0 s1  }
0x39c: {  	[bflag:$0x3] =	sbarrier.arrive $0xFFFF  }
0x39d: {  	_ =	shalt  }

// kernel: kernel.7.cloned.1.call-start
scs
__scs_entry_jumppad:
0x0: {  	(pc) =	sbr.rel $0x88, $3  }
0x1: {  	(tag) =	ssettag $0x0;
	lr =	simm.s32 $0x1  }
0x2: {  	[smem:$0x3F98] =	sst lr;
	_ =	strace $0xD0000000  }
0x3: {  	_ = 	snop  }
0x4: {  	_ = 	snop  }
0x5: {  	_ = 	snop  }
0x6: {  	_ = 	snop  }
0x7: {  	_ = 	snop  }
__scs_overlays_trampoline_lowered:
0x8: {  	[smem:$0x3FA7] =	sst s0  }
0x9: {  	[smem:$0x3FA8] =	sst s1  }
0xa: {  	[smem:$0x3FA9] =	sst s2  }
0xb: {  	[smem:$0x3FAA] =	sst s3  }
0xc: {  	[smem:$0x3FAB] =	sst s4  }
0xd: {  	[smem:$0x3FAC] =	sst s5  }
0xe: {  	[smem:$0x3FAD] =	sst s6  }
0xf: {  	[smem:$0x3FAE] =	sst s7  }
0x10: {  	[smem:$0x3FAF] =	sst s8  }
0x11: {  	[smem:$0x3FB0] =	sst s9;
	s0 =	simm.s32 @!p0 $0x0  }
0x12: {  	s1 =	sld [smem:$0x3F96];
	s0 =	simm.s32 @p0 $0x1  }
0x13: {  	[smem:$0x3FB1] =	sst s0;
	s0 =	simm.s32 @!p1 $0x0  }
0x14: {  	s2 =	sld [smem:$0x3F95];
	s0 =	simm.s32 @p1 $0x1  }
0x15: {  	[smem:$0x3FB2] =	sst s0;
	s0 =	simm.s32 @!p2 $0x0  }
0x16: {  	s3 =	sld [smem:$0x3FDB];
	s0 =	simm.s32 @p2 $0x1  }
0x17: {  	s4 =	simm.s32 $0x1BF5;
	[smem:$0x3FB4] =	sst s0  }
0x18: {  	s0 =	sld [smem:$0x3F97];
	_ =	swait.ge [sflag:s4], $0x0  }
0x19: {  	s7 =	sld [smem:$0x3F98]  }
0x1a: {  	s8 =	sadd.s32 $0xFFFFE003, lr  }
0x1b: {  	s9 =	sadd.s32 $0xFFFFFEF7, lr;
	s5 =	simm.s32 $0xFFFFFFFF;
	p2 =	slt.u32 s8, $0xFFFFF086  }
0x1c: {  	p1 =	slt.u32 s9, $0xF7A;
	s5 =	simm.s32 @!p2 $0x0  }
0x1d: {  	s5 =	simm.s32 @p1 $0x1;
	p0 =	seq.s32 s7, s2  }
0x1e: {  	s7 =	smul.u32 @!p0 $0xF7A, s2;
	p2 =	seq.s32 @!p0 s5, $0x0  }
0x1f: {  	s9 =	smul.u32 $0xF7A, s1;
	s8 =	simm.s32 @!p0 $0x1BF5;
	p2 =	por !p2, p0  }
0x20: {  	[sflag:s8] =	ssyncset.s32 @!p0 $0xFFFFF086;
	s6 =	sadd.s32 @!p0 s3, s7;
	s7 =	simm.s32 @!p0 $0x108  }
0x21: {  	s3 =	sadd.s32 s3, s9;
	s6 =	sadd.s32 @!p0 $0x88, s6;
	s7 =	simm.s32 @p2 $0x1082  }
0x22: {  	[simem:s7], [sflag:s8] =	dma.local @!p0 [hbm:s6], $0xF7A  }
0x23: {  	s9 =	sor.u32 $0xD0000000, s2;
	s6 =	simm.s32 $0x108;
	_ =	swait.ge @!p0 [sflag:s8], $0x0  }
0x24: {  	s3 =	sadd.s32 $0x88, s3;
	s6 =	simm.s32 @!p1 $0x1082;
	[sflag:s4] =	ssyncset.s32 $0xFFFFF086  }
0x25: {  	[simem:s6], [sflag:s4] =	dma.local [hbm:s3], $0xF7A  }
0x26: {  	[smem:$0x3F98] =	sst s1;
	(tag) =	ssettag s2;
	_ =	strace s9  }
0x27: {  	s1 =	sld [smem:$0x3FA8]  }
0x28: {  	s2 =	sld [smem:$0x3FA9]  }
0x29: {  	s4 =	sld [smem:$0x3FAB]  }
0x2a: {  	p0 =	seq.s32 s5, $0x0;
	s5 =	sld [smem:$0x3FAC]  }
0x2b: {  	s6 =	sld [smem:$0x3FAD]  }
0x2c: {  	s7 =	sld [smem:$0x3FAE]  }
0x2d: {  	s3 =	simm.s32 $0x108;
	s8 =	sld [smem:$0x3FAF]  }
0x2e: {  	s3 =	simm.s32 @!p0 $0x1082;
	s9 =	sld [smem:$0x3FB0]  }
0x2f: {  	lr =	sadd.s32 s0, s3;
	s0 =	sld [smem:$0x3FA7]  }
0x30: {  	s3 =	sld [smem:$0x3FAA]  }
0x31: {  	[smem:$0x3FB3] =	sst s10  }
0x32: {  	s10 =	sld [smem:$0x3FB1];
	_ =	sdelay $0x3  }
0x33: {  	p0 =	seq.s32 s10, $0x1;
	s10 =	sld [smem:$0x3FB3];
	_ =	sdelay $0x3  }
0x34: {  	[smem:$0x3FB3] =	sst s10  }
0x35: {  	s10 =	sld [smem:$0x3FB2];
	_ =	sdelay $0x3  }
0x36: {  	p1 =	seq.s32 s10, $0x1;
	s10 =	sld [smem:$0x3FB3];
	_ =	sdelay $0x3  }
0x37: {  	[smem:$0x3FB3] =	sst s10  }
0x38: {  	s10 =	sld [smem:$0x3FB4]  }
0x39: {  	_ = 	snop;
	(pc) =	sbr.ind lr, $3  }
0x3a: {  	_ = 	snop  }
0x3b: {  	_ = 	snop  }
0x3c: {  	p2 =	seq.s32 s10, $0x1;
	s10 =	sld [smem:$0x3FB3]  }
0x3d: {  	_ =	shalt  }
0x3e: {  	_ =	shalt  }
0x3f: {  	_ =	shalt  }
0x40: {  	_ =	shalt  }
0x41: {  	_ =	shalt  }
0x42: {  	_ =	shalt  }
0x43: {  	_ =	shalt  }
0x44: {  	_ =	shalt  }
0x45: {  	_ =	shalt  }
0x46: {  	_ =	shalt  }
0x47: {  	_ =	shalt  }
0x48: {  	_ =	shalt  }
0x49: {  	_ =	shalt  }
0x4a: {  	_ =	shalt  }
0x4b: {  	_ =	shalt  }
0x4c: {  	_ =	shalt  }
0x4d: {  	_ =	shalt  }
0x4e: {  	_ =	shalt  }
0x4f: {  	_ =	shalt  }
0x50: {  	_ =	shalt  }
0x51: {  	_ =	shalt  }
0x52: {  	_ =	shalt  }
0x53: {  	_ =	shalt  }
0x54: {  	_ =	shalt  }
0x55: {  	_ =	shalt  }
0x56: {  	_ =	shalt  }
0x57: {  	_ =	shalt  }
0x58: {  	_ =	shalt  }
0x59: {  	_ =	shalt  }
0x5a: {  	_ =	shalt  }
0x5b: {  	_ =	shalt  }
0x5c: {  	_ =	shalt  }
0x5d: {  	_ =	shalt  }
0x5e: {  	_ =	shalt  }
0x5f: {  	_ =	shalt  }
0x60: {  	_ =	shalt  }
0x61: {  	_ =	shalt  }
0x62: {  	_ =	shalt  }
0x63: {  	_ =	shalt  }
0x64: {  	_ =	shalt  }
0x65: {  	_ =	shalt  }
0x66: {  	_ =	shalt  }
0x67: {  	_ =	shalt  }
0x68: {  	_ =	shalt  }
0x69: {  	_ =	shalt  }
0x6a: {  	_ =	shalt  }
0x6b: {  	_ =	shalt  }
0x6c: {  	_ =	shalt  }
0x6d: {  	_ =	shalt  }
0x6e: {  	_ =	shalt  }
0x6f: {  	_ =	shalt  }
0x70: {  	_ =	shalt  }
0x71: {  	_ =	shalt  }
0x72: {  	_ =	shalt  }
0x73: {  	_ =	shalt  }
0x74: {  	_ =	shalt  }
0x75: {  	_ =	shalt  }
0x76: {  	_ =	shalt  }
0x77: {  	_ =	shalt  }
0x78: {  	_ =	shalt  }
0x79: {  	_ =	shalt  }
0x7a: {  	_ =	shalt  }
0x7b: {  	_ =	shalt  }
0x7c: {  	_ =	shalt  }
0x7d: {  	_ =	shalt  }
0x7e: {  	_ =	shalt  }
0x7f: {  	_ =	shalt  }
0x80: {  	_ =	shalt  }
0x81: {  	_ =	shalt  }
0x82: {  	_ =	shalt  }
0x83: {  	_ =	shalt  }
0x84: {  	_ =	shalt  }
0x85: {  	_ =	shalt  }
0x86: {  	_ =	shalt  }
0x87: {  	_ =	shalt  }
.Lfunc_end0:
.L_simem_size_0:
called_computation_lowered:
.L_overlay_start_0:
0x88: {  	s2 =	sld [smem:$0x3FD9]  }
0x89: {  	s3 =	sld [smem:$0x3FFE];
	_ =	sdelay $0x1  }
0x8a: {  	s1 =	srdreg.scid  }
0x8b: {  	s0 =	sand.u32 $0x1, s1  }
0x8c: {  	s17 =	sshll.u32 s0, $0xA;
	s2 =	sadd.s32 s3, s2  }
0x8d: {  	s2 =	sadd.s32 s2, s17  }
0x8e: {  	[smem:$0x3FBF] =	sst s2  }
0x8f: {  	_ = 	snop  }
0x90: {  	s2 =	sld [smem:$0x3FD0];
	(tm) =	ssettm $0x1  }
0x91: {  	s18 =	sld [smem:$0x3FFB];
	_ =	sdelay $0x3  }
0x92: {  	_ =	strace s18  }
0x93: {  	s3 =	sld [smem:$0x3FFC];
	_ =	sdelay $0x3  }
0x94: {  	_ =	strace s3  }
0x95: {  	s3 =	sld [smem:$0x3FFD];
	_ =	sdelay $0x3  }
0x96: {  	_ =	strace s3  }
0x97: {  	_ =	strace $0x8FFFFFFF  }
0x98: {  	s19 =	sld [smem:$0x3FDB];
	_ =	sdelay $0x1  }
0x99: {  	s4 =	simm.s32 $_scs_section_size  }
0x9a: {  	s5 =	simm.s32 $_size__tile_overlayer_lowered;
	s6 =	simm.s32 $_tile_overlayer_lowered  }
0x9b: {  	s22 =	simm.s32 $0x1BFF;
	s21 =	sshll.u32 s6, $0x1;
	s3 =	sadd.s32 s4, s19  }
0x9c: {  	s7 =	simm.s32 $0x0;
	s20 =	sshll.u32 s5, $0x1;
	s5 =	sadd.s32 s21, s3  }
0x9d: {  	[timem:s7], [sflag:s22] =	dma.local [hbm:s5], s20  }
0x9e: {  	_ =	swait.ge [sflag:s22], s20  }
0x9f: {  	s4 =	ssub.s32 $0x0, s20;
	[sflag:s22] =	ssyncset.done $0x0  }
0xa0: {  	[sflag:s22] =	ssyncadd.s32 s4;
	_ =	sdelay $0x1  }
0xa1: {  	s23 =	simm.s32 $0x1B8B  }
0xa2: {  	_ =	swait.ge [sflag:s23], $0x1  }
0xa3: {  	[sflag:s23] =	ssyncset.done $0x0  }
0xa4: {  	s25 =	simm.s32 $0x1B8E;
	s24 =	sld [smem:$0x3FFE];
	[sflag:s23] =	ssyncadd.s32 $0xFFFFFFFF  }
0xa5: {  	s26 =	simm.s32 $execute0_lowered;
	[smem:$0x3FD2] =	sst s25  }
0xa6: {  	s5 =	sshll.u32 s26, $0x1;
	_ =	strace $0x80000046;
	[dreg:$0x1] =	wrdreg $0xFFFFFFFF  }
0xa7: {  	s28 =	simm.s32 $_size_execute0_lowered;
	s3 =	sadd.s32 s3, s5;
	[dreg:$0x0] =	wrdreg $0x0  }
0xa8: {  	s5 =	sshll.u32 s28, $0x1;
	[dreg:$0x2] =	wrdreg s3  }
0xa9: {  	[dreg:$0x3] =	wrdreg s5  }
0xaa: {  	[dreg:$0x4] =	wrdreg $0xC0  }
0xab: {  	_ =	task [dreg:s7], $0x5FFFF  }
0xac: {  	[dreg:$0x1] =	wrdreg $0xFFFFFFFF  }
0xad: {  	[dreg:$0x0] =	wrdreg $0x60  }
0xae: {  	[dreg:$0x2] =	wrdreg s2  }
0xaf: {  	[dreg:$0x3] =	wrdreg s24  }
0xb0: {  	[dreg:$0x4] =	wrdreg $0x64000  }
0xb1: {  	[dreg:$0x5] =	wrdreg $0x9  }
0xb2: {  	_ =	task.clear_ibuf [dreg:s7], $0x6FFFF;
	_ =	strace $0x90000046  }
0xb3: {  	s29 =	simm.s32 $0x9;
	_ =	strace $0x80000048  }
0xb4: {  	_ =	swait.ge [sflag:s29], $0x1  }
0xb5: {  	[sflag:s29] =	ssyncadd.s32 $0xFFFFFFFF  }
0xb6: {  	_ =	strace $0x90000048  }
0xb7: {  	_ =	sfence  }
0xb8: {  	s30 =	sld [smem:$0x0];
	_ =	sdelay $0x2  }
0xb9: {  	s31 =	sshll.u32 s1, $0xD;
	s1 =	sshrl.u32 s1, $0x2  }
0xba: {  	s3 =	sand.u32 $0x4000, s31;
	s1 =	sadd.s32 s1, s30  }
0xbb: {  	s0 =	sor.u32 s3, s0;
	s1 =	sshll.u32 s1, $0x11  }
0xbc: {  	s0 =	sor.u32 s1, s0  }
0xbd: {  	s0 =	sadd.s32 $0x8F2B, s0  }
0xbe: {  	[sflag:s0] =	ssyncadd.remote.s32 $0x1  }
0xbf: {  	_ =	sfence.sel $0xFFFF  }
0xc0: {  	[dreg:$0x0] =	wrdreg $0xFFFFFFFF;
	(pc) =	sbr.abs _section_cstart, $3  }
0xc1: {  	[dreg:$0x1] =	wrdreg $0xFFFFFFFF  }
0xc2: {  	_ =	task.clear_ibuf [dreg:s7], $0x2FFFF;
	_ =	strace $0x9FFFFFFF  }
0xc3: {  	(tm) =	ssettm $0x7FFFFFFF  }
tec
execute0_lowered:
.L_overlay_start_1:
0x0: {  	(tag) =	ssettag $0x1  }
0x1: {  	s0 =	rddreg [dreg:$0x0]  }
0x2: {  	s1 =	srdreg.scid;
	s4 =	rddreg [dreg:$0x1]  }
0x3: {  	s16 =	stileid.u32;
	s2 =	rddreg [dreg:$0x2];
	s1 =	sand.u32 $0x1, s1  }
0x4: {  	s3 =	sshll.u32 s16, $0x1;
	s10 =	sadd.s32 $0x3800, s4;
	s18 =	sor.u32 $0x10, s16  }
0x5: {  	s19 =	sshll.u32 s16, $0xD;
	s12 =	sor.u32 $0x20, s16;
	s23 =	sor.u32 $0x30, s16  }
0x6: {  	s24 =	sor.u32 $0x40, s16;
	s28 =	sshll.u32 s16, $0xE;
	p1 =	seq.s32 s16, $0xF  }
0x7: {  	s31 =	sshll.u32 s16, $0xB;
	s5 =	sor.u32 s1, s3;
	s9 =	smul.u32 $0x3B4000, s1  }
0x8: {  	s3 =	simm.s32 $0x0;
	s7 =	ssub.s32 $0x2, s1;
	s1 =	smul.u32 $0x76800, s1  }
0x9: {  	s20 =	sshll.u32 s18, $0xD;
	s22 =	sshll.u32 s12, $0xD;
	s6 =	smul.u32 $0x500, s5  }
0xa: {  	s29 =	sshll.u32 s18, $0xE;
	[smem:$0x7FF] =	sst s3;
	s5 =	smul.u32 $0x2800, s5  }
0xb: {  	s8 =	sshrl.u32 s7, $0x1;
	s21 =	sadd.s32 s20, s2;
	s20 =	sshll.u32 s23, $0xE  }
0xc: {  	_ =	strace $0x80000047;
	s11 =	ssub.s32 s7, s8;
	s14 =	sshrl.u32 s9, $0x3  }
0xd: {  	[dreg:$0x5] =	wrdreg s21;
	s21 =	sshll.u32 s24, $0xE;
	s4 =	sadd.s32 s0, s6  }
0xe: {  	s13 =	sshrl.u32 s5, $0x3;
	s5 =	sadd.s32 s10, s1;
	s15 =	sadd.s32 s10, s14  }
0xf: {  	s17 =	smax.u32 s11, $0x1;
	s11 =	sadd.s32 s19, s2;
	s1 =	sadd.s32 s22, s2  }
0x10: {  	s14 =	sshll.u32 s24, $0xD;
	s19 =	sshll.u32 s12, $0xB;
	s22 =	sshll.u32 s23, $0xB  }
0x11: {  	s24 =	sshll.u32 s24, $0xB;
	s10 =	simm.s32 $0x80;
	[dreg:$0x4] =	wrdreg s17  }
0x12: {  	s0 =	sadd.s32 s0, s13;
	s7 =	sadd.s32 $0x27800, s15;
	[dreg:$0x6] =	wrdreg s1  }
0x13: {  	s9 =	sadd.s32 $0x4F000, s15;
	s13 =	sshll.u32 s23, $0xD;
	[dreg:$0xe] =	wrdreg s19  }
0x14: {  	s15 =	sor.u32 $0x90, s16;
	s25 =	sadd.s32 s14, s2;
	[dreg:$0x10] =	wrdreg s22  }
0x15: {  	s14 =	sadd.s32 s29, s2;
	s17 =	sshll.u32 s12, $0xE;
	[dreg:$0x12] =	wrdreg s24  }
0x16: {  	s23 =	sadd.s32 s21, s2;
	s30 =	smov.u32 s11;
	[dreg:$0x8] =	wrdreg s25  }
0x17: {  	s29 =	sadd.s32 $0x100000, s11;
	s1 =	simm.s32 $0x4400;
	[dreg:$0xb] =	wrdreg s14  }
0x18: {  	s22 =	simm.s32 $0x200;
	s24 =	simm.s32 $0x280;
	[dreg:$0x11] =	wrdreg s23  }
0x19: {  	s6 =	sadd.s32 $0xA000, s0;
	s13 =	sadd.s32 s13, s2;
	[dreg:$0x16] =	wrdreg s29  }
0x1a: {  	s8 =	sadd.s32 $0x14000, s0;
	s0 =	sshll.u32 s18, $0xB;
	[dreg:$0x7] =	wrdreg s13  }
0x1b: {  	s12 =	simm.s32 $0x300;
	s18 =	sadd.s32 s17, s2;
	[dreg:$0xc] =	wrdreg s0  }
0x1c: {  	s26 =	sshll.u32 s15, $0xD;
	s25 =	sadd.s32 $0xA0000, s11;
	[dreg:$0xd] =	wrdreg s18  }
0x1d: {  	p0 =	sgt.u32 s15, $0x9D;
	s13 =	sadd.s32 s26, s2;
	[dreg:$0x13] =	wrdreg s25  }
0x1e: {  	s17 =	simm.s32 $0x400;
	s0 =	sadd.s32 s20, s2;
	[dreg:$0x9] =	wrdreg s13  }
0x1f: {  	s14 =	simm.s32 $0x0;
	s26 =	sadd.s32 $0xC0000, s11;
	[dreg:$0xf] =	wrdreg s0  }
0x20: {  	s18 =	simm.s32 $0x100;
	s13 =	sadd.s32 s28, s2;
	[dreg:$0x14] =	wrdreg s26  }
0x21: {  	s20 =	simm.s32 $0x180;
	s28 =	sadd.s32 $0xE0000, s11;
	[dreg:$0xa] =	wrdreg s13  }
0x22: {  	v0 =	vimm.f32 $0.0e+00;
	v1 =	vimm.f32 $1.000000000e+00;
	s0 =	simm.s32 $0x1;
	[dreg:$0x15] =	wrdreg s28;
	s13 =	simm.s32 $0x380  }
.LBB2_1:
0x23: {  	s15 =	simm.s32 $0x0  }
.LBB2_2:
0x24: {  	p2 =	sne.s32 s15, $0x7E00  }
.Ltmp0:
0x25: {  	_ = 	snop;
	(pc) =	sbr.rel @p2 .LBB2_2-.Ltmp0, $3  }
0x26: {  	_ =	sdelay $0x1  }
0x27: {  	s16 =	sshra.s32 s15, $0x2  }
0x28: {  	s15 =	sadd.s32 $0x200, s15;
	[tilespmem:s16+$0x4400] =	vst v0  }
0x29: {  	s15 =	simm.s32 $0x200;
	s16 =	simm.s32 $0x0  }
.LBB2_4:
0x2a: {  	p2 =	sne.s32 s15, $0xFE00;
	[tilespmem:s16+$0x400] =	vst v1;
	s16 =	smov.u32 s15;
	s15 =	sadd.s32 $0x200, s15  }
.Ltmp1:
0x2b: {  	(pc) =	sbr.rel @p2 .LBB2_4-.Ltmp1, $2  }
0x2c: {  	_ =	sdelay $0x2  }
0x2d: {  	s16 =	sshra.s32 s16, $0x2  }
0x2e: {  	[tilespmem:s16+$0x400] =	vst v1  }
0x2f: {  	[spmem:s30] =	stream.linear.scatter [tilespmem:s1], [sflag:$0x1], $0x2000, $0x38;
	[tilespmem:$0x8B80] =	vst v63  }
0x30: {  	_ =	swait.ge [sflag:s0], $0x2000  }
0x31: {  	[sflag:s0] =	ssyncset.done $0x0  }
0x32: {  	s11 =	rddreg [dreg:$0x5];
	[sflag:s0] =	ssyncadd.s32 $0xFFFFE000  }
0x33: {  	[spmem:s11] =	stream.linear.scatter [tilespmem:s1], [sflag:$0x1], $0x2000, $0x38;
	[tilespmem:$0x8B80] =	vst v63  }
0x34: {  	_ =	swait.ge [sflag:s0], $0x2000  }
0x35: {  	[sflag:s0] =	ssyncset.done $0x0  }
0x36: {  	s16 =	rddreg [dreg:$0x6];
	[sflag:s0] =	ssyncadd.s32 $0xFFFFE000  }
0x37: {  	[spmem:s16] =	stream.linear.scatter [tilespmem:s1], [sflag:$0x1], $0x2000, $0x38;
	[tilespmem:$0x8B80] =	vst v63  }
0x38: {  	_ =	swait.ge [sflag:s0], $0x2000  }
0x39: {  	[sflag:s0] =	ssyncset.done $0x0  }
0x3a: {  	s19 =	rddreg [dreg:$0x7];
	[sflag:s0] =	ssyncadd.s32 $0xFFFFE000  }
0x3b: {  	[spmem:s19] =	stream.linear.scatter [tilespmem:s1], [sflag:$0x1], $0x2000, $0x38;
	[tilespmem:$0x8B80] =	vst v63  }
0x3c: {  	_ =	swait.ge [sflag:s0], $0x2000  }
0x3d: {  	[sflag:s0] =	ssyncset.done $0x0  }
0x3e: {  	s21 =	rddreg [dreg:$0x8];
	[sflag:s0] =	ssyncadd.s32 $0xFFFFE000  }
0x3f: {  	[spmem:s21] =	stream.linear.scatter [tilespmem:s1], [sflag:$0x1], $0x2000, $0x38;
	[tilespmem:$0x8B80] =	vst v63  }
0x40: {  	_ =	swait.ge [sflag:s0], $0x2000  }
0x41: {  	[sflag:s0] =	ssyncset.done $0x0  }
0x42: {  	s23 =	rddreg [dreg:$0x13];
	[sflag:s0] =	ssyncadd.s32 $0xFFFFE000  }
0x43: {  	[spmem:s23] =	stream.linear.scatter [tilespmem:s1], [sflag:$0x1], $0x2000, $0x38;
	[tilespmem:$0x8B80] =	vst v63  }
0x44: {  	_ =	swait.ge [sflag:s0], $0x2000  }
0x45: {  	[sflag:s0] =	ssyncset.done $0x0  }
0x46: {  	s25 =	rddreg [dreg:$0x14];
	[sflag:s0] =	ssyncadd.s32 $0xFFFFE000  }
0x47: {  	[spmem:s25] =	stream.linear.scatter [tilespmem:s1], [sflag:$0x1], $0x2000, $0x38;
	[tilespmem:$0x8B80] =	vst v63  }
0x48: {  	_ =	swait.ge [sflag:s0], $0x2000  }
0x49: {  	[sflag:s0] =	ssyncset.done $0x0  }
0x4a: {  	s26 =	rddreg [dreg:$0x15];
	[sflag:s0] =	ssyncadd.s32 $0xFFFFE000  }
0x4b: {  	[spmem:s26] =	stream.linear.scatter [tilespmem:s1], [sflag:$0x1], $0x2000, $0x38;
	[tilespmem:$0x8B80] =	vst v63  }
0x4c: {  	_ =	swait.ge [sflag:s0], $0x2000  }
0x4d: {  	[sflag:s0] =	ssyncset.done $0x0  }
0x4e: {  	s28 =	rddreg [dreg:$0x16];
	[sflag:s0] =	ssyncadd.s32 $0xFFFFE000  }
0x4f: {  	[spmem:s28] =	stream.linear.scatter [tilespmem:s1], [sflag:$0x1], $0x2000, $0x38;
	[tilespmem:$0x8B80] =	vst v63  }
0x50: {  	_ =	swait.ge [sflag:s0], $0x2000  }
0x51: {  	[sflag:s0] =	ssyncset.done $0x0  }
0x52: {  	s15 =	simm.s32 @!p0 $0x4400;
	s11 =	rddreg [dreg:$0x9];
	[sflag:s0] =	ssyncadd.s32 $0xFFFFE000  }
0x53: {  	[spmem:s11] =	stream.linear.scatter @!p0 [tilespmem:s15], [sflag:$0x1], $0x2000, $0x38;
	[tilespmem:$0x8B80] =	vst v63  }
0x54: {  	s15 =	simm.s32 @!p0 $0x1  }
0x55: {  	_ =	swait.ge @!p0 [sflag:s15], $0x2000  }
0x56: {  	[sflag:s15] =	ssyncset.done @!p0 $0x0  }
0x57: {  	[sflag:s15] =	ssyncadd.s32 @!p0 $0xFFFFE000  }
0x58: {  	s29 =	sadd.s32 $0x0, s4;
	[bflag:$0x0] =	sbarrier.arrive $0xFFFF  }
0x59: {  	[tilespmem:s3], [sflag:$0x1] =	stream.linear.gather [hbm4b:s29+s3], $0x400, $0x38;
	[tilespmem:$0x8B80] =	vst v63  }
0x5a: {  	_ =	swait.ge [sflag:s0], $0x400  }
0x5b: {  	[sflag:s0] =	ssyncset.done $0x0  }
0x5c: {  	[sflag:s0] =	ssyncadd.s32 $0xFFFFFC00  }
0x5d: {  	[spmem:s2] =	stream.indirect.scatter.add.f32 [tilespmem:s17], [sflag:$0x1], $0x10, s3, s10, $0xb8;
	[tilespmem:$0x8B80] =	vst v63  }
0x5e: {  	_ =	swait.ge [sflag:s0], $0x800  }
0x5f: {  	[sflag:s0] =	ssyncset.done $0x0  }
0x60: {  	[sflag:s0] =	ssyncadd.s32 $0xFFFFF800  }
0x61: {  	[spmem:s2] =	stream.indirect.scatter.add.f32 [tilespmem:s17], [sflag:$0x1], $0x10, s10, s10, $0xb8;
	[tilespmem:$0x8B80] =	vst v63  }
0x62: {  	_ =	swait.ge [sflag:s0], $0x800  }
0x63: {  	[sflag:s0] =	ssyncset.done $0x0  }
0x64: {  	[sflag:s0] =	ssyncadd.s32 $0xFFFFF800  }
0x65: {  	[spmem:s2] =	stream.indirect.scatter.add.f32 [tilespmem:s17], [sflag:$0x1], $0x10, s18, s10, $0xb8;
	[tilespmem:$0x8B80] =	vst v63  }
0x66: {  	_ =	swait.ge [sflag:s0], $0x800  }
0x67: {  	[sflag:s0] =	ssyncset.done $0x0  }
0x68: {  	[sflag:s0] =	ssyncadd.s32 $0xFFFFF800  }
0x69: {  	[spmem:s2] =	stream.indirect.scatter.add.f32 [tilespmem:s17], [sflag:$0x1], $0x10, s20, s10, $0xb8;
	[tilespmem:$0x8B80] =	vst v63  }
0x6a: {  	_ =	swait.ge [sflag:s0], $0x800  }
0x6b: {  	[sflag:s0] =	ssyncset.done $0x0  }
0x6c: {  	[sflag:s0] =	ssyncadd.s32 $0xFFFFF800  }
0x6d: {  	[spmem:s2] =	stream.indirect.scatter.add.f32 [tilespmem:s17], [sflag:$0x1], $0x10, s22, s10, $0xb8;
	[tilespmem:$0x8B80] =	vst v63  }
0x6e: {  	_ =	swait.ge [sflag:s0], $0x800  }
0x6f: {  	[sflag:s0] =	ssyncset.done $0x0  }
0x70: {  	[sflag:s0] =	ssyncadd.s32 $0xFFFFF800  }
0x71: {  	[spmem:s2] =	stream.indirect.scatter.add.f32 [tilespmem:s17], [sflag:$0x1], $0x10, s24, s10, $0xb8;
	[tilespmem:$0x8B80] =	vst v63  }
0x72: {  	_ =	swait.ge [sflag:s0], $0x800  }
0x73: {  	[sflag:s0] =	ssyncset.done $0x0  }
0x74: {  	[sflag:s0] =	ssyncadd.s32 $0xFFFFF800  }
0x75: {  	[spmem:s2] =	stream.indirect.scatter.add.f32 [tilespmem:s17], [sflag:$0x1], $0x10, s12, s10, $0xb8;
	[tilespmem:$0x8B80] =	vst v63  }
0x76: {  	_ =	swait.ge [sflag:s0], $0x800  }
0x77: {  	[sflag:s0] =	ssyncset.done $0x0  }
0x78: {  	[sflag:s0] =	ssyncadd.s32 $0xFFFFF800  }
0x79: {  	[spmem:s2] =	stream.indirect.scatter.add.f32 [tilespmem:s17], [sflag:$0x1], $0x10, s13, s10, $0xb8;
	[tilespmem:$0x8B80] =	vst v63  }
0x7a: {  	_ =	swait.ge [sflag:s0], $0x800  }
0x7b: {  	s19 =	simm.s32 $0x100;
	s15 =	simm.s32 $0x80;
	[sflag:s0] =	ssyncset.done $0x0  }
.LBB2_6:
0x7c: {  	s21 =	sadd.s32 s15, s4  }
0x7d: {  	[sflag:s0] =	ssyncadd.s32 $0xFFFFF800;
	s15 =	smov.u32 s19;
	s16 =	sadd.s32 $0x80, s19  }
0x7e: {  	[tilespmem:s3], [sflag:$0x1] =	stream.linear.gather [hbm4b:s21+s3], $0x400, $0x38;
	[tilespmem:$0x8B80] =	vst v63  }
0x7f: {  	p2 =	sne.s32 s19, $0x480;
	_ =	swait.ge [sflag:s0], $0x400  }
0x80: {  	[sflag:s0] =	ssyncset.done $0x0  }
0x81: {  	[sflag:s0] =	ssyncadd.s32 $0xFFFFFC00  }
0x82: {  	[spmem:s2] =	stream.indirect.scatter.add.f32 [tilespmem:s17], [sflag:$0x1], $0x10, s3, s10, $0xb8;
	[tilespmem:$0x8B80] =	vst v63  }
0x83: {  	_ =	swait.ge [sflag:s0], $0x800  }
0x84: {  	[sflag:s0] =	ssyncset.done $0x0  }
0x85: {  	[sflag:s0] =	ssyncadd.s32 $0xFFFFF800  }
0x86: {  	[spmem:s2] =	stream.indirect.scatter.add.f32 [tilespmem:s17], [sflag:$0x1], $0x10, s10, s10, $0xb8;
	[tilespmem:$0x8B80] =	vst v63  }
0x87: {  	_ =	swait.ge [sflag:s0], $0x800  }
0x88: {  	[sflag:s0] =	ssyncset.done $0x0  }
0x89: {  	[sflag:s0] =	ssyncadd.s32 $0xFFFFF800  }
0x8a: {  	[spmem:s2] =	stream.indirect.scatter.add.f32 [tilespmem:s17], [sflag:$0x1], $0x10, s18, s10, $0xb8;
	[tilespmem:$0x8B80] =	vst v63  }
0x8b: {  	_ =	swait.ge [sflag:s0], $0x800  }
0x8c: {  	[sflag:s0] =	ssyncset.done $0x0  }
0x8d: {  	[sflag:s0] =	ssyncadd.s32 $0xFFFFF800  }
0x8e: {  	[spmem:s2] =	stream.indirect.scatter.add.f32 [tilespmem:s17], [sflag:$0x1], $0x10, s20, s10, $0xb8;
	[tilespmem:$0x8B80] =	vst v63  }
0x8f: {  	_ =	swait.ge [sflag:s0], $0x800  }
0x90: {  	[sflag:s0] =	ssyncset.done $0x0  }
0x91: {  	[sflag:s0] =	ssyncadd.s32 $0xFFFFF800  }
0x92: {  	[spmem:s2] =	stream.indirect.scatter.add.f32 [tilespmem:s17], [sflag:$0x1], $0x10, s22, s10, $0xb8;
	[tilespmem:$0x8B80] =	vst v63  }
0x93: {  	_ =	swait.ge [sflag:s0], $0x800  }
0x94: {  	[sflag:s0] =	ssyncset.done $0x0  }
0x95: {  	[sflag:s0] =	ssyncadd.s32 $0xFFFFF800  }
0x96: {  	[spmem:s2] =	stream.indirect.scatter.add.f32 [tilespmem:s17], [sflag:$0x1], $0x10, s24, s10, $0xb8;
	[tilespmem:$0x8B80] =	vst v63  }
0x97: {  	_ =	swait.ge [sflag:s0], $0x800  }
0x98: {  	[sflag:s0] =	ssyncset.done $0x0  }
0x99: {  	[sflag:s0] =	ssyncadd.s32 $0xFFFFF800  }
0x9a: {  	[spmem:s2] =	stream.indirect.scatter.add.f32 [tilespmem:s17], [sflag:$0x1], $0x10, s12, s10, $0xb8;
	[tilespmem:$0x8B80] =	vst v63  }
0x9b: {  	_ =	swait.ge [sflag:s0], $0x800  }
.Ltmp2:
0x9c: {  	[sflag:s0] =	ssyncset.done $0x0;
	(pc) =	sbr.rel @p2 .LBB2_6-.Ltmp2, $4  }
0x9d: {  	[sflag:s0] =	ssyncadd.s32 $0xFFFFF800  }
0x9e: {  	[spmem:s2] =	stream.indirect.scatter.add.f32 [tilespmem:s17], [sflag:$0x1], $0x10, s13, s10, $0xb8;
	[tilespmem:$0x8B80] =	vst v63  }
0x9f: {  	_ =	swait.ge [sflag:s0], $0x800  }
0xa0: {  	s19 =	smov.u32 s16;
	[sflag:s0] =	ssyncset.done $0x0  }
0xa1: {  	s15 =	sadd.s32 s15, s4;
	[sflag:s0] =	ssyncadd.s32 $0xFFFFF800  }
0xa2: {  	[tilespmem:s3], [sflag:$0x1] =	stream.linear.gather [hbm4b:s15+s3], $0x400, $0x38;
	[tilespmem:$0x8B80] =	vst v63  }
0xa3: {  	_ =	swait.ge [sflag:s0], $0x400  }
0xa4: {  	[sflag:s0] =	ssyncset.done $0x0  }
0xa5: {  	[sflag:s0] =	ssyncadd.s32 $0xFFFFFC00  }
0xa6: {  	[spmem:s2] =	stream.indirect.scatter.add.f32 [tilespmem:s17], [sflag:$0x1], $0x10, s3, s10, $0xb8;
	[tilespmem:$0x8B80] =	vst v63  }
0xa7: {  	_ =	swait.ge [sflag:s0], $0x800  }
0xa8: {  	[sflag:s0] =	ssyncset.done $0x0  }
0xa9: {  	[sflag:s0] =	ssyncadd.s32 $0xFFFFF800  }
0xaa: {  	[spmem:s2] =	stream.indirect.scatter.add.f32 [tilespmem:s17], [sflag:$0x1], $0x10, s10, s10, $0xb8;
	[tilespmem:$0x8B80] =	vst v63  }
0xab: {  	_ =	swait.ge [sflag:s0], $0x800  }
0xac: {  	[sflag:s0] =	ssyncset.done $0x0  }
0xad: {  	[sflag:s0] =	ssyncadd.s32 $0xFFFFF800  }
0xae: {  	[spmem:s2] =	stream.indirect.scatter.add.f32 [tilespmem:s17], [sflag:$0x1], $0x10, s18, s10, $0xb8;
	[tilespmem:$0x8B80] =	vst v63  }
0xaf: {  	_ =	swait.ge [sflag:s0], $0x800  }
0xb0: {  	[sflag:s0] =	ssyncset.done $0x0  }
0xb1: {  	[sflag:s0] =	ssyncadd.s32 $0xFFFFF800  }
0xb2: {  	[spmem:s2] =	stream.indirect.scatter.add.f32 [tilespmem:s17], [sflag:$0x1], $0x10, s20, s10, $0xb8;
	[tilespmem:$0x8B80] =	vst v63  }
0xb3: {  	_ =	swait.ge [sflag:s0], $0x800  }
0xb4: {  	[sflag:s0] =	ssyncset.done $0x0  }
0xb5: {  	[sflag:s0] =	ssyncadd.s32 $0xFFFFF800  }
0xb6: {  	[spmem:s2] =	stream.indirect.scatter.add.f32 [tilespmem:s17], [sflag:$0x1], $0x10, s22, s10, $0xb8;
	[tilespmem:$0x8B80] =	vst v63  }
0xb7: {  	_ =	swait.ge [sflag:s0], $0x800  }
0xb8: {  	[sflag:s0] =	ssyncset.done $0x0  }
0xb9: {  	[sflag:s0] =	ssyncadd.s32 $0xFFFFF800  }
0xba: {  	[spmem:s2] =	stream.indirect.scatter.add.f32 [tilespmem:s17], [sflag:$0x1], $0x10, s24, s10, $0xb8;
	[tilespmem:$0x8B80] =	vst v63  }
0xbb: {  	_ =	swait.ge [sflag:s0], $0x800  }
0xbc: {  	[sflag:s0] =	ssyncset.done $0x0  }
0xbd: {  	[sflag:s0] =	ssyncadd.s32 $0xFFFFF800  }
0xbe: {  	[spmem:s2] =	stream.indirect.scatter.add.f32 [tilespmem:s17], [sflag:$0x1], $0x10, s12, s10, $0xb8;
	[tilespmem:$0x8B80] =	vst v63  }
0xbf: {  	_ =	swait.ge [sflag:s0], $0x800  }
0xc0: {  	[sflag:s0] =	ssyncset.done $0x0  }
0xc1: {  	[sflag:s0] =	ssyncadd.s32 $0xFFFFF800  }
0xc2: {  	[spmem:s2] =	stream.indirect.scatter.add.f32 [tilespmem:s17], [sflag:$0x1], $0x10, s13, s10, $0xb8;
	[tilespmem:$0x8B80] =	vst v63  }
0xc3: {  	_ =	swait.ge [sflag:s0], $0x800  }
0xc4: {  	[sflag:s0] =	ssyncset.done $0x0  }
0xc5: {  	[sflag:s0] =	ssyncadd.s32 $0xFFFFF800  }
0xc6: {  	s11 =	stileid.u32;
	[bflag:$0x0] =	sbarrier.arrive $0xFFFF  }
0xc7: {  	s21 =	sshll.u32 s11, $0x6;
	s23 =	rddreg [dreg:$0xa]  }
0xc8: {  	s19 =	sadd.s32 s31, s5;
	s15 =	sor.u32 $0x1C01, s21;
	s16 =	sshrl.u32 s23, $0x3  }
0xc9: {  	[hbm:s19], [sflag:s15] =	dma.local [spmem:s16], $0x800  }
0xca: {  	_ =	swait.ge [sflag:s0], $0x800  }
0xcb: {  	s25 =	rddreg [dreg:$0xc]  }
0xcc: {  	[sflag:s0] =	ssyncset.done $0x0;
	s26 =	rddreg [dreg:$0xb]  }
0xcd: {  	[sflag:s0] =	ssyncadd.s32 $0xFFFFF800;
	s21 =	sadd.s32 s25, s5;
	s19 =	sshrl.u32 s26, $0x3  }
0xce: {  	[hbm:s21], [sflag:s15] =	dma.local [spmem:s19], $0x800  }
0xcf: {  	_ =	swait.ge [sflag:s0], $0x800  }
0xd0: {  	s29 =	rddreg [dreg:$0xe]  }
0xd1: {  	[sflag:s0] =	ssyncset.done $0x0;
	s21 =	rddreg [dreg:$0xd]  }
0xd2: {  	[sflag:s0] =	ssyncadd.s32 $0xFFFFF800;
	s23 =	sadd.s32 s29, s5;
	s21 =	sshrl.u32 s21, $0x3  }
0xd3: {  	[hbm:s23], [sflag:s15] =	dma.local [spmem:s21], $0x800  }
0xd4: {  	_ =	swait.ge [sflag:s0], $0x800  }
0xd5: {  	s25 =	rddreg [dreg:$0x10]  }
0xd6: {  	[sflag:s0] =	ssyncset.done $0x0;
	s26 =	rddreg [dreg:$0xf]  }
0xd7: {  	[sflag:s0] =	ssyncadd.s32 $0xFFFFF800;
	s25 =	sadd.s32 s25, s5;
	s23 =	sshrl.u32 s26, $0x3  }
0xd8: {  	[hbm:s25], [sflag:s15] =	dma.local [spmem:s23], $0x800  }
0xd9: {  	_ =	swait.ge [sflag:s0], $0x800  }
0xda: {  	s11 =	rddreg [dreg:$0x12]  }
0xdb: {  	[sflag:s0] =	ssyncset.done $0x0;
	s26 =	sadd.s32 @!p1 s11, s5;
	s11 =	rddreg [dreg:$0x11]  }
0xdc: {  	[sflag:s0] =	ssyncadd.s32 $0xFFFFF800;
	s25 =	sshrl.u32 @!p1 s11, $0x3  }
0xdd: {  	[hbm:s26], [sflag:s15] =	dma.local @!p1 [spmem:s25], $0x800  }
0xde: {  	s26 =	simm.s32 @!p1 $0x1  }
0xdf: {  	_ =	swait.ge @!p1 [sflag:s26], $0x800  }
0xe0: {  	[sflag:s26] =	ssyncset.done @!p1 $0x0  }
0xe1: {  	[sflag:s26] =	ssyncadd.s32 @!p1 $0xFFFFF800  }
0xe2: {  	[bflag:$0x0] =	sbarrier.arrive $0xFFFF  }
0xe3: {  	[spmem:s30] =	stream.linear.scatter [tilespmem:s1], [sflag:$0x1], $0x2000, $0x38;
	[tilespmem:$0x8B80] =	vst v63  }
0xe4: {  	_ =	swait.ge [sflag:s0], $0x2000  }
0xe5: {  	[sflag:s0] =	ssyncset.done $0x0  }
0xe6: {  	s29 =	rddreg [dreg:$0x5];
	[sflag:s0] =	ssyncadd.s32 $0xFFFFE000  }
0xe7: {  	[spmem:s29] =	stream.linear.scatter [tilespmem:s1], [sflag:$0x1], $0x2000, $0x38;
	[tilespmem:$0x8B80] =	vst v63  }
0xe8: {  	_ =	swait.ge [sflag:s0], $0x2000  }
0xe9: {  	[sflag:s0] =	ssyncset.done $0x0  }
0xea: {  	s26 =	rddreg [dreg:$0x6];
	[sflag:s0] =	ssyncadd.s32 $0xFFFFE000  }
0xeb: {  	[spmem:s26] =	stream.linear.scatter [tilespmem:s1], [sflag:$0x1], $0x2000, $0x38;
	[tilespmem:$0x8B80] =	vst v63  }
0xec: {  	_ =	swait.ge [sflag:s0], $0x2000  }
0xed: {  	[sflag:s0] =	ssyncset.done $0x0  }
0xee: {  	s29 =	rddreg [dreg:$0x7];
	[sflag:s0] =	ssyncadd.s32 $0xFFFFE000  }
0xef: {  	[spmem:s29] =	stream.linear.scatter [tilespmem:s1], [sflag:$0x1], $0x2000, $0x38;
	[tilespmem:$0x8B80] =	vst v63  }
0xf0: {  	_ =	swait.ge [sflag:s0], $0x2000  }
0xf1: {  	[sflag:s0] =	ssyncset.done $0x0  }
0xf2: {  	s26 =	rddreg [dreg:$0x8];
	[sflag:s0] =	ssyncadd.s32 $0xFFFFE000  }
0xf3: {  	[spmem:s26] =	stream.linear.scatter [tilespmem:s1], [sflag:$0x1], $0x2000, $0x38;
	[tilespmem:$0x8B80] =	vst v63  }
0xf4: {  	_ =	swait.ge [sflag:s0], $0x2000  }
0xf5: {  	[sflag:s0] =	ssyncset.done $0x0  }
0xf6: {  	s29 =	rddreg [dreg:$0x13];
	[sflag:s0] =	ssyncadd.s32 $0xFFFFE000  }
0xf7: {  	[spmem:s29] =	stream.linear.scatter [tilespmem:s1], [sflag:$0x1], $0x2000, $0x38;
	[tilespmem:$0x8B80] =	vst v63  }
0xf8: {  	_ =	swait.ge [sflag:s0], $0x2000  }
0xf9: {  	[sflag:s0] =	ssyncset.done $0x0  }
0xfa: {  	s26 =	rddreg [dreg:$0x14];
	[sflag:s0] =	ssyncadd.s32 $0xFFFFE000  }
0xfb: {  	[spmem:s26] =	stream.linear.scatter [tilespmem:s1], [sflag:$0x1], $0x2000, $0x38;
	[tilespmem:$0x8B80] =	vst v63  }
0xfc: {  	_ =	swait.ge [sflag:s0], $0x2000  }
0xfd: {  	[sflag:s0] =	ssyncset.done $0x0  }
0xfe: {  	s29 =	rddreg [dreg:$0x15];
	[sflag:s0] =	ssyncadd.s32 $0xFFFFE000  }
0xff: {  	[spmem:s29] =	stream.linear.scatter [tilespmem:s1], [sflag:$0x1], $0x2000, $0x38;
	[tilespmem:$0x8B80] =	vst v63  }
0x100: {  	_ =	swait.ge [sflag:s0], $0x2000  }
0x101: {  	[sflag:s0] =	ssyncset.done $0x0  }
0x102: {  	s26 =	rddreg [dreg:$0x16];
	[sflag:s0] =	ssyncadd.s32 $0xFFFFE000  }
0x103: {  	[spmem:s26] =	stream.linear.scatter [tilespmem:s1], [sflag:$0x1], $0x2000, $0x38;
	[tilespmem:$0x8B80] =	vst v63  }
0x104: {  	_ =	swait.ge [sflag:s0], $0x2000  }
0x105: {  	[sflag:s0] =	ssyncset.done $0x0  }
0x106: {  	s26 =	simm.s32 @!p0 $0x4400;
	s11 =	rddreg [dreg:$0x9];
	[sflag:s0] =	ssyncadd.s32 $0xFFFFE000  }
0x107: {  	[spmem:s11] =	stream.linear.scatter @!p0 [tilespmem:s26], [sflag:$0x1], $0x2000, $0x38;
	[tilespmem:$0x8B80] =	vst v63  }
0x108: {  	s26 =	simm.s32 @!p0 $0x1  }
0x109: {  	_ =	swait.ge @!p0 [sflag:s26], $0x2000  }
0x10a: {  	[sflag:s26] =	ssyncset.done @!p0 $0x0  }
0x10b: {  	[sflag:s26] =	ssyncadd.s32 @!p0 $0xFFFFE000  }
0x10c: {  	s29 =	sadd.s32 $0x0, s6;
	[bflag:$0x0] =	sbarrier.arrive $0xFFFF  }
0x10d: {  	[tilespmem:s3], [sflag:$0x1] =	stream.linear.gather [hbm4b:s29+s3], $0x400, $0x38;
	[tilespmem:$0x8B80] =	vst v63  }
0x10e: {  	_ =	swait.ge [sflag:s0], $0x400  }
0x10f: {  	[sflag:s0] =	ssyncset.done $0x0  }
0x110: {  	[sflag:s0] =	ssyncadd.s32 $0xFFFFFC00  }
0x111: {  	[spmem:s2] =	stream.indirect.scatter.add.f32 [tilespmem:s17], [sflag:$0x1], $0x10, s3, s10, $0xb8;
	[tilespmem:$0x8B80] =	vst v63  }
0x112: {  	_ =	swait.ge [sflag:s0], $0x800  }
0x113: {  	[sflag:s0] =	ssyncset.done $0x0  }
0x114: {  	[sflag:s0] =	ssyncadd.s32 $0xFFFFF800  }
0x115: {  	[spmem:s2] =	stream.indirect.scatter.add.f32 [tilespmem:s17], [sflag:$0x1], $0x10, s10, s10, $0xb8;
	[tilespmem:$0x8B80] =	vst v63  }
0x116: {  	_ =	swait.ge [sflag:s0], $0x800  }
0x117: {  	[sflag:s0] =	ssyncset.done $0x0  }
0x118: {  	[sflag:s0] =	ssyncadd.s32 $0xFFFFF800  }
0x119: {  	[spmem:s2] =	stream.indirect.scatter.add.f32 [tilespmem:s17], [sflag:$0x1], $0x10, s18, s10, $0xb8;
	[tilespmem:$0x8B80] =	vst v63  }
0x11a: {  	_ =	swait.ge [sflag:s0], $0x800  }
0x11b: {  	[sflag:s0] =	ssyncset.done $0x0  }
0x11c: {  	[sflag:s0] =	ssyncadd.s32 $0xFFFFF800  }
0x11d: {  	[spmem:s2] =	stream.indirect.scatter.add.f32 [tilespmem:s17], [sflag:$0x1], $0x10, s20, s10, $0xb8;
	[tilespmem:$0x8B80] =	vst v63  }
0x11e: {  	_ =	swait.ge [sflag:s0], $0x800  }
0x11f: {  	[sflag:s0] =	ssyncset.done $0x0  }
0x120: {  	[sflag:s0] =	ssyncadd.s32 $0xFFFFF800  }
0x121: {  	[spmem:s2] =	stream.indirect.scatter.add.f32 [tilespmem:s17], [sflag:$0x1], $0x10, s22, s10, $0xb8;
	[tilespmem:$0x8B80] =	vst v63  }
0x122: {  	_ =	swait.ge [sflag:s0], $0x800  }
0x123: {  	[sflag:s0] =	ssyncset.done $0x0  }
0x124: {  	[sflag:s0] =	ssyncadd.s32 $0xFFFFF800  }
0x125: {  	[spmem:s2] =	stream.indirect.scatter.add.f32 [tilespmem:s17], [sflag:$0x1], $0x10, s24, s10, $0xb8;
	[tilespmem:$0x8B80] =	vst v63  }
0x126: {  	_ =	swait.ge [sflag:s0], $0x800  }
0x127: {  	[sflag:s0] =	ssyncset.done $0x0  }
0x128: {  	[sflag:s0] =	ssyncadd.s32 $0xFFFFF800  }
0x129: {  	[spmem:s2] =	stream.indirect.scatter.add.f32 [tilespmem:s17], [sflag:$0x1], $0x10, s12, s10, $0xb8;
	[tilespmem:$0x8B80] =	vst v63  }
0x12a: {  	_ =	swait.ge [sflag:s0], $0x800  }
0x12b: {  	[sflag:s0] =	ssyncset.done $0x0  }
0x12c: {  	[sflag:s0] =	ssyncadd.s32 $0xFFFFF800  }
0x12d: {  	[spmem:s2] =	stream.indirect.scatter.add.f32 [tilespmem:s17], [sflag:$0x1], $0x10, s13, s10, $0xb8;
	[tilespmem:$0x8B80] =	vst v63  }
0x12e: {  	_ =	swait.ge [sflag:s0], $0x800  }
0x12f: {  	s28 =	simm.s32 $0x100;
	s26 =	simm.s32 $0x80;
	[sflag:s0] =	ssyncset.done $0x0  }
.LBB2_8:
0x130: {  	s11 =	sadd.s32 s26, s6  }
0x131: {  	[sflag:s0] =	ssyncadd.s32 $0xFFFFF800;
	s26 =	smov.u32 s28;
	s29 =	sadd.s32 $0x80, s28  }
0x132: {  	[tilespmem:s3], [sflag:$0x1] =	stream.linear.gather [hbm4b:s11+s3], $0x400, $0x38;
	[tilespmem:$0x8B80] =	vst v63  }
0x133: {  	p2 =	sne.s32 s28, $0x480;
	_ =	swait.ge [sflag:s0], $0x400  }
0x134: {  	[sflag:s0] =	ssyncset.done $0x0  }
0x135: {  	[sflag:s0] =	ssyncadd.s32 $0xFFFFFC00  }
0x136: {  	[spmem:s2] =	stream.indirect.scatter.add.f32 [tilespmem:s17], [sflag:$0x1], $0x10, s3, s10, $0xb8;
	[tilespmem:$0x8B80] =	vst v63  }
0x137: {  	_ =	swait.ge [sflag:s0], $0x800  }
0x138: {  	[sflag:s0] =	ssyncset.done $0x0  }
0x139: {  	[sflag:s0] =	ssyncadd.s32 $0xFFFFF800  }
0x13a: {  	[spmem:s2] =	stream.indirect.scatter.add.f32 [tilespmem:s17], [sflag:$0x1], $0x10, s10, s10, $0xb8;
	[tilespmem:$0x8B80] =	vst v63  }
0x13b: {  	_ =	swait.ge [sflag:s0], $0x800  }
0x13c: {  	[sflag:s0] =	ssyncset.done $0x0  }
0x13d: {  	[sflag:s0] =	ssyncadd.s32 $0xFFFFF800  }
0x13e: {  	[spmem:s2] =	stream.indirect.scatter.add.f32 [tilespmem:s17], [sflag:$0x1], $0x10, s18, s10, $0xb8;
	[tilespmem:$0x8B80] =	vst v63  }
0x13f: {  	_ =	swait.ge [sflag:s0], $0x800  }
0x140: {  	[sflag:s0] =	ssyncset.done $0x0  }
0x141: {  	[sflag:s0] =	ssyncadd.s32 $0xFFFFF800  }
0x142: {  	[spmem:s2] =	stream.indirect.scatter.add.f32 [tilespmem:s17], [sflag:$0x1], $0x10, s20, s10, $0xb8;
	[tilespmem:$0x8B80] =	vst v63  }
0x143: {  	_ =	swait.ge [sflag:s0], $0x800  }
0x144: {  	[sflag:s0] =	ssyncset.done $0x0  }
0x145: {  	[sflag:s0] =	ssyncadd.s32 $0xFFFFF800  }
0x146: {  	[spmem:s2] =	stream.indirect.scatter.add.f32 [tilespmem:s17], [sflag:$0x1], $0x10, s22, s10, $0xb8;
	[tilespmem:$0x8B80] =	vst v63  }
0x147: {  	_ =	swait.ge [sflag:s0], $0x800  }
0x148: {  	[sflag:s0] =	ssyncset.done $0x0  }
0x149: {  	[sflag:s0] =	ssyncadd.s32 $0xFFFFF800  }
0x14a: {  	[spmem:s2] =	stream.indirect.scatter.add.f32 [tilespmem:s17], [sflag:$0x1], $0x10, s24, s10, $0xb8;
	[tilespmem:$0x8B80] =	vst v63  }
0x14b: {  	_ =	swait.ge [sflag:s0], $0x800  }
0x14c: {  	[sflag:s0] =	ssyncset.done $0x0  }
0x14d: {  	[sflag:s0] =	ssyncadd.s32 $0xFFFFF800  }
0x14e: {  	[spmem:s2] =	stream.indirect.scatter.add.f32 [tilespmem:s17], [sflag:$0x1], $0x10, s12, s10, $0xb8;
	[tilespmem:$0x8B80] =	vst v63  }
0x14f: {  	_ =	swait.ge [sflag:s0], $0x800  }
.Ltmp3:
0x150: {  	[sflag:s0] =	ssyncset.done $0x0;
	(pc) =	sbr.rel @p2 .LBB2_8-.Ltmp3, $4  }
0x151: {  	[sflag:s0] =	ssyncadd.s32 $0xFFFFF800  }
0x152: {  	[spmem:s2] =	stream.indirect.scatter.add.f32 [tilespmem:s17], [sflag:$0x1], $0x10, s13, s10, $0xb8;
	[tilespmem:$0x8B80] =	vst v63  }
0x153: {  	_ =	swait.ge [sflag:s0], $0x800  }
0x154: {  	s28 =	smov.u32 s29;
	[sflag:s0] =	ssyncset.done $0x0  }
0x155: {  	s11 =	sadd.s32 s26, s6;
	[sflag:s0] =	ssyncadd.s32 $0xFFFFF800  }
0x156: {  	[tilespmem:s3], [sflag:$0x1] =	stream.linear.gather [hbm4b:s11+s3], $0x400, $0x38;
	[tilespmem:$0x8B80] =	vst v63  }
0x157: {  	_ =	swait.ge [sflag:s0], $0x400  }
0x158: {  	[sflag:s0] =	ssyncset.done $0x0  }
0x159: {  	[sflag:s0] =	ssyncadd.s32 $0xFFFFFC00  }
0x15a: {  	[spmem:s2] =	stream.indirect.scatter.add.f32 [tilespmem:s17], [sflag:$0x1], $0x10, s3, s10, $0xb8;
	[tilespmem:$0x8B80] =	vst v63  }
0x15b: {  	_ =	swait.ge [sflag:s0], $0x800  }
0x15c: {  	[sflag:s0] =	ssyncset.done $0x0  }
0x15d: {  	[sflag:s0] =	ssyncadd.s32 $0xFFFFF800  }
0x15e: {  	[spmem:s2] =	stream.indirect.scatter.add.f32 [tilespmem:s17], [sflag:$0x1], $0x10, s10, s10, $0xb8;
	[tilespmem:$0x8B80] =	vst v63  }
0x15f: {  	_ =	swait.ge [sflag:s0], $0x800  }
0x160: {  	[sflag:s0] =	ssyncset.done $0x0  }
0x161: {  	[sflag:s0] =	ssyncadd.s32 $0xFFFFF800  }
0x162: {  	[spmem:s2] =	stream.indirect.scatter.add.f32 [tilespmem:s17], [sflag:$0x1], $0x10, s18, s10, $0xb8;
	[tilespmem:$0x8B80] =	vst v63  }
0x163: {  	_ =	swait.ge [sflag:s0], $0x800  }
0x164: {  	[sflag:s0] =	ssyncset.done $0x0  }
0x165: {  	[sflag:s0] =	ssyncadd.s32 $0xFFFFF800  }
0x166: {  	[spmem:s2] =	stream.indirect.scatter.add.f32 [tilespmem:s17], [sflag:$0x1], $0x10, s20, s10, $0xb8;
	[tilespmem:$0x8B80] =	vst v63  }
0x167: {  	_ =	swait.ge [sflag:s0], $0x800  }
0x168: {  	[sflag:s0] =	ssyncset.done $0x0  }
0x169: {  	[sflag:s0] =	ssyncadd.s32 $0xFFFFF800  }
0x16a: {  	[spmem:s2] =	stream.indirect.scatter.add.f32 [tilespmem:s17], [sflag:$0x1], $0x10, s22, s10, $0xb8;
	[tilespmem:$0x8B80] =	vst v63  }
0x16b: {  	_ =	swait.ge [sflag:s0], $0x800  }
0x16c: {  	[sflag:s0] =	ssyncset.done $0x0  }
0x16d: {  	[sflag:s0] =	ssyncadd.s32 $0xFFFFF800  }
0x16e: {  	[spmem:s2] =	stream.indirect.scatter.add.f32 [tilespmem:s17], [sflag:$0x1], $0x10, s24, s10, $0xb8;
	[tilespmem:$0x8B80] =	vst v63  }
0x16f: {  	_ =	swait.ge [sflag:s0], $0x800  }
0x170: {  	[sflag:s0] =	ssyncset.done $0x0  }
0x171: {  	[sflag:s0] =	ssyncadd.s32 $0xFFFFF800  }
0x172: {  	[spmem:s2] =	stream.indirect.scatter.add.f32 [tilespmem:s17], [sflag:$0x1], $0x10, s12, s10, $0xb8;
	[tilespmem:$0x8B80] =	vst v63  }
0x173: {  	_ =	swait.ge [sflag:s0], $0x800  }
0x174: {  	[sflag:s0] =	ssyncset.done $0x0  }
0x175: {  	[sflag:s0] =	ssyncadd.s32 $0xFFFFF800  }
0x176: {  	[spmem:s2] =	stream.indirect.scatter.add.f32 [tilespmem:s17], [sflag:$0x1], $0x10, s13, s10, $0xb8;
	[tilespmem:$0x8B80] =	vst v63  }
0x177: {  	_ =	swait.ge [sflag:s0], $0x800  }
0x178: {  	[sflag:s0] =	ssyncset.done $0x0  }
0x179: {  	[sflag:s0] =	ssyncadd.s32 $0xFFFFF800  }
0x17a: {  	s28 =	sadd.s32 s31, s7;
	[bflag:$0x0] =	sbarrier.arrive $0xFFFF  }
0x17b: {  	[hbm:s28], [sflag:s15] =	dma.local [spmem:s16], $0x800  }
0x17c: {  	_ =	swait.ge [sflag:s0], $0x800  }
0x17d: {  	[sflag:s0] =	ssyncset.done $0x0;
	s26 =	rddreg [dreg:$0xc]  }
0x17e: {  	[sflag:s0] =	ssyncadd.s32 $0xFFFFF800;
	s11 =	sadd.s32 s26, s7  }
0x17f: {  	[hbm:s11], [sflag:s15] =	dma.local [spmem:s19], $0x800  }
0x180: {  	_ =	swait.ge [sflag:s0], $0x800  }
0x181: {  	[sflag:s0] =	ssyncset.done $0x0;
	s28 =	rddreg [dreg:$0xe]  }
0x182: {  	[sflag:s0] =	ssyncadd.s32 $0xFFFFF800;
	s11 =	sadd.s32 s28, s7  }
0x183: {  	[hbm:s11], [sflag:s15] =	dma.local [spmem:s21], $0x800  }
0x184: {  	_ =	swait.ge [sflag:s0], $0x800  }
0x185: {  	[sflag:s0] =	ssyncset.done $0x0;
	s26 =	rddreg [dreg:$0x10]  }
0x186: {  	[sflag:s0] =	ssyncadd.s32 $0xFFFFF800;
	s11 =	sadd.s32 s26, s7  }
0x187: {  	[hbm:s11], [sflag:s15] =	dma.local [spmem:s23], $0x800  }
0x188: {  	_ =	swait.ge [sflag:s0], $0x800  }
0x189: {  	[sflag:s0] =	ssyncset.done $0x0;
	s11 =	rddreg [dreg:$0x12]  }
0x18a: {  	[sflag:s0] =	ssyncadd.s32 $0xFFFFF800;
	s11 =	sadd.s32 @!p1 s11, s7  }
0x18b: {  	[hbm:s11], [sflag:s15] =	dma.local @!p1 [spmem:s25], $0x800  }
0x18c: {  	s11 =	simm.s32 @!p1 $0x1  }
0x18d: {  	_ =	swait.ge @!p1 [sflag:s11], $0x800  }
0x18e: {  	[sflag:s11] =	ssyncset.done @!p1 $0x0  }
0x18f: {  	[sflag:s11] =	ssyncadd.s32 @!p1 $0xFFFFF800  }
0x190: {  	[bflag:$0x0] =	sbarrier.arrive $0xFFFF  }
0x191: {  	[spmem:s30] =	stream.linear.scatter [tilespmem:s1], [sflag:$0x1], $0x2000, $0x38;
	[tilespmem:$0x8B80] =	vst v63  }
0x192: {  	_ =	swait.ge [sflag:s0], $0x2000  }
0x193: {  	[sflag:s0] =	ssyncset.done $0x0  }
0x194: {  	s28 =	rddreg [dreg:$0x5];
	[sflag:s0] =	ssyncadd.s32 $0xFFFFE000  }
0x195: {  	[spmem:s28] =	stream.linear.scatter [tilespmem:s1], [sflag:$0x1], $0x2000, $0x38;
	[tilespmem:$0x8B80] =	vst v63  }
0x196: {  	_ =	swait.ge [sflag:s0], $0x2000  }
0x197: {  	[sflag:s0] =	ssyncset.done $0x0  }
0x198: {  	s26 =	rddreg [dreg:$0x6];
	[sflag:s0] =	ssyncadd.s32 $0xFFFFE000  }
0x199: {  	[spmem:s26] =	stream.linear.scatter [tilespmem:s1], [sflag:$0x1], $0x2000, $0x38;
	[tilespmem:$0x8B80] =	vst v63  }
0x19a: {  	_ =	swait.ge [sflag:s0], $0x2000  }
0x19b: {  	[sflag:s0] =	ssyncset.done $0x0  }
0x19c: {  	s28 =	rddreg [dreg:$0x7];
	[sflag:s0] =	ssyncadd.s32 $0xFFFFE000  }
0x19d: {  	[spmem:s28] =	stream.linear.scatter [tilespmem:s1], [sflag:$0x1], $0x2000, $0x38;
	[tilespmem:$0x8B80] =	vst v63  }
0x19e: {  	_ =	swait.ge [sflag:s0], $0x2000  }
0x19f: {  	[sflag:s0] =	ssyncset.done $0x0  }
0x1a0: {  	s26 =	rddreg [dreg:$0x8];
	[sflag:s0] =	ssyncadd.s32 $0xFFFFE000  }
0x1a1: {  	[spmem:s26] =	stream.linear.scatter [tilespmem:s1], [sflag:$0x1], $0x2000, $0x38;
	[tilespmem:$0x8B80] =	vst v63  }
0x1a2: {  	_ =	swait.ge [sflag:s0], $0x2000  }
0x1a3: {  	[sflag:s0] =	ssyncset.done $0x0  }
0x1a4: {  	s28 =	rddreg [dreg:$0x13];
	[sflag:s0] =	ssyncadd.s32 $0xFFFFE000  }
0x1a5: {  	[spmem:s28] =	stream.linear.scatter [tilespmem:s1], [sflag:$0x1], $0x2000, $0x38;
	[tilespmem:$0x8B80] =	vst v63  }
0x1a6: {  	_ =	swait.ge [sflag:s0], $0x2000  }
0x1a7: {  	[sflag:s0] =	ssyncset.done $0x0  }
0x1a8: {  	s26 =	rddreg [dreg:$0x14];
	[sflag:s0] =	ssyncadd.s32 $0xFFFFE000  }
0x1a9: {  	[spmem:s26] =	stream.linear.scatter [tilespmem:s1], [sflag:$0x1], $0x2000, $0x38;
	[tilespmem:$0x8B80] =	vst v63  }
0x1aa: {  	_ =	swait.ge [sflag:s0], $0x2000  }
0x1ab: {  	[sflag:s0] =	ssyncset.done $0x0  }
0x1ac: {  	s28 =	rddreg [dreg:$0x15];
	[sflag:s0] =	ssyncadd.s32 $0xFFFFE000  }
0x1ad: {  	[spmem:s28] =	stream.linear.scatter [tilespmem:s1], [sflag:$0x1], $0x2000, $0x38;
	[tilespmem:$0x8B80] =	vst v63  }
0x1ae: {  	_ =	swait.ge [sflag:s0], $0x2000  }
0x1af: {  	[sflag:s0] =	ssyncset.done $0x0  }
0x1b0: {  	s26 =	rddreg [dreg:$0x16];
	[sflag:s0] =	ssyncadd.s32 $0xFFFFE000  }
0x1b1: {  	[spmem:s26] =	stream.linear.scatter [tilespmem:s1], [sflag:$0x1], $0x2000, $0x38;
	[tilespmem:$0x8B80] =	vst v63  }
0x1b2: {  	_ =	swait.ge [sflag:s0], $0x2000  }
0x1b3: {  	[sflag:s0] =	ssyncset.done $0x0  }
0x1b4: {  	s11 =	simm.s32 @!p0 $0x4400;
	s26 =	rddreg [dreg:$0x9];
	[sflag:s0] =	ssyncadd.s32 $0xFFFFE000  }
0x1b5: {  	[spmem:s26] =	stream.linear.scatter @!p0 [tilespmem:s11], [sflag:$0x1], $0x2000, $0x38;
	[tilespmem:$0x8B80] =	vst v63  }
0x1b6: {  	s11 =	simm.s32 @!p0 $0x1  }
0x1b7: {  	_ =	swait.ge @!p0 [sflag:s11], $0x2000  }
0x1b8: {  	[sflag:s11] =	ssyncset.done @!p0 $0x0  }
0x1b9: {  	[sflag:s11] =	ssyncadd.s32 @!p0 $0xFFFFE000  }
0x1ba: {  	s28 =	sadd.s32 $0x0, s8;
	[bflag:$0x0] =	sbarrier.arrive $0xFFFF  }
0x1bb: {  	[tilespmem:s3], [sflag:$0x1] =	stream.linear.gather [hbm4b:s28+s3], $0x400, $0x38;
	[tilespmem:$0x8B80] =	vst v63  }
0x1bc: {  	_ =	swait.ge [sflag:s0], $0x400  }
0x1bd: {  	[sflag:s0] =	ssyncset.done $0x0  }
0x1be: {  	[sflag:s0] =	ssyncadd.s32 $0xFFFFFC00  }
0x1bf: {  	[spmem:s2] =	stream.indirect.scatter.add.f32 [tilespmem:s17], [sflag:$0x1], $0x10, s3, s10, $0xb8;
	[tilespmem:$0x8B80] =	vst v63  }
0x1c0: {  	_ =	swait.ge [sflag:s0], $0x800  }
0x1c1: {  	[sflag:s0] =	ssyncset.done $0x0  }
0x1c2: {  	[sflag:s0] =	ssyncadd.s32 $0xFFFFF800  }
0x1c3: {  	[spmem:s2] =	stream.indirect.scatter.add.f32 [tilespmem:s17], [sflag:$0x1], $0x10, s10, s10, $0xb8;
	[tilespmem:$0x8B80] =	vst v63  }
0x1c4: {  	_ =	swait.ge [sflag:s0], $0x800  }
0x1c5: {  	[sflag:s0] =	ssyncset.done $0x0  }
0x1c6: {  	[sflag:s0] =	ssyncadd.s32 $0xFFFFF800  }
0x1c7: {  	[spmem:s2] =	stream.indirect.scatter.add.f32 [tilespmem:s17], [sflag:$0x1], $0x10, s18, s10, $0xb8;
	[tilespmem:$0x8B80] =	vst v63  }
0x1c8: {  	_ =	swait.ge [sflag:s0], $0x800  }
0x1c9: {  	[sflag:s0] =	ssyncset.done $0x0  }
0x1ca: {  	[sflag:s0] =	ssyncadd.s32 $0xFFFFF800  }
0x1cb: {  	[spmem:s2] =	stream.indirect.scatter.add.f32 [tilespmem:s17], [sflag:$0x1], $0x10, s20, s10, $0xb8;
	[tilespmem:$0x8B80] =	vst v63  }
0x1cc: {  	_ =	swait.ge [sflag:s0], $0x800  }
0x1cd: {  	[sflag:s0] =	ssyncset.done $0x0  }
0x1ce: {  	[sflag:s0] =	ssyncadd.s32 $0xFFFFF800  }
0x1cf: {  	[spmem:s2] =	stream.indirect.scatter.add.f32 [tilespmem:s17], [sflag:$0x1], $0x10, s22, s10, $0xb8;
	[tilespmem:$0x8B80] =	vst v63  }
0x1d0: {  	_ =	swait.ge [sflag:s0], $0x800  }
0x1d1: {  	[sflag:s0] =	ssyncset.done $0x0  }
0x1d2: {  	[sflag:s0] =	ssyncadd.s32 $0xFFFFF800  }
0x1d3: {  	[spmem:s2] =	stream.indirect.scatter.add.f32 [tilespmem:s17], [sflag:$0x1], $0x10, s24, s10, $0xb8;
	[tilespmem:$0x8B80] =	vst v63  }
0x1d4: {  	_ =	swait.ge [sflag:s0], $0x800  }
0x1d5: {  	[sflag:s0] =	ssyncset.done $0x0  }
0x1d6: {  	[sflag:s0] =	ssyncadd.s32 $0xFFFFF800  }
0x1d7: {  	[spmem:s2] =	stream.indirect.scatter.add.f32 [tilespmem:s17], [sflag:$0x1], $0x10, s12, s10, $0xb8;
	[tilespmem:$0x8B80] =	vst v63  }
0x1d8: {  	_ =	swait.ge [sflag:s0], $0x800  }
0x1d9: {  	[sflag:s0] =	ssyncset.done $0x0  }
0x1da: {  	[sflag:s0] =	ssyncadd.s32 $0xFFFFF800  }
0x1db: {  	[spmem:s2] =	stream.indirect.scatter.add.f32 [tilespmem:s17], [sflag:$0x1], $0x10, s13, s10, $0xb8;
	[tilespmem:$0x8B80] =	vst v63  }
0x1dc: {  	_ =	swait.ge [sflag:s0], $0x800  }
0x1dd: {  	s29 =	simm.s32 $0x100;
	s26 =	simm.s32 $0x80;
	[sflag:s0] =	ssyncset.done $0x0  }
.LBB2_10:
0x1de: {  	s11 =	sadd.s32 s26, s8  }
0x1df: {  	[sflag:s0] =	ssyncadd.s32 $0xFFFFF800;
	s26 =	smov.u32 s29;
	s28 =	sadd.s32 $0x80, s29  }
0x1e0: {  	[tilespmem:s3], [sflag:$0x1] =	stream.linear.gather [hbm4b:s11+s3], $0x400, $0x38;
	[tilespmem:$0x8B80] =	vst v63  }
0x1e1: {  	p2 =	sne.s32 s29, $0x480;
	_ =	swait.ge [sflag:s0], $0x400  }
0x1e2: {  	[sflag:s0] =	ssyncset.done $0x0  }
0x1e3: {  	[sflag:s0] =	ssyncadd.s32 $0xFFFFFC00  }
0x1e4: {  	[spmem:s2] =	stream.indirect.scatter.add.f32 [tilespmem:s17], [sflag:$0x1], $0x10, s3, s10, $0xb8;
	[tilespmem:$0x8B80] =	vst v63  }
0x1e5: {  	_ =	swait.ge [sflag:s0], $0x800  }
0x1e6: {  	[sflag:s0] =	ssyncset.done $0x0  }
0x1e7: {  	[sflag:s0] =	ssyncadd.s32 $0xFFFFF800  }
0x1e8: {  	[spmem:s2] =	stream.indirect.scatter.add.f32 [tilespmem:s17], [sflag:$0x1], $0x10, s10, s10, $0xb8;
	[tilespmem:$0x8B80] =	vst v63  }
0x1e9: {  	_ =	swait.ge [sflag:s0], $0x800  }
0x1ea: {  	[sflag:s0] =	ssyncset.done $0x0  }
0x1eb: {  	[sflag:s0] =	ssyncadd.s32 $0xFFFFF800  }
0x1ec: {  	[spmem:s2] =	stream.indirect.scatter.add.f32 [tilespmem:s17], [sflag:$0x1], $0x10, s18, s10, $0xb8;
	[tilespmem:$0x8B80] =	vst v63  }
0x1ed: {  	_ =	swait.ge [sflag:s0], $0x800  }
0x1ee: {  	[sflag:s0] =	ssyncset.done $0x0  }
0x1ef: {  	[sflag:s0] =	ssyncadd.s32 $0xFFFFF800  }
0x1f0: {  	[spmem:s2] =	stream.indirect.scatter.add.f32 [tilespmem:s17], [sflag:$0x1], $0x10, s20, s10, $0xb8;
	[tilespmem:$0x8B80] =	vst v63  }
0x1f1: {  	_ =	swait.ge [sflag:s0], $0x800  }
0x1f2: {  	[sflag:s0] =	ssyncset.done $0x0  }
0x1f3: {  	[sflag:s0] =	ssyncadd.s32 $0xFFFFF800  }
0x1f4: {  	[spmem:s2] =	stream.indirect.scatter.add.f32 [tilespmem:s17], [sflag:$0x1], $0x10, s22, s10, $0xb8;
	[tilespmem:$0x8B80] =	vst v63  }
0x1f5: {  	_ =	swait.ge [sflag:s0], $0x800  }
0x1f6: {  	[sflag:s0] =	ssyncset.done $0x0  }
0x1f7: {  	[sflag:s0] =	ssyncadd.s32 $0xFFFFF800  }
0x1f8: {  	[spmem:s2] =	stream.indirect.scatter.add.f32 [tilespmem:s17], [sflag:$0x1], $0x10, s24, s10, $0xb8;
	[tilespmem:$0x8B80] =	vst v63  }
0x1f9: {  	_ =	swait.ge [sflag:s0], $0x800  }
0x1fa: {  	[sflag:s0] =	ssyncset.done $0x0  }
0x1fb: {  	[sflag:s0] =	ssyncadd.s32 $0xFFFFF800  }
0x1fc: {  	[spmem:s2] =	stream.indirect.scatter.add.f32 [tilespmem:s17], [sflag:$0x1], $0x10, s12, s10, $0xb8;
	[tilespmem:$0x8B80] =	vst v63  }
0x1fd: {  	_ =	swait.ge [sflag:s0], $0x800  }
.Ltmp4:
0x1fe: {  	[sflag:s0] =	ssyncset.done $0x0;
	(pc) =	sbr.rel @p2 .LBB2_10-.Ltmp4, $4  }
0x1ff: {  	[sflag:s0] =	ssyncadd.s32 $0xFFFFF800  }
0x200: {  	[spmem:s2] =	stream.indirect.scatter.add.f32 [tilespmem:s17], [sflag:$0x1], $0x10, s13, s10, $0xb8;
	[tilespmem:$0x8B80] =	vst v63  }
0x201: {  	_ =	swait.ge [sflag:s0], $0x800  }
0x202: {  	s29 =	smov.u32 s28;
	[sflag:s0] =	ssyncset.done $0x0  }
0x203: {  	s11 =	sadd.s32 s26, s8;
	[sflag:s0] =	ssyncadd.s32 $0xFFFFF800  }
0x204: {  	[tilespmem:s3], [sflag:$0x1] =	stream.linear.gather [hbm4b:s11+s3], $0x400, $0x38;
	[tilespmem:$0x8B80] =	vst v63  }
0x205: {  	_ =	swait.ge [sflag:s0], $0x400  }
0x206: {  	[sflag:s0] =	ssyncset.done $0x0  }
0x207: {  	[sflag:s0] =	ssyncadd.s32 $0xFFFFFC00  }
0x208: {  	[spmem:s2] =	stream.indirect.scatter.add.f32 [tilespmem:s17], [sflag:$0x1], $0x10, s3, s10, $0xb8;
	[tilespmem:$0x8B80] =	vst v63  }
0x209: {  	_ =	swait.ge [sflag:s0], $0x800  }
0x20a: {  	[sflag:s0] =	ssyncset.done $0x0  }
0x20b: {  	[sflag:s0] =	ssyncadd.s32 $0xFFFFF800  }
0x20c: {  	[spmem:s2] =	stream.indirect.scatter.add.f32 [tilespmem:s17], [sflag:$0x1], $0x10, s10, s10, $0xb8;
	[tilespmem:$0x8B80] =	vst v63  }
0x20d: {  	_ =	swait.ge [sflag:s0], $0x800  }
0x20e: {  	[sflag:s0] =	ssyncset.done $0x0  }
0x20f: {  	[sflag:s0] =	ssyncadd.s32 $0xFFFFF800  }
0x210: {  	[spmem:s2] =	stream.indirect.scatter.add.f32 [tilespmem:s17], [sflag:$0x1], $0x10, s18, s10, $0xb8;
	[tilespmem:$0x8B80] =	vst v63  }
0x211: {  	_ =	swait.ge [sflag:s0], $0x800  }
0x212: {  	[sflag:s0] =	ssyncset.done $0x0  }
0x213: {  	[sflag:s0] =	ssyncadd.s32 $0xFFFFF800  }
0x214: {  	[spmem:s2] =	stream.indirect.scatter.add.f32 [tilespmem:s17], [sflag:$0x1], $0x10, s20, s10, $0xb8;
	[tilespmem:$0x8B80] =	vst v63  }
0x215: {  	_ =	swait.ge [sflag:s0], $0x800  }
0x216: {  	[sflag:s0] =	ssyncset.done $0x0  }
0x217: {  	[sflag:s0] =	ssyncadd.s32 $0xFFFFF800  }
0x218: {  	[spmem:s2] =	stream.indirect.scatter.add.f32 [tilespmem:s17], [sflag:$0x1], $0x10, s22, s10, $0xb8;
	[tilespmem:$0x8B80] =	vst v63  }
0x219: {  	_ =	swait.ge [sflag:s0], $0x800  }
0x21a: {  	[sflag:s0] =	ssyncset.done $0x0  }
0x21b: {  	[sflag:s0] =	ssyncadd.s32 $0xFFFFF800  }
0x21c: {  	[spmem:s2] =	stream.indirect.scatter.add.f32 [tilespmem:s17], [sflag:$0x1], $0x10, s24, s10, $0xb8;
	[tilespmem:$0x8B80] =	vst v63  }
0x21d: {  	_ =	swait.ge [sflag:s0], $0x800  }
0x21e: {  	[sflag:s0] =	ssyncset.done $0x0  }
0x21f: {  	[sflag:s0] =	ssyncadd.s32 $0xFFFFF800  }
0x220: {  	[spmem:s2] =	stream.indirect.scatter.add.f32 [tilespmem:s17], [sflag:$0x1], $0x10, s12, s10, $0xb8;
	[tilespmem:$0x8B80] =	vst v63  }
0x221: {  	_ =	swait.ge [sflag:s0], $0x800  }
0x222: {  	[sflag:s0] =	ssyncset.done $0x0  }
0x223: {  	[sflag:s0] =	ssyncadd.s32 $0xFFFFF800  }
0x224: {  	[spmem:s2] =	stream.indirect.scatter.add.f32 [tilespmem:s17], [sflag:$0x1], $0x10, s13, s10, $0xb8;
	[tilespmem:$0x8B80] =	vst v63  }
0x225: {  	_ =	swait.ge [sflag:s0], $0x800  }
0x226: {  	[sflag:s0] =	ssyncset.done $0x0  }
0x227: {  	[sflag:s0] =	ssyncadd.s32 $0xFFFFF800  }
0x228: {  	s29 =	sadd.s32 s31, s9;
	[bflag:$0x0] =	sbarrier.arrive $0xFFFF  }
0x229: {  	[hbm:s29], [sflag:s15] =	dma.local [spmem:s16], $0x800  }
0x22a: {  	_ =	swait.ge [sflag:s0], $0x800  }
0x22b: {  	[sflag:s0] =	ssyncset.done $0x0;
	s16 =	rddreg [dreg:$0xc]  }
0x22c: {  	[sflag:s0] =	ssyncadd.s32 $0xFFFFF800;
	s11 =	sadd.s32 s16, s9  }
0x22d: {  	[hbm:s11], [sflag:s15] =	dma.local [spmem:s19], $0x800  }
0x22e: {  	_ =	swait.ge [sflag:s0], $0x800  }
0x22f: {  	[sflag:s0] =	ssyncset.done $0x0;
	s26 =	rddreg [dreg:$0xe]  }
0x230: {  	[sflag:s0] =	ssyncadd.s32 $0xFFFFF800;
	s11 =	sadd.s32 s26, s9  }
0x231: {  	[hbm:s11], [sflag:s15] =	dma.local [spmem:s21], $0x800  }
0x232: {  	_ =	swait.ge [sflag:s0], $0x800  }
0x233: {  	[sflag:s0] =	ssyncset.done $0x0;
	s28 =	rddreg [dreg:$0x10]  }
0x234: {  	[sflag:s0] =	ssyncadd.s32 $0xFFFFF800;
	s11 =	sadd.s32 s28, s9  }
0x235: {  	[hbm:s11], [sflag:s15] =	dma.local [spmem:s23], $0x800  }
0x236: {  	_ =	swait.ge [sflag:s0], $0x800  }
0x237: {  	[sflag:s0] =	ssyncset.done $0x0;
	s11 =	rddreg [dreg:$0x12]  }
0x238: {  	[sflag:s0] =	ssyncadd.s32 $0xFFFFF800;
	s11 =	sadd.s32 @!p1 s11, s9  }
0x239: {  	[hbm:s11], [sflag:s15] =	dma.local @!p1 [spmem:s25], $0x800  }
0x23a: {  	s11 =	simm.s32 @!p1 $0x1  }
0x23b: {  	_ =	swait.ge @!p1 [sflag:s11], $0x800  }
0x23c: {  	s14 =	sadd.s32 $0x1, s14;
	s29 =	rddreg [dreg:$0x4]  }
0x23d: {  	p2 =	sne.s32 s14, s29  }
.Ltmp5:
0x23e: {  	_ = 	snop;
	(pc) =	sbr.rel @p2 .LBB2_1-.Ltmp5, $3  }
0x23f: {  	[sflag:s11] =	ssyncset.done @!p1 $0x0  }
0x240: {  	[sflag:s11] =	ssyncadd.s32 @!p1 $0xFFFFF800  }
0x241: {  	[bflag:$0x0] =	sbarrier.arrive $0xFFFF;
	_ =	sdelay $0x1  }
0x242: {  	_ =	sfence.sel $0x180000  }
0x243: {  	[bflag:$0x0] =	sbarrier.arrive $0xFFFF  }
0x244: {  	_ =	strace $0x90000047  }
0x245: {  	s0 =	stileid.u32;
	[bflag:$0x2] =	sbarrier.arrive $0xFFFF  }
0x246: {  	p0 =	sne.s32 s0, $0x0;
	s0 =	rddreg [dreg:$0x3]  }
0x247: {  	s0 =	sadd.s32 @!p0 $0x100000, s0  }
0x248: {  	[sflag:s0] =	ssyncadd.tile.s32 @!p0 $0x1;
	_ =	shalt  }
.Lfunc_end2:
_tile_overlayer_lowered:
.L_overlay_start_2:
0x249: {  	(tag) =	ssettag $0x2  }
0x24a: {  	s0 =	rddreg [dreg:$0x0];
	s2 =	stileid.u32  }
0x24b: {  	s1 =	rddreg [dreg:$0x1];
	p0 =	sne.s32 s2, $0x0  }
0x24c: {  	s3 =	rddreg [dreg:$0x2];
	[bflag:$0x3] =	sbarrier.arrive $0xFFFF;
	s2 =	simm.s32 @!p0 $0x1C01  }
0x24d: {  	[timem:s3], [sflag:s2] =	dma.local @!p0 [hbm:s0], s1  }
0x24e: {  	s0 =	simm.s32 @!p0 $0x1  }
0x24f: {  	_ =	swait.ge @!p0 [sflag:s0], s1  }
0x250: {  	s1 =	ssub.s32 @!p0 $0x0, s1;
	[sflag:s0] =	ssyncset.done @!p0 $0x0  }
0x251: {  	[sflag:s0] =	ssyncadd.s32 @!p0 s1  }
0x252: {  	[bflag:$0x3] =	sbarrier.arrive $0xFFFF  }
0x253: {  	_ =	shalt  }

</sc_bundles>
